<compile_context>
chip_gen: v7x
topology: tpu7x:2x2x1
jax: 0.10.2.dev20260603
libtpu: 0.0.44.dev20260713+nightly
codegen_flags: <defaults>
</compile_context>

<pallas_src>
import functools

import jax
import jax.numpy as jnp
from jax import lax
from jax.experimental import pallas as pl
from jax.experimental.pallas import tpu as pltpu
from jax.experimental.pallas import tpu_sc as plsc

N_GRAPHS = 500
N_PER = 20
TOTAL = N_GRAPHS * N_PER
E = 320000
D = 128
HD = 128
L = 4
NUM_HEADS = 4
N_ACT = 56
EPS = 1e-5

GP = 512
NP = 10112
NPAD_ROWS = NP - TOTAL
NC = 2
NS = 16
NW = NC * NS
CHUNK = 128
CH = 81
E_PAD = NW * CH * CHUNK
ROWS_PER_TEC = NP // NS

_HIGH = jax.lax.Precision.HIGHEST


def _relu(v):
    return jnp.maximum(v, 0.0)


def _dot(a, b):
    return jax.lax.dot_general(a, b, (((1,), (0,)), ((), ())),
                               preferred_element_type=jnp.float32,
                               precision=_HIGH)



def _zero_block(ref, rows, width):
    z = jnp.zeros((16,), jnp.float32)

    def body(r, _):
        for q in range(width // 16):
            ref[r, pl.ds(q * 16, 16)] = z
        return 0

    lax.fori_loop(0, rows, body, 0)


def _zero_rows(zsrc, dst_sh, my_rows):
    nfull = ROWS_PER_TEC // CHUNK
    rem = ROWS_PER_TEC - nfull * CHUNK
    for k in range(nfull):
        pltpu.sync_copy(zsrc, dst_sh.at[pl.ds(my_rows + k * CHUNK, CHUNK)])
    if rem:
        pltpu.sync_copy(
            zsrc.at[pl.ds(0, rem)],
            dst_sh.at[pl.ds(my_rows + nfull * CHUNK, rem)])


def _make_sc_pass():
    outs = [jax.ShapeDtypeStruct((NC * NP, D), jnp.float32)]
    scratch = [
        [pltpu.VMEM((CHUNK,), jnp.int32) for _ in range(3)],
        [pltpu.VMEM((CHUNK,), jnp.int32) for _ in range(3)],
        [pltpu.VMEM((CHUNK, D), jnp.float32) for _ in range(3)],
        pltpu.VMEM_SHARED((NP, D), jnp.float32),
        [pltpu.SemaphoreType.DMA for _ in range(3)],
        [pltpu.SemaphoreType.DMA for _ in range(3)],
    ]

    def body(h_hbm, src_hbm, dst_hbm, agg_out, src_v, dst_v, rows, agg_sh,
             sem_g, sem_s):
        c = lax.axis_index("c")
        s = lax.axis_index("s")
        wid = c * NS + s
        my_rows = s * ROWS_PER_TEC
        ebase = wid * CH * CHUNK

        _zero_block(rows[0], CHUNK, D)
        _zero_rows(rows[0], agg_sh, my_rows)
        plsc.subcore_barrier()

        def load_idx(i, k):
            pltpu.sync_copy(src_hbm.at[pl.ds(ebase + i * CHUNK, CHUNK)],
                            src_v[k])
            pltpu.sync_copy(dst_hbm.at[pl.ds(ebase + i * CHUNK, CHUNK)],
                            dst_v[k])

        def fire_g(k):
            pltpu.async_copy(h_hbm.at[src_v[k]], rows[k], sem_g[k])

        def wait_g(k):
            pltpu.make_async_copy(h_hbm.at[src_v[k]], rows[k],
                                  sem_g[k]).wait()

        def fire_s(k):
            pltpu.async_copy(rows[k], agg_sh.at[dst_v[k]], sem_s[k],
                             add=True)

        def wait_s(k):
            pltpu.make_async_copy(rows[k], agg_sh.at[dst_v[k]],
                                  sem_s[k]).wait()

        load_idx(0, 0)
        fire_g(0)
        load_idx(1, 1)
        fire_g(1)
        wait_g(0)
        fire_s(0)
        load_idx(2, 2)
        fire_g(2)
        wait_g(1)
        fire_s(1)

        def step(t, _):
            for k in range(3):
                i = 3 * t + k
                wait_s(k)
                load_idx(i, k)
                fire_g(k)
                kp = (k + 2) % 3
                wait_g(kp)
                fire_s(kp)
            return 0

        lax.fori_loop(1, CH // 3, step, 0)
        wait_g(2)
        fire_s(2)
        wait_s(0)
        wait_s(1)
        wait_s(2)
        plsc.subcore_barrier()

        base = c * NP + my_rows
        pltpu.sync_copy(agg_sh.at[pl.ds(my_rows, ROWS_PER_TEC)],
                        agg_out.at[pl.ds(base, ROWS_PER_TEC)])

    mesh = plsc.VectorSubcoreMesh(core_axis_name="c", subcore_axis_name="s",
                                  num_cores=NC, num_subcores=NS)
    return pl.kernel(body, out_type=outs, mesh=mesh, scratch_types=scratch)


DW = 128


def _make_sc_deg():
    outs = [jax.ShapeDtypeStruct((NC * NP, DW), jnp.float32)]
    scratch = [
        pltpu.VMEM((CHUNK,), jnp.int32),
        pltpu.VMEM((CHUNK,), jnp.int32),
        pltpu.VMEM((CHUNK, DW), jnp.float32),
        pltpu.VMEM_SHARED((NP, DW), jnp.float32),
        pltpu.SemaphoreType.DMA,
        pltpu.SemaphoreType.DMA,
    ]

    def body(dst_hbm, degb_out, dst0, dst1, ones_v, deg_sh, sem_a, sem_b):
        c = lax.axis_index("c")
        s = lax.axis_index("s")
        wid = c * NS + s
        my_rows = s * ROWS_PER_TEC
        ebase = wid * CH * CHUNK

        _zero_block(ones_v, CHUNK, DW)
        _zero_rows(ones_v, deg_sh, my_rows)
        one = jnp.ones((16,), jnp.float32)

        def fill_ones(r, _):
            for q in range(DW // 16):
                ones_v[r, pl.ds(q * 16, 16)] = one
            return 0

        lax.fori_loop(0, CHUNK, fill_ones, 0)
        plsc.subcore_barrier()

        pltpu.sync_copy(dst_hbm.at[pl.ds(ebase, CHUNK)], dst0)
        pltpu.async_copy(ones_v, deg_sh.at[dst0], sem_a, add=True)

        def step(t, _):
            i = 2 * t
            pltpu.sync_copy(dst_hbm.at[pl.ds(ebase + (i + 1) * CHUNK, CHUNK)],
                            dst1)
            pltpu.async_copy(ones_v, deg_sh.at[dst1], sem_b, add=True)
            pltpu.make_async_copy(ones_v, deg_sh.at[dst0], sem_a).wait()
            pltpu.sync_copy(dst_hbm.at[pl.ds(ebase + (i + 2) * CHUNK, CHUNK)],
                            dst0)
            pltpu.async_copy(ones_v, deg_sh.at[dst0], sem_a, add=True)
            pltpu.make_async_copy(ones_v, deg_sh.at[dst1], sem_b).wait()
            return 0

        lax.fori_loop(0, CH // 2, step, 0)
        pltpu.make_async_copy(ones_v, deg_sh.at[dst0], sem_a).wait()
        plsc.subcore_barrier()

        base = c * NP + my_rows
        pltpu.sync_copy(deg_sh.at[pl.ds(my_rows, ROWS_PER_TEC)],
                        degb_out.at[pl.ds(base, ROWS_PER_TEC)])

    mesh = plsc.VectorSubcoreMesh(core_axis_name="c", subcore_axis_name="s",
                                  num_cores=NC, num_subcores=NS)
    return pl.kernel(body, out_type=outs, mesh=mesh, scratch_types=scratch)


@functools.cache
def _get_sc_pass():
    return _make_sc_pass()


@functools.cache
def _get_sc_deg():
    return _make_sc_deg()


def _sc_pass(h, src_slab, dst_slab):
    out = _get_sc_pass()(h, src_slab, dst_slab)
    return out[0] if isinstance(out, (list, tuple)) else out


def _sc_deg(dst_slab):
    out = _get_sc_deg()(dst_slab)
    return out[0] if isinstance(out, (list, tuple)) else out



_BLK = 1264
_GRID = NP // _BLK

_row_spec = pl.BlockSpec((_BLK, D), lambda i: (i, 0))
_half0_spec = pl.BlockSpec((_BLK, D), lambda i: (i, 0))
_half1_spec = pl.BlockSpec((_BLK, D), lambda i: (i + _GRID, 0))
_w_spec = pl.BlockSpec((D, D), lambda i: (0, 0))
_b_spec = pl.BlockSpec((1, D), lambda i: (0, 0))


def _proj_body(x_ref, w_ref, b_ref, o_ref):
    o_ref[...] = _relu(_dot(x_ref[...], w_ref[...]) + b_ref[...])


_proj = pl.pallas_call(
    _proj_body,
    grid=(_GRID,),
    in_specs=[_row_spec, _w_spec, _b_spec],
    out_specs=_row_spec,
    out_shape=jax.ShapeDtypeStruct((NP, D), jnp.float32),
)


def _layer1_body(a0_ref, a1_ref, d0_ref, d1_ref, h_ref, w_ref, b_ref,
                 o_ref, rec_ref):
    rec64 = 1.0 / jnp.maximum(d0_ref[...] + d1_ref[...], 1.0)
    rec = jnp.broadcast_to(rec64[:, :1], (_BLK, D))
    rec_ref[...] = rec
    a = (a0_ref[...] + a1_ref[...]) * rec
    o_ref[...] = _relu(_dot(a, w_ref[...]) + b_ref[...]) + h_ref[...]


_deg0_spec = pl.BlockSpec((_BLK, DW), lambda i: (i, 0))
_deg1_spec = pl.BlockSpec((_BLK, DW), lambda i: (i + _GRID, 0))

_layer1 = pl.pallas_call(
    _layer1_body,
    grid=(_GRID,),
    in_specs=[_half0_spec, _half1_spec, _deg0_spec, _deg1_spec, _row_spec,
              _w_spec, _b_spec],
    out_specs=[_row_spec, _row_spec],
    out_shape=[jax.ShapeDtypeStruct((NP, D), jnp.float32),
               jax.ShapeDtypeStruct((NP, D), jnp.float32)],
)


def _layer_body(a0_ref, a1_ref, rec_ref, h_ref, w_ref, b_ref, o_ref):
    a = (a0_ref[...] + a1_ref[...]) * rec_ref[...]
    o_ref[...] = _relu(_dot(a, w_ref[...]) + b_ref[...]) + h_ref[...]


_layer = pl.pallas_call(
    _layer_body,
    grid=(_GRID,),
    in_specs=[_half0_spec, _half1_spec, _row_spec, _row_spec, _w_spec,
              _b_spec],
    out_specs=_row_spec,
    out_shape=jax.ShapeDtypeStruct((NP, D), jnp.float32),
)


def _heads_body(h3_ref, we_ref, be_ref, lng_ref, lnb_ref, wh_ref, bh_ref,
                wp1_ref, bp1_ref, wp2_ref, bp2_ref, wv1_ref, bv1_ref,
                wv2_ref, bv2_ref, l0_ref, l1_ref, l2_ref, l3_ref, v_ref):
    hb = h3_ref[...]
    be = be_ref[...]
    lng = lng_ref[...]
    lnb = lnb_ref[...]
    bp1 = bp1_ref[...]
    bp2 = bp2_ref[...]

    embs = []
    for i in range(NUM_HEADS):
        base = 4 * i
        acc = hb[:, base, :]
        mx = hb[:, base, :]
        for j in range(1, 8):
            t = hb[:, base + j, :]
            acc = acc + t
            mx = jnp.maximum(mx, t)
        m = acc * (1.0 / 8.0)
        y = (_dot(m, we_ref[i, 0:D, :]) + _dot(mx, we_ref[i, D:2 * D, :])
             + be[i:i + 1, :])
        mu = jnp.mean(y, axis=-1, keepdims=True)
        var = jnp.mean((y - mu) ** 2, axis=-1, keepdims=True)
        y = (y - mu) / jnp.sqrt(var + EPS) * lng[i:i + 1, :] + lnb[i:i + 1, :]
        embs.append(_relu(y))

    glob = (embs[0] + embs[1] + embs[2] + embs[3]) * 0.25
    ctx = _relu(_dot(glob, wh_ref[...]) + bh_ref[...])

    outs = [l0_ref, l1_ref, l2_ref, l3_ref]
    for i in range(NUM_HEADS):
        z = _relu(_dot(embs[i], wp1_ref[i, 0:HD, :])
                  + _dot(ctx, wp1_ref[i, HD:2 * HD, :]) + bp1[i:i + 1, :])
        outs[i][...] = _dot(z, wp2_ref[i]) + bp2[i:i + 1, :]

    pv = hb[:, 0, :]
    for j in range(1, N_PER):
        pv = pv + hb[:, j, :]
    pv = pv * (1.0 / N_PER)
    v = _relu(_dot(pv, wv1_ref[...]) + bv1_ref[...])
    v_ref[...] = jnp.tanh(_dot(v, wv2_ref[...]) + bv2_ref[...])


def _full(shape):
    return pl.BlockSpec(shape, lambda: tuple(0 for _ in shape))


_heads = pl.pallas_call(
    _heads_body,
    in_specs=[_full((GP, N_PER, D)), _full((NUM_HEADS, 2 * D, HD)),
              _full((NUM_HEADS, HD)), _full((NUM_HEADS, HD)),
              _full((NUM_HEADS, HD)), _full((HD, HD)), _full((1, HD)),
              _full((NUM_HEADS, 2 * HD, HD)), _full((NUM_HEADS, HD)),
              _full((NUM_HEADS, HD, N_ACT)), _full((NUM_HEADS, N_ACT)),
              _full((D, D)), _full((1, D)), _full((D, 1)), _full((1, 1))],
    out_specs=[_full((GP, N_ACT)), _full((GP, N_ACT)), _full((GP, N_ACT)),
               _full((GP, N_ACT)), _full((GP, 1))],
    out_shape=[jax.ShapeDtypeStruct((GP, N_ACT), jnp.float32)] * NUM_HEADS
    + [jax.ShapeDtypeStruct((GP, 1), jnp.float32)],
)



def kernel(x, edge_index, batch, W_in, b_in, W_layers, b_layers, W_ext, b_ext,
           ln_g, ln_b, W_hub, b_hub, W_p1, b_p1, W_p2, b_p2, W_v1, b_v1,
           W_v2, b_v2):
    del batch

    src = edge_index[0]
    dst = edge_index[1]
    pad = TOTAL + (jnp.arange(E_PAD - E, dtype=jnp.int32) % NPAD_ROWS)
    src_slab = jnp.concatenate([src, pad])
    dst_slab = jnp.concatenate([dst, pad])

    x_pad = jnp.pad(x, ((0, NP - TOTAL), (0, 0)))
    b_in2 = b_in.reshape(1, D)

    h = _proj(x_pad, W_in, b_in2)

    degb = _sc_deg(dst_slab)
    aggs = _sc_pass(h, src_slab, dst_slab)
    h, rec = _layer1(aggs, aggs, degb, degb, h,
                     W_layers[0], b_layers[0].reshape(1, D))
    for l in range(1, L):
        aggs = _sc_pass(h, src_slab, dst_slab)
        h = _layer(aggs, aggs, rec, h, W_layers[l],
                   b_layers[l].reshape(1, D))

    h3 = jnp.pad(h, ((0, GP * N_PER - NP), (0, 0))).reshape(GP, N_PER, D)
    l0, l1, l2, l3, v = _heads(
        h3, W_ext, b_ext, ln_g, ln_b, W_hub, b_hub.reshape(1, HD),
        W_p1, b_p1, W_p2, b_p2, W_v1, b_v1.reshape(1, D), W_v2,
        b_v2.reshape(1, 1))

    return jnp.concatenate(
        [l0[:N_GRAPHS], l1[:N_GRAPHS], l2[:N_GRAPHS], l3[:N_GRAPHS],
         v[:N_GRAPHS]], axis=-1)

# --- scband reference (transcript-rebuilt; emitter-appended) ---
"""Pipeline reference for scband-policy-value-net-20555713479229 (READ-ONLY COPY).

The authoritative reference and input builder live on the scoring server;
editing this copy changes nothing except your own understanding.
"""

import jax, jax.numpy as jnp
import numpy as np

N_GRAPHS = 500
N_PER = 20
TOTAL = N_GRAPHS * N_PER
E = 320000
D = 128
HD = 128
L = 4
NUM_HEADS = 4
SUBSETS = np.array([[0,1,2,3,4,5,6,7],[4,5,6,7,8,9,10,11],[8,9,10,11,12,13,14,15],[12,13,14,15,16,17,18,19]])
N_ACT = 8 * 7
EPS = 1e-5

def setup_inputs(seed: int = 0):
    key = jax.random.key(seed)
    ks = jax.random.split(key, 24)
    s = 0.05
    inp = {}
    inp["x"] = jax.random.normal(ks[0], (TOTAL, D), dtype=jnp.float32)
    inp["edge_index"] = jax.random.randint(ks[1], (2, E), 0, TOTAL, dtype=jnp.int32)
    inp["batch"] = jnp.repeat(jnp.arange(N_GRAPHS, dtype=jnp.int32), N_PER)
    inp["W_in"] = jax.random.normal(ks[2], (D, D), dtype=jnp.float32) * s
    inp["b_in"] = jnp.zeros((D,), dtype=jnp.float32)
    inp["W_layers"] = jax.random.normal(ks[3], (L, D, D), dtype=jnp.float32) * s
    inp["b_layers"] = jnp.zeros((L, D), dtype=jnp.float32)
    inp["W_ext"] = jax.random.normal(ks[4], (NUM_HEADS, 2 * D, HD), dtype=jnp.float32) * s
    inp["b_ext"] = jnp.zeros((NUM_HEADS, HD), dtype=jnp.float32)
    inp["ln_g"] = jnp.ones((NUM_HEADS, HD), dtype=jnp.float32)
    inp["ln_b"] = jnp.zeros((NUM_HEADS, HD), dtype=jnp.float32)
    inp["W_hub"] = jax.random.normal(ks[5], (HD, HD), dtype=jnp.float32) * s
    inp["b_hub"] = jnp.zeros((HD,), dtype=jnp.float32)
    inp["W_p1"] = jax.random.normal(ks[6], (NUM_HEADS, 2 * HD, HD), dtype=jnp.float32) * s
    inp["b_p1"] = jnp.zeros((NUM_HEADS, HD), dtype=jnp.float32)
    inp["W_p2"] = jax.random.normal(ks[7], (NUM_HEADS, HD, N_ACT), dtype=jnp.float32) * s
    inp["b_p2"] = jnp.zeros((NUM_HEADS, N_ACT), dtype=jnp.float32)
    inp["W_v1"] = jax.random.normal(ks[8], (D, D), dtype=jnp.float32) * s
    inp["b_v1"] = jnp.zeros((D,), dtype=jnp.float32)
    inp["W_v2"] = jax.random.normal(ks[9], (D, 1), dtype=jnp.float32) * s
    inp["b_v2"] = jnp.zeros((1,), dtype=jnp.float32)
    return inp

def _forward(x, W_in, b_in, W_layers, b_layers, W_ext, b_ext, ln_g, ln_b, W_hub, b_hub, W_p1, b_p1, W_p2, b_p2, W_v1, b_v1, W_v2, b_v2, edge_index, batch):
    src = edge_index[0]
    dst = edge_index[1]
    # GraphEncoder: input projection + L mean-aggregation GCN layers with residual
    h = jnp.maximum(x @ W_in + b_in, 0.0)
    deg = jnp.clip(jax.ops.segment_sum(jnp.ones((E,), dtype=jnp.float32), dst, num_segments=TOTAL), 1.0, None)
    for l in range(L):
        msgs = h[src]
        agg = jax.ops.segment_sum(msgs, dst, num_segments=TOTAL) / deg[:, None]
        h = jnp.maximum(agg @ W_layers[l] + b_layers[l], 0.0) + h
    # Per-graph subset pooling (vectorized over graphs; all graphs have N_PER nodes)
    hb = h.reshape(N_GRAPHS, N_PER, D)
    head_embs = []
    for i in range(NUM_HEADS):
        sub = hb[:, SUBSETS[i], :]
        pooled = jnp.concatenate([sub.mean(axis=1), sub.max(axis=1)], axis=-1)
        y = pooled @ W_ext[i] + b_ext[i]
        mu = y.mean(axis=-1, keepdims=True)
        var = ((y - mu) ** 2).mean(axis=-1, keepdims=True)
        y = (y - mu) / jnp.sqrt(var + EPS) * ln_g[i] + ln_b[i]
        head_embs.append(jnp.maximum(y, 0.0))
    # CommunicationHub: cross-head global context
    stacked = jnp.stack(head_embs, axis=1)
    glob = stacked.mean(axis=1)
    ctx = jnp.maximum(glob @ W_hub + b_hub, 0.0)
    # PolicyHeads
    logits = []
    for i in range(NUM_HEADS):
        z = jnp.concatenate([head_embs[i], ctx], axis=-1)
        z = jnp.maximum(z @ W_p1[i] + b_p1[i], 0.0)
        logits.append(z @ W_p2[i] + b_p2[i])
    # ValueHead: global mean pool over nodes of each graph -> MLP -> tanh
    counts = jnp.clip(jax.ops.segment_sum(jnp.ones((TOTAL,), dtype=jnp.float32), batch, num_segments=N_GRAPHS), 1.0, None)
    pooled_v = jax.ops.segment_sum(h, batch, num_segments=N_GRAPHS) / counts[:, None]
    v = jnp.tanh(jnp.maximum(pooled_v @ W_v1 + b_v1, 0.0) @ W_v2 + b_v2)
    return jnp.concatenate(logits + [v], axis=-1)

def reference(x, edge_index, batch, W_in, b_in, W_layers, b_layers, W_ext, b_ext, ln_g, ln_b, W_hub, b_hub, W_p1, b_p1, W_p2, b_p2, W_v1, b_v1, W_v2, b_v2):
    return _forward(x, W_in, b_in, W_layers, b_layers, W_ext, b_ext, ln_g, ln_b, W_hub, b_hub, W_p1, b_p1, W_p2, b_p2, W_v1, b_v1, W_v2, b_v2, edge_index, batch)

if __name__ == "__main__":
    import jax
    _d = setup_inputs()
    print(jax.jit(kernel)(*tuple(_d.values())))

</pallas_src>

<mosaic_0001>
#map = affine_map<(d0, d1) -> (0, 0)>
#map1 = affine_map<(d0, d1) -> (0)>
module attributes {stable_mosaic.version = 14 : i64} {
  func.func @body(%arg0: i32, %arg1: i32, %arg2: memref<10112x128xf32, #tpu.memory_space<hbm>>, %arg3: memref<331776xi32, #tpu.memory_space<hbm>>, %arg4: memref<331776xi32, #tpu.memory_space<hbm>>, %arg5: memref<20224x128xf32, #tpu.memory_space<hbm>>, %arg6: memref<128xi32, #tpu.memory_space<vmem>>, %arg7: memref<128xi32, #tpu.memory_space<vmem>>, %arg8: memref<128xi32, #tpu.memory_space<vmem>>, %arg9: memref<128xi32, #tpu.memory_space<vmem>>, %arg10: memref<128xi32, #tpu.memory_space<vmem>>, %arg11: memref<128xi32, #tpu.memory_space<vmem>>, %arg12: memref<128x128xf32, #tpu.memory_space<vmem>>, %arg13: memref<128x128xf32, #tpu.memory_space<vmem>>, %arg14: memref<128x128xf32, #tpu.memory_space<vmem>>, %arg15: memref<10112x128xf32, #tpu.memory_space<vmem_shared>>, %arg16: memref<!tpu.dma_semaphore, #tpu.memory_space<semaphore_mem>>, %arg17: memref<!tpu.dma_semaphore, #tpu.memory_space<semaphore_mem>>, %arg18: memref<!tpu.dma_semaphore, #tpu.memory_space<semaphore_mem>>, %arg19: memref<!tpu.dma_semaphore, #tpu.memory_space<semaphore_mem>>, %arg20: memref<!tpu.dma_semaphore, #tpu.memory_space<semaphore_mem>>, %arg21: memref<!tpu.dma_semaphore, #tpu.memory_space<semaphore_mem>>) attributes {dimension_semantics = [#tpu.dimension_semantics<core_parallel>, #tpu.dimension_semantics<subcore_parallel>], iteration_bounds = array<i64: 2, 16>, scalar_prefetch = 0 : i64, scratch_operands = 16 : i64, tpu.core_type = #tpu.core_type<sc_vector_subcore>, window_params = [{transform_indices = #map}, {transform_indices = #map1}, {transform_indices = #map1}, {transform_indices = #map}]} {
    %mul3A = arith.constant 16 : i32
    %mul3A_0 = arith.muli %arg0, %mul3A : i32
    %add3A = arith.addi %mul3A_0, %arg1 : i32
    %mul3A_1 = arith.constant 632 : i32
    %mul3A_2 = arith.muli %arg1, %mul3A_1 : i32
    %mul3A_3 = arith.constant 81 : i32
    %mul3A_4 = arith.muli %add3A, %mul3A_3 : i32
    %mul3A_5 = arith.constant 128 : i32
    %mul3A_6 = arith.muli %mul3A_4, %mul3A_5 : i32
    %broadcast_in_dim3A = arith.constant 0.000000e+00 : f32
    %broadcast_in_dim3A_7 = vector.broadcast %broadcast_in_dim3A : f32 to vector<16xf32>
    %scan3A = arith.constant 0 : i32
    %scan3A_8 = arith.constant 0 : i32
    %scan3A_9 = arith.constant 128 : i32
    %scan3A_10 = arith.addi %scan3A_8, %scan3A_9 : i32
    %scan3A_11 = arith.constant 1 : i32
    %scan3A_12 = scf.for %scan3A_81 = %scan3A_8 to %scan3A_10 step %scan3A_11 iter_args(%scan3A_82 = %scan3A) -> (i32)  : i32 {
      %swap3A = arith.index_cast %scan3A_81 : i32 to index
      %swap3A_83 = arith.constant 0 : index
      %swap3A_84 = tpu.vector_load %arg12[%swap3A, %swap3A_83] {strides = array<i32>} : memref<128x128xf32, #tpu.memory_space<vmem>>, vector<1x16xf32>,
      %swap3A_85 = vector.shape_cast %swap3A_84 : vector<1x16xf32> to vector<16xf32>
      %swap3A_86 = vector.shape_cast %broadcast_in_dim3A_7 : vector<16xf32> to vector<1x16xf32>
      tpu.vector_store %arg12[%swap3A, %swap3A_83], %swap3A_86 {strides = array<i32>} : memref<128x128xf32, #tpu.memory_space<vmem>>, vector<1x16xf32>,
      %swap3A_87 = arith.index_cast %scan3A_81 : i32 to index
      %swap3A_88 = arith.constant 16 : index
      %swap3A_89 = tpu.vector_load %arg12[%swap3A_87, %swap3A_88] {strides = array<i32>} : memref<128x128xf32, #tpu.memory_space<vmem>>, vector<1x16xf32>,
      %swap3A_90 = vector.shape_cast %swap3A_89 : vector<1x16xf32> to vector<16xf32>
      %swap3A_91 = vector.shape_cast %broadcast_in_dim3A_7 : vector<16xf32> to vector<1x16xf32>
      tpu.vector_store %arg12[%swap3A_87, %swap3A_88], %swap3A_91 {strides = array<i32>} : memref<128x128xf32, #tpu.memory_space<vmem>>, vector<1x16xf32>,
      %swap3A_92 = arith.index_cast %scan3A_81 : i32 to index
      %swap3A_93 = arith.constant 32 : index
      %swap3A_94 = tpu.vector_load %arg12[%swap3A_92, %swap3A_93] {strides = array<i32>} : memref<128x128xf32, #tpu.memory_space<vmem>>, vector<1x16xf32>,
      %swap3A_95 = vector.shape_cast %swap3A_94 : vector<1x16xf32> to vector<16xf32>
      %swap3A_96 = vector.shape_cast %broadcast_in_dim3A_7 : vector<16xf32> to vector<1x16xf32>
      tpu.vector_store %arg12[%swap3A_92, %swap3A_93], %swap3A_96 {strides = array<i32>} : memref<128x128xf32, #tpu.memory_space<vmem>>, vector<1x16xf32>,
      %swap3A_97 = arith.index_cast %scan3A_81 : i32 to index
      %swap3A_98 = arith.constant 48 : index
      %swap3A_99 = tpu.vector_load %arg12[%swap3A_97, %swap3A_98] {strides = array<i32>} : memref<128x128xf32, #tpu.memory_space<vmem>>, vector<1x16xf32>,
      %swap3A_100 = vector.shape_cast %swap3A_99 : vector<1x16xf32> to vector<16xf32>
      %swap3A_101 = vector.shape_cast %broadcast_in_dim3A_7 : vector<16xf32> to vector<1x16xf32>
      tpu.vector_store %arg12[%swap3A_97, %swap3A_98], %swap3A_101 {strides = array<i32>} : memref<128x128xf32, #tpu.memory_space<vmem>>, vector<1x16xf32>,
      %swap3A_102 = arith.index_cast %scan3A_81 : i32 to index
      %swap3A_103 = arith.constant 64 : index
      %swap3A_104 = tpu.vector_load %arg12[%swap3A_102, %swap3A_103] {strides = array<i32>} : memref<128x128xf32, #tpu.memory_space<vmem>>, vector<1x16xf32>,
      %swap3A_105 = vector.shape_cast %swap3A_104 : vector<1x16xf32> to vector<16xf32>
      %swap3A_106 = vector.shape_cast %broadcast_in_dim3A_7 : vector<16xf32> to vector<1x16xf32>
      tpu.vector_store %arg12[%swap3A_102, %swap3A_103], %swap3A_106 {strides = array<i32>} : memref<128x128xf32, #tpu.memory_space<vmem>>, vector<1x16xf32>,
      %swap3A_107 = arith.index_cast %scan3A_81 : i32 to index
      %swap3A_108 = arith.constant 80 : index
      %swap3A_109 = tpu.vector_load %arg12[%swap3A_107, %swap3A_108] {strides = array<i32>} : memref<128x128xf32, #tpu.memory_space<vmem>>, vector<1x16xf32>,
      %swap3A_110 = vector.shape_cast %swap3A_109 : vector<1x16xf32> to vector<16xf32>
      %swap3A_111 = vector.shape_cast %broadcast_in_dim3A_7 : vector<16xf32> to vector<1x16xf32>
      tpu.vector_store %arg12[%swap3A_107, %swap3A_108], %swap3A_111 {strides = array<i32>} : memref<128x128xf32, #tpu.memory_space<vmem>>, vector<1x16xf32>,
      %swap3A_112 = arith.index_cast %scan3A_81 : i32 to index
      %swap3A_113 = arith.constant 96 : index
      %swap3A_114 = tpu.vector_load %arg12[%swap3A_112, %swap3A_113] {strides = array<i32>} : memref<128x128xf32, #tpu.memory_space<vmem>>, vector<1x16xf32>,
      %swap3A_115 = vector.shape_cast %swap3A_114 : vector<1x16xf32> to vector<16xf32>
      %swap3A_116 = vector.shape_cast %broadcast_in_dim3A_7 : vector<16xf32> to vector<1x16xf32>
      tpu.vector_store %arg12[%swap3A_112, %swap3A_113], %swap3A_116 {strides = array<i32>} : memref<128x128xf32, #tpu.memory_space<vmem>>, vector<1x16xf32>,
      %swap3A_117 = arith.index_cast %scan3A_81 : i32 to index
      %swap3A_118 = arith.constant 112 : index
      %swap3A_119 = tpu.vector_load %arg12[%swap3A_117, %swap3A_118] {strides = array<i32>} : memref<128x128xf32, #tpu.memory_space<vmem>>, vector<1x16xf32>,
      %swap3A_120 = vector.shape_cast %swap3A_119 : vector<1x16xf32> to vector<16xf32>
      %swap3A_121 = vector.shape_cast %broadcast_in_dim3A_7 : vector<16xf32> to vector<1x16xf32>
      tpu.vector_store %arg12[%swap3A_117, %swap3A_118], %swap3A_121 {strides = array<i32>} : memref<128x128xf32, #tpu.memory_space<vmem>>, vector<1x16xf32>,
      %scan3A_122 = arith.constant 0 : i32
      scf.yield %scan3A_122 : i32
    }
    %scan3A_13 = arith.constant 128 : i32
    %add3A_14 = arith.constant 0 : i32
    %add3A_15 = arith.addi %mul3A_2, %add3A_14 : i32
    "tpu.region"() ({
      %run_scoped3A = tpu.sem_alloc : memref<!tpu.dma_semaphore, #tpu.memory_space<semaphore_mem>>
      %dma_start3A_81 = arith.constant 0 : i32
      %dma_start3A_82 = tpu.memref_slice %arg15[%add3A_15, %dma_start3A_81] : memref<10112x128xf32, #tpu.memory_space<vmem_shared>> -> memref<128x128xf32, #tpu.memory_space<vmem_shared>>
      %dma_start3A_83 = arith.constant 0 : i32
      %dma_start3A_84 = tpu.memref_slice %arg15[%add3A_15, %dma_start3A_83] : memref<10112x128xf32, #tpu.memory_space<vmem_shared>> -> memref<128x128xf32, #tpu.memory_space<vmem_shared>>
      tpu.enqueue_dma source(%arg12 : memref<128x128xf32, #tpu.memory_space<vmem>>) target(%dma_start3A_84 : memref<128x128xf32, #tpu.memory_space<vmem_shared>>) target_semaphore(%run_scoped3A : memref<!tpu.dma_semaphore, #tpu.memory_space<semaphore_mem>>)
      %dma_wait3A_85 = arith.constant 0 : i32
      %dma_wait3A_86 = tpu.memref_slice %arg15[%add3A_15, %dma_wait3A_85] : memref<10112x128xf32, #tpu.memory_space<vmem_shared>> -> memref<128x128xf32, #tpu.memory_space<vmem_shared>>
      %dma_wait3A_87 = arith.constant 0 : i32
      %dma_wait3A_88 = tpu.memref_slice %arg15[%add3A_15, %dma_wait3A_87] : memref<10112x128xf32, #tpu.memory_space<vmem_shared>> -> memref<128x128xf32, #tpu.memory_space<vmem_shared>>
      tpu.wait_dma2 semaphore(%run_scoped3A : memref<!tpu.dma_semaphore, #tpu.memory_space<semaphore_mem>>) src(%arg12 : memref<128x128xf32, #tpu.memory_space<vmem>>) dst(%dma_wait3A_88 : memref<128x128xf32, #tpu.memory_space<vmem_shared>>)
      tpu.yield
    }) : () -> ()
    %add3A_16 = arith.constant 128 : i32
    %add3A_17 = arith.addi %mul3A_2, %add3A_16 : i32
    "tpu.region"() ({
      %run_scoped3A = tpu.sem_alloc : memref<!tpu.dma_semaphore, #tpu.memory_space<semaphore_mem>>
      %dma_start3A_81 = arith.constant 0 : i32
      %dma_start3A_82 = tpu.memref_slice %arg15[%add3A_17, %dma_start3A_81] : memref<10112x128xf32, #tpu.memory_space<vmem_shared>> -> memref<128x128xf32, #tpu.memory_space<vmem_shared>>
      %dma_start3A_83 = arith.constant 0 : i32
      %dma_start3A_84 = tpu.memref_slice %arg15[%add3A_17, %dma_start3A_83] : memref<10112x128xf32, #tpu.memory_space<vmem_shared>> -> memref<128x128xf32, #tpu.memory_space<vmem_shared>>
      tpu.enqueue_dma source(%arg12 : memref<128x128xf32, #tpu.memory_space<vmem>>) target(%dma_start3A_84 : memref<128x128xf32, #tpu.memory_space<vmem_shared>>) target_semaphore(%run_scoped3A : memref<!tpu.dma_semaphore, #tpu.memory_space<semaphore_mem>>)
      %dma_wait3A_85 = arith.constant 0 : i32
      %dma_wait3A_86 = tpu.memref_slice %arg15[%add3A_17, %dma_wait3A_85] : memref<10112x128xf32, #tpu.memory_space<vmem_shared>> -> memref<128x128xf32, #tpu.memory_space<vmem_shared>>
      %dma_wait3A_87 = arith.constant 0 : i32
      %dma_wait3A_88 = tpu.memref_slice %arg15[%add3A_17, %dma_wait3A_87] : memref<10112x128xf32, #tpu.memory_space<vmem_shared>> -> memref<128x128xf32, #tpu.memory_space<vmem_shared>>
      tpu.wait_dma2 semaphore(%run_scoped3A : memref<!tpu.dma_semaphore, #tpu.memory_space<semaphore_mem>>) src(%arg12 : memref<128x128xf32, #tpu.memory_space<vmem>>) dst(%dma_wait3A_88 : memref<128x128xf32, #tpu.memory_space<vmem_shared>>)
      tpu.yield
    }) : () -> ()
    %add3A_18 = arith.constant 256 : i32
    %add3A_19 = arith.addi %mul3A_2, %add3A_18 : i32
    "tpu.region"() ({
      %run_scoped3A = tpu.sem_alloc : memref<!tpu.dma_semaphore, #tpu.memory_space<semaphore_mem>>
      %dma_start3A_81 = arith.constant 0 : i32
      %dma_start3A_82 = tpu.memref_slice %arg15[%add3A_19, %dma_start3A_81] : memref<10112x128xf32, #tpu.memory_space<vmem_shared>> -> memref<128x128xf32, #tpu.memory_space<vmem_shared>>
      %dma_start3A_83 = arith.constant 0 : i32
      %dma_start3A_84 = tpu.memref_slice %arg15[%add3A_19, %dma_start3A_83] : memref<10112x128xf32, #tpu.memory_space<vmem_shared>> -> memref<128x128xf32, #tpu.memory_space<vmem_shared>>
      tpu.enqueue_dma source(%arg12 : memref<128x128xf32, #tpu.memory_space<vmem>>) target(%dma_start3A_84 : memref<128x128xf32, #tpu.memory_space<vmem_shared>>) target_semaphore(%run_scoped3A : memref<!tpu.dma_semaphore, #tpu.memory_space<semaphore_mem>>)
      %dma_wait3A_85 = arith.constant 0 : i32
      %dma_wait3A_86 = tpu.memref_slice %arg15[%add3A_19, %dma_wait3A_85] : memref<10112x128xf32, #tpu.memory_space<vmem_shared>> -> memref<128x128xf32, #tpu.memory_space<vmem_shared>>
      %dma_wait3A_87 = arith.constant 0 : i32
      %dma_wait3A_88 = tpu.memref_slice %arg15[%add3A_19, %dma_wait3A_87] : memref<10112x128xf32, #tpu.memory_space<vmem_shared>> -> memref<128x128xf32, #tpu.memory_space<vmem_shared>>
      tpu.wait_dma2 semaphore(%run_scoped3A : memref<!tpu.dma_semaphore, #tpu.memory_space<semaphore_mem>>) src(%arg12 : memref<128x128xf32, #tpu.memory_space<vmem>>) dst(%dma_wait3A_88 : memref<128x128xf32, #tpu.memory_space<vmem_shared>>)
      tpu.yield
    }) : () -> ()
    %add3A_20 = arith.constant 384 : i32
    %add3A_21 = arith.addi %mul3A_2, %add3A_20 : i32
    "tpu.region"() ({
      %run_scoped3A = tpu.sem_alloc : memref<!tpu.dma_semaphore, #tpu.memory_space<semaphore_mem>>
      %dma_start3A_81 = arith.constant 0 : i32
      %dma_start3A_82 = tpu.memref_slice %arg15[%add3A_21, %dma_start3A_81] : memref<10112x128xf32, #tpu.memory_space<vmem_shared>> -> memref<128x128xf32, #tpu.memory_space<vmem_shared>>
      %dma_start3A_83 = arith.constant 0 : i32
      %dma_start3A_84 = tpu.memref_slice %arg15[%add3A_21, %dma_start3A_83] : memref<10112x128xf32, #tpu.memory_space<vmem_shared>> -> memref<128x128xf32, #tpu.memory_space<vmem_shared>>
      tpu.enqueue_dma source(%arg12 : memref<128x128xf32, #tpu.memory_space<vmem>>) target(%dma_start3A_84 : memref<128x128xf32, #tpu.memory_space<vmem_shared>>) target_semaphore(%run_scoped3A : memref<!tpu.dma_semaphore, #tpu.memory_space<semaphore_mem>>)
      %dma_wait3A_85 = arith.constant 0 : i32
      %dma_wait3A_86 = tpu.memref_slice %arg15[%add3A_21, %dma_wait3A_85] : memref<10112x128xf32, #tpu.memory_space<vmem_shared>> -> memref<128x128xf32, #tpu.memory_space<vmem_shared>>
      %dma_wait3A_87 = arith.constant 0 : i32
      %dma_wait3A_88 = tpu.memref_slice %arg15[%add3A_21, %dma_wait3A_87] : memref<10112x128xf32, #tpu.memory_space<vmem_shared>> -> memref<128x128xf32, #tpu.memory_space<vmem_shared>>
      tpu.wait_dma2 semaphore(%run_scoped3A : memref<!tpu.dma_semaphore, #tpu.memory_space<semaphore_mem>>) src(%arg12 : memref<128x128xf32, #tpu.memory_space<vmem>>) dst(%dma_wait3A_88 : memref<128x128xf32, #tpu.memory_space<vmem_shared>>)
      tpu.yield
    }) : () -> ()
    %add3A_22 = arith.constant 512 : i32
    %add3A_23 = arith.addi %mul3A_2, %add3A_22 : i32
    "tpu.region"() ({
      %run_scoped3A = tpu.sem_alloc : memref<!tpu.dma_semaphore, #tpu.memory_space<semaphore_mem>>
      %dma_start3A_81 = arith.constant 0 : i32
      %dma_start3A_82 = arith.constant 0 : i32
      %dma_start3A_83 = tpu.memref_slice %arg12[%dma_start3A_81, %dma_start3A_82] : memref<128x128xf32, #tpu.memory_space<vmem>> -> memref<120x128xf32, #tpu.memory_space<vmem>>
      %dma_start3A_84 = arith.constant 0 : i32
      %dma_start3A_85 = tpu.memref_slice %arg15[%add3A_23, %dma_start3A_84] : memref<10112x128xf32, #tpu.memory_space<vmem_shared>> -> memref<120x128xf32, #tpu.memory_space<vmem_shared>>
      %dma_start3A_86 = arith.constant 0 : i32
      %dma_start3A_87 = tpu.memref_slice %arg15[%add3A_23, %dma_start3A_86] : memref<10112x128xf32, #tpu.memory_space<vmem_shared>> -> memref<120x128xf32, #tpu.memory_space<vmem_shared>>
      %dma_start3A_88 = arith.constant 0 : i32
      %dma_start3A_89 = arith.constant 0 : i32
      %dma_start3A_90 = tpu.memref_slice %arg12[%dma_start3A_88, %dma_start3A_89] : memref<128x128xf32, #tpu.memory_space<vmem>> -> memref<120x128xf32, #tpu.memory_space<vmem>>
      tpu.enqueue_dma source(%dma_start3A_90 : memref<120x128xf32, #tpu.memory_space<vmem>>) target(%dma_start3A_87 : memref<120x128xf32, #tpu.memory_space<vmem_shared>>) target_semaphore(%run_scoped3A : memref<!tpu.dma_semaphore, #tpu.memory_space<semaphore_mem>>)
      %dma_wait3A_91 = arith.constant 0 : i32
      %dma_wait3A_92 = arith.constant 0 : i32
      %dma_wait3A_93 = tpu.memref_slice %arg12[%dma_wait3A_91, %dma_wait3A_92] : memref<128x128xf32, #tpu.memory_space<vmem>> -> memref<120x128xf32, #tpu.memory_space<vmem>>
      %dma_wait3A_94 = arith.constant 0 : i32
      %dma_wait3A_95 = tpu.memref_slice %arg15[%add3A_23, %dma_wait3A_94] : memref<10112x128xf32, #tpu.memory_space<vmem_shared>> -> memref<120x128xf32, #tpu.memory_space<vmem_shared>>
      %dma_wait3A_96 = arith.constant 0 : i32
      %dma_wait3A_97 = tpu.memref_slice %arg15[%add3A_23, %dma_wait3A_96] : memref<10112x128xf32, #tpu.memory_space<vmem_shared>> -> memref<120x128xf32, #tpu.memory_space<vmem_shared>>
      %dma_wait3A_98 = arith.constant 0 : i32
      %dma_wait3A_99 = arith.constant 0 : i32
      %dma_wait3A_100 = tpu.memref_slice %arg12[%dma_wait3A_98, %dma_wait3A_99] : memref<128x128xf32, #tpu.memory_space<vmem>> -> memref<120x128xf32, #tpu.memory_space<vmem>>
      tpu.wait_dma2 semaphore(%run_scoped3A : memref<!tpu.dma_semaphore, #tpu.memory_space<semaphore_mem>>) src(%dma_wait3A_100 : memref<120x128xf32, #tpu.memory_space<vmem>>) dst(%dma_wait3A_97 : memref<120x128xf32, #tpu.memory_space<vmem_shared>>)
      tpu.yield
    }) : () -> ()
    %barrier3A = arith.constant 0 : index
    tpu.barrier barrier_id(%barrier3A)
    %add3A_24 = arith.constant 0 : i32
    %add3A_25 = arith.addi %mul3A_6, %add3A_24 : i32
    "tpu.region"() ({
      %run_scoped3A = tpu.sem_alloc : memref<!tpu.dma_semaphore, #tpu.memory_space<semaphore_mem>>
      %dma_start3A_81 = tpu.memref_slice %arg3[%add3A_25] : memref<331776xi32, #tpu.memory_space<hbm>> -> memref<128xi32, #tpu.memory_space<hbm>>
      %dma_start3A_82 = tpu.memref_slice %arg3[%add3A_25] : memref<331776xi32, #tpu.memory_space<hbm>> -> memref<128xi32, #tpu.memory_space<hbm>>
      tpu.enqueue_dma source(%dma_start3A_82 : memref<128xi32, #tpu.memory_space<hbm>>) target(%arg6 : memref<128xi32, #tpu.memory_space<vmem>>) target_semaphore(%run_scoped3A : memref<!tpu.dma_semaphore, #tpu.memory_space<semaphore_mem>>)
      %dma_wait3A_83 = tpu.memref_slice %arg3[%add3A_25] : memref<331776xi32, #tpu.memory_space<hbm>> -> memref<128xi32, #tpu.memory_space<hbm>>
      %dma_wait3A_84 = tpu.memref_slice %arg3[%add3A_25] : memref<331776xi32, #tpu.memory_space<hbm>> -> memref<128xi32, #tpu.memory_space<hbm>>
      tpu.wait_dma2 semaphore(%run_scoped3A : memref<!tpu.dma_semaphore, #tpu.memory_space<semaphore_mem>>) src(%dma_wait3A_84 : memref<128xi32, #tpu.memory_space<hbm>>) dst(%arg6 : memref<128xi32, #tpu.memory_space<vmem>>)
      tpu.yield
    }) : () -> ()
    %add3A_26 = arith.constant 0 : i32
    %add3A_27 = arith.addi %mul3A_6, %add3A_26 : i32
    "tpu.region"() ({
      %run_scoped3A = tpu.sem_alloc : memref<!tpu.dma_semaphore, #tpu.memory_space<semaphore_mem>>
      %dma_start3A_81 = tpu.memref_slice %arg4[%add3A_27] : memref<331776xi32, #tpu.memory_space<hbm>> -> memref<128xi32, #tpu.memory_space<hbm>>
      %dma_start3A_82 = tpu.memref_slice %arg4[%add3A_27] : memref<331776xi32, #tpu.memory_space<hbm>> -> memref<128xi32, #tpu.memory_space<hbm>>
      tpu.enqueue_dma source(%dma_start3A_82 : memref<128xi32, #tpu.memory_space<hbm>>) target(%arg9 : memref<128xi32, #tpu.memory_space<vmem>>) target_semaphore(%run_scoped3A : memref<!tpu.dma_semaphore, #tpu.memory_space<semaphore_mem>>)
      %dma_wait3A_83 = tpu.memref_slice %arg4[%add3A_27] : memref<331776xi32, #tpu.memory_space<hbm>> -> memref<128xi32, #tpu.memory_space<hbm>>
      %dma_wait3A_84 = tpu.memref_slice %arg4[%add3A_27] : memref<331776xi32, #tpu.memory_space<hbm>> -> memref<128xi32, #tpu.memory_space<hbm>>
      tpu.wait_dma2 semaphore(%run_scoped3A : memref<!tpu.dma_semaphore, #tpu.memory_space<semaphore_mem>>) src(%dma_wait3A_84 : memref<128xi32, #tpu.memory_space<hbm>>) dst(%arg9 : memref<128xi32, #tpu.memory_space<vmem>>)
      tpu.yield
    }) : () -> ()
    %dma_start3A = arith.constant 0 : i32
    %dma_start3A_28 = arith.constant 0 : i32
    %dma_start3A_29 = tpu.memref_slice %arg2[%dma_start3A, %dma_start3A_28] : memref<10112x128xf32, #tpu.memory_space<hbm>> -> memref<10112x128xf32, #tpu.memory_space<hbm>>
    tpu.enqueue_indirect_dma source(%dma_start3A_29 : memref<10112x128xf32, #tpu.memory_space<hbm>>) target(%arg12 : memref<128x128xf32, #tpu.memory_space<vmem>>) offsets(%arg6 : memref<128xi32, #tpu.memory_space<vmem>>) semaphore(%arg16 : memref<!tpu.dma_semaphore, #tpu.memory_space<semaphore_mem>>)
    %add3A_30 = arith.constant 128 : i32
    %add3A_31 = arith.addi %mul3A_6, %add3A_30 : i32
    "tpu.region"() ({
      %run_scoped3A = tpu.sem_alloc : memref<!tpu.dma_semaphore, #tpu.memory_space<semaphore_mem>>
      %dma_start3A_81 = tpu.memref_slice %arg3[%add3A_31] : memref<331776xi32, #tpu.memory_space<hbm>> -> memref<128xi32, #tpu.memory_space<hbm>>
      %dma_start3A_82 = tpu.memref_slice %arg3[%add3A_31] : memref<331776xi32, #tpu.memory_space<hbm>> -> memref<128xi32, #tpu.memory_space<hbm>>
      tpu.enqueue_dma source(%dma_start3A_82 : memref<128xi32, #tpu.memory_space<hbm>>) target(%arg7 : memref<128xi32, #tpu.memory_space<vmem>>) target_semaphore(%run_scoped3A : memref<!tpu.dma_semaphore, #tpu.memory_space<semaphore_mem>>)
      %dma_wait3A_83 = tpu.memref_slice %arg3[%add3A_31] : memref<331776xi32, #tpu.memory_space<hbm>> -> memref<128xi32, #tpu.memory_space<hbm>>
      %dma_wait3A_84 = tpu.memref_slice %arg3[%add3A_31] : memref<331776xi32, #tpu.memory_space<hbm>> -> memref<128xi32, #tpu.memory_space<hbm>>
      tpu.wait_dma2 semaphore(%run_scoped3A : memref<!tpu.dma_semaphore, #tpu.memory_space<semaphore_mem>>) src(%dma_wait3A_84 : memref<128xi32, #tpu.memory_space<hbm>>) dst(%arg7 : memref<128xi32, #tpu.memory_space<vmem>>)
      tpu.yield
    }) : () -> ()
    %add3A_32 = arith.constant 128 : i32
    %add3A_33 = arith.addi %mul3A_6, %add3A_32 : i32
    "tpu.region"() ({
      %run_scoped3A = tpu.sem_alloc : memref<!tpu.dma_semaphore, #tpu.memory_space<semaphore_mem>>
      %dma_start3A_81 = tpu.memref_slice %arg4[%add3A_33] : memref<331776xi32, #tpu.memory_space<hbm>> -> memref<128xi32, #tpu.memory_space<hbm>>
      %dma_start3A_82 = tpu.memref_slice %arg4[%add3A_33] : memref<331776xi32, #tpu.memory_space<hbm>> -> memref<128xi32, #tpu.memory_space<hbm>>
      tpu.enqueue_dma source(%dma_start3A_82 : memref<128xi32, #tpu.memory_space<hbm>>) target(%arg10 : memref<128xi32, #tpu.memory_space<vmem>>) target_semaphore(%run_scoped3A : memref<!tpu.dma_semaphore, #tpu.memory_space<semaphore_mem>>)
      %dma_wait3A_83 = tpu.memref_slice %arg4[%add3A_33] : memref<331776xi32, #tpu.memory_space<hbm>> -> memref<128xi32, #tpu.memory_space<hbm>>
      %dma_wait3A_84 = tpu.memref_slice %arg4[%add3A_33] : memref<331776xi32, #tpu.memory_space<hbm>> -> memref<128xi32, #tpu.memory_space<hbm>>
      tpu.wait_dma2 semaphore(%run_scoped3A : memref<!tpu.dma_semaphore, #tpu.memory_space<semaphore_mem>>) src(%dma_wait3A_84 : memref<128xi32, #tpu.memory_space<hbm>>) dst(%arg10 : memref<128xi32, #tpu.memory_space<vmem>>)
      tpu.yield
    }) : () -> ()
    %dma_start3A_34 = arith.constant 0 : i32
    %dma_start3A_35 = arith.constant 0 : i32
    %dma_start3A_36 = tpu.memref_slice %arg2[%dma_start3A_34, %dma_start3A_35] : memref<10112x128xf32, #tpu.memory_space<hbm>> -> memref<10112x128xf32, #tpu.memory_space<hbm>>
    tpu.enqueue_indirect_dma source(%dma_start3A_36 : memref<10112x128xf32, #tpu.memory_space<hbm>>) target(%arg13 : memref<128x128xf32, #tpu.memory_space<vmem>>) offsets(%arg7 : memref<128xi32, #tpu.memory_space<vmem>>) semaphore(%arg17 : memref<!tpu.dma_semaphore, #tpu.memory_space<semaphore_mem>>)
    %dma_wait3A = arith.constant 0 : i32
    %dma_wait3A_37 = arith.constant 0 : i32
    %dma_wait3A_38 = tpu.memref_slice %arg2[%dma_wait3A, %dma_wait3A_37] : memref<10112x128xf32, #tpu.memory_space<hbm>> -> memref<10112x128xf32, #tpu.memory_space<hbm>>
    tpu.wait_indirect_dma semaphore(%arg16 : memref<!tpu.dma_semaphore, #tpu.memory_space<semaphore_mem>>) src(%dma_wait3A_38 : memref<10112x128xf32, #tpu.memory_space<hbm>>) dst(%arg12 : memref<128x128xf32, #tpu.memory_space<vmem>>)
    %dma_start3A_39 = arith.constant 0 : i32
    %dma_start3A_40 = arith.constant 0 : i32
    %dma_start3A_41 = tpu.memref_slice %arg15[%dma_start3A_39, %dma_start3A_40] : memref<10112x128xf32, #tpu.memory_space<vmem_shared>> -> memref<10112x128xf32, #tpu.memory_space<vmem_shared>>
    tpu.enqueue_indirect_dma source(%arg12 : memref<128x128xf32, #tpu.memory_space<vmem>>) target(%dma_start3A_41 : memref<10112x128xf32, #tpu.memory_space<vmem_shared>>) offsets(%arg9 : memref<128xi32, #tpu.memory_space<vmem>>) semaphore(%arg19 : memref<!tpu.dma_semaphore, #tpu.memory_space<semaphore_mem>>) {add = true}
    %add3A_42 = arith.constant 256 : i32
    %add3A_43 = arith.addi %mul3A_6, %add3A_42 : i32
    "tpu.region"() ({
      %run_scoped3A = tpu.sem_alloc : memref<!tpu.dma_semaphore, #tpu.memory_space<semaphore_mem>>
      %dma_start3A_81 = tpu.memref_slice %arg3[%add3A_43] : memref<331776xi32, #tpu.memory_space<hbm>> -> memref<128xi32, #tpu.memory_space<hbm>>
      %dma_start3A_82 = tpu.memref_slice %arg3[%add3A_43] : memref<331776xi32, #tpu.memory_space<hbm>> -> memref<128xi32, #tpu.memory_space<hbm>>
      tpu.enqueue_dma source(%dma_start3A_82 : memref<128xi32, #tpu.memory_space<hbm>>) target(%arg8 : memref<128xi32, #tpu.memory_space<vmem>>) target_semaphore(%run_scoped3A : memref<!tpu.dma_semaphore, #tpu.memory_space<semaphore_mem>>)
      %dma_wait3A_83 = tpu.memref_slice %arg3[%add3A_43] : memref<331776xi32, #tpu.memory_space<hbm>> -> memref<128xi32, #tpu.memory_space<hbm>>
      %dma_wait3A_84 = tpu.memref_slice %arg3[%add3A_43] : memref<331776xi32, #tpu.memory_space<hbm>> -> memref<128xi32, #tpu.memory_space<hbm>>
      tpu.wait_dma2 semaphore(%run_scoped3A : memref<!tpu.dma_semaphore, #tpu.memory_space<semaphore_mem>>) src(%dma_wait3A_84 : memref<128xi32, #tpu.memory_space<hbm>>) dst(%arg8 : memref<128xi32, #tpu.memory_space<vmem>>)
      tpu.yield
    }) : () -> ()
    %add3A_44 = arith.constant 256 : i32
    %add3A_45 = arith.addi %mul3A_6, %add3A_44 : i32
    "tpu.region"() ({
      %run_scoped3A = tpu.sem_alloc : memref<!tpu.dma_semaphore, #tpu.memory_space<semaphore_mem>>
      %dma_start3A_81 = tpu.memref_slice %arg4[%add3A_45] : memref<331776xi32, #tpu.memory_space<hbm>> -> memref<128xi32, #tpu.memory_space<hbm>>
      %dma_start3A_82 = tpu.memref_slice %arg4[%add3A_45] : memref<331776xi32, #tpu.memory_space<hbm>> -> memref<128xi32, #tpu.memory_space<hbm>>
      tpu.enqueue_dma source(%dma_start3A_82 : memref<128xi32, #tpu.memory_space<hbm>>) target(%arg11 : memref<128xi32, #tpu.memory_space<vmem>>) target_semaphore(%run_scoped3A : memref<!tpu.dma_semaphore, #tpu.memory_space<semaphore_mem>>)
      %dma_wait3A_83 = tpu.memref_slice %arg4[%add3A_45] : memref<331776xi32, #tpu.memory_space<hbm>> -> memref<128xi32, #tpu.memory_space<hbm>>
      %dma_wait3A_84 = tpu.memref_slice %arg4[%add3A_45] : memref<331776xi32, #tpu.memory_space<hbm>> -> memref<128xi32, #tpu.memory_space<hbm>>
      tpu.wait_dma2 semaphore(%run_scoped3A : memref<!tpu.dma_semaphore, #tpu.memory_space<semaphore_mem>>) src(%dma_wait3A_84 : memref<128xi32, #tpu.memory_space<hbm>>) dst(%arg11 : memref<128xi32, #tpu.memory_space<vmem>>)
      tpu.yield
    }) : () -> ()
    %dma_start3A_46 = arith.constant 0 : i32
    %dma_start3A_47 = arith.constant 0 : i32
    %dma_start3A_48 = tpu.memref_slice %arg2[%dma_start3A_46, %dma_start3A_47] : memref<10112x128xf32, #tpu.memory_space<hbm>> -> memref<10112x128xf32, #tpu.memory_space<hbm>>
    tpu.enqueue_indirect_dma source(%dma_start3A_48 : memref<10112x128xf32, #tpu.memory_space<hbm>>) target(%arg14 : memref<128x128xf32, #tpu.memory_space<vmem>>) offsets(%arg8 : memref<128xi32, #tpu.memory_space<vmem>>) semaphore(%arg18 : memref<!tpu.dma_semaphore, #tpu.memory_space<semaphore_mem>>)
    %dma_wait3A_49 = arith.constant 0 : i32
    %dma_wait3A_50 = arith.constant 0 : i32
    %dma_wait3A_51 = tpu.memref_slice %arg2[%dma_wait3A_49, %dma_wait3A_50] : memref<10112x128xf32, #tpu.memory_space<hbm>> -> memref<10112x128xf32, #tpu.memory_space<hbm>>
    tpu.wait_indirect_dma semaphore(%arg17 : memref<!tpu.dma_semaphore, #tpu.memory_space<semaphore_mem>>) src(%dma_wait3A_51 : memref<10112x128xf32, #tpu.memory_space<hbm>>) dst(%arg13 : memref<128x128xf32, #tpu.memory_space<vmem>>)
    %dma_start3A_52 = arith.constant 0 : i32
    %dma_start3A_53 = arith.constant 0 : i32
    %dma_start3A_54 = tpu.memref_slice %arg15[%dma_start3A_52, %dma_start3A_53] : memref<10112x128xf32, #tpu.memory_space<vmem_shared>> -> memref<10112x128xf32, #tpu.memory_space<vmem_shared>>
    tpu.enqueue_indirect_dma source(%arg13 : memref<128x128xf32, #tpu.memory_space<vmem>>) target(%dma_start3A_54 : memref<10112x128xf32, #tpu.memory_space<vmem_shared>>) offsets(%arg10 : memref<128xi32, #tpu.memory_space<vmem>>) semaphore(%arg20 : memref<!tpu.dma_semaphore, #tpu.memory_space<semaphore_mem>>) {add = true}
    %scan3A_55 = arith.constant 0 : i32
    %scan3A_56 = arith.constant 1 : i32
    %scan3A_57 = arith.constant 26 : i32
    %scan3A_58 = arith.addi %scan3A_56, %scan3A_57 : i32
    %scan3A_59 = arith.constant 1 : i32
    %scan3A_60 = scf.for %scan3A_81 = %scan3A_56 to %scan3A_58 step %scan3A_59 iter_args(%scan3A_82 = %scan3A_55) -> (i32)  : i32 {
      %mul3A_83 = arith.constant 3 : i32
      %mul3A_84 = arith.muli %mul3A_83, %scan3A_81 : i32
      %add3A_85 = arith.constant 0 : i32
      %add3A_86 = arith.addi %mul3A_84, %add3A_85 : i32
      %dma_wait3A_87 = arith.constant 0 : i32
      %dma_wait3A_88 = arith.constant 0 : i32
      %dma_wait3A_89 = tpu.memref_slice %arg15[%dma_wait3A_87, %dma_wait3A_88] : memref<10112x128xf32, #tpu.memory_space<vmem_shared>> -> memref<10112x128xf32, #tpu.memory_space<vmem_shared>>
      tpu.wait_indirect_dma semaphore(%arg19 : memref<!tpu.dma_semaphore, #tpu.memory_space<semaphore_mem>>) src(%arg12 : memref<128x128xf32, #tpu.memory_space<vmem>>) dst(%dma_wait3A_89 : memref<10112x128xf32, #tpu.memory_space<vmem_shared>>)
      %mul3A_90 = arith.constant 128 : i32
      %mul3A_91 = arith.muli %add3A_86, %mul3A_90 : i32
      %add3A_92 = arith.addi %mul3A_6, %mul3A_91 : i32
      "tpu.region"() ({
        %run_scoped3A = tpu.sem_alloc : memref<!tpu.dma_semaphore, #tpu.memory_space<semaphore_mem>>
        %dma_start3A_150 = tpu.memref_slice %arg3[%add3A_92] : memref<331776xi32, #tpu.memory_space<hbm>> -> memref<128xi32, #tpu.memory_space<hbm>>
        %dma_start3A_151 = tpu.memref_slice %arg3[%add3A_92] : memref<331776xi32, #tpu.memory_space<hbm>> -> memref<128xi32, #tpu.memory_space<hbm>>
        tpu.enqueue_dma source(%dma_start3A_151 : memref<128xi32, #tpu.memory_space<hbm>>) target(%arg6 : memref<128xi32, #tpu.memory_space<vmem>>) target_semaphore(%run_scoped3A : memref<!tpu.dma_semaphore, #tpu.memory_space<semaphore_mem>>)
        %dma_wait3A_152 = tpu.memref_slice %arg3[%add3A_92] : memref<331776xi32, #tpu.memory_space<hbm>> -> memref<128xi32, #tpu.memory_space<hbm>>
        %dma_wait3A_153 = tpu.memref_slice %arg3[%add3A_92] : memref<331776xi32, #tpu.memory_space<hbm>> -> memref<128xi32, #tpu.memory_space<hbm>>
        tpu.wait_dma2 semaphore(%run_scoped3A : memref<!tpu.dma_semaphore, #tpu.memory_space<semaphore_mem>>) src(%dma_wait3A_153 : memref<128xi32, #tpu.memory_space<hbm>>) dst(%arg6 : memref<128xi32, #tpu.memory_space<vmem>>)
        tpu.yield
      }) : () -> ()
      %mul3A_93 = arith.constant 128 : i32
      %mul3A_94 = arith.muli %add3A_86, %mul3A_93 : i32
      %add3A_95 = arith.addi %mul3A_6, %mul3A_94 : i32
      "tpu.region"() ({
        %run_scoped3A = tpu.sem_alloc : memref<!tpu.dma_semaphore, #tpu.memory_space<semaphore_mem>>
        %dma_start3A_150 = tpu.memref_slice %arg4[%add3A_95] : memref<331776xi32, #tpu.memory_space<hbm>> -> memref<128xi32, #tpu.memory_space<hbm>>
        %dma_start3A_151 = tpu.memref_slice %arg4[%add3A_95] : memref<331776xi32, #tpu.memory_space<hbm>> -> memref<128xi32, #tpu.memory_space<hbm>>
        tpu.enqueue_dma source(%dma_start3A_151 : memref<128xi32, #tpu.memory_space<hbm>>) target(%arg9 : memref<128xi32, #tpu.memory_space<vmem>>) target_semaphore(%run_scoped3A : memref<!tpu.dma_semaphore, #tpu.memory_space<semaphore_mem>>)
        %dma_wait3A_152 = tpu.memref_slice %arg4[%add3A_95] : memref<331776xi32, #tpu.memory_space<hbm>> -> memref<128xi32, #tpu.memory_space<hbm>>
        %dma_wait3A_153 = tpu.memref_slice %arg4[%add3A_95] : memref<331776xi32, #tpu.memory_space<hbm>> -> memref<128xi32, #tpu.memory_space<hbm>>
        tpu.wait_dma2 semaphore(%run_scoped3A : memref<!tpu.dma_semaphore, #tpu.memory_space<semaphore_mem>>) src(%dma_wait3A_153 : memref<128xi32, #tpu.memory_space<hbm>>) dst(%arg9 : memref<128xi32, #tpu.memory_space<vmem>>)
        tpu.yield
      }) : () -> ()
      %dma_start3A_96 = arith.constant 0 : i32
      %dma_start3A_97 = arith.constant 0 : i32
      %dma_start3A_98 = tpu.memref_slice %arg2[%dma_start3A_96, %dma_start3A_97] : memref<10112x128xf32, #tpu.memory_space<hbm>> -> memref<10112x128xf32, #tpu.memory_space<hbm>>
      tpu.enqueue_indirect_dma source(%dma_start3A_98 : memref<10112x128xf32, #tpu.memory_space<hbm>>) target(%arg12 : memref<128x128xf32, #tpu.memory_space<vmem>>) offsets(%arg6 : memref<128xi32, #tpu.memory_space<vmem>>) semaphore(%arg16 : memref<!tpu.dma_semaphore, #tpu.memory_space<semaphore_mem>>)
      %dma_wait3A_99 = arith.constant 0 : i32
      %dma_wait3A_100 = arith.constant 0 : i32
      %dma_wait3A_101 = tpu.memref_slice %arg2[%dma_wait3A_99, %dma_wait3A_100] : memref<10112x128xf32, #tpu.memory_space<hbm>> -> memref<10112x128xf32, #tpu.memory_space<hbm>>
      tpu.wait_indirect_dma semaphore(%arg18 : memref<!tpu.dma_semaphore, #tpu.memory_space<semaphore_mem>>) src(%dma_wait3A_101 : memref<10112x128xf32, #tpu.memory_space<hbm>>) dst(%arg14 : memref<128x128xf32, #tpu.memory_space<vmem>>)
      %dma_start3A_102 = arith.constant 0 : i32
      %dma_start3A_103 = arith.constant 0 : i32
      %dma_start3A_104 = tpu.memref_slice %arg15[%dma_start3A_102, %dma_start3A_103] : memref<10112x128xf32, #tpu.memory_space<vmem_shared>> -> memref<10112x128xf32, #tpu.memory_space<vmem_shared>>
      tpu.enqueue_indirect_dma source(%arg14 : memref<128x128xf32, #tpu.memory_space<vmem>>) target(%dma_start3A_104 : memref<10112x128xf32, #tpu.memory_space<vmem_shared>>) offsets(%arg11 : memref<128xi32, #tpu.memory_space<vmem>>) semaphore(%arg21 : memref<!tpu.dma_semaphore, #tpu.memory_space<semaphore_mem>>) {add = true}
      %mul3A_105 = arith.constant 3 : i32
      %mul3A_106 = arith.muli %mul3A_105, %scan3A_81 : i32
      %add3A_107 = arith.constant 1 : i32
      %add3A_108 = arith.addi %mul3A_106, %add3A_107 : i32
      %dma_wait3A_109 = arith.constant 0 : i32
      %dma_wait3A_110 = arith.constant 0 : i32
      %dma_wait3A_111 = tpu.memref_slice %arg15[%dma_wait3A_109, %dma_wait3A_110] : memref<10112x128xf32, #tpu.memory_space<vmem_shared>> -> memref<10112x128xf32, #tpu.memory_space<vmem_shared>>
      tpu.wait_indirect_dma semaphore(%arg20 : memref<!tpu.dma_semaphore, #tpu.memory_space<semaphore_mem>>) src(%arg13 : memref<128x128xf32, #tpu.memory_space<vmem>>) dst(%dma_wait3A_111 : memref<10112x128xf32, #tpu.memory_space<vmem_shared>>)
      %mul3A_112 = arith.constant 128 : i32
      %mul3A_113 = arith.muli %add3A_108, %mul3A_112 : i32
      %add3A_114 = arith.addi %mul3A_6, %mul3A_113 : i32
      "tpu.region"() ({
        %run_scoped3A = tpu.sem_alloc : memref<!tpu.dma_semaphore, #tpu.memory_space<semaphore_mem>>
        %dma_start3A_150 = tpu.memref_slice %arg3[%add3A_114] : memref<331776xi32, #tpu.memory_space<hbm>> -> memref<128xi32, #tpu.memory_space<hbm>>
        %dma_start3A_151 = tpu.memref_slice %arg3[%add3A_114] : memref<331776xi32, #tpu.memory_space<hbm>> -> memref<128xi32, #tpu.memory_space<hbm>>
        tpu.enqueue_dma source(%dma_start3A_151 : memref<128xi32, #tpu.memory_space<hbm>>) target(%arg7 : memref<128xi32, #tpu.memory_space<vmem>>) target_semaphore(%run_scoped3A : memref<!tpu.dma_semaphore, #tpu.memory_space<semaphore_mem>>)
        %dma_wait3A_152 = tpu.memref_slice %arg3[%add3A_114] : memref<331776xi32, #tpu.memory_space<hbm>> -> memref<128xi32, #tpu.memory_space<hbm>>
        %dma_wait3A_153 = tpu.memref_slice %arg3[%add3A_114] : memref<331776xi32, #tpu.memory_space<hbm>> -> memref<128xi32, #tpu.memory_space<hbm>>
        tpu.wait_dma2 semaphore(%run_scoped3A : memref<!tpu.dma_semaphore, #tpu.memory_space<semaphore_mem>>) src(%dma_wait3A_153 : memref<128xi32, #tpu.memory_space<hbm>>) dst(%arg7 : memref<128xi32, #tpu.memory_space<vmem>>)
        tpu.yield
      }) : () -> ()
      %mul3A_115 = arith.constant 128 : i32
      %mul3A_116 = arith.muli %add3A_108, %mul3A_115 : i32
      %add3A_117 = arith.addi %mul3A_6, %mul3A_116 : i32
      "tpu.region"() ({
        %run_scoped3A = tpu.sem_alloc : memref<!tpu.dma_semaphore, #tpu.memory_space<semaphore_mem>>
        %dma_start3A_150 = tpu.memref_slice %arg4[%add3A_117] : memref<331776xi32, #tpu.memory_space<hbm>> -> memref<128xi32, #tpu.memory_space<hbm>>
        %dma_start3A_151 = tpu.memref_slice %arg4[%add3A_117] : memref<331776xi32, #tpu.memory_space<hbm>> -> memref<128xi32, #tpu.memory_space<hbm>>
        tpu.enqueue_dma source(%dma_start3A_151 : memref<128xi32, #tpu.memory_space<hbm>>) target(%arg10 : memref<128xi32, #tpu.memory_space<vmem>>) target_semaphore(%run_scoped3A : memref<!tpu.dma_semaphore, #tpu.memory_space<semaphore_mem>>)
        %dma_wait3A_152 = tpu.memref_slice %arg4[%add3A_117] : memref<331776xi32, #tpu.memory_space<hbm>> -> memref<128xi32, #tpu.memory_space<hbm>>
        %dma_wait3A_153 = tpu.memref_slice %arg4[%add3A_117] : memref<331776xi32, #tpu.memory_space<hbm>> -> memref<128xi32, #tpu.memory_space<hbm>>
        tpu.wait_dma2 semaphore(%run_scoped3A : memref<!tpu.dma_semaphore, #tpu.memory_space<semaphore_mem>>) src(%dma_wait3A_153 : memref<128xi32, #tpu.memory_space<hbm>>) dst(%arg10 : memref<128xi32, #tpu.memory_space<vmem>>)
        tpu.yield
      }) : () -> ()
      %dma_start3A_118 = arith.constant 0 : i32
      %dma_start3A_119 = arith.constant 0 : i32
      %dma_start3A_120 = tpu.memref_slice %arg2[%dma_start3A_118, %dma_start3A_119] : memref<10112x128xf32, #tpu.memory_space<hbm>> -> memref<10112x128xf32, #tpu.memory_space<hbm>>
      tpu.enqueue_indirect_dma source(%dma_start3A_120 : memref<10112x128xf32, #tpu.memory_space<hbm>>) target(%arg13 : memref<128x128xf32, #tpu.memory_space<vmem>>) offsets(%arg7 : memref<128xi32, #tpu.memory_space<vmem>>) semaphore(%arg17 : memref<!tpu.dma_semaphore, #tpu.memory_space<semaphore_mem>>)
      %dma_wait3A_121 = arith.constant 0 : i32
      %dma_wait3A_122 = arith.constant 0 : i32
      %dma_wait3A_123 = tpu.memref_slice %arg2[%dma_wait3A_121, %dma_wait3A_122] : memref<10112x128xf32, #tpu.memory_space<hbm>> -> memref<10112x128xf32, #tpu.memory_space<hbm>>
      tpu.wait_indirect_dma semaphore(%arg16 : memref<!tpu.dma_semaphore, #tpu.memory_space<semaphore_mem>>) src(%dma_wait3A_123 : memref<10112x128xf32, #tpu.memory_space<hbm>>) dst(%arg12 : memref<128x128xf32, #tpu.memory_space<vmem>>)
      %dma_start3A_124 = arith.constant 0 : i32
      %dma_start3A_125 = arith.constant 0 : i32
      %dma_start3A_126 = tpu.memref_slice %arg15[%dma_start3A_124, %dma_start3A_125] : memref<10112x128xf32, #tpu.memory_space<vmem_shared>> -> memref<10112x128xf32, #tpu.memory_space<vmem_shared>>
      tpu.enqueue_indirect_dma source(%arg12 : memref<128x128xf32, #tpu.memory_space<vmem>>) target(%dma_start3A_126 : memref<10112x128xf32, #tpu.memory_space<vmem_shared>>) offsets(%arg9 : memref<128xi32, #tpu.memory_space<vmem>>) semaphore(%arg19 : memref<!tpu.dma_semaphore, #tpu.memory_space<semaphore_mem>>) {add = true}
      %mul3A_127 = arith.constant 3 : i32
      %mul3A_128 = arith.muli %mul3A_127, %scan3A_81 : i32
      %add3A_129 = arith.constant 2 : i32
      %add3A_130 = arith.addi %mul3A_128, %add3A_129 : i32
      %dma_wait3A_131 = arith.constant 0 : i32
      %dma_wait3A_132 = arith.constant 0 : i32
      %dma_wait3A_133 = tpu.memref_slice %arg15[%dma_wait3A_131, %dma_wait3A_132] : memref<10112x128xf32, #tpu.memory_space<vmem_shared>> -> memref<10112x128xf32, #tpu.memory_space<vmem_shared>>
      tpu.wait_indirect_dma semaphore(%arg21 : memref<!tpu.dma_semaphore, #tpu.memory_space<semaphore_mem>>) src(%arg14 : memref<128x128xf32, #tpu.memory_space<vmem>>) dst(%dma_wait3A_133 : memref<10112x128xf32, #tpu.memory_space<vmem_shared>>)
      %mul3A_134 = arith.constant 128 : i32
      %mul3A_135 = arith.muli %add3A_130, %mul3A_134 : i32
      %add3A_136 = arith.addi %mul3A_6, %mul3A_135 : i32
      "tpu.region"() ({
        %run_scoped3A = tpu.sem_alloc : memref<!tpu.dma_semaphore, #tpu.memory_space<semaphore_mem>>
        %dma_start3A_150 = tpu.memref_slice %arg3[%add3A_136] : memref<331776xi32, #tpu.memory_space<hbm>> -> memref<128xi32, #tpu.memory_space<hbm>>
        %dma_start3A_151 = tpu.memref_slice %arg3[%add3A_136] : memref<331776xi32, #tpu.memory_space<hbm>> -> memref<128xi32, #tpu.memory_space<hbm>>
        tpu.enqueue_dma source(%dma_start3A_151 : memref<128xi32, #tpu.memory_space<hbm>>) target(%arg8 : memref<128xi32, #tpu.memory_space<vmem>>) target_semaphore(%run_scoped3A : memref<!tpu.dma_semaphore, #tpu.memory_space<semaphore_mem>>)
        %dma_wait3A_152 = tpu.memref_slice %arg3[%add3A_136] : memref<331776xi32, #tpu.memory_space<hbm>> -> memref<128xi32, #tpu.memory_space<hbm>>
        %dma_wait3A_153 = tpu.memref_slice %arg3[%add3A_136] : memref<331776xi32, #tpu.memory_space<hbm>> -> memref<128xi32, #tpu.memory_space<hbm>>
        tpu.wait_dma2 semaphore(%run_scoped3A : memref<!tpu.dma_semaphore, #tpu.memory_space<semaphore_mem>>) src(%dma_wait3A_153 : memref<128xi32, #tpu.memory_space<hbm>>) dst(%arg8 : memref<128xi32, #tpu.memory_space<vmem>>)
        tpu.yield
      }) : () -> ()
      %mul3A_137 = arith.constant 128 : i32
      %mul3A_138 = arith.muli %add3A_130, %mul3A_137 : i32
      %add3A_139 = arith.addi %mul3A_6, %mul3A_138 : i32
      "tpu.region"() ({
        %run_scoped3A = tpu.sem_alloc : memref<!tpu.dma_semaphore, #tpu.memory_space<semaphore_mem>>
        %dma_start3A_150 = tpu.memref_slice %arg4[%add3A_139] : memref<331776xi32, #tpu.memory_space<hbm>> -> memref<128xi32, #tpu.memory_space<hbm>>
        %dma_start3A_151 = tpu.memref_slice %arg4[%add3A_139] : memref<331776xi32, #tpu.memory_space<hbm>> -> memref<128xi32, #tpu.memory_space<hbm>>
        tpu.enqueue_dma source(%dma_start3A_151 : memref<128xi32, #tpu.memory_space<hbm>>) target(%arg11 : memref<128xi32, #tpu.memory_space<vmem>>) target_semaphore(%run_scoped3A : memref<!tpu.dma_semaphore, #tpu.memory_space<semaphore_mem>>)
        %dma_wait3A_152 = tpu.memref_slice %arg4[%add3A_139] : memref<331776xi32, #tpu.memory_space<hbm>> -> memref<128xi32, #tpu.memory_space<hbm>>
        %dma_wait3A_153 = tpu.memref_slice %arg4[%add3A_139] : memref<331776xi32, #tpu.memory_space<hbm>> -> memref<128xi32, #tpu.memory_space<hbm>>
        tpu.wait_dma2 semaphore(%run_scoped3A : memref<!tpu.dma_semaphore, #tpu.memory_space<semaphore_mem>>) src(%dma_wait3A_153 : memref<128xi32, #tpu.memory_space<hbm>>) dst(%arg11 : memref<128xi32, #tpu.memory_space<vmem>>)
        tpu.yield
      }) : () -> ()
      %dma_start3A_140 = arith.constant 0 : i32
      %dma_start3A_141 = arith.constant 0 : i32
      %dma_start3A_142 = tpu.memref_slice %arg2[%dma_start3A_140, %dma_start3A_141] : memref<10112x128xf32, #tpu.memory_space<hbm>> -> memref<10112x128xf32, #tpu.memory_space<hbm>>
      tpu.enqueue_indirect_dma source(%dma_start3A_142 : memref<10112x128xf32, #tpu.memory_space<hbm>>) target(%arg14 : memref<128x128xf32, #tpu.memory_space<vmem>>) offsets(%arg8 : memref<128xi32, #tpu.memory_space<vmem>>) semaphore(%arg18 : memref<!tpu.dma_semaphore, #tpu.memory_space<semaphore_mem>>)
      %dma_wait3A_143 = arith.constant 0 : i32
      %dma_wait3A_144 = arith.constant 0 : i32
      %dma_wait3A_145 = tpu.memref_slice %arg2[%dma_wait3A_143, %dma_wait3A_144] : memref<10112x128xf32, #tpu.memory_space<hbm>> -> memref<10112x128xf32, #tpu.memory_space<hbm>>
      tpu.wait_indirect_dma semaphore(%arg17 : memref<!tpu.dma_semaphore, #tpu.memory_space<semaphore_mem>>) src(%dma_wait3A_145 : memref<10112x128xf32, #tpu.memory_space<hbm>>) dst(%arg13 : memref<128x128xf32, #tpu.memory_space<vmem>>)
      %dma_start3A_146 = arith.constant 0 : i32
      %dma_start3A_147 = arith.constant 0 : i32
      %dma_start3A_148 = tpu.memref_slice %arg15[%dma_start3A_146, %dma_start3A_147] : memref<10112x128xf32, #tpu.memory_space<vmem_shared>> -> memref<10112x128xf32, #tpu.memory_space<vmem_shared>>
      tpu.enqueue_indirect_dma source(%arg13 : memref<128x128xf32, #tpu.memory_space<vmem>>) target(%dma_start3A_148 : memref<10112x128xf32, #tpu.memory_space<vmem_shared>>) offsets(%arg10 : memref<128xi32, #tpu.memory_space<vmem>>) semaphore(%arg20 : memref<!tpu.dma_semaphore, #tpu.memory_space<semaphore_mem>>) {add = true}
      %scan3A_149 = arith.constant 0 : i32
      scf.yield %scan3A_149 : i32
    }
    %scan3A_61 = arith.constant 26 : i32
    %dma_wait3A_62 = arith.constant 0 : i32
    %dma_wait3A_63 = arith.constant 0 : i32
    %dma_wait3A_64 = tpu.memref_slice %arg2[%dma_wait3A_62, %dma_wait3A_63] : memref<10112x128xf32, #tpu.memory_space<hbm>> -> memref<10112x128xf32, #tpu.memory_space<hbm>>
    tpu.wait_indirect_dma semaphore(%arg18 : memref<!tpu.dma_semaphore, #tpu.memory_space<semaphore_mem>>) src(%dma_wait3A_64 : memref<10112x128xf32, #tpu.memory_space<hbm>>) dst(%arg14 : memref<128x128xf32, #tpu.memory_space<vmem>>)
    %dma_start3A_65 = arith.constant 0 : i32
    %dma_start3A_66 = arith.constant 0 : i32
    %dma_start3A_67 = tpu.memref_slice %arg15[%dma_start3A_65, %dma_start3A_66] : memref<10112x128xf32, #tpu.memory_space<vmem_shared>> -> memref<10112x128xf32, #tpu.memory_space<vmem_shared>>
    tpu.enqueue_indirect_dma source(%arg14 : memref<128x128xf32, #tpu.memory_space<vmem>>) target(%dma_start3A_67 : memref<10112x128xf32, #tpu.memory_space<vmem_shared>>) offsets(%arg11 : memref<128xi32, #tpu.memory_space<vmem>>) semaphore(%arg21 : memref<!tpu.dma_semaphore, #tpu.memory_space<semaphore_mem>>) {add = true}
    %dma_wait3A_68 = arith.constant 0 : i32
    %dma_wait3A_69 = arith.constant 0 : i32
    %dma_wait3A_70 = tpu.memref_slice %arg15[%dma_wait3A_68, %dma_wait3A_69] : memref<10112x128xf32, #tpu.memory_space<vmem_shared>> -> memref<10112x128xf32, #tpu.memory_space<vmem_shared>>
    tpu.wait_indirect_dma semaphore(%arg19 : memref<!tpu.dma_semaphore, #tpu.memory_space<semaphore_mem>>) src(%arg12 : memref<128x128xf32, #tpu.memory_space<vmem>>) dst(%dma_wait3A_70 : memref<10112x128xf32, #tpu.memory_space<vmem_shared>>)
    %dma_wait3A_71 = arith.constant 0 : i32
    %dma_wait3A_72 = arith.constant 0 : i32
    %dma_wait3A_73 = tpu.memref_slice %arg15[%dma_wait3A_71, %dma_wait3A_72] : memref<10112x128xf32, #tpu.memory_space<vmem_shared>> -> memref<10112x128xf32, #tpu.memory_space<vmem_shared>>
    tpu.wait_indirect_dma semaphore(%arg20 : memref<!tpu.dma_semaphore, #tpu.memory_space<semaphore_mem>>) src(%arg13 : memref<128x128xf32, #tpu.memory_space<vmem>>) dst(%dma_wait3A_73 : memref<10112x128xf32, #tpu.memory_space<vmem_shared>>)
    %dma_wait3A_74 = arith.constant 0 : i32
    %dma_wait3A_75 = arith.constant 0 : i32
    %dma_wait3A_76 = tpu.memref_slice %arg15[%dma_wait3A_74, %dma_wait3A_75] : memref<10112x128xf32, #tpu.memory_space<vmem_shared>> -> memref<10112x128xf32, #tpu.memory_space<vmem_shared>>
    tpu.wait_indirect_dma semaphore(%arg21 : memref<!tpu.dma_semaphore, #tpu.memory_space<semaphore_mem>>) src(%arg14 : memref<128x128xf32, #tpu.memory_space<vmem>>) dst(%dma_wait3A_76 : memref<10112x128xf32, #tpu.memory_space<vmem_shared>>)
    %barrier3A_77 = arith.constant 0 : index
    tpu.barrier barrier_id(%barrier3A_77)
    %mul3A_78 = arith.constant 10112 : i32
    %mul3A_79 = arith.muli %arg0, %mul3A_78 : i32
    %add3A_80 = arith.addi %mul3A_79, %mul3A_2 : i32
    "tpu.region"() ({
      %run_scoped3A = tpu.sem_alloc : memref<!tpu.dma_semaphore, #tpu.memory_space<semaphore_mem>>
      %dma_start3A_81 = arith.constant 0 : i32
      %dma_start3A_82 = tpu.memref_slice %arg5[%add3A_80, %dma_start3A_81] : memref<20224x128xf32, #tpu.memory_space<hbm>> -> memref<632x128xf32, #tpu.memory_space<hbm>>
      %dma_start3A_83 = arith.constant 0 : i32
      %dma_start3A_84 = tpu.memref_slice %arg15[%mul3A_2, %dma_start3A_83] : memref<10112x128xf32, #tpu.memory_space<vmem_shared>> -> memref<632x128xf32, #tpu.memory_space<vmem_shared>>
      tpu.enqueue_dma source(%dma_start3A_84 : memref<632x128xf32, #tpu.memory_space<vmem_shared>>) target(%dma_start3A_82 : memref<632x128xf32, #tpu.memory_space<hbm>>) target_semaphore(%run_scoped3A : memref<!tpu.dma_semaphore, #tpu.memory_space<semaphore_mem>>)
      %dma_wait3A_85 = arith.constant 0 : i32
      %dma_wait3A_86 = tpu.memref_slice %arg5[%add3A_80, %dma_wait3A_85] : memref<20224x128xf32, #tpu.memory_space<hbm>> -> memref<632x128xf32, #tpu.memory_space<hbm>>
      %dma_wait3A_87 = arith.constant 0 : i32
      %dma_wait3A_88 = tpu.memref_slice %arg15[%mul3A_2, %dma_wait3A_87] : memref<10112x128xf32, #tpu.memory_space<vmem_shared>> -> memref<632x128xf32, #tpu.memory_space<vmem_shared>>
      tpu.wait_dma2 semaphore(%run_scoped3A : memref<!tpu.dma_semaphore, #tpu.memory_space<semaphore_mem>>) src(%dma_wait3A_88 : memref<632x128xf32, #tpu.memory_space<vmem_shared>>) dst(%dma_wait3A_86 : memref<632x128xf32, #tpu.memory_space<hbm>>)
      tpu.yield
    }) : () -> ()
    return
  }
}

#map = affine_map<(d0, d1) -> (0, 0)>
#map1 = affine_map<(d0, d1) -> (0)>
module attributes {stable_mosaic.version = 14 : i64} {
  func.func @body(%arg0: i32, %arg1: i32, %arg2: memref<10112x128xf32, #tpu.memory_space<hbm>>, %arg3: memref<331776xi32, #tpu.memory_space<hbm>>, %arg4: memref<331776xi32, #tpu.memory_space<hbm>>, %arg5: memref<20224x128xf32, #tpu.memory_space<hbm>>, %arg6: memref<128xi32, #tpu.memory_space<vmem>>, %arg7: memref<128xi32, #tpu.memory_space<vmem>>, %arg8: memref<128xi32, #tpu.memory_space<vmem>>, %arg9: memref<128xi32, #tpu.memory_space<vmem>>, %arg10: memref<128xi32, #tpu.memory_space<vmem>>, %arg11: memref<128xi32, #tpu.memory_space<vmem>>, %arg12: memref<128x128xf32, #tpu.memory_space<vmem>>, %arg13: memref<128x128xf32, #tpu.memory_space<vmem>>, %arg14: memref<128x128xf32, #tpu.memory_space<vmem>>, %arg15: memref<10112x128xf32, #tpu.memory_space<vmem_shared>>, %arg16: memref<!tpu.dma_semaphore, #tpu.memory_space<semaphore_mem>>, %arg17: memref<!tpu.dma_semaphore, #tpu.memory_space<semaphore_mem>>, %arg18: memref<!tpu.dma_semaphore, #tpu.memory_space<semaphore_mem>>, %arg19: memref<!tpu.dma_semaphore, #tpu.memory_space<semaphore_mem>>, %arg20: memref<!tpu.dma_semaphore, #tpu.memory_space<semaphore_mem>>, %arg21: memref<!tpu.dma_semaphore, #tpu.memory_space<semaphore_mem>>) attributes {dimension_semantics = [#tpu.dimension_semantics<core_parallel>, #tpu.dimension_semantics<subcore_parallel>], iteration_bounds = array<i64: 2, 16>, scalar_prefetch = 0 : i64, scratch_operands = 16 : i64, tpu.core_type = #tpu.core_type<sc_vector_subcore>, window_params = [{transform_indices = #map}, {transform_indices = #map1}, {transform_indices = #map1}, {transform_indices = #map}]} {
    %mul3A = arith.constant 16 : i32
    %mul3A_0 = arith.muli %arg0, %mul3A : i32
    %add3A = arith.addi %mul3A_0, %arg1 : i32
    %mul3A_1 = arith.constant 632 : i32
    %mul3A_2 = arith.muli %arg1, %mul3A_1 : i32
    %mul3A_3 = arith.constant 81 : i32
    %mul3A_4 = arith.muli %add3A, %mul3A_3 : i32
    %mul3A_5 = arith.constant 128 : i32
    %mul3A_6 = arith.muli %mul3A_4, %mul3A_5 : i32
    %broadcast_in_dim3A = arith.constant 0.000000e+00 : f32
    %broadcast_in_dim3A_7 = vector.broadcast %broadcast_in_dim3A : f32 to vector<16xf32>
    %scan3A = arith.constant 0 : i32
    %scan3A_8 = arith.constant 0 : i32
    %scan3A_9 = arith.constant 128 : i32
    %scan3A_10 = arith.addi %scan3A_8, %scan3A_9 : i32
    %scan3A_11 = arith.constant 1 : i32
    %scan3A_12 = scf.for %scan3A_81 = %scan3A_8 to %scan3A_10 step %scan3A_11 iter_args(%scan3A_82 = %scan3A) -> (i32)  : i32 {
      %swap3A = arith.index_cast %scan3A_81 : i32 to index
      %swap3A_83 = arith.constant 0 : index
      %swap3A_84 = tpu.vector_load %arg12[%swap3A, %swap3A_83] {strides = array<i32>} : memref<128x128xf32, #tpu.memory_space<vmem>>, vector<1x16xf32>,
      %swap3A_85 = vector.shape_cast %swap3A_84 : vector<1x16xf32> to vector<16xf32>
      %swap3A_86 = vector.shape_cast %broadcast_in_dim3A_7 : vector<16xf32> to vector<1x16xf32>
      tpu.vector_store %arg12[%swap3A, %swap3A_83], %swap3A_86 {strides = array<i32>} : memref<128x128xf32, #tpu.memory_space<vmem>>, vector<1x16xf32>,
      %swap3A_87 = arith.index_cast %scan3A_81 : i32 to index
      %swap3A_88 = arith.constant 16 : index
      %swap3A_89 = tpu.vector_load %arg12[%swap3A_87, %swap3A_88] {strides = array<i32>} : memref<128x128xf32, #tpu.memory_space<vmem>>, vector<1x16xf32>,
      %swap3A_90 = vector.shape_cast %swap3A_89 : vector<1x16xf32> to vector<16xf32>
      %swap3A_91 = vector.shape_cast %broadcast_in_dim3A_7 : vector<16xf32> to vector<1x16xf32>
      tpu.vector_store %arg12[%swap3A_87, %swap3A_88], %swap3A_91 {strides = array<i32>} : memref<128x128xf32, #tpu.memory_space<vmem>>, vector<1x16xf32>,
      %swap3A_92 = arith.index_cast %scan3A_81 : i32 to index
      %swap3A_93 = arith.constant 32 : index
      %swap3A_94 = tpu.vector_load %arg12[%swap3A_92, %swap3A_93] {strides = array<i32>} : memref<128x128xf32, #tpu.memory_space<vmem>>, vector<1x16xf32>,
      %swap3A_95 = vector.shape_cast %swap3A_94 : vector<1x16xf32> to vector<16xf32>
      %swap3A_96 = vector.shape_cast %broadcast_in_dim3A_7 : vector<16xf32> to vector<1x16xf32>
      tpu.vector_store %arg12[%swap3A_92, %swap3A_93], %swap3A_96 {strides = array<i32>} : memref<128x128xf32, #tpu.memory_space<vmem>>, vector<1x16xf32>,
      %swap3A_97 = arith.index_cast %scan3A_81 : i32 to index
      %swap3A_98 = arith.constant 48 : index
      %swap3A_99 = tpu.vector_load %arg12[%swap3A_97, %swap3A_98] {strides = array<i32>} : memref<128x128xf32, #tpu.memory_space<vmem>>, vector<1x16xf32>,
      %swap3A_100 = vector.shape_cast %swap3A_99 : vector<1x16xf32> to vector<16xf32>
      %swap3A_101 = vector.shape_cast %broadcast_in_dim3A_7 : vector<16xf32> to vector<1x16xf32>
      tpu.vector_store %arg12[%swap3A_97, %swap3A_98], %swap3A_101 {strides = array<i32>} : memref<128x128xf32, #tpu.memory_space<vmem>>, vector<1x16xf32>,
      %swap3A_102 = arith.index_cast %scan3A_81 : i32 to index
      %swap3A_103 = arith.constant 64 : index
      %swap3A_104 = tpu.vector_load %arg12[%swap3A_102, %swap3A_103] {strides = array<i32>} : memref<128x128xf32, #tpu.memory_space<vmem>>, vector<1x16xf32>,
      %swap3A_105 = vector.shape_cast %swap3A_104 : vector<1x16xf32> to vector<16xf32>
      %swap3A_106 = vector.shape_cast %broadcast_in_dim3A_7 : vector<16xf32> to vector<1x16xf32>
      tpu.vector_store %arg12[%swap3A_102, %swap3A_103], %swap3A_106 {strides = array<i32>} : memref<128x128xf32, #tpu.memory_space<vmem>>, vector<1x16xf32>,
      %swap3A_107 = arith.index_cast %scan3A_81 : i32 to index
      %swap3A_108 = arith.constant 80 : index
      %swap3A_109 = tpu.vector_load %arg12[%swap3A_107, %swap3A_108] {strides = array<i32>} : memref<128x128xf32, #tpu.memory_space<vmem>>, vector<1x16xf32>,
      %swap3A_110 = vector.shape_cast %swap3A_109 : vector<1x16xf32> to vector<16xf32>
      %swap3A_111 = vector.shape_cast %broadcast_in_dim3A_7 : vector<16xf32> to vector<1x16xf32>
      tpu.vector_store %arg12[%swap3A_107, %swap3A_108], %swap3A_111 {strides = array<i32>} : memref<128x128xf32, #tpu.memory_space<vmem>>, vector<1x16xf32>,
      %swap3A_112 = arith.index_cast %scan3A_81 : i32 to index
      %swap3A_113 = arith.constant 96 : index
      %swap3A_114 = tpu.vector_load %arg12[%swap3A_112, %swap3A_113] {strides = array<i32>} : memref<128x128xf32, #tpu.memory_space<vmem>>, vector<1x16xf32>,
      %swap3A_115 = vector.shape_cast %swap3A_114 : vector<1x16xf32> to vector<16xf32>
      %swap3A_116 = vector.shape_cast %broadcast_in_dim3A_7 : vector<16xf32> to vector<1x16xf32>
      tpu.vector_store %arg12[%swap3A_112, %swap3A_113], %swap3A_116 {strides = array<i32>} : memref<128x128xf32, #tpu.memory_space<vmem>>, vector<1x16xf32>,
      %swap3A_117 = arith.index_cast %scan3A_81 : i32 to index
      %swap3A_118 = arith.constant 112 : index
      %swap3A_119 = tpu.vector_load %arg12[%swap3A_117, %swap3A_118] {strides = array<i32>} : memref<128x128xf32, #tpu.memory_space<vmem>>, vector<1x16xf32>,
      %swap3A_120 = vector.shape_cast %swap3A_119 : vector<1x16xf32> to vector<16xf32>
      %swap3A_121 = vector.shape_cast %broadcast_in_dim3A_7 : vector<16xf32> to vector<1x16xf32>
      tpu.vector_store %arg12[%swap3A_117, %swap3A_118], %swap3A_121 {strides = array<i32>} : memref<128x128xf32, #tpu.memory_space<vmem>>, vector<1x16xf32>,
      %scan3A_122 = arith.constant 0 : i32
      scf.yield %scan3A_122 : i32
    }
    %scan3A_13 = arith.constant 128 : i32
    %add3A_14 = arith.constant 0 : i32
    %add3A_15 = arith.addi %mul3A_2, %add3A_14 : i32
    "tpu.region"() ({
      %run_scoped3A = tpu.sem_alloc : memref<!tpu.dma_semaphore, #tpu.memory_space<semaphore_mem>>
      %dma_start3A_81 = arith.constant 0 : i32
      %dma_start3A_82 = tpu.memref_slice %arg15[%add3A_15, %dma_start3A_81] : memref<10112x128xf32, #tpu.memory_space<vmem_shared>> -> memref<128x128xf32, #tpu.memory_space<vmem_shared>>
      %dma_start3A_83 = arith.constant 0 : i32
      %dma_start3A_84 = tpu.memref_slice %arg15[%add3A_15, %dma_start3A_83] : memref<10112x128xf32, #tpu.memory_space<vmem_shared>> -> memref<128x128xf32, #tpu.memory_space<vmem_shared>>
      tpu.enqueue_dma source(%arg12 : memref<128x128xf32, #tpu.memory_space<vmem>>) target(%dma_start3A_84 : memref<128x128xf32, #tpu.memory_space<vmem_shared>>) target_semaphore(%run_scoped3A : memref<!tpu.dma_semaphore, #tpu.memory_space<semaphore_mem>>)
      %dma_wait3A_85 = arith.constant 0 : i32
      %dma_wait3A_86 = tpu.memref_slice %arg15[%add3A_15, %dma_wait3A_85] : memref<10112x128xf32, #tpu.memory_space<vmem_shared>> -> memref<128x128xf32, #tpu.memory_space<vmem_shared>>
      %dma_wait3A_87 = arith.constant 0 : i32
      %dma_wait3A_88 = tpu.memref_slice %arg15[%add3A_15, %dma_wait3A_87] : memref<10112x128xf32, #tpu.memory_space<vmem_shared>> -> memref<128x128xf32, #tpu.memory_space<vmem_shared>>
      tpu.wait_dma2 semaphore(%run_scoped3A : memref<!tpu.dma_semaphore, #tpu.memory_space<semaphore_mem>>) src(%arg12 : memref<128x128xf32, #tpu.memory_space<vmem>>) dst(%dma_wait3A_88 : memref<128x128xf32, #tpu.memory_space<vmem_shared>>)
      tpu.yield
    }) : () -> ()
    %add3A_16 = arith.constant 128 : i32
    %add3A_17 = arith.addi %mul3A_2, %add3A_16 : i32
    "tpu.region"() ({
      %run_scoped3A = tpu.sem_alloc : memref<!tpu.dma_semaphore, #tpu.memory_space<semaphore_mem>>
      %dma_start3A_81 = arith.constant 0 : i32
      %dma_start3A_82 = tpu.memref_slice %arg15[%add3A_17, %dma_start3A_81] : memref<10112x128xf32, #tpu.memory_space<vmem_shared>> -> memref<128x128xf32, #tpu.memory_space<vmem_shared>>
      %dma_start3A_83 = arith.constant 0 : i32
      %dma_start3A_84 = tpu.memref_slice %arg15[%add3A_17, %dma_start3A_83] : memref<10112x128xf32, #tpu.memory_space<vmem_shared>> -> memref<128x128xf32, #tpu.memory_space<vmem_shared>>
      tpu.enqueue_dma source(%arg12 : memref<128x128xf32, #tpu.memory_space<vmem>>) target(%dma_start3A_84 : memref<128x128xf32, #tpu.memory_space<vmem_shared>>) target_semaphore(%run_scoped3A : memref<!tpu.dma_semaphore, #tpu.memory_space<semaphore_mem>>)
      %dma_wait3A_85 = arith.constant 0 : i32
      %dma_wait3A_86 = tpu.memref_slice %arg15[%add3A_17, %dma_wait3A_85] : memref<10112x128xf32, #tpu.memory_space<vmem_shared>> -> memref<128x128xf32, #tpu.memory_space<vmem_shared>>
      %dma_wait3A_87 = arith.constant 0 : i32
      %dma_wait3A_88 = tpu.memref_slice %arg15[%add3A_17, %dma_wait3A_87] : memref<10112x128xf32, #tpu.memory_space<vmem_shared>> -> memref<128x128xf32, #tpu.memory_space<vmem_shared>>
      tpu.wait_dma2 semaphore(%run_scoped3A : memref<!tpu.dma_semaphore, #tpu.memory_space<semaphore_mem>>) src(%arg12 : memref<128x128xf32, #tpu.memory_space<vmem>>) dst(%dma_wait3A_88 : memref<128x128xf32, #tpu.memory_space<vmem_shared>>)
      tpu.yield
    }) : () -> ()
    %add3A_18 = arith.constant 256 : i32
    %add3A_19 = arith.addi %mul3A_2, %add3A_18 : i32
    "tpu.region"() ({
      %run_scoped3A = tpu.sem_alloc : memref<!tpu.dma_semaphore, #tpu.memory_space<semaphore_mem>>
      %dma_start3A_81 = arith.constant 0 : i32
      %dma_start3A_82 = tpu.memref_slice %arg15[%add3A_19, %dma_start3A_81] : memref<10112x128xf32, #tpu.memory_space<vmem_shared>> -> memref<128x128xf32, #tpu.memory_space<vmem_shared>>
      %dma_start3A_83 = arith.constant 0 : i32
      %dma_start3A_84 = tpu.memref_slice %arg15[%add3A_19, %dma_start3A_83] : memref<10112x128xf32, #tpu.memory_space<vmem_shared>> -> memref<128x128xf32, #tpu.memory_space<vmem_shared>>
      tpu.enqueue_dma source(%arg12 : memref<128x128xf32, #tpu.memory_space<vmem>>) target(%dma_start3A_84 : memref<128x128xf32, #tpu.memory_space<vmem_shared>>) target_semaphore(%run_scoped3A : memref<!tpu.dma_semaphore, #tpu.memory_space<semaphore_mem>>)
      %dma_wait3A_85 = arith.constant 0 : i32
      %dma_wait3A_86 = tpu.memref_slice %arg15[%add3A_19, %dma_wait3A_85] : memref<10112x128xf32, #tpu.memory_space<vmem_shared>> -> memref<128x128xf32, #tpu.memory_space<vmem_shared>>
      %dma_wait3A_87 = arith.constant 0 : i32
      %dma_wait3A_88 = tpu.memref_slice %arg15[%add3A_19, %dma_wait3A_87] : memref<10112x128xf32, #tpu.memory_space<vmem_shared>> -> memref<128x128xf32, #tpu.memory_space<vmem_shared>>
      tpu.wait_dma2 semaphore(%run_scoped3A : memref<!tpu.dma_semaphore, #tpu.memory_space<semaphore_mem>>) src(%arg12 : memref<128x128xf32, #tpu.memory_space<vmem>>) dst(%dma_wait3A_88 : memref<128x128xf32, #tpu.memory_space<vmem_shared>>)
      tpu.yield
    }) : () -> ()
    %add3A_20 = arith.constant 384 : i32
    %add3A_21 = arith.addi %mul3A_2, %add3A_20 : i32
    "tpu.region"() ({
      %run_scoped3A = tpu.sem_alloc : memref<!tpu.dma_semaphore, #tpu.memory_space<semaphore_mem>>
      %dma_start3A_81 = arith.constant 0 : i32
      %dma_start3A_82 = tpu.memref_slice %arg15[%add3A_21, %dma_start3A_81] : memref<10112x128xf32, #tpu.memory_space<vmem_shared>> -> memref<128x128xf32, #tpu.memory_space<vmem_shared>>
      %dma_start3A_83 = arith.constant 0 : i32
      %dma_start3A_84 = tpu.memref_slice %arg15[%add3A_21, %dma_start3A_83] : memref<10112x128xf32, #tpu.memory_space<vmem_shared>> -> memref<128x128xf32, #tpu.memory_space<vmem_shared>>
      tpu.enqueue_dma source(%arg12 : memref<128x128xf32, #tpu.memory_space<vmem>>) target(%dma_start3A_84 : memref<128x128xf32, #tpu.memory_space<vmem_shared>>) target_semaphore(%run_scoped3A : memref<!tpu.dma_semaphore, #tpu.memory_space<semaphore_mem>>)
      %dma_wait3A_85 = arith.constant 0 : i32
      %dma_wait3A_86 = tpu.memref_slice %arg15[%add3A_21, %dma_wait3A_85] : memref<10112x128xf32, #tpu.memory_space<vmem_shared>> -> memref<128x128xf32, #tpu.memory_space<vmem_shared>>
      %dma_wait3A_87 = arith.constant 0 : i32
      %dma_wait3A_88 = tpu.memref_slice %arg15[%add3A_21, %dma_wait3A_87] : memref<10112x128xf32, #tpu.memory_space<vmem_shared>> -> memref<128x128xf32, #tpu.memory_space<vmem_shared>>
      tpu.wait_dma2 semaphore(%run_scoped3A : memref<!tpu.dma_semaphore, #tpu.memory_space<semaphore_mem>>) src(%arg12 : memref<128x128xf32, #tpu.memory_space<vmem>>) dst(%dma_wait3A_88 : memref<128x128xf32, #tpu.memory_space<vmem_shared>>)
      tpu.yield
    }) : () -> ()
    %add3A_22 = arith.constant 512 : i32
    %add3A_23 = arith.addi %mul3A_2, %add3A_22 : i32
    "tpu.region"() ({
      %run_scoped3A = tpu.sem_alloc : memref<!tpu.dma_semaphore, #tpu.memory_space<semaphore_mem>>
      %dma_start3A_81 = arith.constant 0 : i32
      %dma_start3A_82 = arith.constant 0 : i32
      %dma_start3A_83 = tpu.memref_slice %arg12[%dma_start3A_81, %dma_start3A_82] : memref<128x128xf32, #tpu.memory_space<vmem>> -> memref<120x128xf32, #tpu.memory_space<vmem>>
      %dma_start3A_84 = arith.constant 0 : i32
      %dma_start3A_85 = tpu.memref_slice %arg15[%add3A_23, %dma_start3A_84] : memref<10112x128xf32, #tpu.memory_space<vmem_shared>> -> memref<120x128xf32, #tpu.memory_space<vmem_shared>>
      %dma_start3A_86 = arith.constant 0 : i32
      %dma_start3A_87 = tpu.memref_slice %arg15[%add3A_23, %dma_start3A_86] : memref<10112x128xf32, #tpu.memory_space<vmem_shared>> -> memref<120x128xf32, #tpu.memory_space<vmem_shared>>
      %dma_start3A_88 = arith.constant 0 : i32
      %dma_start3A_89 = arith.constant 0 : i32
      %dma_start3A_90 = tpu.memref_slice %arg12[%dma_start3A_88, %dma_start3A_89] : memref<128x128xf32, #tpu.memory_space<vmem>> -> memref<120x128xf32, #tpu.memory_space<vmem>>
      tpu.enqueue_dma source(%dma_start3A_90 : memref<120x128xf32, #tpu.memory_space<vmem>>) target(%dma_start3A_87 : memref<120x128xf32, #tpu.memory_space<vmem_shared>>) target_semaphore(%run_scoped3A : memref<!tpu.dma_semaphore, #tpu.memory_space<semaphore_mem>>)
      %dma_wait3A_91 = arith.constant 0 : i32
      %dma_wait3A_92 = arith.constant 0 : i32
      %dma_wait3A_93 = tpu.memref_slice %arg12[%dma_wait3A_91, %dma_wait3A_92] : memref<128x128xf32, #tpu.memory_space<vmem>> -> memref<120x128xf32, #tpu.memory_space<vmem>>
      %dma_wait3A_94 = arith.constant 0 : i32
      %dma_wait3A_95 = tpu.memref_slice %arg15[%add3A_23, %dma_wait3A_94] : memref<10112x128xf32, #tpu.memory_space<vmem_shared>> -> memref<120x128xf32, #tpu.memory_space<vmem_shared>>
      %dma_wait3A_96 = arith.constant 0 : i32
      %dma_wait3A_97 = tpu.memref_slice %arg15[%add3A_23, %dma_wait3A_96] : memref<10112x128xf32, #tpu.memory_space<vmem_shared>> -> memref<120x128xf32, #tpu.memory_space<vmem_shared>>
      %dma_wait3A_98 = arith.constant 0 : i32
      %dma_wait3A_99 = arith.constant 0 : i32
      %dma_wait3A_100 = tpu.memref_slice %arg12[%dma_wait3A_98, %dma_wait3A_99] : memref<128x128xf32, #tpu.memory_space<vmem>> -> memref<120x128xf32, #tpu.memory_space<vmem>>
      tpu.wait_dma2 semaphore(%run_scoped3A : memref<!tpu.dma_semaphore, #tpu.memory_space<semaphore_mem>>) src(%dma_wait3A_100 : memref<120x128xf32, #tpu.memory_space<vmem>>) dst(%dma_wait3A_97 : memref<120x128xf32, #tpu.memory_space<vmem_shared>>)
      tpu.yield
    }) : () -> ()
    %barrier3A = arith.constant 0 : index
    tpu.barrier barrier_id(%barrier3A)
    %add3A_24 = arith.constant 0 : i32
    %add3A_25 = arith.addi %mul3A_6, %add3A_24 : i32
    "tpu.region"() ({
      %run_scoped3A = tpu.sem_alloc : memref<!tpu.dma_semaphore, #tpu.memory_space<semaphore_mem>>
      %dma_start3A_81 = tpu.memref_slice %arg3[%add3A_25] : memref<331776xi32, #tpu.memory_space<hbm>> -> memref<128xi32, #tpu.memory_space<hbm>>
      %dma_start3A_82 = tpu.memref_slice %arg3[%add3A_25] : memref<331776xi32, #tpu.memory_space<hbm>> -> memref<128xi32, #tpu.memory_space<hbm>>
      tpu.enqueue_dma source(%dma_start3A_82 : memref<128xi32, #tpu.memory_space<hbm>>) target(%arg6 : memref<128xi32, #tpu.memory_space<vmem>>) target_semaphore(%run_scoped3A : memref<!tpu.dma_semaphore, #tpu.memory_space<semaphore_mem>>)
      %dma_wait3A_83 = tpu.memref_slice %arg3[%add3A_25] : memref<331776xi32, #tpu.memory_space<hbm>> -> memref<128xi32, #tpu.memory_space<hbm>>
      %dma_wait3A_84 = tpu.memref_slice %arg3[%add3A_25] : memref<331776xi32, #tpu.memory_space<hbm>> -> memref<128xi32, #tpu.memory_space<hbm>>
      tpu.wait_dma2 semaphore(%run_scoped3A : memref<!tpu.dma_semaphore, #tpu.memory_space<semaphore_mem>>) src(%dma_wait3A_84 : memref<128xi32, #tpu.memory_space<hbm>>) dst(%arg6 : memref<128xi32, #tpu.memory_space<vmem>>)
      tpu.yield
    }) : () -> ()
    %add3A_26 = arith.constant 0 : i32
    %add3A_27 = arith.addi %mul3A_6, %add3A_26 : i32
    "tpu.region"() ({
      %run_scoped3A = tpu.sem_alloc : memref<!tpu.dma_semaphore, #tpu.memory_space<semaphore_mem>>
      %dma_start3A_81 = tpu.memref_slice %arg4[%add3A_27] : memref<331776xi32, #tpu.memory_space<hbm>> -> memref<128xi32, #tpu.memory_space<hbm>>
      %dma_start3A_82 = tpu.memref_slice %arg4[%add3A_27] : memref<331776xi32, #tpu.memory_space<hbm>> -> memref<128xi32, #tpu.memory_space<hbm>>
      tpu.enqueue_dma source(%dma_start3A_82 : memref<128xi32, #tpu.memory_space<hbm>>) target(%arg9 : memref<128xi32, #tpu.memory_space<vmem>>) target_semaphore(%run_scoped3A : memref<!tpu.dma_semaphore, #tpu.memory_space<semaphore_mem>>)
      %dma_wait3A_83 = tpu.memref_slice %arg4[%add3A_27] : memref<331776xi32, #tpu.memory_space<hbm>> -> memref<128xi32, #tpu.memory_space<hbm>>
      %dma_wait3A_84 = tpu.memref_slice %arg4[%add3A_27] : memref<331776xi32, #tpu.memory_space<hbm>> -> memref<128xi32, #tpu.memory_space<hbm>>
      tpu.wait_dma2 semaphore(%run_scoped3A : memref<!tpu.dma_semaphore, #tpu.memory_space<semaphore_mem>>) src(%dma_wait3A_84 : memref<128xi32, #tpu.memory_space<hbm>>) dst(%arg9 : memref<128xi32, #tpu.memory_space<vmem>>)
      tpu.yield
    }) : () -> ()
    %dma_start3A = arith.constant 0 : i32
    %dma_start3A_28 = arith.constant 0 : i32
    %dma_start3A_29 = tpu.memref_slice %arg2[%dma_start3A, %dma_start3A_28] : memref<10112x128xf32, #tpu.memory_space<hbm>> -> memref<10112x128xf32, #tpu.memory_space<hbm>>
    tpu.enqueue_indirect_dma source(%dma_start3A_29 : memref<10112x128xf32, #tpu.memory_space<hbm>>) target(%arg12 : memref<128x128xf32, #tpu.memory_space<vmem>>) offsets(%arg6 : memref<128xi32, #tpu.memory_space<vmem>>) semaphore(%arg16 : memref<!tpu.dma_semaphore, #tpu.memory_space<semaphore_mem>>)
    %add3A_30 = arith.constant 128 : i32
    %add3A_31 = arith.addi %mul3A_6, %add3A_30 : i32
    "tpu.region"() ({
      %run_scoped3A = tpu.sem_alloc : memref<!tpu.dma_semaphore, #tpu.memory_space<semaphore_mem>>
      %dma_start3A_81 = tpu.memref_slice %arg3[%add3A_31] : memref<331776xi32, #tpu.memory_space<hbm>> -> memref<128xi32, #tpu.memory_space<hbm>>
      %dma_start3A_82 = tpu.memref_slice %arg3[%add3A_31] : memref<331776xi32, #tpu.memory_space<hbm>> -> memref<128xi32, #tpu.memory_space<hbm>>
      tpu.enqueue_dma source(%dma_start3A_82 : memref<128xi32, #tpu.memory_space<hbm>>) target(%arg7 : memref<128xi32, #tpu.memory_space<vmem>>) target_semaphore(%run_scoped3A : memref<!tpu.dma_semaphore, #tpu.memory_space<semaphore_mem>>)
      %dma_wait3A_83 = tpu.memref_slice %arg3[%add3A_31] : memref<331776xi32, #tpu.memory_space<hbm>> -> memref<128xi32, #tpu.memory_space<hbm>>
      %dma_wait3A_84 = tpu.memref_slice %arg3[%add3A_31] : memref<331776xi32, #tpu.memory_space<hbm>> -> memref<128xi32, #tpu.memory_space<hbm>>
      tpu.wait_dma2 semaphore(%run_scoped3A : memref<!tpu.dma_semaphore, #tpu.memory_space<semaphore_mem>>) src(%dma_wait3A_84 : memref<128xi32, #tpu.memory_space<hbm>>) dst(%arg7 : memref<128xi32, #tpu.memory_space<vmem>>)
      tpu.yield
    }) : () -> ()
    %add3A_32 = arith.constant 128 : i32
    %add3A_33 = arith.addi %mul3A_6, %add3A_32 : i32
    "tpu.region"() ({
      %run_scoped3A = tpu.sem_alloc : memref<!tpu.dma_semaphore, #tpu.memory_space<semaphore_mem>>
      %dma_start3A_81 = tpu.memref_slice %arg4[%add3A_33] : memref<331776xi32, #tpu.memory_space<hbm>> -> memref<128xi32, #tpu.memory_space<hbm>>
      %dma_start3A_82 = tpu.memref_slice %arg4[%add3A_33] : memref<331776xi32, #tpu.memory_space<hbm>> -> memref<128xi32, #tpu.memory_space<hbm>>
      tpu.enqueue_dma source(%dma_start3A_82 : memref<128xi32, #tpu.memory_space<hbm>>) target(%arg10 : memref<128xi32, #tpu.memory_space<vmem>>) target_semaphore(%run_scoped3A : memref<!tpu.dma_semaphore, #tpu.memory_space<semaphore_mem>>)
      %dma_wait3A_83 = tpu.memref_slice %arg4[%add3A_33] : memref<331776xi32, #tpu.memory_space<hbm>> -> memref<128xi32, #tpu.memory_space<hbm>>
      %dma_wait3A_84 = tpu.memref_slice %arg4[%add3A_33] : memref<331776xi32, #tpu.memory_space<hbm>> -> memref<128xi32, #tpu.memory_space<hbm>>
      tpu.wait_dma2 semaphore(%run_scoped3A : memref<!tpu.dma_semaphore, #tpu.memory_space<semaphore_mem>>) src(%dma_wait3A_84 : memref<128xi32, #tpu.memory_space<hbm>>) dst(%arg10 : memref<128xi32, #tpu.memory_space<vmem>>)
      tpu.yield
    }) : () -> ()
    %dma_start3A_34 = arith.constant 0 : i32
    %dma_start3A_35 = arith.constant 0 : i32
    %dma_start3A_36 = tpu.memref_slice %arg2[%dma_start3A_34, %dma_start3A_35] : memref<10112x128xf32, #tpu.memory_space<hbm>> -> memref<10112x128xf32, #tpu.memory_space<hbm>>
    tpu.enqueue_indirect_dma source(%dma_start3A_36 : memref<10112x128xf32, #tpu.memory_space<hbm>>) target(%arg13 : memref<128x128xf32, #tpu.memory_space<vmem>>) offsets(%arg7 : memref<128xi32, #tpu.memory_space<vmem>>) semaphore(%arg17 : memref<!tpu.dma_semaphore, #tpu.memory_space<semaphore_mem>>)
    %dma_wait3A = arith.constant 0 : i32
    %dma_wait3A_37 = arith.constant 0 : i32
    %dma_wait3A_38 = tpu.memref_slice %arg2[%dma_wait3A, %dma_wait3A_37] : memref<10112x128xf32, #tpu.memory_space<hbm>> -> memref<10112x128xf32, #tpu.memory_space<hbm>>
    tpu.wait_indirect_dma semaphore(%arg16 : memref<!tpu.dma_semaphore, #tpu.memory_space<semaphore_mem>>) src(%dma_wait3A_38 : memref<10112x128xf32, #tpu.memory_space<hbm>>) dst(%arg12 : memref<128x128xf32, #tpu.memory_space<vmem>>)
    %dma_start3A_39 = arith.constant 0 : i32
    %dma_start3A_40 = arith.constant 0 : i32
    %dma_start3A_41 = tpu.memref_slice %arg15[%dma_start3A_39, %dma_start3A_40] : memref<10112x128xf32, #tpu.memory_space<vmem_shared>> -> memref<10112x128xf32, #tpu.memory_space<vmem_shared>>
    tpu.enqueue_indirect_dma source(%arg12 : memref<128x128xf32, #tpu.memory_space<vmem>>) target(%dma_start3A_41 : memref<10112x128xf32, #tpu.memory_space<vmem_shared>>) offsets(%arg9 : memref<128xi32, #tpu.memory_space<vmem>>) semaphore(%arg19 : memref<!tpu.dma_semaphore, #tpu.memory_space<semaphore_mem>>) {add = true}
    %add3A_42 = arith.constant 256 : i32
    %add3A_43 = arith.addi %mul3A_6, %add3A_42 : i32
    "tpu.region"() ({
      %run_scoped3A = tpu.sem_alloc : memref<!tpu.dma_semaphore, #tpu.memory_space<semaphore_mem>>
      %dma_start3A_81 = tpu.memref_slice %arg3[%add3A_43] : memref<331776xi32, #tpu.memory_space<hbm>> -> memref<128xi32, #tpu.memory_space<hbm>>
      %dma_start3A_82 = tpu.memref_slice %arg3[%add3A_43] : memref<331776xi32, #tpu.memory_space<hbm>> -> memref<128xi32, #tpu.memory_space<hbm>>
      tpu.enqueue_dma source(%dma_start3A_82 : memref<128xi32, #tpu.memory_space<hbm>>) target(%arg8 : memref<128xi32, #tpu.memory_space<vmem>>) target_semaphore(%run_scoped3A : memref<!tpu.dma_semaphore, #tpu.memory_space<semaphore_mem>>)
      %dma_wait3A_83 = tpu.memref_slice %arg3[%add3A_43] : memref<331776xi32, #tpu.memory_space<hbm>> -> memref<128xi32, #tpu.memory_space<hbm>>
      %dma_wait3A_84 = tpu.memref_slice %arg3[%add3A_43] : memref<331776xi32, #tpu.memory_space<hbm>> -> memref<128xi32, #tpu.memory_space<hbm>>
      tpu.wait_dma2 semaphore(%run_scoped3A : memref<!tpu.dma_semaphore, #tpu.memory_space<semaphore_mem>>) src(%dma_wait3A_84 : memref<128xi32, #tpu.memory_space<hbm>>) dst(%arg8 : memref<128xi32, #tpu.memory_space<vmem>>)
      tpu.yield
    }) : () -> ()
    %add3A_44 = arith.constant 256 : i32
    %add3A_45 = arith.addi %mul3A_6, %add3A_44 : i32
    "tpu.region"() ({
      %run_scoped3A = tpu.sem_alloc : memref<!tpu.dma_semaphore, #tpu.memory_space<semaphore_mem>>
      %dma_start3A_81 = tpu.memref_slice %arg4[%add3A_45] : memref<331776xi32, #tpu.memory_space<hbm>> -> memref<128xi32, #tpu.memory_space<hbm>>
      %dma_start3A_82 = tpu.memref_slice %arg4[%add3A_45] : memref<331776xi32, #tpu.memory_space<hbm>> -> memref<128xi32, #tpu.memory_space<hbm>>
      tpu.enqueue_dma source(%dma_start3A_82 : memref<128xi32, #tpu.memory_space<hbm>>) target(%arg11 : memref<128xi32, #tpu.memory_space<vmem>>) target_semaphore(%run_scoped3A : memref<!tpu.dma_semaphore, #tpu.memory_space<semaphore_mem>>)
      %dma_wait3A_83 = tpu.memref_slice %arg4[%add3A_45] : memref<331776xi32, #tpu.memory_space<hbm>> -> memref<128xi32, #tpu.memory_space<hbm>>
      %dma_wait3A_84 = tpu.memref_slice %arg4[%add3A_45] : memref<331776xi32, #tpu.memory_space<hbm>> -> memref<128xi32, #tpu.memory_space<hbm>>
      tpu.wait_dma2 semaphore(%run_scoped3A : memref<!tpu.dma_semaphore, #tpu.memory_space<semaphore_mem>>) src(%dma_wait3A_84 : memref<128xi32, #tpu.memory_space<hbm>>) dst(%arg11 : memref<128xi32, #tpu.memory_space<vmem>>)
      tpu.yield
    }) : () -> ()
    %dma_start3A_46 = arith.constant 0 : i32
    %dma_start3A_47 = arith.constant 0 : i32
    %dma_start3A_48 = tpu.memref_slice %arg2[%dma_start3A_46, %dma_start3A_47] : memref<10112x128xf32, #tpu.memory_space<hbm>> -> memref<10112x128xf32, #tpu.memory_space<hbm>>
    tpu.enqueue_indirect_dma source(%dma_start3A_48 : memref<10112x128xf32, #tpu.memory_space<hbm>>) target(%arg14 : memref<128x128xf32, #tpu.memory_space<vmem>>) offsets(%arg8 : memref<128xi32, #tpu.memory_space<vmem>>) semaphore(%arg18 : memref<!tpu.dma_semaphore, #tpu.memory_space<semaphore_mem>>)
    %dma_wait3A_49 = arith.constant 0 : i32
    %dma_wait3A_50 = arith.constant 0 : i32
    %dma_wait3A_51 = tpu.memref_slice %arg2[%dma_wait3A_49, %dma_wait3A_50] : memref<10112x128xf32, #tpu.memory_space<hbm>> -> memref<10112x128xf32, #tpu.memory_space<hbm>>
    tpu.wait_indirect_dma semaphore(%arg17 : memref<!tpu.dma_semaphore, #tpu.memory_space<semaphore_mem>>) src(%dma_wait3A_51 : memref<10112x128xf32, #tpu.memory_space<hbm>>) dst(%arg13 : memref<128x128xf32, #tpu.memory_space<vmem>>)
    %dma_start3A_52 = arith.constant 0 : i32
    %dma_start3A_53 = arith.constant 0 : i32
    %dma_start3A_54 = tpu.memref_slice %arg15[%dma_start3A_52, %dma_start3A_53] : memref<10112x128xf32, #tpu.memory_space<vmem_shared>> -> memref<10112x128xf32, #tpu.memory_space<vmem_shared>>
    tpu.enqueue_indirect_dma source(%arg13 : memref<128x128xf32, #tpu.memory_space<vmem>>) target(%dma_start3A_54 : memref<10112x128xf32, #tpu.memory_space<vmem_shared>>) offsets(%arg10 : memref<128xi32, #tpu.memory_space<vmem>>) semaphore(%arg20 : memref<!tpu.dma_semaphore, #tpu.memory_space<semaphore_mem>>) {add = true}
    %scan3A_55 = arith.constant 0 : i32
    %scan3A_56 = arith.constant 1 : i32
    %scan3A_57 = arith.constant 26 : i32
    %scan3A_58 = arith.addi %scan3A_56, %scan3A_57 : i32
    %scan3A_59 = arith.constant 1 : i32
    %scan3A_60 = scf.for %scan3A_81 = %scan3A_56 to %scan3A_58 step %scan3A_59 iter_args(%scan3A_82 = %scan3A_55) -> (i32)  : i32 {
      %mul3A_83 = arith.constant 3 : i32
      %mul3A_84 = arith.muli %mul3A_83, %scan3A_81 : i32
      %add3A_85 = arith.constant 0 : i32
      %add3A_86 = arith.addi %mul3A_84, %add3A_85 : i32
      %dma_wait3A_87 = arith.constant 0 : i32
      %dma_wait3A_88 = arith.constant 0 : i32
      %dma_wait3A_89 = tpu.memref_slice %arg15[%dma_wait3A_87, %dma_wait3A_88] : memref<10112x128xf32, #tpu.memory_space<vmem_shared>> -> memref<10112x128xf32, #tpu.memory_space<vmem_shared>>
      tpu.wait_indirect_dma semaphore(%arg19 : memref<!tpu.dma_semaphore, #tpu.memory_space<semaphore_mem>>) src(%arg12 : memref<128x128xf32, #tpu.memory_space<vmem>>) dst(%dma_wait3A_89 : memref<10112x128xf32, #tpu.memory_space<vmem_shared>>)
      %mul3A_90 = arith.constant 128 : i32
      %mul3A_91 = arith.muli %add3A_86, %mul3A_90 : i32
      %add3A_92 = arith.addi %mul3A_6, %mul3A_91 : i32
      "tpu.region"() ({
        %run_scoped3A = tpu.sem_alloc : memref<!tpu.dma_semaphore, #tpu.memory_space<semaphore_mem>>
        %dma_start3A_150 = tpu.memref_slice %arg3[%add3A_92] : memref<331776xi32, #tpu.memory_space<hbm>> -> memref<128xi32, #tpu.memory_space<hbm>>
        %dma_start3A_151 = tpu.memref_slice %arg3[%add3A_92] : memref<331776xi32, #tpu.memory_space<hbm>> -> memref<128xi32, #tpu.memory_space<hbm>>
        tpu.enqueue_dma source(%dma_start3A_151 : memref<128xi32, #tpu.memory_space<hbm>>) target(%arg6 : memref<128xi32, #tpu.memory_space<vmem>>) target_semaphore(%run_scoped3A : memref<!tpu.dma_semaphore, #tpu.memory_space<semaphore_mem>>)
        %dma_wait3A_152 = tpu.memref_slice %arg3[%add3A_92] : memref<331776xi32, #tpu.memory_space<hbm>> -> memref<128xi32, #tpu.memory_space<hbm>>
        %dma_wait3A_153 = tpu.memref_slice %arg3[%add3A_92] : memref<331776xi32, #tpu.memory_space<hbm>> -> memref<128xi32, #tpu.memory_space<hbm>>
        tpu.wait_dma2 semaphore(%run_scoped3A : memref<!tpu.dma_semaphore, #tpu.memory_space<semaphore_mem>>) src(%dma_wait3A_153 : memref<128xi32, #tpu.memory_space<hbm>>) dst(%arg6 : memref<128xi32, #tpu.memory_space<vmem>>)
        tpu.yield
      }) : () -> ()
      %mul3A_93 = arith.constant 128 : i32
      %mul3A_94 = arith.muli %add3A_86, %mul3A_93 : i32
      %add3A_95 = arith.addi %mul3A_6, %mul3A_94 : i32
      "tpu.region"() ({
        %run_scoped3A = tpu.sem_alloc : memref<!tpu.dma_semaphore, #tpu.memory_space<semaphore_mem>>
        %dma_start3A_150 = tpu.memref_slice %arg4[%add3A_95] : memref<331776xi32, #tpu.memory_space<hbm>> -> memref<128xi32, #tpu.memory_space<hbm>>
        %dma_start3A_151 = tpu.memref_slice %arg4[%add3A_95] : memref<331776xi32, #tpu.memory_space<hbm>> -> memref<128xi32, #tpu.memory_space<hbm>>
        tpu.enqueue_dma source(%dma_start3A_151 : memref<128xi32, #tpu.memory_space<hbm>>) target(%arg9 : memref<128xi32, #tpu.memory_space<vmem>>) target_semaphore(%run_scoped3A : memref<!tpu.dma_semaphore, #tpu.memory_space<semaphore_mem>>)
        %dma_wait3A_152 = tpu.memref_slice %arg4[%add3A_95] : memref<331776xi32, #tpu.memory_space<hbm>> -> memref<128xi32, #tpu.memory_space<hbm>>
        %dma_wait3A_153 = tpu.memref_slice %arg4[%add3A_95] : memref<331776xi32, #tpu.memory_space<hbm>> -> memref<128xi32, #tpu.memory_space<hbm>>
        tpu.wait_dma2 semaphore(%run_scoped3A : memref<!tpu.dma_semaphore, #tpu.memory_space<semaphore_mem>>) src(%dma_wait3A_153 : memref<128xi32, #tpu.memory_space<hbm>>) dst(%arg9 : memref<128xi32, #tpu.memory_space<vmem>>)
        tpu.yield
      }) : () -> ()
      %dma_start3A_96 = arith.constant 0 : i32
      %dma_start3A_97 = arith.constant 0 : i32
      %dma_start3A_98 = tpu.memref_slice %arg2[%dma_start3A_96, %dma_start3A_97] : memref<10112x128xf32, #tpu.memory_space<hbm>> -> memref<10112x128xf32, #tpu.memory_space<hbm>>
      tpu.enqueue_indirect_dma source(%dma_start3A_98 : memref<10112x128xf32, #tpu.memory_space<hbm>>) target(%arg12 : memref<128x128xf32, #tpu.memory_space<vmem>>) offsets(%arg6 : memref<128xi32, #tpu.memory_space<vmem>>) semaphore(%arg16 : memref<!tpu.dma_semaphore, #tpu.memory_space<semaphore_mem>>)
      %dma_wait3A_99 = arith.constant 0 : i32
      %dma_wait3A_100 = arith.constant 0 : i32
      %dma_wait3A_101 = tpu.memref_slice %arg2[%dma_wait3A_99, %dma_wait3A_100] : memref<10112x128xf32, #tpu.memory_space<hbm>> -> memref<10112x128xf32, #tpu.memory_space<hbm>>
      tpu.wait_indirect_dma semaphore(%arg18 : memref<!tpu.dma_semaphore, #tpu.memory_space<semaphore_mem>>) src(%dma_wait3A_101 : memref<10112x128xf32, #tpu.memory_space<hbm>>) dst(%arg14 : memref<128x128xf32, #tpu.memory_space<vmem>>)
      %dma_start3A_102 = arith.constant 0 : i32
      %dma_start3A_103 = arith.constant 0 : i32
      %dma_start3A_104 = tpu.memref_slice %arg15[%dma_start3A_102, %dma_start3A_103] : memref<10112x128xf32, #tpu.memory_space<vmem_shared>> -> memref<10112x128xf32, #tpu.memory_space<vmem_shared>>
      tpu.enqueue_indirect_dma source(%arg14 : memref<128x128xf32, #tpu.memory_space<vmem>>) target(%dma_start3A_104 : memref<10112x128xf32, #tpu.memory_space<vmem_shared>>) offsets(%arg11 : memref<128xi32, #tpu.memory_space<vmem>>) semaphore(%arg21 : memref<!tpu.dma_semaphore, #tpu.memory_space<semaphore_mem>>) {add = true}
      %mul3A_105 = arith.constant 3 : i32
      %mul3A_106 = arith.muli %mul3A_105, %scan3A_81 : i32
      %add3A_107 = arith.constant 1 : i32
      %add3A_108 = arith.addi %mul3A_106, %add3A_107 : i32
      %dma_wait3A_109 = arith.constant 0 : i32
      %dma_wait3A_110 = arith.constant 0 : i32
      %dma_wait3A_111 = tpu.memref_slice %arg15[%dma_wait3A_109, %dma_wait3A_110] : memref<10112x128xf32, #tpu.memory_space<vmem_shared>> -> memref<10112x128xf32, #tpu.memory_space<vmem_shared>>
      tpu.wait_indirect_dma semaphore(%arg20 : memref<!tpu.dma_semaphore, #tpu.memory_space<semaphore_mem>>) src(%arg13 : memref<128x128xf32, #tpu.memory_space<vmem>>) dst(%dma_wait3A_111 : memref<10112x128xf32, #tpu.memory_space<vmem_shared>>)
      %mul3A_112 = arith.constant 128 : i32
      %mul3A_113 = arith.muli %add3A_108, %mul3A_112 : i32
      %add3A_114 = arith.addi %mul3A_6, %mul3A_113 : i32
      "tpu.region"() ({
        %run_scoped3A = tpu.sem_alloc : memref<!tpu.dma_semaphore, #tpu.memory_space<semaphore_mem>>
        %dma_start3A_150 = tpu.memref_slice %arg3[%add3A_114] : memref<331776xi32, #tpu.memory_space<hbm>> -> memref<128xi32, #tpu.memory_space<hbm>>
        %dma_start3A_151 = tpu.memref_slice %arg3[%add3A_114] : memref<331776xi32, #tpu.memory_space<hbm>> -> memref<128xi32, #tpu.memory_space<hbm>>
        tpu.enqueue_dma source(%dma_start3A_151 : memref<128xi32, #tpu.memory_space<hbm>>) target(%arg7 : memref<128xi32, #tpu.memory_space<vmem>>) target_semaphore(%run_scoped3A : memref<!tpu.dma_semaphore, #tpu.memory_space<semaphore_mem>>)
        %dma_wait3A_152 = tpu.memref_slice %arg3[%add3A_114] : memref<331776xi32, #tpu.memory_space<hbm>> -> memref<128xi32, #tpu.memory_space<hbm>>
        %dma_wait3A_153 = tpu.memref_slice %arg3[%add3A_114] : memref<331776xi32, #tpu.memory_space<hbm>> -> memref<128xi32, #tpu.memory_space<hbm>>
        tpu.wait_dma2 semaphore(%run_scoped3A : memref<!tpu.dma_semaphore, #tpu.memory_space<semaphore_mem>>) src(%dma_wait3A_153 : memref<128xi32, #tpu.memory_space<hbm>>) dst(%arg7 : memref<128xi32, #tpu.memory_space<vmem>>)
        tpu.yield
      }) : () -> ()
      %mul3A_115 = arith.constant 128 : i32
      %mul3A_116 = arith.muli %add3A_108, %mul3A_115 : i32
      %add3A_117 = arith.addi %mul3A_6, %mul3A_116 : i32
      "tpu.region"() ({
        %run_scoped3A = tpu.sem_alloc : memref<!tpu.dma_semaphore, #tpu.memory_space<semaphore_mem>>
        %dma_start3A_150 = tpu.memref_slice %arg4[%add3A_117] : memref<331776xi32, #tpu.memory_space<hbm>> -> memref<128xi32, #tpu.memory_space<hbm>>
        %dma_start3A_151 = tpu.memref_slice %arg4[%add3A_117] : memref<331776xi32, #tpu.memory_space<hbm>> -> memref<128xi32, #tpu.memory_space<hbm>>
        tpu.enqueue_dma source(%dma_start3A_151 : memref<128xi32, #tpu.memory_space<hbm>>) target(%arg10 : memref<128xi32, #tpu.memory_space<vmem>>) target_semaphore(%run_scoped3A : memref<!tpu.dma_semaphore, #tpu.memory_space<semaphore_mem>>)
        %dma_wait3A_152 = tpu.memref_slice %arg4[%add3A_117] : memref<331776xi32, #tpu.memory_space<hbm>> -> memref<128xi32, #tpu.memory_space<hbm>>
        %dma_wait3A_153 = tpu.memref_slice %arg4[%add3A_117] : memref<331776xi32, #tpu.memory_space<hbm>> -> memref<128xi32, #tpu.memory_space<hbm>>
        tpu.wait_dma2 semaphore(%run_scoped3A : memref<!tpu.dma_semaphore, #tpu.memory_space<semaphore_mem>>) src(%dma_wait3A_153 : memref<128xi32, #tpu.memory_space<hbm>>) dst(%arg10 : memref<128xi32, #tpu.memory_space<vmem>>)
        tpu.yield
      }) : () -> ()
      %dma_start3A_118 = arith.constant 0 : i32
      %dma_start3A_119 = arith.constant 0 : i32
      %dma_start3A_120 = tpu.memref_slice %arg2[%dma_start3A_118, %dma_start3A_119] : memref<10112x128xf32, #tpu.memory_space<hbm>> -> memref<10112x128xf32, #tpu.memory_space<hbm>>
      tpu.enqueue_indirect_dma source(%dma_start3A_120 : memref<10112x128xf32, #tpu.memory_space<hbm>>) target(%arg13 : memref<128x128xf32, #tpu.memory_space<vmem>>) offsets(%arg7 : memref<128xi32, #tpu.memory_space<vmem>>) semaphore(%arg17 : memref<!tpu.dma_semaphore, #tpu.memory_space<semaphore_mem>>)
      %dma_wait3A_121 = arith.constant 0 : i32
      %dma_wait3A_122 = arith.constant 0 : i32
      %dma_wait3A_123 = tpu.memref_slice %arg2[%dma_wait3A_121, %dma_wait3A_122] : memref<10112x128xf32, #tpu.memory_space<hbm>> -> memref<10112x128xf32, #tpu.memory_space<hbm>>
      tpu.wait_indirect_dma semaphore(%arg16 : memref<!tpu.dma_semaphore, #tpu.memory_space<semaphore_mem>>) src(%dma_wait3A_123 : memref<10112x128xf32, #tpu.memory_space<hbm>>) dst(%arg12 : memref<128x128xf32, #tpu.memory_space<vmem>>)
      %dma_start3A_124 = arith.constant 0 : i32
      %dma_start3A_125 = arith.constant 0 : i32
      %dma_start3A_126 = tpu.memref_slice %arg15[%dma_start3A_124, %dma_start3A_125] : memref<10112x128xf32, #tpu.memory_space<vmem_shared>> -> memref<10112x128xf32, #tpu.memory_space<vmem_shared>>
      tpu.enqueue_indirect_dma source(%arg12 : memref<128x128xf32, #tpu.memory_space<vmem>>) target(%dma_start3A_126 : memref<10112x128xf32, #tpu.memory_space<vmem_shared>>) offsets(%arg9 : memref<128xi32, #tpu.memory_space<vmem>>) semaphore(%arg19 : memref<!tpu.dma_semaphore, #tpu.memory_space<semaphore_mem>>) {add = true}
      %mul3A_127 = arith.constant 3 : i32
      %mul3A_128 = arith.muli %mul3A_127, %scan3A_81 : i32
      %add3A_129 = arith.constant 2 : i32
      %add3A_130 = arith.addi %mul3A_128, %add3A_129 : i32
      %dma_wait3A_131 = arith.constant 0 : i32
      %dma_wait3A_132 = arith.constant 0 : i32
      %dma_wait3A_133 = tpu.memref_slice %arg15[%dma_wait3A_131, %dma_wait3A_132] : memref<10112x128xf32, #tpu.memory_space<vmem_shared>> -> memref<10112x128xf32, #tpu.memory_space<vmem_shared>>
      tpu.wait_indirect_dma semaphore(%arg21 : memref<!tpu.dma_semaphore, #tpu.memory_space<semaphore_mem>>) src(%arg14 : memref<128x128xf32, #tpu.memory_space<vmem>>) dst(%dma_wait3A_133 : memref<10112x128xf32, #tpu.memory_space<vmem_shared>>)
      %mul3A_134 = arith.constant 128 : i32
      %mul3A_135 = arith.muli %add3A_130, %mul3A_134 : i32
      %add3A_136 = arith.addi %mul3A_6, %mul3A_135 : i32
      "tpu.region"() ({
        %run_scoped3A = tpu.sem_alloc : memref<!tpu.dma_semaphore, #tpu.memory_space<semaphore_mem>>
        %dma_start3A_150 = tpu.memref_slice %arg3[%add3A_136] : memref<331776xi32, #tpu.memory_space<hbm>> -> memref<128xi32, #tpu.memory_space<hbm>>
        %dma_start3A_151 = tpu.memref_slice %arg3[%add3A_136] : memref<331776xi32, #tpu.memory_space<hbm>> -> memref<128xi32, #tpu.memory_space<hbm>>
        tpu.enqueue_dma source(%dma_start3A_151 : memref<128xi32, #tpu.memory_space<hbm>>) target(%arg8 : memref<128xi32, #tpu.memory_space<vmem>>) target_semaphore(%run_scoped3A : memref<!tpu.dma_semaphore, #tpu.memory_space<semaphore_mem>>)
        %dma_wait3A_152 = tpu.memref_slice %arg3[%add3A_136] : memref<331776xi32, #tpu.memory_space<hbm>> -> memref<128xi32, #tpu.memory_space<hbm>>
        %dma_wait3A_153 = tpu.memref_slice %arg3[%add3A_136] : memref<331776xi32, #tpu.memory_space<hbm>> -> memref<128xi32, #tpu.memory_space<hbm>>
        tpu.wait_dma2 semaphore(%run_scoped3A : memref<!tpu.dma_semaphore, #tpu.memory_space<semaphore_mem>>) src(%dma_wait3A_153 : memref<128xi32, #tpu.memory_space<hbm>>) dst(%arg8 : memref<128xi32, #tpu.memory_space<vmem>>)
        tpu.yield
      }) : () -> ()
      %mul3A_137 = arith.constant 128 : i32
      %mul3A_138 = arith.muli %add3A_130, %mul3A_137 : i32
      %add3A_139 = arith.addi %mul3A_6, %mul3A_138 : i32
      "tpu.region"() ({
        %run_scoped3A = tpu.sem_alloc : memref<!tpu.dma_semaphore, #tpu.memory_space<semaphore_mem>>
        %dma_start3A_150 = tpu.memref_slice %arg4[%add3A_139] : memref<331776xi32, #tpu.memory_space<hbm>> -> memref<128xi32, #tpu.memory_space<hbm>>
        %dma_start3A_151 = tpu.memref_slice %arg4[%add3A_139] : memref<331776xi32, #tpu.memory_space<hbm>> -> memref<128xi32, #tpu.memory_space<hbm>>
        tpu.enqueue_dma source(%dma_start3A_151 : memref<128xi32, #tpu.memory_space<hbm>>) target(%arg11 : memref<128xi32, #tpu.memory_space<vmem>>) target_semaphore(%run_scoped3A : memref<!tpu.dma_semaphore, #tpu.memory_space<semaphore_mem>>)
        %dma_wait3A_152 = tpu.memref_slice %arg4[%add3A_139] : memref<331776xi32, #tpu.memory_space<hbm>> -> memref<128xi32, #tpu.memory_space<hbm>>
        %dma_wait3A_153 = tpu.memref_slice %arg4[%add3A_139] : memref<331776xi32, #tpu.memory_space<hbm>> -> memref<128xi32, #tpu.memory_space<hbm>>
        tpu.wait_dma2 semaphore(%run_scoped3A : memref<!tpu.dma_semaphore, #tpu.memory_space<semaphore_mem>>) src(%dma_wait3A_153 : memref<128xi32, #tpu.memory_space<hbm>>) dst(%arg11 : memref<128xi32, #tpu.memory_space<vmem>>)
        tpu.yield
      }) : () -> ()
      %dma_start3A_140 = arith.constant 0 : i32
      %dma_start3A_141 = arith.constant 0 : i32
      %dma_start3A_142 = tpu.memref_slice %arg2[%dma_start3A_140, %dma_start3A_141] : memref<10112x128xf32, #tpu.memory_space<hbm>> -> memref<10112x128xf32, #tpu.memory_space<hbm>>
      tpu.enqueue_indirect_dma source(%dma_start3A_142 : memref<10112x128xf32, #tpu.memory_space<hbm>>) target(%arg14 : memref<128x128xf32, #tpu.memory_space<vmem>>) offsets(%arg8 : memref<128xi32, #tpu.memory_space<vmem>>) semaphore(%arg18 : memref<!tpu.dma_semaphore, #tpu.memory_space<semaphore_mem>>)
      %dma_wait3A_143 = arith.constant 0 : i32
      %dma_wait3A_144 = arith.constant 0 : i32
      %dma_wait3A_145 = tpu.memref_slice %arg2[%dma_wait3A_143, %dma_wait3A_144] : memref<10112x128xf32, #tpu.memory_space<hbm>> -> memref<10112x128xf32, #tpu.memory_space<hbm>>
      tpu.wait_indirect_dma semaphore(%arg17 : memref<!tpu.dma_semaphore, #tpu.memory_space<semaphore_mem>>) src(%dma_wait3A_145 : memref<10112x128xf32, #tpu.memory_space<hbm>>) dst(%arg13 : memref<128x128xf32, #tpu.memory_space<vmem>>)
      %dma_start3A_146 = arith.constant 0 : i32
      %dma_start3A_147 = arith.constant 0 : i32
      %dma_start3A_148 = tpu.memref_slice %arg15[%dma_start3A_146, %dma_start3A_147] : memref<10112x128xf32, #tpu.memory_space<vmem_shared>> -> memref<10112x128xf32, #tpu.memory_space<vmem_shared>>
      tpu.enqueue_indirect_dma source(%arg13 : memref<128x128xf32, #tpu.memory_space<vmem>>) target(%dma_start3A_148 : memref<10112x128xf32, #tpu.memory_space<vmem_shared>>) offsets(%arg10 : memref<128xi32, #tpu.memory_space<vmem>>) semaphore(%arg20 : memref<!tpu.dma_semaphore, #tpu.memory_space<semaphore_mem>>) {add = true}
      %scan3A_149 = arith.constant 0 : i32
      scf.yield %scan3A_149 : i32
    }
    %scan3A_61 = arith.constant 26 : i32
    %dma_wait3A_62 = arith.constant 0 : i32
    %dma_wait3A_63 = arith.constant 0 : i32
    %dma_wait3A_64 = tpu.memref_slice %arg2[%dma_wait3A_62, %dma_wait3A_63] : memref<10112x128xf32, #tpu.memory_space<hbm>> -> memref<10112x128xf32, #tpu.memory_space<hbm>>
    tpu.wait_indirect_dma semaphore(%arg18 : memref<!tpu.dma_semaphore, #tpu.memory_space<semaphore_mem>>) src(%dma_wait3A_64 : memref<10112x128xf32, #tpu.memory_space<hbm>>) dst(%arg14 : memref<128x128xf32, #tpu.memory_space<vmem>>)
    %dma_start3A_65 = arith.constant 0 : i32
    %dma_start3A_66 = arith.constant 0 : i32
    %dma_start3A_67 = tpu.memref_slice %arg15[%dma_start3A_65, %dma_start3A_66] : memref<10112x128xf32, #tpu.memory_space<vmem_shared>> -> memref<10112x128xf32, #tpu.memory_space<vmem_shared>>
    tpu.enqueue_indirect_dma source(%arg14 : memref<128x128xf32, #tpu.memory_space<vmem>>) target(%dma_start3A_67 : memref<10112x128xf32, #tpu.memory_space<vmem_shared>>) offsets(%arg11 : memref<128xi32, #tpu.memory_space<vmem>>) semaphore(%arg21 : memref<!tpu.dma_semaphore, #tpu.memory_space<semaphore_mem>>) {add = true}
    %dma_wait3A_68 = arith.constant 0 : i32
    %dma_wait3A_69 = arith.constant 0 : i32
    %dma_wait3A_70 = tpu.memref_slice %arg15[%dma_wait3A_68, %dma_wait3A_69] : memref<10112x128xf32, #tpu.memory_space<vmem_shared>> -> memref<10112x128xf32, #tpu.memory_space<vmem_shared>>
    tpu.wait_indirect_dma semaphore(%arg19 : memref<!tpu.dma_semaphore, #tpu.memory_space<semaphore_mem>>) src(%arg12 : memref<128x128xf32, #tpu.memory_space<vmem>>) dst(%dma_wait3A_70 : memref<10112x128xf32, #tpu.memory_space<vmem_shared>>)
    %dma_wait3A_71 = arith.constant 0 : i32
    %dma_wait3A_72 = arith.constant 0 : i32
    %dma_wait3A_73 = tpu.memref_slice %arg15[%dma_wait3A_71, %dma_wait3A_72] : memref<10112x128xf32, #tpu.memory_space<vmem_shared>> -> memref<10112x128xf32, #tpu.memory_space<vmem_shared>>
    tpu.wait_indirect_dma semaphore(%arg20 : memref<!tpu.dma_semaphore, #tpu.memory_space<semaphore_mem>>) src(%arg13 : memref<128x128xf32, #tpu.memory_space<vmem>>) dst(%dma_wait3A_73 : memref<10112x128xf32, #tpu.memory_space<vmem_shared>>)
    %dma_wait3A_74 = arith.constant 0 : i32
    %dma_wait3A_75 = arith.constant 0 : i32
    %dma_wait3A_76 = tpu.memref_slice %arg15[%dma_wait3A_74, %dma_wait3A_75] : memref<10112x128xf32, #tpu.memory_space<vmem_shared>> -> memref<10112x128xf32, #tpu.memory_space<vmem_shared>>
    tpu.wait_indirect_dma semaphore(%arg21 : memref<!tpu.dma_semaphore, #tpu.memory_space<semaphore_mem>>) src(%arg14 : memref<128x128xf32, #tpu.memory_space<vmem>>) dst(%dma_wait3A_76 : memref<10112x128xf32, #tpu.memory_space<vmem_shared>>)
    %barrier3A_77 = arith.constant 0 : index
    tpu.barrier barrier_id(%barrier3A_77)
    %mul3A_78 = arith.constant 10112 : i32
    %mul3A_79 = arith.muli %arg0, %mul3A_78 : i32
    %add3A_80 = arith.addi %mul3A_79, %mul3A_2 : i32
    "tpu.region"() ({
      %run_scoped3A = tpu.sem_alloc : memref<!tpu.dma_semaphore, #tpu.memory_space<semaphore_mem>>
      %dma_start3A_81 = arith.constant 0 : i32
      %dma_start3A_82 = tpu.memref_slice %arg5[%add3A_80, %dma_start3A_81] : memref<20224x128xf32, #tpu.memory_space<hbm>> -> memref<632x128xf32, #tpu.memory_space<hbm>>
      %dma_start3A_83 = arith.constant 0 : i32
      %dma_start3A_84 = tpu.memref_slice %arg15[%mul3A_2, %dma_start3A_83] : memref<10112x128xf32, #tpu.memory_space<vmem_shared>> -> memref<632x128xf32, #tpu.memory_space<vmem_shared>>
      tpu.enqueue_dma source(%dma_start3A_84 : memref<632x128xf32, #tpu.memory_space<vmem_shared>>) target(%dma_start3A_82 : memref<632x128xf32, #tpu.memory_space<hbm>>) target_semaphore(%run_scoped3A : memref<!tpu.dma_semaphore, #tpu.memory_space<semaphore_mem>>)
      %dma_wait3A_85 = arith.constant 0 : i32
      %dma_wait3A_86 = tpu.memref_slice %arg5[%add3A_80, %dma_wait3A_85] : memref<20224x128xf32, #tpu.memory_space<hbm>> -> memref<632x128xf32, #tpu.memory_space<hbm>>
      %dma_wait3A_87 = arith.constant 0 : i32
      %dma_wait3A_88 = tpu.memref_slice %arg15[%mul3A_2, %dma_wait3A_87] : memref<10112x128xf32, #tpu.memory_space<vmem_shared>> -> memref<632x128xf32, #tpu.memory_space<vmem_shared>>
      tpu.wait_dma2 semaphore(%run_scoped3A : memref<!tpu.dma_semaphore, #tpu.memory_space<semaphore_mem>>) src(%dma_wait3A_88 : memref<632x128xf32, #tpu.memory_space<vmem_shared>>) dst(%dma_wait3A_86 : memref<632x128xf32, #tpu.memory_space<hbm>>)
      tpu.yield
    }) : () -> ()
    return
  }
}

#map = affine_map<(d0, d1) -> (0)>
#map1 = affine_map<(d0, d1) -> (0, 0)>
module attributes {stable_mosaic.version = 14 : i64} {
  func.func @body(%arg0: i32, %arg1: i32, %arg2: memref<331776xi32, #tpu.memory_space<hbm>>, %arg3: memref<20224x128xf32, #tpu.memory_space<hbm>>, %arg4: memref<128xi32, #tpu.memory_space<vmem>>, %arg5: memref<128xi32, #tpu.memory_space<vmem>>, %arg6: memref<128x128xf32, #tpu.memory_space<vmem>>, %arg7: memref<10112x128xf32, #tpu.memory_space<vmem_shared>>, %arg8: memref<!tpu.dma_semaphore, #tpu.memory_space<semaphore_mem>>, %arg9: memref<!tpu.dma_semaphore, #tpu.memory_space<semaphore_mem>>) attributes {dimension_semantics = [#tpu.dimension_semantics<core_parallel>, #tpu.dimension_semantics<subcore_parallel>], iteration_bounds = array<i64: 2, 16>, scalar_prefetch = 0 : i64, scratch_operands = 6 : i64, tpu.core_type = #tpu.core_type<sc_vector_subcore>, window_params = [{transform_indices = #map}, {transform_indices = #map1}]} {
    %mul3A = arith.constant 16 : i32
    %mul3A_0 = arith.muli %arg0, %mul3A : i32
    %add3A = arith.addi %mul3A_0, %arg1 : i32
    %mul3A_1 = arith.constant 632 : i32
    %mul3A_2 = arith.muli %arg1, %mul3A_1 : i32
    %mul3A_3 = arith.constant 81 : i32
    %mul3A_4 = arith.muli %add3A, %mul3A_3 : i32
    %mul3A_5 = arith.constant 128 : i32
    %mul3A_6 = arith.muli %mul3A_4, %mul3A_5 : i32
    %broadcast_in_dim3A = arith.constant 0.000000e+00 : f32
    %broadcast_in_dim3A_7 = vector.broadcast %broadcast_in_dim3A : f32 to vector<16xf32>
    %scan3A = arith.constant 0 : i32
    %scan3A_8 = arith.constant 0 : i32
    %scan3A_9 = arith.constant 128 : i32
    %scan3A_10 = arith.addi %scan3A_8, %scan3A_9 : i32
    %scan3A_11 = arith.constant 1 : i32
    %scan3A_12 = scf.for %scan3A_48 = %scan3A_8 to %scan3A_10 step %scan3A_11 iter_args(%scan3A_49 = %scan3A) -> (i32)  : i32 {
      %swap3A = arith.index_cast %scan3A_48 : i32 to index
      %swap3A_50 = arith.constant 0 : index
      %swap3A_51 = tpu.vector_load %arg6[%swap3A, %swap3A_50] {strides = array<i32>} : memref<128x128xf32, #tpu.memory_space<vmem>>, vector<1x16xf32>,
      %swap3A_52 = vector.shape_cast %swap3A_51 : vector<1x16xf32> to vector<16xf32>
      %swap3A_53 = vector.shape_cast %broadcast_in_dim3A_7 : vector<16xf32> to vector<1x16xf32>
      tpu.vector_store %arg6[%swap3A, %swap3A_50], %swap3A_53 {strides = array<i32>} : memref<128x128xf32, #tpu.memory_space<vmem>>, vector<1x16xf32>,
      %swap3A_54 = arith.index_cast %scan3A_48 : i32 to index
      %swap3A_55 = arith.constant 16 : index
      %swap3A_56 = tpu.vector_load %arg6[%swap3A_54, %swap3A_55] {strides = array<i32>} : memref<128x128xf32, #tpu.memory_space<vmem>>, vector<1x16xf32>,
      %swap3A_57 = vector.shape_cast %swap3A_56 : vector<1x16xf32> to vector<16xf32>
      %swap3A_58 = vector.shape_cast %broadcast_in_dim3A_7 : vector<16xf32> to vector<1x16xf32>
      tpu.vector_store %arg6[%swap3A_54, %swap3A_55], %swap3A_58 {strides = array<i32>} : memref<128x128xf32, #tpu.memory_space<vmem>>, vector<1x16xf32>,
      %swap3A_59 = arith.index_cast %scan3A_48 : i32 to index
      %swap3A_60 = arith.constant 32 : index
      %swap3A_61 = tpu.vector_load %arg6[%swap3A_59, %swap3A_60] {strides = array<i32>} : memref<128x128xf32, #tpu.memory_space<vmem>>, vector<1x16xf32>,
      %swap3A_62 = vector.shape_cast %swap3A_61 : vector<1x16xf32> to vector<16xf32>
      %swap3A_63 = vector.shape_cast %broadcast_in_dim3A_7 : vector<16xf32> to vector<1x16xf32>
      tpu.vector_store %arg6[%swap3A_59, %swap3A_60], %swap3A_63 {strides = array<i32>} : memref<128x128xf32, #tpu.memory_space<vmem>>, vector<1x16xf32>,
      %swap3A_64 = arith.index_cast %scan3A_48 : i32 to index
      %swap3A_65 = arith.constant 48 : index
      %swap3A_66 = tpu.vector_load %arg6[%swap3A_64, %swap3A_65] {strides = array<i32>} : memref<128x128xf32, #tpu.memory_space<vmem>>, vector<1x16xf32>,
      %swap3A_67 = vector.shape_cast %swap3A_66 : vector<1x16xf32> to vector<16xf32>
      %swap3A_68 = vector.shape_cast %broadcast_in_dim3A_7 : vector<16xf32> to vector<1x16xf32>
      tpu.vector_store %arg6[%swap3A_64, %swap3A_65], %swap3A_68 {strides = array<i32>} : memref<128x128xf32, #tpu.memory_space<vmem>>, vector<1x16xf32>,
      %swap3A_69 = arith.index_cast %scan3A_48 : i32 to index
      %swap3A_70 = arith.constant 64 : index
      %swap3A_71 = tpu.vector_load %arg6[%swap3A_69, %swap3A_70] {strides = array<i32>} : memref<128x128xf32, #tpu.memory_space<vmem>>, vector<1x16xf32>,
      %swap3A_72 = vector.shape_cast %swap3A_71 : vector<1x16xf32> to vector<16xf32>
      %swap3A_73 = vector.shape_cast %broadcast_in_dim3A_7 : vector<16xf32> to vector<1x16xf32>
      tpu.vector_store %arg6[%swap3A_69, %swap3A_70], %swap3A_73 {strides = array<i32>} : memref<128x128xf32, #tpu.memory_space<vmem>>, vector<1x16xf32>,
      %swap3A_74 = arith.index_cast %scan3A_48 : i32 to index
      %swap3A_75 = arith.constant 80 : index
      %swap3A_76 = tpu.vector_load %arg6[%swap3A_74, %swap3A_75] {strides = array<i32>} : memref<128x128xf32, #tpu.memory_space<vmem>>, vector<1x16xf32>,
      %swap3A_77 = vector.shape_cast %swap3A_76 : vector<1x16xf32> to vector<16xf32>
      %swap3A_78 = vector.shape_cast %broadcast_in_dim3A_7 : vector<16xf32> to vector<1x16xf32>
      tpu.vector_store %arg6[%swap3A_74, %swap3A_75], %swap3A_78 {strides = array<i32>} : memref<128x128xf32, #tpu.memory_space<vmem>>, vector<1x16xf32>,
      %swap3A_79 = arith.index_cast %scan3A_48 : i32 to index
      %swap3A_80 = arith.constant 96 : index
      %swap3A_81 = tpu.vector_load %arg6[%swap3A_79, %swap3A_80] {strides = array<i32>} : memref<128x128xf32, #tpu.memory_space<vmem>>, vector<1x16xf32>,
      %swap3A_82 = vector.shape_cast %swap3A_81 : vector<1x16xf32> to vector<16xf32>
      %swap3A_83 = vector.shape_cast %broadcast_in_dim3A_7 : vector<16xf32> to vector<1x16xf32>
      tpu.vector_store %arg6[%swap3A_79, %swap3A_80], %swap3A_83 {strides = array<i32>} : memref<128x128xf32, #tpu.memory_space<vmem>>, vector<1x16xf32>,
      %swap3A_84 = arith.index_cast %scan3A_48 : i32 to index
      %swap3A_85 = arith.constant 112 : index
      %swap3A_86 = tpu.vector_load %arg6[%swap3A_84, %swap3A_85] {strides = array<i32>} : memref<128x128xf32, #tpu.memory_space<vmem>>, vector<1x16xf32>,
      %swap3A_87 = vector.shape_cast %swap3A_86 : vector<1x16xf32> to vector<16xf32>
      %swap3A_88 = vector.shape_cast %broadcast_in_dim3A_7 : vector<16xf32> to vector<1x16xf32>
      tpu.vector_store %arg6[%swap3A_84, %swap3A_85], %swap3A_88 {strides = array<i32>} : memref<128x128xf32, #tpu.memory_space<vmem>>, vector<1x16xf32>,
      %scan3A_89 = arith.constant 0 : i32
      scf.yield %scan3A_89 : i32
    }
    %scan3A_13 = arith.constant 128 : i32
    %add3A_14 = arith.constant 0 : i32
    %add3A_15 = arith.addi %mul3A_2, %add3A_14 : i32
    "tpu.region"() ({
      %run_scoped3A = tpu.sem_alloc : memref<!tpu.dma_semaphore, #tpu.memory_space<semaphore_mem>>
      %dma_start3A_48 = arith.constant 0 : i32
      %dma_start3A_49 = tpu.memref_slice %arg7[%add3A_15, %dma_start3A_48] : memref<10112x128xf32, #tpu.memory_space<vmem_shared>> -> memref<128x128xf32, #tpu.memory_space<vmem_shared>>
      %dma_start3A_50 = arith.constant 0 : i32
      %dma_start3A_51 = tpu.memref_slice %arg7[%add3A_15, %dma_start3A_50] : memref<10112x128xf32, #tpu.memory_space<vmem_shared>> -> memref<128x128xf32, #tpu.memory_space<vmem_shared>>
      tpu.enqueue_dma source(%arg6 : memref<128x128xf32, #tpu.memory_space<vmem>>) target(%dma_start3A_51 : memref<128x128xf32, #tpu.memory_space<vmem_shared>>) target_semaphore(%run_scoped3A : memref<!tpu.dma_semaphore, #tpu.memory_space<semaphore_mem>>)
      %dma_wait3A_52 = arith.constant 0 : i32
      %dma_wait3A_53 = tpu.memref_slice %arg7[%add3A_15, %dma_wait3A_52] : memref<10112x128xf32, #tpu.memory_space<vmem_shared>> -> memref<128x128xf32, #tpu.memory_space<vmem_shared>>
      %dma_wait3A_54 = arith.constant 0 : i32
      %dma_wait3A_55 = tpu.memref_slice %arg7[%add3A_15, %dma_wait3A_54] : memref<10112x128xf32, #tpu.memory_space<vmem_shared>> -> memref<128x128xf32, #tpu.memory_space<vmem_shared>>
      tpu.wait_dma2 semaphore(%run_scoped3A : memref<!tpu.dma_semaphore, #tpu.memory_space<semaphore_mem>>) src(%arg6 : memref<128x128xf32, #tpu.memory_space<vmem>>) dst(%dma_wait3A_55 : memref<128x128xf32, #tpu.memory_space<vmem_shared>>)
      tpu.yield
    }) : () -> ()
    %add3A_16 = arith.constant 128 : i32
    %add3A_17 = arith.addi %mul3A_2, %add3A_16 : i32
    "tpu.region"() ({
      %run_scoped3A = tpu.sem_alloc : memref<!tpu.dma_semaphore, #tpu.memory_space<semaphore_mem>>
      %dma_start3A_48 = arith.constant 0 : i32
      %dma_start3A_49 = tpu.memref_slice %arg7[%add3A_17, %dma_start3A_48] : memref<10112x128xf32, #tpu.memory_space<vmem_shared>> -> memref<128x128xf32, #tpu.memory_space<vmem_shared>>
      %dma_start3A_50 = arith.constant 0 : i32
      %dma_start3A_51 = tpu.memref_slice %arg7[%add3A_17, %dma_start3A_50] : memref<10112x128xf32, #tpu.memory_space<vmem_shared>> -> memref<128x128xf32, #tpu.memory_space<vmem_shared>>
      tpu.enqueue_dma source(%arg6 : memref<128x128xf32, #tpu.memory_space<vmem>>) target(%dma_start3A_51 : memref<128x128xf32, #tpu.memory_space<vmem_shared>>) target_semaphore(%run_scoped3A : memref<!tpu.dma_semaphore, #tpu.memory_space<semaphore_mem>>)
      %dma_wait3A_52 = arith.constant 0 : i32
      %dma_wait3A_53 = tpu.memref_slice %arg7[%add3A_17, %dma_wait3A_52] : memref<10112x128xf32, #tpu.memory_space<vmem_shared>> -> memref<128x128xf32, #tpu.memory_space<vmem_shared>>
      %dma_wait3A_54 = arith.constant 0 : i32
      %dma_wait3A_55 = tpu.memref_slice %arg7[%add3A_17, %dma_wait3A_54] : memref<10112x128xf32, #tpu.memory_space<vmem_shared>> -> memref<128x128xf32, #tpu.memory_space<vmem_shared>>
      tpu.wait_dma2 semaphore(%run_scoped3A : memref<!tpu.dma_semaphore, #tpu.memory_space<semaphore_mem>>) src(%arg6 : memref<128x128xf32, #tpu.memory_space<vmem>>) dst(%dma_wait3A_55 : memref<128x128xf32, #tpu.memory_space<vmem_shared>>)
      tpu.yield
    }) : () -> ()
    %add3A_18 = arith.constant 256 : i32
    %add3A_19 = arith.addi %mul3A_2, %add3A_18 : i32
    "tpu.region"() ({
      %run_scoped3A = tpu.sem_alloc : memref<!tpu.dma_semaphore, #tpu.memory_space<semaphore_mem>>
      %dma_start3A_48 = arith.constant 0 : i32
      %dma_start3A_49 = tpu.memref_slice %arg7[%add3A_19, %dma_start3A_48] : memref<10112x128xf32, #tpu.memory_space<vmem_shared>> -> memref<128x128xf32, #tpu.memory_space<vmem_shared>>
      %dma_start3A_50 = arith.constant 0 : i32
      %dma_start3A_51 = tpu.memref_slice %arg7[%add3A_19, %dma_start3A_50] : memref<10112x128xf32, #tpu.memory_space<vmem_shared>> -> memref<128x128xf32, #tpu.memory_space<vmem_shared>>
      tpu.enqueue_dma source(%arg6 : memref<128x128xf32, #tpu.memory_space<vmem>>) target(%dma_start3A_51 : memref<128x128xf32, #tpu.memory_space<vmem_shared>>) target_semaphore(%run_scoped3A : memref<!tpu.dma_semaphore, #tpu.memory_space<semaphore_mem>>)
      %dma_wait3A_52 = arith.constant 0 : i32
      %dma_wait3A_53 = tpu.memref_slice %arg7[%add3A_19, %dma_wait3A_52] : memref<10112x128xf32, #tpu.memory_space<vmem_shared>> -> memref<128x128xf32, #tpu.memory_space<vmem_shared>>
      %dma_wait3A_54 = arith.constant 0 : i32
      %dma_wait3A_55 = tpu.memref_slice %arg7[%add3A_19, %dma_wait3A_54] : memref<10112x128xf32, #tpu.memory_space<vmem_shared>> -> memref<128x128xf32, #tpu.memory_space<vmem_shared>>
      tpu.wait_dma2 semaphore(%run_scoped3A : memref<!tpu.dma_semaphore, #tpu.memory_space<semaphore_mem>>) src(%arg6 : memref<128x128xf32, #tpu.memory_space<vmem>>) dst(%dma_wait3A_55 : memref<128x128xf32, #tpu.memory_space<vmem_shared>>)
      tpu.yield
    }) : () -> ()
    %add3A_20 = arith.constant 384 : i32
    %add3A_21 = arith.addi %mul3A_2, %add3A_20 : i32
    "tpu.region"() ({
      %run_scoped3A = tpu.sem_alloc : memref<!tpu.dma_semaphore, #tpu.memory_space<semaphore_mem>>
      %dma_start3A_48 = arith.constant 0 : i32
      %dma_start3A_49 = tpu.memref_slice %arg7[%add3A_21, %dma_start3A_48] : memref<10112x128xf32, #tpu.memory_space<vmem_shared>> -> memref<128x128xf32, #tpu.memory_space<vmem_shared>>
      %dma_start3A_50 = arith.constant 0 : i32
      %dma_start3A_51 = tpu.memref_slice %arg7[%add3A_21, %dma_start3A_50] : memref<10112x128xf32, #tpu.memory_space<vmem_shared>> -> memref<128x128xf32, #tpu.memory_space<vmem_shared>>
      tpu.enqueue_dma source(%arg6 : memref<128x128xf32, #tpu.memory_space<vmem>>) target(%dma_start3A_51 : memref<128x128xf32, #tpu.memory_space<vmem_shared>>) target_semaphore(%run_scoped3A : memref<!tpu.dma_semaphore, #tpu.memory_space<semaphore_mem>>)
      %dma_wait3A_52 = arith.constant 0 : i32
      %dma_wait3A_53 = tpu.memref_slice %arg7[%add3A_21, %dma_wait3A_52] : memref<10112x128xf32, #tpu.memory_space<vmem_shared>> -> memref<128x128xf32, #tpu.memory_space<vmem_shared>>
      %dma_wait3A_54 = arith.constant 0 : i32
      %dma_wait3A_55 = tpu.memref_slice %arg7[%add3A_21, %dma_wait3A_54] : memref<10112x128xf32, #tpu.memory_space<vmem_shared>> -> memref<128x128xf32, #tpu.memory_space<vmem_shared>>
      tpu.wait_dma2 semaphore(%run_scoped3A : memref<!tpu.dma_semaphore, #tpu.memory_space<semaphore_mem>>) src(%arg6 : memref<128x128xf32, #tpu.memory_space<vmem>>) dst(%dma_wait3A_55 : memref<128x128xf32, #tpu.memory_space<vmem_shared>>)
      tpu.yield
    }) : () -> ()
    %add3A_22 = arith.constant 512 : i32
    %add3A_23 = arith.addi %mul3A_2, %add3A_22 : i32
    "tpu.region"() ({
      %run_scoped3A = tpu.sem_alloc : memref<!tpu.dma_semaphore, #tpu.memory_space<semaphore_mem>>
      %dma_start3A_48 = arith.constant 0 : i32
      %dma_start3A_49 = arith.constant 0 : i32
      %dma_start3A_50 = tpu.memref_slice %arg6[%dma_start3A_48, %dma_start3A_49] : memref<128x128xf32, #tpu.memory_space<vmem>> -> memref<120x128xf32, #tpu.memory_space<vmem>>
      %dma_start3A_51 = arith.constant 0 : i32
      %dma_start3A_52 = tpu.memref_slice %arg7[%add3A_23, %dma_start3A_51] : memref<10112x128xf32, #tpu.memory_space<vmem_shared>> -> memref<120x128xf32, #tpu.memory_space<vmem_shared>>
      %dma_start3A_53 = arith.constant 0 : i32
      %dma_start3A_54 = tpu.memref_slice %arg7[%add3A_23, %dma_start3A_53] : memref<10112x128xf32, #tpu.memory_space<vmem_shared>> -> memref<120x128xf32, #tpu.memory_space<vmem_shared>>
      %dma_start3A_55 = arith.constant 0 : i32
      %dma_start3A_56 = arith.constant 0 : i32
      %dma_start3A_57 = tpu.memref_slice %arg6[%dma_start3A_55, %dma_start3A_56] : memref<128x128xf32, #tpu.memory_space<vmem>> -> memref<120x128xf32, #tpu.memory_space<vmem>>
      tpu.enqueue_dma source(%dma_start3A_57 : memref<120x128xf32, #tpu.memory_space<vmem>>) target(%dma_start3A_54 : memref<120x128xf32, #tpu.memory_space<vmem_shared>>) target_semaphore(%run_scoped3A : memref<!tpu.dma_semaphore, #tpu.memory_space<semaphore_mem>>)
      %dma_wait3A_58 = arith.constant 0 : i32
      %dma_wait3A_59 = arith.constant 0 : i32
      %dma_wait3A_60 = tpu.memref_slice %arg6[%dma_wait3A_58, %dma_wait3A_59] : memref<128x128xf32, #tpu.memory_space<vmem>> -> memref<120x128xf32, #tpu.memory_space<vmem>>
      %dma_wait3A_61 = arith.constant 0 : i32
      %dma_wait3A_62 = tpu.memref_slice %arg7[%add3A_23, %dma_wait3A_61] : memref<10112x128xf32, #tpu.memory_space<vmem_shared>> -> memref<120x128xf32, #tpu.memory_space<vmem_shared>>
      %dma_wait3A_63 = arith.constant 0 : i32
      %dma_wait3A_64 = tpu.memref_slice %arg7[%add3A_23, %dma_wait3A_63] : memref<10112x128xf32, #tpu.memory_space<vmem_shared>> -> memref<120x128xf32, #tpu.memory_space<vmem_shared>>
      %dma_wait3A_65 = arith.constant 0 : i32
      %dma_wait3A_66 = arith.constant 0 : i32
      %dma_wait3A_67 = tpu.memref_slice %arg6[%dma_wait3A_65, %dma_wait3A_66] : memref<128x128xf32, #tpu.memory_space<vmem>> -> memref<120x128xf32, #tpu.memory_space<vmem>>
      tpu.wait_dma2 semaphore(%run_scoped3A : memref<!tpu.dma_semaphore, #tpu.memory_space<semaphore_mem>>) src(%dma_wait3A_67 : memref<120x128xf32, #tpu.memory_space<vmem>>) dst(%dma_wait3A_64 : memref<120x128xf32, #tpu.memory_space<vmem_shared>>)
      tpu.yield
    }) : () -> ()
    %broadcast_in_dim3A_24 = arith.constant 1.000000e+00 : f32
    %broadcast_in_dim3A_25 = vector.broadcast %broadcast_in_dim3A_24 : f32 to vector<16xf32>
    %scan3A_26 = arith.constant 0 : i32
    %scan3A_27 = arith.constant 0 : i32
    %scan3A_28 = arith.constant 128 : i32
    %scan3A_29 = arith.addi %scan3A_27, %scan3A_28 : i32
    %scan3A_30 = arith.constant 1 : i32
    %scan3A_31 = scf.for %scan3A_48 = %scan3A_27 to %scan3A_29 step %scan3A_30 iter_args(%scan3A_49 = %scan3A_26) -> (i32)  : i32 {
      %swap3A = arith.index_cast %scan3A_48 : i32 to index
      %swap3A_50 = arith.constant 0 : index
      %swap3A_51 = tpu.vector_load %arg6[%swap3A, %swap3A_50] {strides = array<i32>} : memref<128x128xf32, #tpu.memory_space<vmem>>, vector<1x16xf32>,
      %swap3A_52 = vector.shape_cast %swap3A_51 : vector<1x16xf32> to vector<16xf32>
      %swap3A_53 = vector.shape_cast %broadcast_in_dim3A_25 : vector<16xf32> to vector<1x16xf32>
      tpu.vector_store %arg6[%swap3A, %swap3A_50], %swap3A_53 {strides = array<i32>} : memref<128x128xf32, #tpu.memory_space<vmem>>, vector<1x16xf32>,
      %swap3A_54 = arith.index_cast %scan3A_48 : i32 to index
      %swap3A_55 = arith.constant 16 : index
      %swap3A_56 = tpu.vector_load %arg6[%swap3A_54, %swap3A_55] {strides = array<i32>} : memref<128x128xf32, #tpu.memory_space<vmem>>, vector<1x16xf32>,
      %swap3A_57 = vector.shape_cast %swap3A_56 : vector<1x16xf32> to vector<16xf32>
      %swap3A_58 = vector.shape_cast %broadcast_in_dim3A_25 : vector<16xf32> to vector<1x16xf32>
      tpu.vector_store %arg6[%swap3A_54, %swap3A_55], %swap3A_58 {strides = array<i32>} : memref<128x128xf32, #tpu.memory_space<vmem>>, vector<1x16xf32>,
      %swap3A_59 = arith.index_cast %scan3A_48 : i32 to index
      %swap3A_60 = arith.constant 32 : index
      %swap3A_61 = tpu.vector_load %arg6[%swap3A_59, %swap3A_60] {strides = array<i32>} : memref<128x128xf32, #tpu.memory_space<vmem>>, vector<1x16xf32>,
      %swap3A_62 = vector.shape_cast %swap3A_61 : vector<1x16xf32> to vector<16xf32>
      %swap3A_63 = vector.shape_cast %broadcast_in_dim3A_25 : vector<16xf32> to vector<1x16xf32>
      tpu.vector_store %arg6[%swap3A_59, %swap3A_60], %swap3A_63 {strides = array<i32>} : memref<128x128xf32, #tpu.memory_space<vmem>>, vector<1x16xf32>,
      %swap3A_64 = arith.index_cast %scan3A_48 : i32 to index
      %swap3A_65 = arith.constant 48 : index
      %swap3A_66 = tpu.vector_load %arg6[%swap3A_64, %swap3A_65] {strides = array<i32>} : memref<128x128xf32, #tpu.memory_space<vmem>>, vector<1x16xf32>,
      %swap3A_67 = vector.shape_cast %swap3A_66 : vector<1x16xf32> to vector<16xf32>
      %swap3A_68 = vector.shape_cast %broadcast_in_dim3A_25 : vector<16xf32> to vector<1x16xf32>
      tpu.vector_store %arg6[%swap3A_64, %swap3A_65], %swap3A_68 {strides = array<i32>} : memref<128x128xf32, #tpu.memory_space<vmem>>, vector<1x16xf32>,
      %swap3A_69 = arith.index_cast %scan3A_48 : i32 to index
      %swap3A_70 = arith.constant 64 : index
      %swap3A_71 = tpu.vector_load %arg6[%swap3A_69, %swap3A_70] {strides = array<i32>} : memref<128x128xf32, #tpu.memory_space<vmem>>, vector<1x16xf32>,
      %swap3A_72 = vector.shape_cast %swap3A_71 : vector<1x16xf32> to vector<16xf32>
      %swap3A_73 = vector.shape_cast %broadcast_in_dim3A_25 : vector<16xf32> to vector<1x16xf32>
      tpu.vector_store %arg6[%swap3A_69, %swap3A_70], %swap3A_73 {strides = array<i32>} : memref<128x128xf32, #tpu.memory_space<vmem>>, vector<1x16xf32>,
      %swap3A_74 = arith.index_cast %scan3A_48 : i32 to index
      %swap3A_75 = arith.constant 80 : index
      %swap3A_76 = tpu.vector_load %arg6[%swap3A_74, %swap3A_75] {strides = array<i32>} : memref<128x128xf32, #tpu.memory_space<vmem>>, vector<1x16xf32>,
      %swap3A_77 = vector.shape_cast %swap3A_76 : vector<1x16xf32> to vector<16xf32>
      %swap3A_78 = vector.shape_cast %broadcast_in_dim3A_25 : vector<16xf32> to vector<1x16xf32>
      tpu.vector_store %arg6[%swap3A_74, %swap3A_75], %swap3A_78 {strides = array<i32>} : memref<128x128xf32, #tpu.memory_space<vmem>>, vector<1x16xf32>,
      %swap3A_79 = arith.index_cast %scan3A_48 : i32 to index
      %swap3A_80 = arith.constant 96 : index
      %swap3A_81 = tpu.vector_load %arg6[%swap3A_79, %swap3A_80] {strides = array<i32>} : memref<128x128xf32, #tpu.memory_space<vmem>>, vector<1x16xf32>,
      %swap3A_82 = vector.shape_cast %swap3A_81 : vector<1x16xf32> to vector<16xf32>
      %swap3A_83 = vector.shape_cast %broadcast_in_dim3A_25 : vector<16xf32> to vector<1x16xf32>
      tpu.vector_store %arg6[%swap3A_79, %swap3A_80], %swap3A_83 {strides = array<i32>} : memref<128x128xf32, #tpu.memory_space<vmem>>, vector<1x16xf32>,
      %swap3A_84 = arith.index_cast %scan3A_48 : i32 to index
      %swap3A_85 = arith.constant 112 : index
      %swap3A_86 = tpu.vector_load %arg6[%swap3A_84, %swap3A_85] {strides = array<i32>} : memref<128x128xf32, #tpu.memory_space<vmem>>, vector<1x16xf32>,
      %swap3A_87 = vector.shape_cast %swap3A_86 : vector<1x16xf32> to vector<16xf32>
      %swap3A_88 = vector.shape_cast %broadcast_in_dim3A_25 : vector<16xf32> to vector<1x16xf32>
      tpu.vector_store %arg6[%swap3A_84, %swap3A_85], %swap3A_88 {strides = array<i32>} : memref<128x128xf32, #tpu.memory_space<vmem>>, vector<1x16xf32>,
      %scan3A_89 = arith.constant 0 : i32
      scf.yield %scan3A_89 : i32
    }
    %scan3A_32 = arith.constant 128 : i32
    %barrier3A = arith.constant 0 : index
    tpu.barrier barrier_id(%barrier3A)
    "tpu.region"() ({
      %run_scoped3A = tpu.sem_alloc : memref<!tpu.dma_semaphore, #tpu.memory_space<semaphore_mem>>
      %dma_start3A_48 = tpu.memref_slice %arg2[%mul3A_6] : memref<331776xi32, #tpu.memory_space<hbm>> -> memref<128xi32, #tpu.memory_space<hbm>>
      %dma_start3A_49 = tpu.memref_slice %arg2[%mul3A_6] : memref<331776xi32, #tpu.memory_space<hbm>> -> memref<128xi32, #tpu.memory_space<hbm>>
      tpu.enqueue_dma source(%dma_start3A_49 : memref<128xi32, #tpu.memory_space<hbm>>) target(%arg4 : memref<128xi32, #tpu.memory_space<vmem>>) target_semaphore(%run_scoped3A : memref<!tpu.dma_semaphore, #tpu.memory_space<semaphore_mem>>)
      %dma_wait3A_50 = tpu.memref_slice %arg2[%mul3A_6] : memref<331776xi32, #tpu.memory_space<hbm>> -> memref<128xi32, #tpu.memory_space<hbm>>
      %dma_wait3A_51 = tpu.memref_slice %arg2[%mul3A_6] : memref<331776xi32, #tpu.memory_space<hbm>> -> memref<128xi32, #tpu.memory_space<hbm>>
      tpu.wait_dma2 semaphore(%run_scoped3A : memref<!tpu.dma_semaphore, #tpu.memory_space<semaphore_mem>>) src(%dma_wait3A_51 : memref<128xi32, #tpu.memory_space<hbm>>) dst(%arg4 : memref<128xi32, #tpu.memory_space<vmem>>)
      tpu.yield
    }) : () -> ()
    %dma_start3A = arith.constant 0 : i32
    %dma_start3A_33 = arith.constant 0 : i32
    %dma_start3A_34 = tpu.memref_slice %arg7[%dma_start3A, %dma_start3A_33] : memref<10112x128xf32, #tpu.memory_space<vmem_shared>> -> memref<10112x128xf32, #tpu.memory_space<vmem_shared>>
    tpu.enqueue_indirect_dma source(%arg6 : memref<128x128xf32, #tpu.memory_space<vmem>>) target(%dma_start3A_34 : memref<10112x128xf32, #tpu.memory_space<vmem_shared>>) offsets(%arg4 : memref<128xi32, #tpu.memory_space<vmem>>) semaphore(%arg8 : memref<!tpu.dma_semaphore, #tpu.memory_space<semaphore_mem>>) {add = true}
    %scan3A_35 = arith.constant 0 : i32
    %scan3A_36 = arith.constant 0 : i32
    %scan3A_37 = arith.constant 40 : i32
    %scan3A_38 = arith.addi %scan3A_36, %scan3A_37 : i32
    %scan3A_39 = arith.constant 1 : i32
    %scan3A_40 = scf.for %scan3A_48 = %scan3A_36 to %scan3A_38 step %scan3A_39 iter_args(%scan3A_49 = %scan3A_35) -> (i32)  : i32 {
      %mul3A_50 = arith.constant 2 : i32
      %mul3A_51 = arith.muli %mul3A_50, %scan3A_48 : i32
      %add3A_52 = arith.constant 1 : i32
      %add3A_53 = arith.addi %mul3A_51, %add3A_52 : i32
      %mul3A_54 = arith.constant 128 : i32
      %mul3A_55 = arith.muli %add3A_53, %mul3A_54 : i32
      %add3A_56 = arith.addi %mul3A_6, %mul3A_55 : i32
      "tpu.region"() ({
        %run_scoped3A = tpu.sem_alloc : memref<!tpu.dma_semaphore, #tpu.memory_space<semaphore_mem>>
        %dma_start3A_75 = tpu.memref_slice %arg2[%add3A_56] : memref<331776xi32, #tpu.memory_space<hbm>> -> memref<128xi32, #tpu.memory_space<hbm>>
        %dma_start3A_76 = tpu.memref_slice %arg2[%add3A_56] : memref<331776xi32, #tpu.memory_space<hbm>> -> memref<128xi32, #tpu.memory_space<hbm>>
        tpu.enqueue_dma source(%dma_start3A_76 : memref<128xi32, #tpu.memory_space<hbm>>) target(%arg5 : memref<128xi32, #tpu.memory_space<vmem>>) target_semaphore(%run_scoped3A : memref<!tpu.dma_semaphore, #tpu.memory_space<semaphore_mem>>)
        %dma_wait3A_77 = tpu.memref_slice %arg2[%add3A_56] : memref<331776xi32, #tpu.memory_space<hbm>> -> memref<128xi32, #tpu.memory_space<hbm>>
        %dma_wait3A_78 = tpu.memref_slice %arg2[%add3A_56] : memref<331776xi32, #tpu.memory_space<hbm>> -> memref<128xi32, #tpu.memory_space<hbm>>
        tpu.wait_dma2 semaphore(%run_scoped3A : memref<!tpu.dma_semaphore, #tpu.memory_space<semaphore_mem>>) src(%dma_wait3A_78 : memref<128xi32, #tpu.memory_space<hbm>>) dst(%arg5 : memref<128xi32, #tpu.memory_space<vmem>>)
        tpu.yield
      }) : () -> ()
      %dma_start3A_57 = arith.constant 0 : i32
      %dma_start3A_58 = arith.constant 0 : i32
      %dma_start3A_59 = tpu.memref_slice %arg7[%dma_start3A_57, %dma_start3A_58] : memref<10112x128xf32, #tpu.memory_space<vmem_shared>> -> memref<10112x128xf32, #tpu.memory_space<vmem_shared>>
      tpu.enqueue_indirect_dma source(%arg6 : memref<128x128xf32, #tpu.memory_space<vmem>>) target(%dma_start3A_59 : memref<10112x128xf32, #tpu.memory_space<vmem_shared>>) offsets(%arg5 : memref<128xi32, #tpu.memory_space<vmem>>) semaphore(%arg9 : memref<!tpu.dma_semaphore, #tpu.memory_space<semaphore_mem>>) {add = true}
      %dma_wait3A_60 = arith.constant 0 : i32
      %dma_wait3A_61 = arith.constant 0 : i32
      %dma_wait3A_62 = tpu.memref_slice %arg7[%dma_wait3A_60, %dma_wait3A_61] : memref<10112x128xf32, #tpu.memory_space<vmem_shared>> -> memref<10112x128xf32, #tpu.memory_space<vmem_shared>>
      tpu.wait_indirect_dma semaphore(%arg8 : memref<!tpu.dma_semaphore, #tpu.memory_space<semaphore_mem>>) src(%arg6 : memref<128x128xf32, #tpu.memory_space<vmem>>) dst(%dma_wait3A_62 : memref<10112x128xf32, #tpu.memory_space<vmem_shared>>)
      %add3A_63 = arith.constant 2 : i32
      %add3A_64 = arith.addi %mul3A_51, %add3A_63 : i32
      %mul3A_65 = arith.constant 128 : i32
      %mul3A_66 = arith.muli %add3A_64, %mul3A_65 : i32
      %add3A_67 = arith.addi %mul3A_6, %mul3A_66 : i32
      "tpu.region"() ({
        %run_scoped3A = tpu.sem_alloc : memref<!tpu.dma_semaphore, #tpu.memory_space<semaphore_mem>>
        %dma_start3A_75 = tpu.memref_slice %arg2[%add3A_67] : memref<331776xi32, #tpu.memory_space<hbm>> -> memref<128xi32, #tpu.memory_space<hbm>>
        %dma_start3A_76 = tpu.memref_slice %arg2[%add3A_67] : memref<331776xi32, #tpu.memory_space<hbm>> -> memref<128xi32, #tpu.memory_space<hbm>>
        tpu.enqueue_dma source(%dma_start3A_76 : memref<128xi32, #tpu.memory_space<hbm>>) target(%arg4 : memref<128xi32, #tpu.memory_space<vmem>>) target_semaphore(%run_scoped3A : memref<!tpu.dma_semaphore, #tpu.memory_space<semaphore_mem>>)
        %dma_wait3A_77 = tpu.memref_slice %arg2[%add3A_67] : memref<331776xi32, #tpu.memory_space<hbm>> -> memref<128xi32, #tpu.memory_space<hbm>>
        %dma_wait3A_78 = tpu.memref_slice %arg2[%add3A_67] : memref<331776xi32, #tpu.memory_space<hbm>> -> memref<128xi32, #tpu.memory_space<hbm>>
        tpu.wait_dma2 semaphore(%run_scoped3A : memref<!tpu.dma_semaphore, #tpu.memory_space<semaphore_mem>>) src(%dma_wait3A_78 : memref<128xi32, #tpu.memory_space<hbm>>) dst(%arg4 : memref<128xi32, #tpu.memory_space<vmem>>)
        tpu.yield
      }) : () -> ()
      %dma_start3A_68 = arith.constant 0 : i32
      %dma_start3A_69 = arith.constant 0 : i32
      %dma_start3A_70 = tpu.memref_slice %arg7[%dma_start3A_68, %dma_start3A_69] : memref<10112x128xf32, #tpu.memory_space<vmem_shared>> -> memref<10112x128xf32, #tpu.memory_space<vmem_shared>>
      tpu.enqueue_indirect_dma source(%arg6 : memref<128x128xf32, #tpu.memory_space<vmem>>) target(%dma_start3A_70 : memref<10112x128xf32, #tpu.memory_space<vmem_shared>>) offsets(%arg4 : memref<128xi32, #tpu.memory_space<vmem>>) semaphore(%arg8 : memref<!tpu.dma_semaphore, #tpu.memory_space<semaphore_mem>>) {add = true}
      %dma_wait3A_71 = arith.constant 0 : i32
      %dma_wait3A_72 = arith.constant 0 : i32
      %dma_wait3A_73 = tpu.memref_slice %arg7[%dma_wait3A_71, %dma_wait3A_72] : memref<10112x128xf32, #tpu.memory_space<vmem_shared>> -> memref<10112x128xf32, #tpu.memory_space<vmem_shared>>
      tpu.wait_indirect_dma semaphore(%arg9 : memref<!tpu.dma_semaphore, #tpu.memory_space<semaphore_mem>>) src(%arg6 : memref<128x128xf32, #tpu.memory_space<vmem>>) dst(%dma_wait3A_73 : memref<10112x128xf32, #tpu.memory_space<vmem_shared>>)
      %scan3A_74 = arith.constant 0 : i32
      scf.yield %scan3A_74 : i32
    }
    %scan3A_41 = arith.constant 40 : i32
    %dma_wait3A = arith.constant 0 : i32
    %dma_wait3A_42 = arith.constant 0 : i32
    %dma_wait3A_43 = tpu.memref_slice %arg7[%dma_wait3A, %dma_wait3A_42] : memref<10112x128xf32, #tpu.memory_space<vmem_shared>> -> memref<10112x128xf32, #tpu.memory_space<vmem_shared>>
    tpu.wait_indirect_dma semaphore(%arg8 : memref<!tpu.dma_semaphore, #tpu.memory_space<semaphore_mem>>) src(%arg6 : memref<128x128xf32, #tpu.memory_space<vmem>>) dst(%dma_wait3A_43 : memref<10112x128xf32, #tpu.memory_space<vmem_shared>>)
    %barrier3A_44 = arith.constant 0 : index
    tpu.barrier barrier_id(%barrier3A_44)
    %mul3A_45 = arith.constant 10112 : i32
    %mul3A_46 = arith.muli %arg0, %mul3A_45 : i32
    %add3A_47 = arith.addi %mul3A_46, %mul3A_2 : i32
    "tpu.region"() ({
      %run_scoped3A = tpu.sem_alloc : memref<!tpu.dma_semaphore, #tpu.memory_space<semaphore_mem>>
      %dma_start3A_48 = arith.constant 0 : i32
      %dma_start3A_49 = tpu.memref_slice %arg3[%add3A_47, %dma_start3A_48] : memref<20224x128xf32, #tpu.memory_space<hbm>> -> memref<632x128xf32, #tpu.memory_space<hbm>>
      %dma_start3A_50 = arith.constant 0 : i32
      %dma_start3A_51 = tpu.memref_slice %arg7[%mul3A_2, %dma_start3A_50] : memref<10112x128xf32, #tpu.memory_space<vmem_shared>> -> memref<632x128xf32, #tpu.memory_space<vmem_shared>>
      tpu.enqueue_dma source(%dma_start3A_51 : memref<632x128xf32, #tpu.memory_space<vmem_shared>>) target(%dma_start3A_49 : memref<632x128xf32, #tpu.memory_space<hbm>>) target_semaphore(%run_scoped3A : memref<!tpu.dma_semaphore, #tpu.memory_space<semaphore_mem>>)
      %dma_wait3A_52 = arith.constant 0 : i32
      %dma_wait3A_53 = tpu.memref_slice %arg3[%add3A_47, %dma_wait3A_52] : memref<20224x128xf32, #tpu.memory_space<hbm>> -> memref<632x128xf32, #tpu.memory_space<hbm>>
      %dma_wait3A_54 = arith.constant 0 : i32
      %dma_wait3A_55 = tpu.memref_slice %arg7[%mul3A_2, %dma_wait3A_54] : memref<10112x128xf32, #tpu.memory_space<vmem_shared>> -> memref<632x128xf32, #tpu.memory_space<vmem_shared>>
      tpu.wait_dma2 semaphore(%run_scoped3A : memref<!tpu.dma_semaphore, #tpu.memory_space<semaphore_mem>>) src(%dma_wait3A_55 : memref<632x128xf32, #tpu.memory_space<vmem_shared>>) dst(%dma_wait3A_53 : memref<632x128xf32, #tpu.memory_space<hbm>>)
      tpu.yield
    }) : () -> ()
    return
  }
}

#map = affine_map<(d0, d1) -> (0, 0)>
#map1 = affine_map<(d0, d1) -> (0)>
module attributes {stable_mosaic.version = 14 : i64} {
  func.func @body(%arg0: i32, %arg1: i32, %arg2: memref<10112x128xf32, #tpu.memory_space<hbm>>, %arg3: memref<331776xi32, #tpu.memory_space<hbm>>, %arg4: memref<331776xi32, #tpu.memory_space<hbm>>, %arg5: memref<20224x128xf32, #tpu.memory_space<hbm>>, %arg6: memref<128xi32, #tpu.memory_space<vmem>>, %arg7: memref<128xi32, #tpu.memory_space<vmem>>, %arg8: memref<128xi32, #tpu.memory_space<vmem>>, %arg9: memref<128xi32, #tpu.memory_space<vmem>>, %arg10: memref<128xi32, #tpu.memory_space<vmem>>, %arg11: memref<128xi32, #tpu.memory_space<vmem>>, %arg12: memref<128x128xf32, #tpu.memory_space<vmem>>, %arg13: memref<128x128xf32, #tpu.memory_space<vmem>>, %arg14: memref<128x128xf32, #tpu.memory_space<vmem>>, %arg15: memref<10112x128xf32, #tpu.memory_space<vmem_shared>>, %arg16: memref<!tpu.dma_semaphore, #tpu.memory_space<semaphore_mem>>, %arg17: memref<!tpu.dma_semaphore, #tpu.memory_space<semaphore_mem>>, %arg18: memref<!tpu.dma_semaphore, #tpu.memory_space<semaphore_mem>>, %arg19: memref<!tpu.dma_semaphore, #tpu.memory_space<semaphore_mem>>, %arg20: memref<!tpu.dma_semaphore, #tpu.memory_space<semaphore_mem>>, %arg21: memref<!tpu.dma_semaphore, #tpu.memory_space<semaphore_mem>>) attributes {dimension_semantics = [#tpu.dimension_semantics<core_parallel>, #tpu.dimension_semantics<subcore_parallel>], iteration_bounds = array<i64: 2, 16>, scalar_prefetch = 0 : i64, scratch_operands = 16 : i64, tpu.core_type = #tpu.core_type<sc_vector_subcore>, window_params = [{transform_indices = #map}, {transform_indices = #map1}, {transform_indices = #map1}, {transform_indices = #map}]} {
    %mul3A = arith.constant 16 : i32
    %mul3A_0 = arith.muli %arg0, %mul3A : i32
    %add3A = arith.addi %mul3A_0, %arg1 : i32
    %mul3A_1 = arith.constant 632 : i32
    %mul3A_2 = arith.muli %arg1, %mul3A_1 : i32
    %mul3A_3 = arith.constant 81 : i32
    %mul3A_4 = arith.muli %add3A, %mul3A_3 : i32
    %mul3A_5 = arith.constant 128 : i32
    %mul3A_6 = arith.muli %mul3A_4, %mul3A_5 : i32
    %broadcast_in_dim3A = arith.constant 0.000000e+00 : f32
    %broadcast_in_dim3A_7 = vector.broadcast %broadcast_in_dim3A : f32 to vector<16xf32>
    %scan3A = arith.constant 0 : i32
    %scan3A_8 = arith.constant 0 : i32
    %scan3A_9 = arith.constant 128 : i32
    %scan3A_10 = arith.addi %scan3A_8, %scan3A_9 : i32
    %scan3A_11 = arith.constant 1 : i32
    %scan3A_12 = scf.for %scan3A_81 = %scan3A_8 to %scan3A_10 step %scan3A_11 iter_args(%scan3A_82 = %scan3A) -> (i32)  : i32 {
      %swap3A = arith.index_cast %scan3A_81 : i32 to index
      %swap3A_83 = arith.constant 0 : index
      %swap3A_84 = tpu.vector_load %arg12[%swap3A, %swap3A_83] {strides = array<i32>} : memref<128x128xf32, #tpu.memory_space<vmem>>, vector<1x16xf32>,
      %swap3A_85 = vector.shape_cast %swap3A_84 : vector<1x16xf32> to vector<16xf32>
      %swap3A_86 = vector.shape_cast %broadcast_in_dim3A_7 : vector<16xf32> to vector<1x16xf32>
      tpu.vector_store %arg12[%swap3A, %swap3A_83], %swap3A_86 {strides = array<i32>} : memref<128x128xf32, #tpu.memory_space<vmem>>, vector<1x16xf32>,
      %swap3A_87 = arith.index_cast %scan3A_81 : i32 to index
      %swap3A_88 = arith.constant 16 : index
      %swap3A_89 = tpu.vector_load %arg12[%swap3A_87, %swap3A_88] {strides = array<i32>} : memref<128x128xf32, #tpu.memory_space<vmem>>, vector<1x16xf32>,
      %swap3A_90 = vector.shape_cast %swap3A_89 : vector<1x16xf32> to vector<16xf32>
      %swap3A_91 = vector.shape_cast %broadcast_in_dim3A_7 : vector<16xf32> to vector<1x16xf32>
      tpu.vector_store %arg12[%swap3A_87, %swap3A_88], %swap3A_91 {strides = array<i32>} : memref<128x128xf32, #tpu.memory_space<vmem>>, vector<1x16xf32>,
      %swap3A_92 = arith.index_cast %scan3A_81 : i32 to index
      %swap3A_93 = arith.constant 32 : index
      %swap3A_94 = tpu.vector_load %arg12[%swap3A_92, %swap3A_93] {strides = array<i32>} : memref<128x128xf32, #tpu.memory_space<vmem>>, vector<1x16xf32>,
      %swap3A_95 = vector.shape_cast %swap3A_94 : vector<1x16xf32> to vector<16xf32>
      %swap3A_96 = vector.shape_cast %broadcast_in_dim3A_7 : vector<16xf32> to vector<1x16xf32>
      tpu.vector_store %arg12[%swap3A_92, %swap3A_93], %swap3A_96 {strides = array<i32>} : memref<128x128xf32, #tpu.memory_space<vmem>>, vector<1x16xf32>,
      %swap3A_97 = arith.index_cast %scan3A_81 : i32 to index
      %swap3A_98 = arith.constant 48 : index
      %swap3A_99 = tpu.vector_load %arg12[%swap3A_97, %swap3A_98] {strides = array<i32>} : memref<128x128xf32, #tpu.memory_space<vmem>>, vector<1x16xf32>,
      %swap3A_100 = vector.shape_cast %swap3A_99 : vector<1x16xf32> to vector<16xf32>
      %swap3A_101 = vector.shape_cast %broadcast_in_dim3A_7 : vector<16xf32> to vector<1x16xf32>
      tpu.vector_store %arg12[%swap3A_97, %swap3A_98], %swap3A_101 {strides = array<i32>} : memref<128x128xf32, #tpu.memory_space<vmem>>, vector<1x16xf32>,
      %swap3A_102 = arith.index_cast %scan3A_81 : i32 to index
      %swap3A_103 = arith.constant 64 : index
      %swap3A_104 = tpu.vector_load %arg12[%swap3A_102, %swap3A_103] {strides = array<i32>} : memref<128x128xf32, #tpu.memory_space<vmem>>, vector<1x16xf32>,
      %swap3A_105 = vector.shape_cast %swap3A_104 : vector<1x16xf32> to vector<16xf32>
      %swap3A_106 = vector.shape_cast %broadcast_in_dim3A_7 : vector<16xf32> to vector<1x16xf32>
      tpu.vector_store %arg12[%swap3A_102, %swap3A_103], %swap3A_106 {strides = array<i32>} : memref<128x128xf32, #tpu.memory_space<vmem>>, vector<1x16xf32>,
      %swap3A_107 = arith.index_cast %scan3A_81 : i32 to index
      %swap3A_108 = arith.constant 80 : index
      %swap3A_109 = tpu.vector_load %arg12[%swap3A_107, %swap3A_108] {strides = array<i32>} : memref<128x128xf32, #tpu.memory_space<vmem>>, vector<1x16xf32>,
      %swap3A_110 = vector.shape_cast %swap3A_109 : vector<1x16xf32> to vector<16xf32>
      %swap3A_111 = vector.shape_cast %broadcast_in_dim3A_7 : vector<16xf32> to vector<1x16xf32>
      tpu.vector_store %arg12[%swap3A_107, %swap3A_108], %swap3A_111 {strides = array<i32>} : memref<128x128xf32, #tpu.memory_space<vmem>>, vector<1x16xf32>,
      %swap3A_112 = arith.index_cast %scan3A_81 : i32 to index
      %swap3A_113 = arith.constant 96 : index
      %swap3A_114 = tpu.vector_load %arg12[%swap3A_112, %swap3A_113] {strides = array<i32>} : memref<128x128xf32, #tpu.memory_space<vmem>>, vector<1x16xf32>,
      %swap3A_115 = vector.shape_cast %swap3A_114 : vector<1x16xf32> to vector<16xf32>
      %swap3A_116 = vector.shape_cast %broadcast_in_dim3A_7 : vector<16xf32> to vector<1x16xf32>
      tpu.vector_store %arg12[%swap3A_112, %swap3A_113], %swap3A_116 {strides = array<i32>} : memref<128x128xf32, #tpu.memory_space<vmem>>, vector<1x16xf32>,
      %swap3A_117 = arith.index_cast %scan3A_81 : i32 to index
      %swap3A_118 = arith.constant 112 : index
      %swap3A_119 = tpu.vector_load %arg12[%swap3A_117, %swap3A_118] {strides = array<i32>} : memref<128x128xf32, #tpu.memory_space<vmem>>, vector<1x16xf32>,
      %swap3A_120 = vector.shape_cast %swap3A_119 : vector<1x16xf32> to vector<16xf32>
      %swap3A_121 = vector.shape_cast %broadcast_in_dim3A_7 : vector<16xf32> to vector<1x16xf32>
      tpu.vector_store %arg12[%swap3A_117, %swap3A_118], %swap3A_121 {strides = array<i32>} : memref<128x128xf32, #tpu.memory_space<vmem>>, vector<1x16xf32>,
      %scan3A_122 = arith.constant 0 : i32
      scf.yield %scan3A_122 : i32
    }
    %scan3A_13 = arith.constant 128 : i32
    %add3A_14 = arith.constant 0 : i32
    %add3A_15 = arith.addi %mul3A_2, %add3A_14 : i32
    "tpu.region"() ({
      %run_scoped3A = tpu.sem_alloc : memref<!tpu.dma_semaphore, #tpu.memory_space<semaphore_mem>>
      %dma_start3A_81 = arith.constant 0 : i32
      %dma_start3A_82 = tpu.memref_slice %arg15[%add3A_15, %dma_start3A_81] : memref<10112x128xf32, #tpu.memory_space<vmem_shared>> -> memref<128x128xf32, #tpu.memory_space<vmem_shared>>
      %dma_start3A_83 = arith.constant 0 : i32
      %dma_start3A_84 = tpu.memref_slice %arg15[%add3A_15, %dma_start3A_83] : memref<10112x128xf32, #tpu.memory_space<vmem_shared>> -> memref<128x128xf32, #tpu.memory_space<vmem_shared>>
      tpu.enqueue_dma source(%arg12 : memref<128x128xf32, #tpu.memory_space<vmem>>) target(%dma_start3A_84 : memref<128x128xf32, #tpu.memory_space<vmem_shared>>) target_semaphore(%run_scoped3A : memref<!tpu.dma_semaphore, #tpu.memory_space<semaphore_mem>>)
      %dma_wait3A_85 = arith.constant 0 : i32
      %dma_wait3A_86 = tpu.memref_slice %arg15[%add3A_15, %dma_wait3A_85] : memref<10112x128xf32, #tpu.memory_space<vmem_shared>> -> memref<128x128xf32, #tpu.memory_space<vmem_shared>>
      %dma_wait3A_87 = arith.constant 0 : i32
      %dma_wait3A_88 = tpu.memref_slice %arg15[%add3A_15, %dma_wait3A_87] : memref<10112x128xf32, #tpu.memory_space<vmem_shared>> -> memref<128x128xf32, #tpu.memory_space<vmem_shared>>
      tpu.wait_dma2 semaphore(%run_scoped3A : memref<!tpu.dma_semaphore, #tpu.memory_space<semaphore_mem>>) src(%arg12 : memref<128x128xf32, #tpu.memory_space<vmem>>) dst(%dma_wait3A_88 : memref<128x128xf32, #tpu.memory_space<vmem_shared>>)
      tpu.yield
    }) : () -> ()
    %add3A_16 = arith.constant 128 : i32
    %add3A_17 = arith.addi %mul3A_2, %add3A_16 : i32
    "tpu.region"() ({
      %run_scoped3A = tpu.sem_alloc : memref<!tpu.dma_semaphore, #tpu.memory_space<semaphore_mem>>
      %dma_start3A_81 = arith.constant 0 : i32
      %dma_start3A_82 = tpu.memref_slice %arg15[%add3A_17, %dma_start3A_81] : memref<10112x128xf32, #tpu.memory_space<vmem_shared>> -> memref<128x128xf32, #tpu.memory_space<vmem_shared>>
      %dma_start3A_83 = arith.constant 0 : i32
      %dma_start3A_84 = tpu.memref_slice %arg15[%add3A_17, %dma_start3A_83] : memref<10112x128xf32, #tpu.memory_space<vmem_shared>> -> memref<128x128xf32, #tpu.memory_space<vmem_shared>>
      tpu.enqueue_dma source(%arg12 : memref<128x128xf32, #tpu.memory_space<vmem>>) target(%dma_start3A_84 : memref<128x128xf32, #tpu.memory_space<vmem_shared>>) target_semaphore(%run_scoped3A : memref<!tpu.dma_semaphore, #tpu.memory_space<semaphore_mem>>)
      %dma_wait3A_85 = arith.constant 0 : i32
      %dma_wait3A_86 = tpu.memref_slice %arg15[%add3A_17, %dma_wait3A_85] : memref<10112x128xf32, #tpu.memory_space<vmem_shared>> -> memref<128x128xf32, #tpu.memory_space<vmem_shared>>
      %dma_wait3A_87 = arith.constant 0 : i32
      %dma_wait3A_88 = tpu.memref_slice %arg15[%add3A_17, %dma_wait3A_87] : memref<10112x128xf32, #tpu.memory_space<vmem_shared>> -> memref<128x128xf32, #tpu.memory_space<vmem_shared>>
      tpu.wait_dma2 semaphore(%run_scoped3A : memref<!tpu.dma_semaphore, #tpu.memory_space<semaphore_mem>>) src(%arg12 : memref<128x128xf32, #tpu.memory_space<vmem>>) dst(%dma_wait3A_88 : memref<128x128xf32, #tpu.memory_space<vmem_shared>>)
      tpu.yield
    }) : () -> ()
    %add3A_18 = arith.constant 256 : i32
    %add3A_19 = arith.addi %mul3A_2, %add3A_18 : i32
    "tpu.region"() ({
      %run_scoped3A = tpu.sem_alloc : memref<!tpu.dma_semaphore, #tpu.memory_space<semaphore_mem>>
      %dma_start3A_81 = arith.constant 0 : i32
      %dma_start3A_82 = tpu.memref_slice %arg15[%add3A_19, %dma_start3A_81] : memref<10112x128xf32, #tpu.memory_space<vmem_shared>> -> memref<128x128xf32, #tpu.memory_space<vmem_shared>>
      %dma_start3A_83 = arith.constant 0 : i32
      %dma_start3A_84 = tpu.memref_slice %arg15[%add3A_19, %dma_start3A_83] : memref<10112x128xf32, #tpu.memory_space<vmem_shared>> -> memref<128x128xf32, #tpu.memory_space<vmem_shared>>
      tpu.enqueue_dma source(%arg12 : memref<128x128xf32, #tpu.memory_space<vmem>>) target(%dma_start3A_84 : memref<128x128xf32, #tpu.memory_space<vmem_shared>>) target_semaphore(%run_scoped3A : memref<!tpu.dma_semaphore, #tpu.memory_space<semaphore_mem>>)
      %dma_wait3A_85 = arith.constant 0 : i32
      %dma_wait3A_86 = tpu.memref_slice %arg15[%add3A_19, %dma_wait3A_85] : memref<10112x128xf32, #tpu.memory_space<vmem_shared>> -> memref<128x128xf32, #tpu.memory_space<vmem_shared>>
      %dma_wait3A_87 = arith.constant 0 : i32
      %dma_wait3A_88 = tpu.memref_slice %arg15[%add3A_19, %dma_wait3A_87] : memref<10112x128xf32, #tpu.memory_space<vmem_shared>> -> memref<128x128xf32, #tpu.memory_space<vmem_shared>>
      tpu.wait_dma2 semaphore(%run_scoped3A : memref<!tpu.dma_semaphore, #tpu.memory_space<semaphore_mem>>) src(%arg12 : memref<128x128xf32, #tpu.memory_space<vmem>>) dst(%dma_wait3A_88 : memref<128x128xf32, #tpu.memory_space<vmem_shared>>)
      tpu.yield
    }) : () -> ()
    %add3A_20 = arith.constant 384 : i32
    %add3A_21 = arith.addi %mul3A_2, %add3A_20 : i32
    "tpu.region"() ({
      %run_scoped3A = tpu.sem_alloc : memref<!tpu.dma_semaphore, #tpu.memory_space<semaphore_mem>>
      %dma_start3A_81 = arith.constant 0 : i32
      %dma_start3A_82 = tpu.memref_slice %arg15[%add3A_21, %dma_start3A_81] : memref<10112x128xf32, #tpu.memory_space<vmem_shared>> -> memref<128x128xf32, #tpu.memory_space<vmem_shared>>
      %dma_start3A_83 = arith.constant 0 : i32
      %dma_start3A_84 = tpu.memref_slice %arg15[%add3A_21, %dma_start3A_83] : memref<10112x128xf32, #tpu.memory_space<vmem_shared>> -> memref<128x128xf32, #tpu.memory_space<vmem_shared>>
      tpu.enqueue_dma source(%arg12 : memref<128x128xf32, #tpu.memory_space<vmem>>) target(%dma_start3A_84 : memref<128x128xf32, #tpu.memory_space<vmem_shared>>) target_semaphore(%run_scoped3A : memref<!tpu.dma_semaphore, #tpu.memory_space<semaphore_mem>>)
      %dma_wait3A_85 = arith.constant 0 : i32
      %dma_wait3A_86 = tpu.memref_slice %arg15[%add3A_21, %dma_wait3A_85] : memref<10112x128xf32, #tpu.memory_space<vmem_shared>> -> memref<128x128xf32, #tpu.memory_space<vmem_shared>>
      %dma_wait3A_87 = arith.constant 0 : i32
      %dma_wait3A_88 = tpu.memref_slice %arg15[%add3A_21, %dma_wait3A_87] : memref<10112x128xf32, #tpu.memory_space<vmem_shared>> -> memref<128x128xf32, #tpu.memory_space<vmem_shared>>
      tpu.wait_dma2 semaphore(%run_scoped3A : memref<!tpu.dma_semaphore, #tpu.memory_space<semaphore_mem>>) src(%arg12 : memref<128x128xf32, #tpu.memory_space<vmem>>) dst(%dma_wait3A_88 : memref<128x128xf32, #tpu.memory_space<vmem_shared>>)
      tpu.yield
    }) : () -> ()
    %add3A_22 = arith.constant 512 : i32
    %add3A_23 = arith.addi %mul3A_2, %add3A_22 : i32
    "tpu.region"() ({
      %run_scoped3A = tpu.sem_alloc : memref<!tpu.dma_semaphore, #tpu.memory_space<semaphore_mem>>
      %dma_start3A_81 = arith.constant 0 : i32
      %dma_start3A_82 = arith.constant 0 : i32
      %dma_start3A_83 = tpu.memref_slice %arg12[%dma_start3A_81, %dma_start3A_82] : memref<128x128xf32, #tpu.memory_space<vmem>> -> memref<120x128xf32, #tpu.memory_space<vmem>>
      %dma_start3A_84 = arith.constant 0 : i32
      %dma_start3A_85 = tpu.memref_slice %arg15[%add3A_23, %dma_start3A_84] : memref<10112x128xf32, #tpu.memory_space<vmem_shared>> -> memref<120x128xf32, #tpu.memory_space<vmem_shared>>
      %dma_start3A_86 = arith.constant 0 : i32
      %dma_start3A_87 = tpu.memref_slice %arg15[%add3A_23, %dma_start3A_86] : memref<10112x128xf32, #tpu.memory_space<vmem_shared>> -> memref<120x128xf32, #tpu.memory_space<vmem_shared>>
      %dma_start3A_88 = arith.constant 0 : i32
      %dma_start3A_89 = arith.constant 0 : i32
      %dma_start3A_90 = tpu.memref_slice %arg12[%dma_start3A_88, %dma_start3A_89] : memref<128x128xf32, #tpu.memory_space<vmem>> -> memref<120x128xf32, #tpu.memory_space<vmem>>
      tpu.enqueue_dma source(%dma_start3A_90 : memref<120x128xf32, #tpu.memory_space<vmem>>) target(%dma_start3A_87 : memref<120x128xf32, #tpu.memory_space<vmem_shared>>) target_semaphore(%run_scoped3A : memref<!tpu.dma_semaphore, #tpu.memory_space<semaphore_mem>>)
      %dma_wait3A_91 = arith.constant 0 : i32
      %dma_wait3A_92 = arith.constant 0 : i32
      %dma_wait3A_93 = tpu.memref_slice %arg12[%dma_wait3A_91, %dma_wait3A_92] : memref<128x128xf32, #tpu.memory_space<vmem>> -> memref<120x128xf32, #tpu.memory_space<vmem>>
      %dma_wait3A_94 = arith.constant 0 : i32
      %dma_wait3A_95 = tpu.memref_slice %arg15[%add3A_23, %dma_wait3A_94] : memref<10112x128xf32, #tpu.memory_space<vmem_shared>> -> memref<120x128xf32, #tpu.memory_space<vmem_shared>>
      %dma_wait3A_96 = arith.constant 0 : i32
      %dma_wait3A_97 = tpu.memref_slice %arg15[%add3A_23, %dma_wait3A_96] : memref<10112x128xf32, #tpu.memory_space<vmem_shared>> -> memref<120x128xf32, #tpu.memory_space<vmem_shared>>
      %dma_wait3A_98 = arith.constant 0 : i32
      %dma_wait3A_99 = arith.constant 0 : i32
      %dma_wait3A_100 = tpu.memref_slice %arg12[%dma_wait3A_98, %dma_wait3A_99] : memref<128x128xf32, #tpu.memory_space<vmem>> -> memref<120x128xf32, #tpu.memory_space<vmem>>
      tpu.wait_dma2 semaphore(%run_scoped3A : memref<!tpu.dma_semaphore, #tpu.memory_space<semaphore_mem>>) src(%dma_wait3A_100 : memref<120x128xf32, #tpu.memory_space<vmem>>) dst(%dma_wait3A_97 : memref<120x128xf32, #tpu.memory_space<vmem_shared>>)
      tpu.yield
    }) : () -> ()
    %barrier3A = arith.constant 0 : index
    tpu.barrier barrier_id(%barrier3A)
    %add3A_24 = arith.constant 0 : i32
    %add3A_25 = arith.addi %mul3A_6, %add3A_24 : i32
    "tpu.region"() ({
      %run_scoped3A = tpu.sem_alloc : memref<!tpu.dma_semaphore, #tpu.memory_space<semaphore_mem>>
      %dma_start3A_81 = tpu.memref_slice %arg3[%add3A_25] : memref<331776xi32, #tpu.memory_space<hbm>> -> memref<128xi32, #tpu.memory_space<hbm>>
      %dma_start3A_82 = tpu.memref_slice %arg3[%add3A_25] : memref<331776xi32, #tpu.memory_space<hbm>> -> memref<128xi32, #tpu.memory_space<hbm>>
      tpu.enqueue_dma source(%dma_start3A_82 : memref<128xi32, #tpu.memory_space<hbm>>) target(%arg6 : memref<128xi32, #tpu.memory_space<vmem>>) target_semaphore(%run_scoped3A : memref<!tpu.dma_semaphore, #tpu.memory_space<semaphore_mem>>)
      %dma_wait3A_83 = tpu.memref_slice %arg3[%add3A_25] : memref<331776xi32, #tpu.memory_space<hbm>> -> memref<128xi32, #tpu.memory_space<hbm>>
      %dma_wait3A_84 = tpu.memref_slice %arg3[%add3A_25] : memref<331776xi32, #tpu.memory_space<hbm>> -> memref<128xi32, #tpu.memory_space<hbm>>
      tpu.wait_dma2 semaphore(%run_scoped3A : memref<!tpu.dma_semaphore, #tpu.memory_space<semaphore_mem>>) src(%dma_wait3A_84 : memref<128xi32, #tpu.memory_space<hbm>>) dst(%arg6 : memref<128xi32, #tpu.memory_space<vmem>>)
      tpu.yield
    }) : () -> ()
    %add3A_26 = arith.constant 0 : i32
    %add3A_27 = arith.addi %mul3A_6, %add3A_26 : i32
    "tpu.region"() ({
      %run_scoped3A = tpu.sem_alloc : memref<!tpu.dma_semaphore, #tpu.memory_space<semaphore_mem>>
      %dma_start3A_81 = tpu.memref_slice %arg4[%add3A_27] : memref<331776xi32, #tpu.memory_space<hbm>> -> memref<128xi32, #tpu.memory_space<hbm>>
      %dma_start3A_82 = tpu.memref_slice %arg4[%add3A_27] : memref<331776xi32, #tpu.memory_space<hbm>> -> memref<128xi32, #tpu.memory_space<hbm>>
      tpu.enqueue_dma source(%dma_start3A_82 : memref<128xi32, #tpu.memory_space<hbm>>) target(%arg9 : memref<128xi32, #tpu.memory_space<vmem>>) target_semaphore(%run_scoped3A : memref<!tpu.dma_semaphore, #tpu.memory_space<semaphore_mem>>)
      %dma_wait3A_83 = tpu.memref_slice %arg4[%add3A_27] : memref<331776xi32, #tpu.memory_space<hbm>> -> memref<128xi32, #tpu.memory_space<hbm>>
      %dma_wait3A_84 = tpu.memref_slice %arg4[%add3A_27] : memref<331776xi32, #tpu.memory_space<hbm>> -> memref<128xi32, #tpu.memory_space<hbm>>
      tpu.wait_dma2 semaphore(%run_scoped3A : memref<!tpu.dma_semaphore, #tpu.memory_space<semaphore_mem>>) src(%dma_wait3A_84 : memref<128xi32, #tpu.memory_space<hbm>>) dst(%arg9 : memref<128xi32, #tpu.memory_space<vmem>>)
      tpu.yield
    }) : () -> ()
    %dma_start3A = arith.constant 0 : i32
    %dma_start3A_28 = arith.constant 0 : i32
    %dma_start3A_29 = tpu.memref_slice %arg2[%dma_start3A, %dma_start3A_28] : memref<10112x128xf32, #tpu.memory_space<hbm>> -> memref<10112x128xf32, #tpu.memory_space<hbm>>
    tpu.enqueue_indirect_dma source(%dma_start3A_29 : memref<10112x128xf32, #tpu.memory_space<hbm>>) target(%arg12 : memref<128x128xf32, #tpu.memory_space<vmem>>) offsets(%arg6 : memref<128xi32, #tpu.memory_space<vmem>>) semaphore(%arg16 : memref<!tpu.dma_semaphore, #tpu.memory_space<semaphore_mem>>)
    %add3A_30 = arith.constant 128 : i32
    %add3A_31 = arith.addi %mul3A_6, %add3A_30 : i32
    "tpu.region"() ({
      %run_scoped3A = tpu.sem_alloc : memref<!tpu.dma_semaphore, #tpu.memory_space<semaphore_mem>>
      %dma_start3A_81 = tpu.memref_slice %arg3[%add3A_31] : memref<331776xi32, #tpu.memory_space<hbm>> -> memref<128xi32, #tpu.memory_space<hbm>>
      %dma_start3A_82 = tpu.memref_slice %arg3[%add3A_31] : memref<331776xi32, #tpu.memory_space<hbm>> -> memref<128xi32, #tpu.memory_space<hbm>>
      tpu.enqueue_dma source(%dma_start3A_82 : memref<128xi32, #tpu.memory_space<hbm>>) target(%arg7 : memref<128xi32, #tpu.memory_space<vmem>>) target_semaphore(%run_scoped3A : memref<!tpu.dma_semaphore, #tpu.memory_space<semaphore_mem>>)
      %dma_wait3A_83 = tpu.memref_slice %arg3[%add3A_31] : memref<331776xi32, #tpu.memory_space<hbm>> -> memref<128xi32, #tpu.memory_space<hbm>>
      %dma_wait3A_84 = tpu.memref_slice %arg3[%add3A_31] : memref<331776xi32, #tpu.memory_space<hbm>> -> memref<128xi32, #tpu.memory_space<hbm>>
      tpu.wait_dma2 semaphore(%run_scoped3A : memref<!tpu.dma_semaphore, #tpu.memory_space<semaphore_mem>>) src(%dma_wait3A_84 : memref<128xi32, #tpu.memory_space<hbm>>) dst(%arg7 : memref<128xi32, #tpu.memory_space<vmem>>)
      tpu.yield
    }) : () -> ()
    %add3A_32 = arith.constant 128 : i32
    %add3A_33 = arith.addi %mul3A_6, %add3A_32 : i32
    "tpu.region"() ({
      %run_scoped3A = tpu.sem_alloc : memref<!tpu.dma_semaphore, #tpu.memory_space<semaphore_mem>>
      %dma_start3A_81 = tpu.memref_slice %arg4[%add3A_33] : memref<331776xi32, #tpu.memory_space<hbm>> -> memref<128xi32, #tpu.memory_space<hbm>>
      %dma_start3A_82 = tpu.memref_slice %arg4[%add3A_33] : memref<331776xi32, #tpu.memory_space<hbm>> -> memref<128xi32, #tpu.memory_space<hbm>>
      tpu.enqueue_dma source(%dma_start3A_82 : memref<128xi32, #tpu.memory_space<hbm>>) target(%arg10 : memref<128xi32, #tpu.memory_space<vmem>>) target_semaphore(%run_scoped3A : memref<!tpu.dma_semaphore, #tpu.memory_space<semaphore_mem>>)
      %dma_wait3A_83 = tpu.memref_slice %arg4[%add3A_33] : memref<331776xi32, #tpu.memory_space<hbm>> -> memref<128xi32, #tpu.memory_space<hbm>>
      %dma_wait3A_84 = tpu.memref_slice %arg4[%add3A_33] : memref<331776xi32, #tpu.memory_space<hbm>> -> memref<128xi32, #tpu.memory_space<hbm>>
      tpu.wait_dma2 semaphore(%run_scoped3A : memref<!tpu.dma_semaphore, #tpu.memory_space<semaphore_mem>>) src(%dma_wait3A_84 : memref<128xi32, #tpu.memory_space<hbm>>) dst(%arg10 : memref<128xi32, #tpu.memory_space<vmem>>)
      tpu.yield
    }) : () -> ()
    %dma_start3A_34 = arith.constant 0 : i32
    %dma_start3A_35 = arith.constant 0 : i32
    %dma_start3A_36 = tpu.memref_slice %arg2[%dma_start3A_34, %dma_start3A_35] : memref<10112x128xf32, #tpu.memory_space<hbm>> -> memref<10112x128xf32, #tpu.memory_space<hbm>>
    tpu.enqueue_indirect_dma source(%dma_start3A_36 : memref<10112x128xf32, #tpu.memory_space<hbm>>) target(%arg13 : memref<128x128xf32, #tpu.memory_space<vmem>>) offsets(%arg7 : memref<128xi32, #tpu.memory_space<vmem>>) semaphore(%arg17 : memref<!tpu.dma_semaphore, #tpu.memory_space<semaphore_mem>>)
    %dma_wait3A = arith.constant 0 : i32
    %dma_wait3A_37 = arith.constant 0 : i32
    %dma_wait3A_38 = tpu.memref_slice %arg2[%dma_wait3A, %dma_wait3A_37] : memref<10112x128xf32, #tpu.memory_space<hbm>> -> memref<10112x128xf32, #tpu.memory_space<hbm>>
    tpu.wait_indirect_dma semaphore(%arg16 : memref<!tpu.dma_semaphore, #tpu.memory_space<semaphore_mem>>) src(%dma_wait3A_38 : memref<10112x128xf32, #tpu.memory_space<hbm>>) dst(%arg12 : memref<128x128xf32, #tpu.memory_space<vmem>>)
    %dma_start3A_39 = arith.constant 0 : i32
    %dma_start3A_40 = arith.constant 0 : i32
    %dma_start3A_41 = tpu.memref_slice %arg15[%dma_start3A_39, %dma_start3A_40] : memref<10112x128xf32, #tpu.memory_space<vmem_shared>> -> memref<10112x128xf32, #tpu.memory_space<vmem_shared>>
    tpu.enqueue_indirect_dma source(%arg12 : memref<128x128xf32, #tpu.memory_space<vmem>>) target(%dma_start3A_41 : memref<10112x128xf32, #tpu.memory_space<vmem_shared>>) offsets(%arg9 : memref<128xi32, #tpu.memory_space<vmem>>) semaphore(%arg19 : memref<!tpu.dma_semaphore, #tpu.memory_space<semaphore_mem>>) {add = true}
    %add3A_42 = arith.constant 256 : i32
    %add3A_43 = arith.addi %mul3A_6, %add3A_42 : i32
    "tpu.region"() ({
      %run_scoped3A = tpu.sem_alloc : memref<!tpu.dma_semaphore, #tpu.memory_space<semaphore_mem>>
      %dma_start3A_81 = tpu.memref_slice %arg3[%add3A_43] : memref<331776xi32, #tpu.memory_space<hbm>> -> memref<128xi32, #tpu.memory_space<hbm>>
      %dma_start3A_82 = tpu.memref_slice %arg3[%add3A_43] : memref<331776xi32, #tpu.memory_space<hbm>> -> memref<128xi32, #tpu.memory_space<hbm>>
      tpu.enqueue_dma source(%dma_start3A_82 : memref<128xi32, #tpu.memory_space<hbm>>) target(%arg8 : memref<128xi32, #tpu.memory_space<vmem>>) target_semaphore(%run_scoped3A : memref<!tpu.dma_semaphore, #tpu.memory_space<semaphore_mem>>)
      %dma_wait3A_83 = tpu.memref_slice %arg3[%add3A_43] : memref<331776xi32, #tpu.memory_space<hbm>> -> memref<128xi32, #tpu.memory_space<hbm>>
      %dma_wait3A_84 = tpu.memref_slice %arg3[%add3A_43] : memref<331776xi32, #tpu.memory_space<hbm>> -> memref<128xi32, #tpu.memory_space<hbm>>
      tpu.wait_dma2 semaphore(%run_scoped3A : memref<!tpu.dma_semaphore, #tpu.memory_space<semaphore_mem>>) src(%dma_wait3A_84 : memref<128xi32, #tpu.memory_space<hbm>>) dst(%arg8 : memref<128xi32, #tpu.memory_space<vmem>>)
      tpu.yield
    }) : () -> ()
    %add3A_44 = arith.constant 256 : i32
    %add3A_45 = arith.addi %mul3A_6, %add3A_44 : i32
    "tpu.region"() ({
      %run_scoped3A = tpu.sem_alloc : memref<!tpu.dma_semaphore, #tpu.memory_space<semaphore_mem>>
      %dma_start3A_81 = tpu.memref_slice %arg4[%add3A_45] : memref<331776xi32, #tpu.memory_space<hbm>> -> memref<128xi32, #tpu.memory_space<hbm>>
      %dma_start3A_82 = tpu.memref_slice %arg4[%add3A_45] : memref<331776xi32, #tpu.memory_space<hbm>> -> memref<128xi32, #tpu.memory_space<hbm>>
      tpu.enqueue_dma source(%dma_start3A_82 : memref<128xi32, #tpu.memory_space<hbm>>) target(%arg11 : memref<128xi32, #tpu.memory_space<vmem>>) target_semaphore(%run_scoped3A : memref<!tpu.dma_semaphore, #tpu.memory_space<semaphore_mem>>)
      %dma_wait3A_83 = tpu.memref_slice %arg4[%add3A_45] : memref<331776xi32, #tpu.memory_space<hbm>> -> memref<128xi32, #tpu.memory_space<hbm>>
      %dma_wait3A_84 = tpu.memref_slice %arg4[%add3A_45] : memref<331776xi32, #tpu.memory_space<hbm>> -> memref<128xi32, #tpu.memory_space<hbm>>
      tpu.wait_dma2 semaphore(%run_scoped3A : memref<!tpu.dma_semaphore, #tpu.memory_space<semaphore_mem>>) src(%dma_wait3A_84 : memref<128xi32, #tpu.memory_space<hbm>>) dst(%arg11 : memref<128xi32, #tpu.memory_space<vmem>>)
      tpu.yield
    }) : () -> ()
    %dma_start3A_46 = arith.constant 0 : i32
    %dma_start3A_47 = arith.constant 0 : i32
    %dma_start3A_48 = tpu.memref_slice %arg2[%dma_start3A_46, %dma_start3A_47] : memref<10112x128xf32, #tpu.memory_space<hbm>> -> memref<10112x128xf32, #tpu.memory_space<hbm>>
    tpu.enqueue_indirect_dma source(%dma_start3A_48 : memref<10112x128xf32, #tpu.memory_space<hbm>>) target(%arg14 : memref<128x128xf32, #tpu.memory_space<vmem>>) offsets(%arg8 : memref<128xi32, #tpu.memory_space<vmem>>) semaphore(%arg18 : memref<!tpu.dma_semaphore, #tpu.memory_space<semaphore_mem>>)
    %dma_wait3A_49 = arith.constant 0 : i32
    %dma_wait3A_50 = arith.constant 0 : i32
    %dma_wait3A_51 = tpu.memref_slice %arg2[%dma_wait3A_49, %dma_wait3A_50] : memref<10112x128xf32, #tpu.memory_space<hbm>> -> memref<10112x128xf32, #tpu.memory_space<hbm>>
    tpu.wait_indirect_dma semaphore(%arg17 : memref<!tpu.dma_semaphore, #tpu.memory_space<semaphore_mem>>) src(%dma_wait3A_51 : memref<10112x128xf32, #tpu.memory_space<hbm>>) dst(%arg13 : memref<128x128xf32, #tpu.memory_space<vmem>>)
    %dma_start3A_52 = arith.constant 0 : i32
    %dma_start3A_53 = arith.constant 0 : i32
    %dma_start3A_54 = tpu.memref_slice %arg15[%dma_start3A_52, %dma_start3A_53] : memref<10112x128xf32, #tpu.memory_space<vmem_shared>> -> memref<10112x128xf32, #tpu.memory_space<vmem_shared>>
    tpu.enqueue_indirect_dma source(%arg13 : memref<128x128xf32, #tpu.memory_space<vmem>>) target(%dma_start3A_54 : memref<10112x128xf32, #tpu.memory_space<vmem_shared>>) offsets(%arg10 : memref<128xi32, #tpu.memory_space<vmem>>) semaphore(%arg20 : memref<!tpu.dma_semaphore, #tpu.memory_space<semaphore_mem>>) {add = true}
    %scan3A_55 = arith.constant 0 : i32
    %scan3A_56 = arith.constant 1 : i32
    %scan3A_57 = arith.constant 26 : i32
    %scan3A_58 = arith.addi %scan3A_56, %scan3A_57 : i32
    %scan3A_59 = arith.constant 1 : i32
    %scan3A_60 = scf.for %scan3A_81 = %scan3A_56 to %scan3A_58 step %scan3A_59 iter_args(%scan3A_82 = %scan3A_55) -> (i32)  : i32 {
      %mul3A_83 = arith.constant 3 : i32
      %mul3A_84 = arith.muli %mul3A_83, %scan3A_81 : i32
      %add3A_85 = arith.constant 0 : i32
      %add3A_86 = arith.addi %mul3A_84, %add3A_85 : i32
      %dma_wait3A_87 = arith.constant 0 : i32
      %dma_wait3A_88 = arith.constant 0 : i32
      %dma_wait3A_89 = tpu.memref_slice %arg15[%dma_wait3A_87, %dma_wait3A_88] : memref<10112x128xf32, #tpu.memory_space<vmem_shared>> -> memref<10112x128xf32, #tpu.memory_space<vmem_shared>>
      tpu.wait_indirect_dma semaphore(%arg19 : memref<!tpu.dma_semaphore, #tpu.memory_space<semaphore_mem>>) src(%arg12 : memref<128x128xf32, #tpu.memory_space<vmem>>) dst(%dma_wait3A_89 : memref<10112x128xf32, #tpu.memory_space<vmem_shared>>)
      %mul3A_90 = arith.constant 128 : i32
      %mul3A_91 = arith.muli %add3A_86, %mul3A_90 : i32
      %add3A_92 = arith.addi %mul3A_6, %mul3A_91 : i32
      "tpu.region"() ({
        %run_scoped3A = tpu.sem_alloc : memref<!tpu.dma_semaphore, #tpu.memory_space<semaphore_mem>>
        %dma_start3A_150 = tpu.memref_slice %arg3[%add3A_92] : memref<331776xi32, #tpu.memory_space<hbm>> -> memref<128xi32, #tpu.memory_space<hbm>>
        %dma_start3A_151 = tpu.memref_slice %arg3[%add3A_92] : memref<331776xi32, #tpu.memory_space<hbm>> -> memref<128xi32, #tpu.memory_space<hbm>>
        tpu.enqueue_dma source(%dma_start3A_151 : memref<128xi32, #tpu.memory_space<hbm>>) target(%arg6 : memref<128xi32, #tpu.memory_space<vmem>>) target_semaphore(%run_scoped3A : memref<!tpu.dma_semaphore, #tpu.memory_space<semaphore_mem>>)
        %dma_wait3A_152 = tpu.memref_slice %arg3[%add3A_92] : memref<331776xi32, #tpu.memory_space<hbm>> -> memref<128xi32, #tpu.memory_space<hbm>>
        %dma_wait3A_153 = tpu.memref_slice %arg3[%add3A_92] : memref<331776xi32, #tpu.memory_space<hbm>> -> memref<128xi32, #tpu.memory_space<hbm>>
        tpu.wait_dma2 semaphore(%run_scoped3A : memref<!tpu.dma_semaphore, #tpu.memory_space<semaphore_mem>>) src(%dma_wait3A_153 : memref<128xi32, #tpu.memory_space<hbm>>) dst(%arg6 : memref<128xi32, #tpu.memory_space<vmem>>)
        tpu.yield
      }) : () -> ()
      %mul3A_93 = arith.constant 128 : i32
      %mul3A_94 = arith.muli %add3A_86, %mul3A_93 : i32
      %add3A_95 = arith.addi %mul3A_6, %mul3A_94 : i32
      "tpu.region"() ({
        %run_scoped3A = tpu.sem_alloc : memref<!tpu.dma_semaphore, #tpu.memory_space<semaphore_mem>>
        %dma_start3A_150 = tpu.memref_slice %arg4[%add3A_95] : memref<331776xi32, #tpu.memory_space<hbm>> -> memref<128xi32, #tpu.memory_space<hbm>>
        %dma_start3A_151 = tpu.memref_slice %arg4[%add3A_95] : memref<331776xi32, #tpu.memory_space<hbm>> -> memref<128xi32, #tpu.memory_space<hbm>>
        tpu.enqueue_dma source(%dma_start3A_151 : memref<128xi32, #tpu.memory_space<hbm>>) target(%arg9 : memref<128xi32, #tpu.memory_space<vmem>>) target_semaphore(%run_scoped3A : memref<!tpu.dma_semaphore, #tpu.memory_space<semaphore_mem>>)
        %dma_wait3A_152 = tpu.memref_slice %arg4[%add3A_95] : memref<331776xi32, #tpu.memory_space<hbm>> -> memref<128xi32, #tpu.memory_space<hbm>>
        %dma_wait3A_153 = tpu.memref_slice %arg4[%add3A_95] : memref<331776xi32, #tpu.memory_space<hbm>> -> memref<128xi32, #tpu.memory_space<hbm>>
        tpu.wait_dma2 semaphore(%run_scoped3A : memref<!tpu.dma_semaphore, #tpu.memory_space<semaphore_mem>>) src(%dma_wait3A_153 : memref<128xi32, #tpu.memory_space<hbm>>) dst(%arg9 : memref<128xi32, #tpu.memory_space<vmem>>)
        tpu.yield
      }) : () -> ()
      %dma_start3A_96 = arith.constant 0 : i32
      %dma_start3A_97 = arith.constant 0 : i32
      %dma_start3A_98 = tpu.memref_slice %arg2[%dma_start3A_96, %dma_start3A_97] : memref<10112x128xf32, #tpu.memory_space<hbm>> -> memref<10112x128xf32, #tpu.memory_space<hbm>>
      tpu.enqueue_indirect_dma source(%dma_start3A_98 : memref<10112x128xf32, #tpu.memory_space<hbm>>) target(%arg12 : memref<128x128xf32, #tpu.memory_space<vmem>>) offsets(%arg6 : memref<128xi32, #tpu.memory_space<vmem>>) semaphore(%arg16 : memref<!tpu.dma_semaphore, #tpu.memory_space<semaphore_mem>>)
      %dma_wait3A_99 = arith.constant 0 : i32
      %dma_wait3A_100 = arith.constant 0 : i32
      %dma_wait3A_101 = tpu.memref_slice %arg2[%dma_wait3A_99, %dma_wait3A_100] : memref<10112x128xf32, #tpu.memory_space<hbm>> -> memref<10112x128xf32, #tpu.memory_space<hbm>>
      tpu.wait_indirect_dma semaphore(%arg18 : memref<!tpu.dma_semaphore, #tpu.memory_space<semaphore_mem>>) src(%dma_wait3A_101 : memref<10112x128xf32, #tpu.memory_space<hbm>>) dst(%arg14 : memref<128x128xf32, #tpu.memory_space<vmem>>)
      %dma_start3A_102 = arith.constant 0 : i32
      %dma_start3A_103 = arith.constant 0 : i32
      %dma_start3A_104 = tpu.memref_slice %arg15[%dma_start3A_102, %dma_start3A_103] : memref<10112x128xf32, #tpu.memory_space<vmem_shared>> -> memref<10112x128xf32, #tpu.memory_space<vmem_shared>>
      tpu.enqueue_indirect_dma source(%arg14 : memref<128x128xf32, #tpu.memory_space<vmem>>) target(%dma_start3A_104 : memref<10112x128xf32, #tpu.memory_space<vmem_shared>>) offsets(%arg11 : memref<128xi32, #tpu.memory_space<vmem>>) semaphore(%arg21 : memref<!tpu.dma_semaphore, #tpu.memory_space<semaphore_mem>>) {add = true}
      %mul3A_105 = arith.constant 3 : i32
      %mul3A_106 = arith.muli %mul3A_105, %scan3A_81 : i32
      %add3A_107 = arith.constant 1 : i32
      %add3A_108 = arith.addi %mul3A_106, %add3A_107 : i32
      %dma_wait3A_109 = arith.constant 0 : i32
      %dma_wait3A_110 = arith.constant 0 : i32
      %dma_wait3A_111 = tpu.memref_slice %arg15[%dma_wait3A_109, %dma_wait3A_110] : memref<10112x128xf32, #tpu.memory_space<vmem_shared>> -> memref<10112x128xf32, #tpu.memory_space<vmem_shared>>
      tpu.wait_indirect_dma semaphore(%arg20 : memref<!tpu.dma_semaphore, #tpu.memory_space<semaphore_mem>>) src(%arg13 : memref<128x128xf32, #tpu.memory_space<vmem>>) dst(%dma_wait3A_111 : memref<10112x128xf32, #tpu.memory_space<vmem_shared>>)
      %mul3A_112 = arith.constant 128 : i32
      %mul3A_113 = arith.muli %add3A_108, %mul3A_112 : i32
      %add3A_114 = arith.addi %mul3A_6, %mul3A_113 : i32
      "tpu.region"() ({
        %run_scoped3A = tpu.sem_alloc : memref<!tpu.dma_semaphore, #tpu.memory_space<semaphore_mem>>
        %dma_start3A_150 = tpu.memref_slice %arg3[%add3A_114] : memref<331776xi32, #tpu.memory_space<hbm>> -> memref<128xi32, #tpu.memory_space<hbm>>
        %dma_start3A_151 = tpu.memref_slice %arg3[%add3A_114] : memref<331776xi32, #tpu.memory_space<hbm>> -> memref<128xi32, #tpu.memory_space<hbm>>
        tpu.enqueue_dma source(%dma_start3A_151 : memref<128xi32, #tpu.memory_space<hbm>>) target(%arg7 : memref<128xi32, #tpu.memory_space<vmem>>) target_semaphore(%run_scoped3A : memref<!tpu.dma_semaphore, #tpu.memory_space<semaphore_mem>>)
        %dma_wait3A_152 = tpu.memref_slice %arg3[%add3A_114] : memref<331776xi32, #tpu.memory_space<hbm>> -> memref<128xi32, #tpu.memory_space<hbm>>
        %dma_wait3A_153 = tpu.memref_slice %arg3[%add3A_114] : memref<331776xi32, #tpu.memory_space<hbm>> -> memref<128xi32, #tpu.memory_space<hbm>>
        tpu.wait_dma2 semaphore(%run_scoped3A : memref<!tpu.dma_semaphore, #tpu.memory_space<semaphore_mem>>) src(%dma_wait3A_153 : memref<128xi32, #tpu.memory_space<hbm>>) dst(%arg7 : memref<128xi32, #tpu.memory_space<vmem>>)
        tpu.yield
      }) : () -> ()
      %mul3A_115 = arith.constant 128 : i32
      %mul3A_116 = arith.muli %add3A_108, %mul3A_115 : i32
      %add3A_117 = arith.addi %mul3A_6, %mul3A_116 : i32
      "tpu.region"() ({
        %run_scoped3A = tpu.sem_alloc : memref<!tpu.dma_semaphore, #tpu.memory_space<semaphore_mem>>
        %dma_start3A_150 = tpu.memref_slice %arg4[%add3A_117] : memref<331776xi32, #tpu.memory_space<hbm>> -> memref<128xi32, #tpu.memory_space<hbm>>
        %dma_start3A_151 = tpu.memref_slice %arg4[%add3A_117] : memref<331776xi32, #tpu.memory_space<hbm>> -> memref<128xi32, #tpu.memory_space<hbm>>
        tpu.enqueue_dma source(%dma_start3A_151 : memref<128xi32, #tpu.memory_space<hbm>>) target(%arg10 : memref<128xi32, #tpu.memory_space<vmem>>) target_semaphore(%run_scoped3A : memref<!tpu.dma_semaphore, #tpu.memory_space<semaphore_mem>>)
        %dma_wait3A_152 = tpu.memref_slice %arg4[%add3A_117] : memref<331776xi32, #tpu.memory_space<hbm>> -> memref<128xi32, #tpu.memory_space<hbm>>
        %dma_wait3A_153 = tpu.memref_slice %arg4[%add3A_117] : memref<331776xi32, #tpu.memory_space<hbm>> -> memref<128xi32, #tpu.memory_space<hbm>>
        tpu.wait_dma2 semaphore(%run_scoped3A : memref<!tpu.dma_semaphore, #tpu.memory_space<semaphore_mem>>) src(%dma_wait3A_153 : memref<128xi32, #tpu.memory_space<hbm>>) dst(%arg10 : memref<128xi32, #tpu.memory_space<vmem>>)
        tpu.yield
      }) : () -> ()
      %dma_start3A_118 = arith.constant 0 : i32
      %dma_start3A_119 = arith.constant 0 : i32
      %dma_start3A_120 = tpu.memref_slice %arg2[%dma_start3A_118, %dma_start3A_119] : memref<10112x128xf32, #tpu.memory_space<hbm>> -> memref<10112x128xf32, #tpu.memory_space<hbm>>
      tpu.enqueue_indirect_dma source(%dma_start3A_120 : memref<10112x128xf32, #tpu.memory_space<hbm>>) target(%arg13 : memref<128x128xf32, #tpu.memory_space<vmem>>) offsets(%arg7 : memref<128xi32, #tpu.memory_space<vmem>>) semaphore(%arg17 : memref<!tpu.dma_semaphore, #tpu.memory_space<semaphore_mem>>)
      %dma_wait3A_121 = arith.constant 0 : i32
      %dma_wait3A_122 = arith.constant 0 : i32
      %dma_wait3A_123 = tpu.memref_slice %arg2[%dma_wait3A_121, %dma_wait3A_122] : memref<10112x128xf32, #tpu.memory_space<hbm>> -> memref<10112x128xf32, #tpu.memory_space<hbm>>
      tpu.wait_indirect_dma semaphore(%arg16 : memref<!tpu.dma_semaphore, #tpu.memory_space<semaphore_mem>>) src(%dma_wait3A_123 : memref<10112x128xf32, #tpu.memory_space<hbm>>) dst(%arg12 : memref<128x128xf32, #tpu.memory_space<vmem>>)
      %dma_start3A_124 = arith.constant 0 : i32
      %dma_start3A_125 = arith.constant 0 : i32
      %dma_start3A_126 = tpu.memref_slice %arg15[%dma_start3A_124, %dma_start3A_125] : memref<10112x128xf32, #tpu.memory_space<vmem_shared>> -> memref<10112x128xf32, #tpu.memory_space<vmem_shared>>
      tpu.enqueue_indirect_dma source(%arg12 : memref<128x128xf32, #tpu.memory_space<vmem>>) target(%dma_start3A_126 : memref<10112x128xf32, #tpu.memory_space<vmem_shared>>) offsets(%arg9 : memref<128xi32, #tpu.memory_space<vmem>>) semaphore(%arg19 : memref<!tpu.dma_semaphore, #tpu.memory_space<semaphore_mem>>) {add = true}
      %mul3A_127 = arith.constant 3 : i32
      %mul3A_128 = arith.muli %mul3A_127, %scan3A_81 : i32
      %add3A_129 = arith.constant 2 : i32
      %add3A_130 = arith.addi %mul3A_128, %add3A_129 : i32
      %dma_wait3A_131 = arith.constant 0 : i32
      %dma_wait3A_132 = arith.constant 0 : i32
      %dma_wait3A_133 = tpu.memref_slice %arg15[%dma_wait3A_131, %dma_wait3A_132] : memref<10112x128xf32, #tpu.memory_space<vmem_shared>> -> memref<10112x128xf32, #tpu.memory_space<vmem_shared>>
      tpu.wait_indirect_dma semaphore(%arg21 : memref<!tpu.dma_semaphore, #tpu.memory_space<semaphore_mem>>) src(%arg14 : memref<128x128xf32, #tpu.memory_space<vmem>>) dst(%dma_wait3A_133 : memref<10112x128xf32, #tpu.memory_space<vmem_shared>>)
      %mul3A_134 = arith.constant 128 : i32
      %mul3A_135 = arith.muli %add3A_130, %mul3A_134 : i32
      %add3A_136 = arith.addi %mul3A_6, %mul3A_135 : i32
      "tpu.region"() ({
        %run_scoped3A = tpu.sem_alloc : memref<!tpu.dma_semaphore, #tpu.memory_space<semaphore_mem>>
        %dma_start3A_150 = tpu.memref_slice %arg3[%add3A_136] : memref<331776xi32, #tpu.memory_space<hbm>> -> memref<128xi32, #tpu.memory_space<hbm>>
        %dma_start3A_151 = tpu.memref_slice %arg3[%add3A_136] : memref<331776xi32, #tpu.memory_space<hbm>> -> memref<128xi32, #tpu.memory_space<hbm>>
        tpu.enqueue_dma source(%dma_start3A_151 : memref<128xi32, #tpu.memory_space<hbm>>) target(%arg8 : memref<128xi32, #tpu.memory_space<vmem>>) target_semaphore(%run_scoped3A : memref<!tpu.dma_semaphore, #tpu.memory_space<semaphore_mem>>)
        %dma_wait3A_152 = tpu.memref_slice %arg3[%add3A_136] : memref<331776xi32, #tpu.memory_space<hbm>> -> memref<128xi32, #tpu.memory_space<hbm>>
        %dma_wait3A_153 = tpu.memref_slice %arg3[%add3A_136] : memref<331776xi32, #tpu.memory_space<hbm>> -> memref<128xi32, #tpu.memory_space<hbm>>
        tpu.wait_dma2 semaphore(%run_scoped3A : memref<!tpu.dma_semaphore, #tpu.memory_space<semaphore_mem>>) src(%dma_wait3A_153 : memref<128xi32, #tpu.memory_space<hbm>>) dst(%arg8 : memref<128xi32, #tpu.memory_space<vmem>>)
        tpu.yield
      }) : () -> ()
      %mul3A_137 = arith.constant 128 : i32
      %mul3A_138 = arith.muli %add3A_130, %mul3A_137 : i32
      %add3A_139 = arith.addi %mul3A_6, %mul3A_138 : i32
      "tpu.region"() ({
        %run_scoped3A = tpu.sem_alloc : memref<!tpu.dma_semaphore, #tpu.memory_space<semaphore_mem>>
        %dma_start3A_150 = tpu.memref_slice %arg4[%add3A_139] : memref<331776xi32, #tpu.memory_space<hbm>> -> memref<128xi32, #tpu.memory_space<hbm>>
        %dma_start3A_151 = tpu.memref_slice %arg4[%add3A_139] : memref<331776xi32, #tpu.memory_space<hbm>> -> memref<128xi32, #tpu.memory_space<hbm>>
        tpu.enqueue_dma source(%dma_start3A_151 : memref<128xi32, #tpu.memory_space<hbm>>) target(%arg11 : memref<128xi32, #tpu.memory_space<vmem>>) target_semaphore(%run_scoped3A : memref<!tpu.dma_semaphore, #tpu.memory_space<semaphore_mem>>)
        %dma_wait3A_152 = tpu.memref_slice %arg4[%add3A_139] : memref<331776xi32, #tpu.memory_space<hbm>> -> memref<128xi32, #tpu.memory_space<hbm>>
        %dma_wait3A_153 = tpu.memref_slice %arg4[%add3A_139] : memref<331776xi32, #tpu.memory_space<hbm>> -> memref<128xi32, #tpu.memory_space<hbm>>
        tpu.wait_dma2 semaphore(%run_scoped3A : memref<!tpu.dma_semaphore, #tpu.memory_space<semaphore_mem>>) src(%dma_wait3A_153 : memref<128xi32, #tpu.memory_space<hbm>>) dst(%arg11 : memref<128xi32, #tpu.memory_space<vmem>>)
        tpu.yield
      }) : () -> ()
      %dma_start3A_140 = arith.constant 0 : i32
      %dma_start3A_141 = arith.constant 0 : i32
      %dma_start3A_142 = tpu.memref_slice %arg2[%dma_start3A_140, %dma_start3A_141] : memref<10112x128xf32, #tpu.memory_space<hbm>> -> memref<10112x128xf32, #tpu.memory_space<hbm>>
      tpu.enqueue_indirect_dma source(%dma_start3A_142 : memref<10112x128xf32, #tpu.memory_space<hbm>>) target(%arg14 : memref<128x128xf32, #tpu.memory_space<vmem>>) offsets(%arg8 : memref<128xi32, #tpu.memory_space<vmem>>) semaphore(%arg18 : memref<!tpu.dma_semaphore, #tpu.memory_space<semaphore_mem>>)
      %dma_wait3A_143 = arith.constant 0 : i32
      %dma_wait3A_144 = arith.constant 0 : i32
      %dma_wait3A_145 = tpu.memref_slice %arg2[%dma_wait3A_143, %dma_wait3A_144] : memref<10112x128xf32, #tpu.memory_space<hbm>> -> memref<10112x128xf32, #tpu.memory_space<hbm>>
      tpu.wait_indirect_dma semaphore(%arg17 : memref<!tpu.dma_semaphore, #tpu.memory_space<semaphore_mem>>) src(%dma_wait3A_145 : memref<10112x128xf32, #tpu.memory_space<hbm>>) dst(%arg13 : memref<128x128xf32, #tpu.memory_space<vmem>>)
      %dma_start3A_146 = arith.constant 0 : i32
      %dma_start3A_147 = arith.constant 0 : i32
      %dma_start3A_148 = tpu.memref_slice %arg15[%dma_start3A_146, %dma_start3A_147] : memref<10112x128xf32, #tpu.memory_space<vmem_shared>> -> memref<10112x128xf32, #tpu.memory_space<vmem_shared>>
      tpu.enqueue_indirect_dma source(%arg13 : memref<128x128xf32, #tpu.memory_space<vmem>>) target(%dma_start3A_148 : memref<10112x128xf32, #tpu.memory_space<vmem_shared>>) offsets(%arg10 : memref<128xi32, #tpu.memory_space<vmem>>) semaphore(%arg20 : memref<!tpu.dma_semaphore, #tpu.memory_space<semaphore_mem>>) {add = true}
      %scan3A_149 = arith.constant 0 : i32
      scf.yield %scan3A_149 : i32
    }
    %scan3A_61 = arith.constant 26 : i32
    %dma_wait3A_62 = arith.constant 0 : i32
    %dma_wait3A_63 = arith.constant 0 : i32
    %dma_wait3A_64 = tpu.memref_slice %arg2[%dma_wait3A_62, %dma_wait3A_63] : memref<10112x128xf32, #tpu.memory_space<hbm>> -> memref<10112x128xf32, #tpu.memory_space<hbm>>
    tpu.wait_indirect_dma semaphore(%arg18 : memref<!tpu.dma_semaphore, #tpu.memory_space<semaphore_mem>>) src(%dma_wait3A_64 : memref<10112x128xf32, #tpu.memory_space<hbm>>) dst(%arg14 : memref<128x128xf32, #tpu.memory_space<vmem>>)
    %dma_start3A_65 = arith.constant 0 : i32
    %dma_start3A_66 = arith.constant 0 : i32
    %dma_start3A_67 = tpu.memref_slice %arg15[%dma_start3A_65, %dma_start3A_66] : memref<10112x128xf32, #tpu.memory_space<vmem_shared>> -> memref<10112x128xf32, #tpu.memory_space<vmem_shared>>
    tpu.enqueue_indirect_dma source(%arg14 : memref<128x128xf32, #tpu.memory_space<vmem>>) target(%dma_start3A_67 : memref<10112x128xf32, #tpu.memory_space<vmem_shared>>) offsets(%arg11 : memref<128xi32, #tpu.memory_space<vmem>>) semaphore(%arg21 : memref<!tpu.dma_semaphore, #tpu.memory_space<semaphore_mem>>) {add = true}
    %dma_wait3A_68 = arith.constant 0 : i32
    %dma_wait3A_69 = arith.constant 0 : i32
    %dma_wait3A_70 = tpu.memref_slice %arg15[%dma_wait3A_68, %dma_wait3A_69] : memref<10112x128xf32, #tpu.memory_space<vmem_shared>> -> memref<10112x128xf32, #tpu.memory_space<vmem_shared>>
    tpu.wait_indirect_dma semaphore(%arg19 : memref<!tpu.dma_semaphore, #tpu.memory_space<semaphore_mem>>) src(%arg12 : memref<128x128xf32, #tpu.memory_space<vmem>>) dst(%dma_wait3A_70 : memref<10112x128xf32, #tpu.memory_space<vmem_shared>>)
    %dma_wait3A_71 = arith.constant 0 : i32
    %dma_wait3A_72 = arith.constant 0 : i32
    %dma_wait3A_73 = tpu.memref_slice %arg15[%dma_wait3A_71, %dma_wait3A_72] : memref<10112x128xf32, #tpu.memory_space<vmem_shared>> -> memref<10112x128xf32, #tpu.memory_space<vmem_shared>>
    tpu.wait_indirect_dma semaphore(%arg20 : memref<!tpu.dma_semaphore, #tpu.memory_space<semaphore_mem>>) src(%arg13 : memref<128x128xf32, #tpu.memory_space<vmem>>) dst(%dma_wait3A_73 : memref<10112x128xf32, #tpu.memory_space<vmem_shared>>)
    %dma_wait3A_74 = arith.constant 0 : i32
    %dma_wait3A_75 = arith.constant 0 : i32
    %dma_wait3A_76 = tpu.memref_slice %arg15[%dma_wait3A_74, %dma_wait3A_75] : memref<10112x128xf32, #tpu.memory_space<vmem_shared>> -> memref<10112x128xf32, #tpu.memory_space<vmem_shared>>
    tpu.wait_indirect_dma semaphore(%arg21 : memref<!tpu.dma_semaphore, #tpu.memory_space<semaphore_mem>>) src(%arg14 : memref<128x128xf32, #tpu.memory_space<vmem>>) dst(%dma_wait3A_76 : memref<10112x128xf32, #tpu.memory_space<vmem_shared>>)
    %barrier3A_77 = arith.constant 0 : index
    tpu.barrier barrier_id(%barrier3A_77)
    %mul3A_78 = arith.constant 10112 : i32
    %mul3A_79 = arith.muli %arg0, %mul3A_78 : i32
    %add3A_80 = arith.addi %mul3A_79, %mul3A_2 : i32
    "tpu.region"() ({
      %run_scoped3A = tpu.sem_alloc : memref<!tpu.dma_semaphore, #tpu.memory_space<semaphore_mem>>
      %dma_start3A_81 = arith.constant 0 : i32
      %dma_start3A_82 = tpu.memref_slice %arg5[%add3A_80, %dma_start3A_81] : memref<20224x128xf32, #tpu.memory_space<hbm>> -> memref<632x128xf32, #tpu.memory_space<hbm>>
      %dma_start3A_83 = arith.constant 0 : i32
      %dma_start3A_84 = tpu.memref_slice %arg15[%mul3A_2, %dma_start3A_83] : memref<10112x128xf32, #tpu.memory_space<vmem_shared>> -> memref<632x128xf32, #tpu.memory_space<vmem_shared>>
      tpu.enqueue_dma source(%dma_start3A_84 : memref<632x128xf32, #tpu.memory_space<vmem_shared>>) target(%dma_start3A_82 : memref<632x128xf32, #tpu.memory_space<hbm>>) target_semaphore(%run_scoped3A : memref<!tpu.dma_semaphore, #tpu.memory_space<semaphore_mem>>)
      %dma_wait3A_85 = arith.constant 0 : i32
      %dma_wait3A_86 = tpu.memref_slice %arg5[%add3A_80, %dma_wait3A_85] : memref<20224x128xf32, #tpu.memory_space<hbm>> -> memref<632x128xf32, #tpu.memory_space<hbm>>
      %dma_wait3A_87 = arith.constant 0 : i32
      %dma_wait3A_88 = tpu.memref_slice %arg15[%mul3A_2, %dma_wait3A_87] : memref<10112x128xf32, #tpu.memory_space<vmem_shared>> -> memref<632x128xf32, #tpu.memory_space<vmem_shared>>
      tpu.wait_dma2 semaphore(%run_scoped3A : memref<!tpu.dma_semaphore, #tpu.memory_space<semaphore_mem>>) src(%dma_wait3A_88 : memref<632x128xf32, #tpu.memory_space<vmem_shared>>) dst(%dma_wait3A_86 : memref<632x128xf32, #tpu.memory_space<hbm>>)
      tpu.yield
    }) : () -> ()
    return
  }
}

#map = affine_map<(d0, d1) -> (0, 0)>
#map1 = affine_map<(d0, d1) -> (0)>
module attributes {stable_mosaic.version = 14 : i64} {
  func.func @body(%arg0: i32, %arg1: i32, %arg2: memref<10112x128xf32, #tpu.memory_space<hbm>>, %arg3: memref<331776xi32, #tpu.memory_space<hbm>>, %arg4: memref<331776xi32, #tpu.memory_space<hbm>>, %arg5: memref<20224x128xf32, #tpu.memory_space<hbm>>, %arg6: memref<128xi32, #tpu.memory_space<vmem>>, %arg7: memref<128xi32, #tpu.memory_space<vmem>>, %arg8: memref<128xi32, #tpu.memory_space<vmem>>, %arg9: memref<128xi32, #tpu.memory_space<vmem>>, %arg10: memref<128xi32, #tpu.memory_space<vmem>>, %arg11: memref<128xi32, #tpu.memory_space<vmem>>, %arg12: memref<128x128xf32, #tpu.memory_space<vmem>>, %arg13: memref<128x128xf32, #tpu.memory_space<vmem>>, %arg14: memref<128x128xf32, #tpu.memory_space<vmem>>, %arg15: memref<10112x128xf32, #tpu.memory_space<vmem_shared>>, %arg16: memref<!tpu.dma_semaphore, #tpu.memory_space<semaphore_mem>>, %arg17: memref<!tpu.dma_semaphore, #tpu.memory_space<semaphore_mem>>, %arg18: memref<!tpu.dma_semaphore, #tpu.memory_space<semaphore_mem>>, %arg19: memref<!tpu.dma_semaphore, #tpu.memory_space<semaphore_mem>>, %arg20: memref<!tpu.dma_semaphore, #tpu.memory_space<semaphore_mem>>, %arg21: memref<!tpu.dma_semaphore, #tpu.memory_space<semaphore_mem>>) attributes {dimension_semantics = [#tpu.dimension_semantics<core_parallel>, #tpu.dimension_semantics<subcore_parallel>], iteration_bounds = array<i64: 2, 16>, scalar_prefetch = 0 : i64, scratch_operands = 16 : i64, tpu.core_type = #tpu.core_type<sc_vector_subcore>, window_params = [{transform_indices = #map}, {transform_indices = #map1}, {transform_indices = #map1}, {transform_indices = #map}]} {
    %mul3A = arith.constant 16 : i32
    %mul3A_0 = arith.muli %arg0, %mul3A : i32
    %add3A = arith.addi %mul3A_0, %arg1 : i32
    %mul3A_1 = arith.constant 632 : i32
    %mul3A_2 = arith.muli %arg1, %mul3A_1 : i32
    %mul3A_3 = arith.constant 81 : i32
    %mul3A_4 = arith.muli %add3A, %mul3A_3 : i32
    %mul3A_5 = arith.constant 128 : i32
    %mul3A_6 = arith.muli %mul3A_4, %mul3A_5 : i32
    %broadcast_in_dim3A = arith.constant 0.000000e+00 : f32
    %broadcast_in_dim3A_7 = vector.broadcast %broadcast_in_dim3A : f32 to vector<16xf32>
    %scan3A = arith.constant 0 : i32
    %scan3A_8 = arith.constant 0 : i32
    %scan3A_9 = arith.constant 128 : i32
    %scan3A_10 = arith.addi %scan3A_8, %scan3A_9 : i32
    %scan3A_11 = arith.constant 1 : i32
    %scan3A_12 = scf.for %scan3A_81 = %scan3A_8 to %scan3A_10 step %scan3A_11 iter_args(%scan3A_82 = %scan3A) -> (i32)  : i32 {
      %swap3A = arith.index_cast %scan3A_81 : i32 to index
      %swap3A_83 = arith.constant 0 : index
      %swap3A_84 = tpu.vector_load %arg12[%swap3A, %swap3A_83] {strides = array<i32>} : memref<128x128xf32, #tpu.memory_space<vmem>>, vector<1x16xf32>,
      %swap3A_85 = vector.shape_cast %swap3A_84 : vector<1x16xf32> to vector<16xf32>
      %swap3A_86 = vector.shape_cast %broadcast_in_dim3A_7 : vector<16xf32> to vector<1x16xf32>
      tpu.vector_store %arg12[%swap3A, %swap3A_83], %swap3A_86 {strides = array<i32>} : memref<128x128xf32, #tpu.memory_space<vmem>>, vector<1x16xf32>,
      %swap3A_87 = arith.index_cast %scan3A_81 : i32 to index
      %swap3A_88 = arith.constant 16 : index
      %swap3A_89 = tpu.vector_load %arg12[%swap3A_87, %swap3A_88] {strides = array<i32>} : memref<128x128xf32, #tpu.memory_space<vmem>>, vector<1x16xf32>,
      %swap3A_90 = vector.shape_cast %swap3A_89 : vector<1x16xf32> to vector<16xf32>
      %swap3A_91 = vector.shape_cast %broadcast_in_dim3A_7 : vector<16xf32> to vector<1x16xf32>
      tpu.vector_store %arg12[%swap3A_87, %swap3A_88], %swap3A_91 {strides = array<i32>} : memref<128x128xf32, #tpu.memory_space<vmem>>, vector<1x16xf32>,
      %swap3A_92 = arith.index_cast %scan3A_81 : i32 to index
      %swap3A_93 = arith.constant 32 : index
      %swap3A_94 = tpu.vector_load %arg12[%swap3A_92, %swap3A_93] {strides = array<i32>} : memref<128x128xf32, #tpu.memory_space<vmem>>, vector<1x16xf32>,
      %swap3A_95 = vector.shape_cast %swap3A_94 : vector<1x16xf32> to vector<16xf32>
      %swap3A_96 = vector.shape_cast %broadcast_in_dim3A_7 : vector<16xf32> to vector<1x16xf32>
      tpu.vector_store %arg12[%swap3A_92, %swap3A_93], %swap3A_96 {strides = array<i32>} : memref<128x128xf32, #tpu.memory_space<vmem>>, vector<1x16xf32>,
      %swap3A_97 = arith.index_cast %scan3A_81 : i32 to index
      %swap3A_98 = arith.constant 48 : index
      %swap3A_99 = tpu.vector_load %arg12[%swap3A_97, %swap3A_98] {strides = array<i32>} : memref<128x128xf32, #tpu.memory_space<vmem>>, vector<1x16xf32>,
      %swap3A_100 = vector.shape_cast %swap3A_99 : vector<1x16xf32> to vector<16xf32>
      %swap3A_101 = vector.shape_cast %broadcast_in_dim3A_7 : vector<16xf32> to vector<1x16xf32>
      tpu.vector_store %arg12[%swap3A_97, %swap3A_98], %swap3A_101 {strides = array<i32>} : memref<128x128xf32, #tpu.memory_space<vmem>>, vector<1x16xf32>,
      %swap3A_102 = arith.index_cast %scan3A_81 : i32 to index
      %swap3A_103 = arith.constant 64 : index
      %swap3A_104 = tpu.vector_load %arg12[%swap3A_102, %swap3A_103] {strides = array<i32>} : memref<128x128xf32, #tpu.memory_space<vmem>>, vector<1x16xf32>,
      %swap3A_105 = vector.shape_cast %swap3A_104 : vector<1x16xf32> to vector<16xf32>
      %swap3A_106 = vector.shape_cast %broadcast_in_dim3A_7 : vector<16xf32> to vector<1x16xf32>
      tpu.vector_store %arg12[%swap3A_102, %swap3A_103], %swap3A_106 {strides = array<i32>} : memref<128x128xf32, #tpu.memory_space<vmem>>, vector<1x16xf32>,
      %swap3A_107 = arith.index_cast %scan3A_81 : i32 to index
      %swap3A_108 = arith.constant 80 : index
      %swap3A_109 = tpu.vector_load %arg12[%swap3A_107, %swap3A_108] {strides = array<i32>} : memref<128x128xf32, #tpu.memory_space<vmem>>, vector<1x16xf32>,
      %swap3A_110 = vector.shape_cast %swap3A_109 : vector<1x16xf32> to vector<16xf32>
      %swap3A_111 = vector.shape_cast %broadcast_in_dim3A_7 : vector<16xf32> to vector<1x16xf32>
      tpu.vector_store %arg12[%swap3A_107, %swap3A_108], %swap3A_111 {strides = array<i32>} : memref<128x128xf32, #tpu.memory_space<vmem>>, vector<1x16xf32>,
      %swap3A_112 = arith.index_cast %scan3A_81 : i32 to index
      %swap3A_113 = arith.constant 96 : index
      %swap3A_114 = tpu.vector_load %arg12[%swap3A_112, %swap3A_113] {strides = array<i32>} : memref<128x128xf32, #tpu.memory_space<vmem>>, vector<1x16xf32>,
      %swap3A_115 = vector.shape_cast %swap3A_114 : vector<1x16xf32> to vector<16xf32>
      %swap3A_116 = vector.shape_cast %broadcast_in_dim3A_7 : vector<16xf32> to vector<1x16xf32>
      tpu.vector_store %arg12[%swap3A_112, %swap3A_113], %swap3A_116 {strides = array<i32>} : memref<128x128xf32, #tpu.memory_space<vmem>>, vector<1x16xf32>,
      %swap3A_117 = arith.index_cast %scan3A_81 : i32 to index
      %swap3A_118 = arith.constant 112 : index
      %swap3A_119 = tpu.vector_load %arg12[%swap3A_117, %swap3A_118] {strides = array<i32>} : memref<128x128xf32, #tpu.memory_space<vmem>>, vector<1x16xf32>,
      %swap3A_120 = vector.shape_cast %swap3A_119 : vector<1x16xf32> to vector<16xf32>
      %swap3A_121 = vector.shape_cast %broadcast_in_dim3A_7 : vector<16xf32> to vector<1x16xf32>
      tpu.vector_store %arg12[%swap3A_117, %swap3A_118], %swap3A_121 {strides = array<i32>} : memref<128x128xf32, #tpu.memory_space<vmem>>, vector<1x16xf32>,
      %scan3A_122 = arith.constant 0 : i32
      scf.yield %scan3A_122 : i32
    }
    %scan3A_13 = arith.constant 128 : i32
    %add3A_14 = arith.constant 0 : i32
    %add3A_15 = arith.addi %mul3A_2, %add3A_14 : i32
    "tpu.region"() ({
      %run_scoped3A = tpu.sem_alloc : memref<!tpu.dma_semaphore, #tpu.memory_space<semaphore_mem>>
      %dma_start3A_81 = arith.constant 0 : i32
      %dma_start3A_82 = tpu.memref_slice %arg15[%add3A_15, %dma_start3A_81] : memref<10112x128xf32, #tpu.memory_space<vmem_shared>> -> memref<128x128xf32, #tpu.memory_space<vmem_shared>>
      %dma_start3A_83 = arith.constant 0 : i32
      %dma_start3A_84 = tpu.memref_slice %arg15[%add3A_15, %dma_start3A_83] : memref<10112x128xf32, #tpu.memory_space<vmem_shared>> -> memref<128x128xf32, #tpu.memory_space<vmem_shared>>
      tpu.enqueue_dma source(%arg12 : memref<128x128xf32, #tpu.memory_space<vmem>>) target(%dma_start3A_84 : memref<128x128xf32, #tpu.memory_space<vmem_shared>>) target_semaphore(%run_scoped3A : memref<!tpu.dma_semaphore, #tpu.memory_space<semaphore_mem>>)
      %dma_wait3A_85 = arith.constant 0 : i32
      %dma_wait3A_86 = tpu.memref_slice %arg15[%add3A_15, %dma_wait3A_85] : memref<10112x128xf32, #tpu.memory_space<vmem_shared>> -> memref<128x128xf32, #tpu.memory_space<vmem_shared>>
      %dma_wait3A_87 = arith.constant 0 : i32
      %dma_wait3A_88 = tpu.memref_slice %arg15[%add3A_15, %dma_wait3A_87] : memref<10112x128xf32, #tpu.memory_space<vmem_shared>> -> memref<128x128xf32, #tpu.memory_space<vmem_shared>>
      tpu.wait_dma2 semaphore(%run_scoped3A : memref<!tpu.dma_semaphore, #tpu.memory_space<semaphore_mem>>) src(%arg12 : memref<128x128xf32, #tpu.memory_space<vmem>>) dst(%dma_wait3A_88 : memref<128x128xf32, #tpu.memory_space<vmem_shared>>)
      tpu.yield
    }) : () -> ()
    %add3A_16 = arith.constant 128 : i32
    %add3A_17 = arith.addi %mul3A_2, %add3A_16 : i32
    "tpu.region"() ({
      %run_scoped3A = tpu.sem_alloc : memref<!tpu.dma_semaphore, #tpu.memory_space<semaphore_mem>>
      %dma_start3A_81 = arith.constant 0 : i32
      %dma_start3A_82 = tpu.memref_slice %arg15[%add3A_17, %dma_start3A_81] : memref<10112x128xf32, #tpu.memory_space<vmem_shared>> -> memref<128x128xf32, #tpu.memory_space<vmem_shared>>
      %dma_start3A_83 = arith.constant 0 : i32
      %dma_start3A_84 = tpu.memref_slice %arg15[%add3A_17, %dma_start3A_83] : memref<10112x128xf32, #tpu.memory_space<vmem_shared>> -> memref<128x128xf32, #tpu.memory_space<vmem_shared>>
      tpu.enqueue_dma source(%arg12 : memref<128x128xf32, #tpu.memory_space<vmem>>) target(%dma_start3A_84 : memref<128x128xf32, #tpu.memory_space<vmem_shared>>) target_semaphore(%run_scoped3A : memref<!tpu.dma_semaphore, #tpu.memory_space<semaphore_mem>>)
      %dma_wait3A_85 = arith.constant 0 : i32
      %dma_wait3A_86 = tpu.memref_slice %arg15[%add3A_17, %dma_wait3A_85] : memref<10112x128xf32, #tpu.memory_space<vmem_shared>> -> memref<128x128xf32, #tpu.memory_space<vmem_shared>>
      %dma_wait3A_87 = arith.constant 0 : i32
      %dma_wait3A_88 = tpu.memref_slice %arg15[%add3A_17, %dma_wait3A_87] : memref<10112x128xf32, #tpu.memory_space<vmem_shared>> -> memref<128x128xf32, #tpu.memory_space<vmem_shared>>
      tpu.wait_dma2 semaphore(%run_scoped3A : memref<!tpu.dma_semaphore, #tpu.memory_space<semaphore_mem>>) src(%arg12 : memref<128x128xf32, #tpu.memory_space<vmem>>) dst(%dma_wait3A_88 : memref<128x128xf32, #tpu.memory_space<vmem_shared>>)
      tpu.yield
    }) : () -> ()
    %add3A_18 = arith.constant 256 : i32
    %add3A_19 = arith.addi %mul3A_2, %add3A_18 : i32
    "tpu.region"() ({
      %run_scoped3A = tpu.sem_alloc : memref<!tpu.dma_semaphore, #tpu.memory_space<semaphore_mem>>
      %dma_start3A_81 = arith.constant 0 : i32
      %dma_start3A_82 = tpu.memref_slice %arg15[%add3A_19, %dma_start3A_81] : memref<10112x128xf32, #tpu.memory_space<vmem_shared>> -> memref<128x128xf32, #tpu.memory_space<vmem_shared>>
      %dma_start3A_83 = arith.constant 0 : i32
      %dma_start3A_84 = tpu.memref_slice %arg15[%add3A_19, %dma_start3A_83] : memref<10112x128xf32, #tpu.memory_space<vmem_shared>> -> memref<128x128xf32, #tpu.memory_space<vmem_shared>>
      tpu.enqueue_dma source(%arg12 : memref<128x128xf32, #tpu.memory_space<vmem>>) target(%dma_start3A_84 : memref<128x128xf32, #tpu.memory_space<vmem_shared>>) target_semaphore(%run_scoped3A : memref<!tpu.dma_semaphore, #tpu.memory_space<semaphore_mem>>)
      %dma_wait3A_85 = arith.constant 0 : i32
      %dma_wait3A_86 = tpu.memref_slice %arg15[%add3A_19, %dma_wait3A_85] : memref<10112x128xf32, #tpu.memory_space<vmem_shared>> -> memref<128x128xf32, #tpu.memory_space<vmem_shared>>
      %dma_wait3A_87 = arith.constant 0 : i32
      %dma_wait3A_88 = tpu.memref_slice %arg15[%add3A_19, %dma_wait3A_87] : memref<10112x128xf32, #tpu.memory_space<vmem_shared>> -> memref<128x128xf32, #tpu.memory_space<vmem_shared>>
      tpu.wait_dma2 semaphore(%run_scoped3A : memref<!tpu.dma_semaphore, #tpu.memory_space<semaphore_mem>>) src(%arg12 : memref<128x128xf32, #tpu.memory_space<vmem>>) dst(%dma_wait3A_88 : memref<128x128xf32, #tpu.memory_space<vmem_shared>>)
      tpu.yield
    }) : () -> ()
    %add3A_20 = arith.constant 384 : i32
    %add3A_21 = arith.addi %mul3A_2, %add3A_20 : i32
    "tpu.region"() ({
      %run_scoped3A = tpu.sem_alloc : memref<!tpu.dma_semaphore, #tpu.memory_space<semaphore_mem>>
      %dma_start3A_81 = arith.constant 0 : i32
      %dma_start3A_82 = tpu.memref_slice %arg15[%add3A_21, %dma_start3A_81] : memref<10112x128xf32, #tpu.memory_space<vmem_shared>> -> memref<128x128xf32, #tpu.memory_space<vmem_shared>>
      %dma_start3A_83 = arith.constant 0 : i32
      %dma_start3A_84 = tpu.memref_slice %arg15[%add3A_21, %dma_start3A_83] : memref<10112x128xf32, #tpu.memory_space<vmem_shared>> -> memref<128x128xf32, #tpu.memory_space<vmem_shared>>
      tpu.enqueue_dma source(%arg12 : memref<128x128xf32, #tpu.memory_space<vmem>>) target(%dma_start3A_84 : memref<128x128xf32, #tpu.memory_space<vmem_shared>>) target_semaphore(%run_scoped3A : memref<!tpu.dma_semaphore, #tpu.memory_space<semaphore_mem>>)
      %dma_wait3A_85 = arith.constant 0 : i32
      %dma_wait3A_86 = tpu.memref_slice %arg15[%add3A_21, %dma_wait3A_85] : memref<10112x128xf32, #tpu.memory_space<vmem_shared>> -> memref<128x128xf32, #tpu.memory_space<vmem_shared>>
      %dma_wait3A_87 = arith.constant 0 : i32
      %dma_wait3A_88 = tpu.memref_slice %arg15[%add3A_21, %dma_wait3A_87] : memref<10112x128xf32, #tpu.memory_space<vmem_shared>> -> memref<128x128xf32, #tpu.memory_space<vmem_shared>>
      tpu.wait_dma2 semaphore(%run_scoped3A : memref<!tpu.dma_semaphore, #tpu.memory_space<semaphore_mem>>) src(%arg12 : memref<128x128xf32, #tpu.memory_space<vmem>>) dst(%dma_wait3A_88 : memref<128x128xf32, #tpu.memory_space<vmem_shared>>)
      tpu.yield
    }) : () -> ()
    %add3A_22 = arith.constant 512 : i32
    %add3A_23 = arith.addi %mul3A_2, %add3A_22 : i32
    "tpu.region"() ({
      %run_scoped3A = tpu.sem_alloc : memref<!tpu.dma_semaphore, #tpu.memory_space<semaphore_mem>>
      %dma_start3A_81 = arith.constant 0 : i32
      %dma_start3A_82 = arith.constant 0 : i32
      %dma_start3A_83 = tpu.memref_slice %arg12[%dma_start3A_81, %dma_start3A_82] : memref<128x128xf32, #tpu.memory_space<vmem>> -> memref<120x128xf32, #tpu.memory_space<vmem>>
      %dma_start3A_84 = arith.constant 0 : i32
      %dma_start3A_85 = tpu.memref_slice %arg15[%add3A_23, %dma_start3A_84] : memref<10112x128xf32, #tpu.memory_space<vmem_shared>> -> memref<120x128xf32, #tpu.memory_space<vmem_shared>>
      %dma_start3A_86 = arith.constant 0 : i32
      %dma_start3A_87 = tpu.memref_slice %arg15[%add3A_23, %dma_start3A_86] : memref<10112x128xf32, #tpu.memory_space<vmem_shared>> -> memref<120x128xf32, #tpu.memory_space<vmem_shared>>
      %dma_start3A_88 = arith.constant 0 : i32
      %dma_start3A_89 = arith.constant 0 : i32
      %dma_start3A_90 = tpu.memref_slice %arg12[%dma_start3A_88, %dma_start3A_89] : memref<128x128xf32, #tpu.memory_space<vmem>> -> memref<120x128xf32, #tpu.memory_space<vmem>>
      tpu.enqueue_dma source(%dma_start3A_90 : memref<120x128xf32, #tpu.memory_space<vmem>>) target(%dma_start3A_87 : memref<120x128xf32, #tpu.memory_space<vmem_shared>>) target_semaphore(%run_scoped3A : memref<!tpu.dma_semaphore, #tpu.memory_space<semaphore_mem>>)
      %dma_wait3A_91 = arith.constant 0 : i32
      %dma_wait3A_92 = arith.constant 0 : i32
      %dma_wait3A_93 = tpu.memref_slice %arg12[%dma_wait3A_91, %dma_wait3A_92] : memref<128x128xf32, #tpu.memory_space<vmem>> -> memref<120x128xf32, #tpu.memory_space<vmem>>
      %dma_wait3A_94 = arith.constant 0 : i32
      %dma_wait3A_95 = tpu.memref_slice %arg15[%add3A_23, %dma_wait3A_94] : memref<10112x128xf32, #tpu.memory_space<vmem_shared>> -> memref<120x128xf32, #tpu.memory_space<vmem_shared>>
      %dma_wait3A_96 = arith.constant 0 : i32
      %dma_wait3A_97 = tpu.memref_slice %arg15[%add3A_23, %dma_wait3A_96] : memref<10112x128xf32, #tpu.memory_space<vmem_shared>> -> memref<120x128xf32, #tpu.memory_space<vmem_shared>>
      %dma_wait3A_98 = arith.constant 0 : i32
      %dma_wait3A_99 = arith.constant 0 : i32
      %dma_wait3A_100 = tpu.memref_slice %arg12[%dma_wait3A_98, %dma_wait3A_99] : memref<128x128xf32, #tpu.memory_space<vmem>> -> memref<120x128xf32, #tpu.memory_space<vmem>>
      tpu.wait_dma2 semaphore(%run_scoped3A : memref<!tpu.dma_semaphore, #tpu.memory_space<semaphore_mem>>) src(%dma_wait3A_100 : memref<120x128xf32, #tpu.memory_space<vmem>>) dst(%dma_wait3A_97 : memref<120x128xf32, #tpu.memory_space<vmem_shared>>)
      tpu.yield
    }) : () -> ()
    %barrier3A = arith.constant 0 : index
    tpu.barrier barrier_id(%barrier3A)
    %add3A_24 = arith.constant 0 : i32
    %add3A_25 = arith.addi %mul3A_6, %add3A_24 : i32
    "tpu.region"() ({
      %run_scoped3A = tpu.sem_alloc : memref<!tpu.dma_semaphore, #tpu.memory_space<semaphore_mem>>
      %dma_start3A_81 = tpu.memref_slice %arg3[%add3A_25] : memref<331776xi32, #tpu.memory_space<hbm>> -> memref<128xi32, #tpu.memory_space<hbm>>
      %dma_start3A_82 = tpu.memref_slice %arg3[%add3A_25] : memref<331776xi32, #tpu.memory_space<hbm>> -> memref<128xi32, #tpu.memory_space<hbm>>
      tpu.enqueue_dma source(%dma_start3A_82 : memref<128xi32, #tpu.memory_space<hbm>>) target(%arg6 : memref<128xi32, #tpu.memory_space<vmem>>) target_semaphore(%run_scoped3A : memref<!tpu.dma_semaphore, #tpu.memory_space<semaphore_mem>>)
      %dma_wait3A_83 = tpu.memref_slice %arg3[%add3A_25] : memref<331776xi32, #tpu.memory_space<hbm>> -> memref<128xi32, #tpu.memory_space<hbm>>
      %dma_wait3A_84 = tpu.memref_slice %arg3[%add3A_25] : memref<331776xi32, #tpu.memory_space<hbm>> -> memref<128xi32, #tpu.memory_space<hbm>>
      tpu.wait_dma2 semaphore(%run_scoped3A : memref<!tpu.dma_semaphore, #tpu.memory_space<semaphore_mem>>) src(%dma_wait3A_84 : memref<128xi32, #tpu.memory_space<hbm>>) dst(%arg6 : memref<128xi32, #tpu.memory_space<vmem>>)
      tpu.yield
    }) : () -> ()
    %add3A_26 = arith.constant 0 : i32
    %add3A_27 = arith.addi %mul3A_6, %add3A_26 : i32
    "tpu.region"() ({
      %run_scoped3A = tpu.sem_alloc : memref<!tpu.dma_semaphore, #tpu.memory_space<semaphore_mem>>
      %dma_start3A_81 = tpu.memref_slice %arg4[%add3A_27] : memref<331776xi32, #tpu.memory_space<hbm>> -> memref<128xi32, #tpu.memory_space<hbm>>
      %dma_start3A_82 = tpu.memref_slice %arg4[%add3A_27] : memref<331776xi32, #tpu.memory_space<hbm>> -> memref<128xi32, #tpu.memory_space<hbm>>
      tpu.enqueue_dma source(%dma_start3A_82 : memref<128xi32, #tpu.memory_space<hbm>>) target(%arg9 : memref<128xi32, #tpu.memory_space<vmem>>) target_semaphore(%run_scoped3A : memref<!tpu.dma_semaphore, #tpu.memory_space<semaphore_mem>>)
      %dma_wait3A_83 = tpu.memref_slice %arg4[%add3A_27] : memref<331776xi32, #tpu.memory_space<hbm>> -> memref<128xi32, #tpu.memory_space<hbm>>
      %dma_wait3A_84 = tpu.memref_slice %arg4[%add3A_27] : memref<331776xi32, #tpu.memory_space<hbm>> -> memref<128xi32, #tpu.memory_space<hbm>>
      tpu.wait_dma2 semaphore(%run_scoped3A : memref<!tpu.dma_semaphore, #tpu.memory_space<semaphore_mem>>) src(%dma_wait3A_84 : memref<128xi32, #tpu.memory_space<hbm>>) dst(%arg9 : memref<128xi32, #tpu.memory_space<vmem>>)
      tpu.yield
    }) : () -> ()
    %dma_start3A = arith.constant 0 : i32
    %dma_start3A_28 = arith.constant 0 : i32
    %dma_start3A_29 = tpu.memref_slice %arg2[%dma_start3A, %dma_start3A_28] : memref<10112x128xf32, #tpu.memory_space<hbm>> -> memref<10112x128xf32, #tpu.memory_space<hbm>>
    tpu.enqueue_indirect_dma source(%dma_start3A_29 : memref<10112x128xf32, #tpu.memory_space<hbm>>) target(%arg12 : memref<128x128xf32, #tpu.memory_space<vmem>>) offsets(%arg6 : memref<128xi32, #tpu.memory_space<vmem>>) semaphore(%arg16 : memref<!tpu.dma_semaphore, #tpu.memory_space<semaphore_mem>>)
    %add3A_30 = arith.constant 128 : i32
    %add3A_31 = arith.addi %mul3A_6, %add3A_30 : i32
    "tpu.region"() ({
      %run_scoped3A = tpu.sem_alloc : memref<!tpu.dma_semaphore, #tpu.memory_space<semaphore_mem>>
      %dma_start3A_81 = tpu.memref_slice %arg3[%add3A_31] : memref<331776xi32, #tpu.memory_space<hbm>> -> memref<128xi32, #tpu.memory_space<hbm>>
      %dma_start3A_82 = tpu.memref_slice %arg3[%add3A_31] : memref<331776xi32, #tpu.memory_space<hbm>> -> memref<128xi32, #tpu.memory_space<hbm>>
      tpu.enqueue_dma source(%dma_start3A_82 : memref<128xi32, #tpu.memory_space<hbm>>) target(%arg7 : memref<128xi32, #tpu.memory_space<vmem>>) target_semaphore(%run_scoped3A : memref<!tpu.dma_semaphore, #tpu.memory_space<semaphore_mem>>)
      %dma_wait3A_83 = tpu.memref_slice %arg3[%add3A_31] : memref<331776xi32, #tpu.memory_space<hbm>> -> memref<128xi32, #tpu.memory_space<hbm>>
      %dma_wait3A_84 = tpu.memref_slice %arg3[%add3A_31] : memref<331776xi32, #tpu.memory_space<hbm>> -> memref<128xi32, #tpu.memory_space<hbm>>
      tpu.wait_dma2 semaphore(%run_scoped3A : memref<!tpu.dma_semaphore, #tpu.memory_space<semaphore_mem>>) src(%dma_wait3A_84 : memref<128xi32, #tpu.memory_space<hbm>>) dst(%arg7 : memref<128xi32, #tpu.memory_space<vmem>>)
      tpu.yield
    }) : () -> ()
    %add3A_32 = arith.constant 128 : i32
    %add3A_33 = arith.addi %mul3A_6, %add3A_32 : i32
    "tpu.region"() ({
      %run_scoped3A = tpu.sem_alloc : memref<!tpu.dma_semaphore, #tpu.memory_space<semaphore_mem>>
      %dma_start3A_81 = tpu.memref_slice %arg4[%add3A_33] : memref<331776xi32, #tpu.memory_space<hbm>> -> memref<128xi32, #tpu.memory_space<hbm>>
      %dma_start3A_82 = tpu.memref_slice %arg4[%add3A_33] : memref<331776xi32, #tpu.memory_space<hbm>> -> memref<128xi32, #tpu.memory_space<hbm>>
      tpu.enqueue_dma source(%dma_start3A_82 : memref<128xi32, #tpu.memory_space<hbm>>) target(%arg10 : memref<128xi32, #tpu.memory_space<vmem>>) target_semaphore(%run_scoped3A : memref<!tpu.dma_semaphore, #tpu.memory_space<semaphore_mem>>)
      %dma_wait3A_83 = tpu.memref_slice %arg4[%add3A_33] : memref<331776xi32, #tpu.memory_space<hbm>> -> memref<128xi32, #tpu.memory_space<hbm>>
      %dma_wait3A_84 = tpu.memref_slice %arg4[%add3A_33] : memref<331776xi32, #tpu.memory_space<hbm>> -> memref<128xi32, #tpu.memory_space<hbm>>
      tpu.wait_dma2 semaphore(%run_scoped3A : memref<!tpu.dma_semaphore, #tpu.memory_space<semaphore_mem>>) src(%dma_wait3A_84 : memref<128xi32, #tpu.memory_space<hbm>>) dst(%arg10 : memref<128xi32, #tpu.memory_space<vmem>>)
      tpu.yield
    }) : () -> ()
    %dma_start3A_34 = arith.constant 0 : i32
    %dma_start3A_35 = arith.constant 0 : i32
    %dma_start3A_36 = tpu.memref_slice %arg2[%dma_start3A_34, %dma_start3A_35] : memref<10112x128xf32, #tpu.memory_space<hbm>> -> memref<10112x128xf32, #tpu.memory_space<hbm>>
    tpu.enqueue_indirect_dma source(%dma_start3A_36 : memref<10112x128xf32, #tpu.memory_space<hbm>>) target(%arg13 : memref<128x128xf32, #tpu.memory_space<vmem>>) offsets(%arg7 : memref<128xi32, #tpu.memory_space<vmem>>) semaphore(%arg17 : memref<!tpu.dma_semaphore, #tpu.memory_space<semaphore_mem>>)
    %dma_wait3A = arith.constant 0 : i32
    %dma_wait3A_37 = arith.constant 0 : i32
    %dma_wait3A_38 = tpu.memref_slice %arg2[%dma_wait3A, %dma_wait3A_37] : memref<10112x128xf32, #tpu.memory_space<hbm>> -> memref<10112x128xf32, #tpu.memory_space<hbm>>
    tpu.wait_indirect_dma semaphore(%arg16 : memref<!tpu.dma_semaphore, #tpu.memory_space<semaphore_mem>>) src(%dma_wait3A_38 : memref<10112x128xf32, #tpu.memory_space<hbm>>) dst(%arg12 : memref<128x128xf32, #tpu.memory_space<vmem>>)
    %dma_start3A_39 = arith.constant 0 : i32
    %dma_start3A_40 = arith.constant 0 : i32
    %dma_start3A_41 = tpu.memref_slice %arg15[%dma_start3A_39, %dma_start3A_40] : memref<10112x128xf32, #tpu.memory_space<vmem_shared>> -> memref<10112x128xf32, #tpu.memory_space<vmem_shared>>
    tpu.enqueue_indirect_dma source(%arg12 : memref<128x128xf32, #tpu.memory_space<vmem>>) target(%dma_start3A_41 : memref<10112x128xf32, #tpu.memory_space<vmem_shared>>) offsets(%arg9 : memref<128xi32, #tpu.memory_space<vmem>>) semaphore(%arg19 : memref<!tpu.dma_semaphore, #tpu.memory_space<semaphore_mem>>) {add = true}
    %add3A_42 = arith.constant 256 : i32
    %add3A_43 = arith.addi %mul3A_6, %add3A_42 : i32
    "tpu.region"() ({
      %run_scoped3A = tpu.sem_alloc : memref<!tpu.dma_semaphore, #tpu.memory_space<semaphore_mem>>
      %dma_start3A_81 = tpu.memref_slice %arg3[%add3A_43] : memref<331776xi32, #tpu.memory_space<hbm>> -> memref<128xi32, #tpu.memory_space<hbm>>
      %dma_start3A_82 = tpu.memref_slice %arg3[%add3A_43] : memref<331776xi32, #tpu.memory_space<hbm>> -> memref<128xi32, #tpu.memory_space<hbm>>
      tpu.enqueue_dma source(%dma_start3A_82 : memref<128xi32, #tpu.memory_space<hbm>>) target(%arg8 : memref<128xi32, #tpu.memory_space<vmem>>) target_semaphore(%run_scoped3A : memref<!tpu.dma_semaphore, #tpu.memory_space<semaphore_mem>>)
      %dma_wait3A_83 = tpu.memref_slice %arg3[%add3A_43] : memref<331776xi32, #tpu.memory_space<hbm>> -> memref<128xi32, #tpu.memory_space<hbm>>
      %dma_wait3A_84 = tpu.memref_slice %arg3[%add3A_43] : memref<331776xi32, #tpu.memory_space<hbm>> -> memref<128xi32, #tpu.memory_space<hbm>>
      tpu.wait_dma2 semaphore(%run_scoped3A : memref<!tpu.dma_semaphore, #tpu.memory_space<semaphore_mem>>) src(%dma_wait3A_84 : memref<128xi32, #tpu.memory_space<hbm>>) dst(%arg8 : memref<128xi32, #tpu.memory_space<vmem>>)
      tpu.yield
    }) : () -> ()
    %add3A_44 = arith.constant 256 : i32
    %add3A_45 = arith.addi %mul3A_6, %add3A_44 : i32
    "tpu.region"() ({
      %run_scoped3A = tpu.sem_alloc : memref<!tpu.dma_semaphore, #tpu.memory_space<semaphore_mem>>
      %dma_start3A_81 = tpu.memref_slice %arg4[%add3A_45] : memref<331776xi32, #tpu.memory_space<hbm>> -> memref<128xi32, #tpu.memory_space<hbm>>
      %dma_start3A_82 = tpu.memref_slice %arg4[%add3A_45] : memref<331776xi32, #tpu.memory_space<hbm>> -> memref<128xi32, #tpu.memory_space<hbm>>
      tpu.enqueue_dma source(%dma_start3A_82 : memref<128xi32, #tpu.memory_space<hbm>>) target(%arg11 : memref<128xi32, #tpu.memory_space<vmem>>) target_semaphore(%run_scoped3A : memref<!tpu.dma_semaphore, #tpu.memory_space<semaphore_mem>>)
      %dma_wait3A_83 = tpu.memref_slice %arg4[%add3A_45] : memref<331776xi32, #tpu.memory_space<hbm>> -> memref<128xi32, #tpu.memory_space<hbm>>
      %dma_wait3A_84 = tpu.memref_slice %arg4[%add3A_45] : memref<331776xi32, #tpu.memory_space<hbm>> -> memref<128xi32, #tpu.memory_space<hbm>>
      tpu.wait_dma2 semaphore(%run_scoped3A : memref<!tpu.dma_semaphore, #tpu.memory_space<semaphore_mem>>) src(%dma_wait3A_84 : memref<128xi32, #tpu.memory_space<hbm>>) dst(%arg11 : memref<128xi32, #tpu.memory_space<vmem>>)
      tpu.yield
    }) : () -> ()
    %dma_start3A_46 = arith.constant 0 : i32
    %dma_start3A_47 = arith.constant 0 : i32
    %dma_start3A_48 = tpu.memref_slice %arg2[%dma_start3A_46, %dma_start3A_47] : memref<10112x128xf32, #tpu.memory_space<hbm>> -> memref<10112x128xf32, #tpu.memory_space<hbm>>
    tpu.enqueue_indirect_dma source(%dma_start3A_48 : memref<10112x128xf32, #tpu.memory_space<hbm>>) target(%arg14 : memref<128x128xf32, #tpu.memory_space<vmem>>) offsets(%arg8 : memref<128xi32, #tpu.memory_space<vmem>>) semaphore(%arg18 : memref<!tpu.dma_semaphore, #tpu.memory_space<semaphore_mem>>)
    %dma_wait3A_49 = arith.constant 0 : i32
    %dma_wait3A_50 = arith.constant 0 : i32
    %dma_wait3A_51 = tpu.memref_slice %arg2[%dma_wait3A_49, %dma_wait3A_50] : memref<10112x128xf32, #tpu.memory_space<hbm>> -> memref<10112x128xf32, #tpu.memory_space<hbm>>
    tpu.wait_indirect_dma semaphore(%arg17 : memref<!tpu.dma_semaphore, #tpu.memory_space<semaphore_mem>>) src(%dma_wait3A_51 : memref<10112x128xf32, #tpu.memory_space<hbm>>) dst(%arg13 : memref<128x128xf32, #tpu.memory_space<vmem>>)
    %dma_start3A_52 = arith.constant 0 : i32
    %dma_start3A_53 = arith.constant 0 : i32
    %dma_start3A_54 = tpu.memref_slice %arg15[%dma_start3A_52, %dma_start3A_53] : memref<10112x128xf32, #tpu.memory_space<vmem_shared>> -> memref<10112x128xf32, #tpu.memory_space<vmem_shared>>
    tpu.enqueue_indirect_dma source(%arg13 : memref<128x128xf32, #tpu.memory_space<vmem>>) target(%dma_start3A_54 : memref<10112x128xf32, #tpu.memory_space<vmem_shared>>) offsets(%arg10 : memref<128xi32, #tpu.memory_space<vmem>>) semaphore(%arg20 : memref<!tpu.dma_semaphore, #tpu.memory_space<semaphore_mem>>) {add = true}
    %scan3A_55 = arith.constant 0 : i32
    %scan3A_56 = arith.constant 1 : i32
    %scan3A_57 = arith.constant 26 : i32
    %scan3A_58 = arith.addi %scan3A_56, %scan3A_57 : i32
    %scan3A_59 = arith.constant 1 : i32
    %scan3A_60 = scf.for %scan3A_81 = %scan3A_56 to %scan3A_58 step %scan3A_59 iter_args(%scan3A_82 = %scan3A_55) -> (i32)  : i32 {
      %mul3A_83 = arith.constant 3 : i32
      %mul3A_84 = arith.muli %mul3A_83, %scan3A_81 : i32
      %add3A_85 = arith.constant 0 : i32
      %add3A_86 = arith.addi %mul3A_84, %add3A_85 : i32
      %dma_wait3A_87 = arith.constant 0 : i32
      %dma_wait3A_88 = arith.constant 0 : i32
      %dma_wait3A_89 = tpu.memref_slice %arg15[%dma_wait3A_87, %dma_wait3A_88] : memref<10112x128xf32, #tpu.memory_space<vmem_shared>> -> memref<10112x128xf32, #tpu.memory_space<vmem_shared>>
      tpu.wait_indirect_dma semaphore(%arg19 : memref<!tpu.dma_semaphore, #tpu.memory_space<semaphore_mem>>) src(%arg12 : memref<128x128xf32, #tpu.memory_space<vmem>>) dst(%dma_wait3A_89 : memref<10112x128xf32, #tpu.memory_space<vmem_shared>>)
      %mul3A_90 = arith.constant 128 : i32
      %mul3A_91 = arith.muli %add3A_86, %mul3A_90 : i32
      %add3A_92 = arith.addi %mul3A_6, %mul3A_91 : i32
      "tpu.region"() ({
        %run_scoped3A = tpu.sem_alloc : memref<!tpu.dma_semaphore, #tpu.memory_space<semaphore_mem>>
        %dma_start3A_150 = tpu.memref_slice %arg3[%add3A_92] : memref<331776xi32, #tpu.memory_space<hbm>> -> memref<128xi32, #tpu.memory_space<hbm>>
        %dma_start3A_151 = tpu.memref_slice %arg3[%add3A_92] : memref<331776xi32, #tpu.memory_space<hbm>> -> memref<128xi32, #tpu.memory_space<hbm>>
        tpu.enqueue_dma source(%dma_start3A_151 : memref<128xi32, #tpu.memory_space<hbm>>) target(%arg6 : memref<128xi32, #tpu.memory_space<vmem>>) target_semaphore(%run_scoped3A : memref<!tpu.dma_semaphore, #tpu.memory_space<semaphore_mem>>)
        %dma_wait3A_152 = tpu.memref_slice %arg3[%add3A_92] : memref<331776xi32, #tpu.memory_space<hbm>> -> memref<128xi32, #tpu.memory_space<hbm>>
        %dma_wait3A_153 = tpu.memref_slice %arg3[%add3A_92] : memref<331776xi32, #tpu.memory_space<hbm>> -> memref<128xi32, #tpu.memory_space<hbm>>
        tpu.wait_dma2 semaphore(%run_scoped3A : memref<!tpu.dma_semaphore, #tpu.memory_space<semaphore_mem>>) src(%dma_wait3A_153 : memref<128xi32, #tpu.memory_space<hbm>>) dst(%arg6 : memref<128xi32, #tpu.memory_space<vmem>>)
        tpu.yield
      }) : () -> ()
      %mul3A_93 = arith.constant 128 : i32
      %mul3A_94 = arith.muli %add3A_86, %mul3A_93 : i32
      %add3A_95 = arith.addi %mul3A_6, %mul3A_94 : i32
      "tpu.region"() ({
        %run_scoped3A = tpu.sem_alloc : memref<!tpu.dma_semaphore, #tpu.memory_space<semaphore_mem>>
        %dma_start3A_150 = tpu.memref_slice %arg4[%add3A_95] : memref<331776xi32, #tpu.memory_space<hbm>> -> memref<128xi32, #tpu.memory_space<hbm>>
        %dma_start3A_151 = tpu.memref_slice %arg4[%add3A_95] : memref<331776xi32, #tpu.memory_space<hbm>> -> memref<128xi32, #tpu.memory_space<hbm>>
        tpu.enqueue_dma source(%dma_start3A_151 : memref<128xi32, #tpu.memory_space<hbm>>) target(%arg9 : memref<128xi32, #tpu.memory_space<vmem>>) target_semaphore(%run_scoped3A : memref<!tpu.dma_semaphore, #tpu.memory_space<semaphore_mem>>)
        %dma_wait3A_152 = tpu.memref_slice %arg4[%add3A_95] : memref<331776xi32, #tpu.memory_space<hbm>> -> memref<128xi32, #tpu.memory_space<hbm>>
        %dma_wait3A_153 = tpu.memref_slice %arg4[%add3A_95] : memref<331776xi32, #tpu.memory_space<hbm>> -> memref<128xi32, #tpu.memory_space<hbm>>
        tpu.wait_dma2 semaphore(%run_scoped3A : memref<!tpu.dma_semaphore, #tpu.memory_space<semaphore_mem>>) src(%dma_wait3A_153 : memref<128xi32, #tpu.memory_space<hbm>>) dst(%arg9 : memref<128xi32, #tpu.memory_space<vmem>>)
        tpu.yield
      }) : () -> ()
      %dma_start3A_96 = arith.constant 0 : i32
      %dma_start3A_97 = arith.constant 0 : i32
      %dma_start3A_98 = tpu.memref_slice %arg2[%dma_start3A_96, %dma_start3A_97] : memref<10112x128xf32, #tpu.memory_space<hbm>> -> memref<10112x128xf32, #tpu.memory_space<hbm>>
      tpu.enqueue_indirect_dma source(%dma_start3A_98 : memref<10112x128xf32, #tpu.memory_space<hbm>>) target(%arg12 : memref<128x128xf32, #tpu.memory_space<vmem>>) offsets(%arg6 : memref<128xi32, #tpu.memory_space<vmem>>) semaphore(%arg16 : memref<!tpu.dma_semaphore, #tpu.memory_space<semaphore_mem>>)
      %dma_wait3A_99 = arith.constant 0 : i32
      %dma_wait3A_100 = arith.constant 0 : i32
      %dma_wait3A_101 = tpu.memref_slice %arg2[%dma_wait3A_99, %dma_wait3A_100] : memref<10112x128xf32, #tpu.memory_space<hbm>> -> memref<10112x128xf32, #tpu.memory_space<hbm>>
      tpu.wait_indirect_dma semaphore(%arg18 : memref<!tpu.dma_semaphore, #tpu.memory_space<semaphore_mem>>) src(%dma_wait3A_101 : memref<10112x128xf32, #tpu.memory_space<hbm>>) dst(%arg14 : memref<128x128xf32, #tpu.memory_space<vmem>>)
      %dma_start3A_102 = arith.constant 0 : i32
      %dma_start3A_103 = arith.constant 0 : i32
      %dma_start3A_104 = tpu.memref_slice %arg15[%dma_start3A_102, %dma_start3A_103] : memref<10112x128xf32, #tpu.memory_space<vmem_shared>> -> memref<10112x128xf32, #tpu.memory_space<vmem_shared>>
      tpu.enqueue_indirect_dma source(%arg14 : memref<128x128xf32, #tpu.memory_space<vmem>>) target(%dma_start3A_104 : memref<10112x128xf32, #tpu.memory_space<vmem_shared>>) offsets(%arg11 : memref<128xi32, #tpu.memory_space<vmem>>) semaphore(%arg21 : memref<!tpu.dma_semaphore, #tpu.memory_space<semaphore_mem>>) {add = true}
      %mul3A_105 = arith.constant 3 : i32
      %mul3A_106 = arith.muli %mul3A_105, %scan3A_81 : i32
      %add3A_107 = arith.constant 1 : i32
      %add3A_108 = arith.addi %mul3A_106, %add3A_107 : i32
      %dma_wait3A_109 = arith.constant 0 : i32
      %dma_wait3A_110 = arith.constant 0 : i32
      %dma_wait3A_111 = tpu.memref_slice %arg15[%dma_wait3A_109, %dma_wait3A_110] : memref<10112x128xf32, #tpu.memory_space<vmem_shared>> -> memref<10112x128xf32, #tpu.memory_space<vmem_shared>>
      tpu.wait_indirect_dma semaphore(%arg20 : memref<!tpu.dma_semaphore, #tpu.memory_space<semaphore_mem>>) src(%arg13 : memref<128x128xf32, #tpu.memory_space<vmem>>) dst(%dma_wait3A_111 : memref<10112x128xf32, #tpu.memory_space<vmem_shared>>)
      %mul3A_112 = arith.constant 128 : i32
      %mul3A_113 = arith.muli %add3A_108, %mul3A_112 : i32
      %add3A_114 = arith.addi %mul3A_6, %mul3A_113 : i32
      "tpu.region"() ({
        %run_scoped3A = tpu.sem_alloc : memref<!tpu.dma_semaphore, #tpu.memory_space<semaphore_mem>>
        %dma_start3A_150 = tpu.memref_slice %arg3[%add3A_114] : memref<331776xi32, #tpu.memory_space<hbm>> -> memref<128xi32, #tpu.memory_space<hbm>>
        %dma_start3A_151 = tpu.memref_slice %arg3[%add3A_114] : memref<331776xi32, #tpu.memory_space<hbm>> -> memref<128xi32, #tpu.memory_space<hbm>>
        tpu.enqueue_dma source(%dma_start3A_151 : memref<128xi32, #tpu.memory_space<hbm>>) target(%arg7 : memref<128xi32, #tpu.memory_space<vmem>>) target_semaphore(%run_scoped3A : memref<!tpu.dma_semaphore, #tpu.memory_space<semaphore_mem>>)
        %dma_wait3A_152 = tpu.memref_slice %arg3[%add3A_114] : memref<331776xi32, #tpu.memory_space<hbm>> -> memref<128xi32, #tpu.memory_space<hbm>>
        %dma_wait3A_153 = tpu.memref_slice %arg3[%add3A_114] : memref<331776xi32, #tpu.memory_space<hbm>> -> memref<128xi32, #tpu.memory_space<hbm>>
        tpu.wait_dma2 semaphore(%run_scoped3A : memref<!tpu.dma_semaphore, #tpu.memory_space<semaphore_mem>>) src(%dma_wait3A_153 : memref<128xi32, #tpu.memory_space<hbm>>) dst(%arg7 : memref<128xi32, #tpu.memory_space<vmem>>)
        tpu.yield
      }) : () -> ()
      %mul3A_115 = arith.constant 128 : i32
      %mul3A_116 = arith.muli %add3A_108, %mul3A_115 : i32
      %add3A_117 = arith.addi %mul3A_6, %mul3A_116 : i32
      "tpu.region"() ({
        %run_scoped3A = tpu.sem_alloc : memref<!tpu.dma_semaphore, #tpu.memory_space<semaphore_mem>>
        %dma_start3A_150 = tpu.memref_slice %arg4[%add3A_117] : memref<331776xi32, #tpu.memory_space<hbm>> -> memref<128xi32, #tpu.memory_space<hbm>>
        %dma_start3A_151 = tpu.memref_slice %arg4[%add3A_117] : memref<331776xi32, #tpu.memory_space<hbm>> -> memref<128xi32, #tpu.memory_space<hbm>>
        tpu.enqueue_dma source(%dma_start3A_151 : memref<128xi32, #tpu.memory_space<hbm>>) target(%arg10 : memref<128xi32, #tpu.memory_space<vmem>>) target_semaphore(%run_scoped3A : memref<!tpu.dma_semaphore, #tpu.memory_space<semaphore_mem>>)
        %dma_wait3A_152 = tpu.memref_slice %arg4[%add3A_117] : memref<331776xi32, #tpu.memory_space<hbm>> -> memref<128xi32, #tpu.memory_space<hbm>>
        %dma_wait3A_153 = tpu.memref_slice %arg4[%add3A_117] : memref<331776xi32, #tpu.memory_space<hbm>> -> memref<128xi32, #tpu.memory_space<hbm>>
        tpu.wait_dma2 semaphore(%run_scoped3A : memref<!tpu.dma_semaphore, #tpu.memory_space<semaphore_mem>>) src(%dma_wait3A_153 : memref<128xi32, #tpu.memory_space<hbm>>) dst(%arg10 : memref<128xi32, #tpu.memory_space<vmem>>)
        tpu.yield
      }) : () -> ()
      %dma_start3A_118 = arith.constant 0 : i32
      %dma_start3A_119 = arith.constant 0 : i32
      %dma_start3A_120 = tpu.memref_slice %arg2[%dma_start3A_118, %dma_start3A_119] : memref<10112x128xf32, #tpu.memory_space<hbm>> -> memref<10112x128xf32, #tpu.memory_space<hbm>>
      tpu.enqueue_indirect_dma source(%dma_start3A_120 : memref<10112x128xf32, #tpu.memory_space<hbm>>) target(%arg13 : memref<128x128xf32, #tpu.memory_space<vmem>>) offsets(%arg7 : memref<128xi32, #tpu.memory_space<vmem>>) semaphore(%arg17 : memref<!tpu.dma_semaphore, #tpu.memory_space<semaphore_mem>>)
      %dma_wait3A_121 = arith.constant 0 : i32
      %dma_wait3A_122 = arith.constant 0 : i32
      %dma_wait3A_123 = tpu.memref_slice %arg2[%dma_wait3A_121, %dma_wait3A_122] : memref<10112x128xf32, #tpu.memory_space<hbm>> -> memref<10112x128xf32, #tpu.memory_space<hbm>>
      tpu.wait_indirect_dma semaphore(%arg16 : memref<!tpu.dma_semaphore, #tpu.memory_space<semaphore_mem>>) src(%dma_wait3A_123 : memref<10112x128xf32, #tpu.memory_space<hbm>>) dst(%arg12 : memref<128x128xf32, #tpu.memory_space<vmem>>)
      %dma_start3A_124 = arith.constant 0 : i32
      %dma_start3A_125 = arith.constant 0 : i32
      %dma_start3A_126 = tpu.memref_slice %arg15[%dma_start3A_124, %dma_start3A_125] : memref<10112x128xf32, #tpu.memory_space<vmem_shared>> -> memref<10112x128xf32, #tpu.memory_space<vmem_shared>>
      tpu.enqueue_indirect_dma source(%arg12 : memref<128x128xf32, #tpu.memory_space<vmem>>) target(%dma_start3A_126 : memref<10112x128xf32, #tpu.memory_space<vmem_shared>>) offsets(%arg9 : memref<128xi32, #tpu.memory_space<vmem>>) semaphore(%arg19 : memref<!tpu.dma_semaphore, #tpu.memory_space<semaphore_mem>>) {add = true}
      %mul3A_127 = arith.constant 3 : i32
      %mul3A_128 = arith.muli %mul3A_127, %scan3A_81 : i32
      %add3A_129 = arith.constant 2 : i32
      %add3A_130 = arith.addi %mul3A_128, %add3A_129 : i32
      %dma_wait3A_131 = arith.constant 0 : i32
      %dma_wait3A_132 = arith.constant 0 : i32
      %dma_wait3A_133 = tpu.memref_slice %arg15[%dma_wait3A_131, %dma_wait3A_132] : memref<10112x128xf32, #tpu.memory_space<vmem_shared>> -> memref<10112x128xf32, #tpu.memory_space<vmem_shared>>
      tpu.wait_indirect_dma semaphore(%arg21 : memref<!tpu.dma_semaphore, #tpu.memory_space<semaphore_mem>>) src(%arg14 : memref<128x128xf32, #tpu.memory_space<vmem>>) dst(%dma_wait3A_133 : memref<10112x128xf32, #tpu.memory_space<vmem_shared>>)
      %mul3A_134 = arith.constant 128 : i32
      %mul3A_135 = arith.muli %add3A_130, %mul3A_134 : i32
      %add3A_136 = arith.addi %mul3A_6, %mul3A_135 : i32
      "tpu.region"() ({
        %run_scoped3A = tpu.sem_alloc : memref<!tpu.dma_semaphore, #tpu.memory_space<semaphore_mem>>
        %dma_start3A_150 = tpu.memref_slice %arg3[%add3A_136] : memref<331776xi32, #tpu.memory_space<hbm>> -> memref<128xi32, #tpu.memory_space<hbm>>
        %dma_start3A_151 = tpu.memref_slice %arg3[%add3A_136] : memref<331776xi32, #tpu.memory_space<hbm>> -> memref<128xi32, #tpu.memory_space<hbm>>
        tpu.enqueue_dma source(%dma_start3A_151 : memref<128xi32, #tpu.memory_space<hbm>>) target(%arg8 : memref<128xi32, #tpu.memory_space<vmem>>) target_semaphore(%run_scoped3A : memref<!tpu.dma_semaphore, #tpu.memory_space<semaphore_mem>>)
        %dma_wait3A_152 = tpu.memref_slice %arg3[%add3A_136] : memref<331776xi32, #tpu.memory_space<hbm>> -> memref<128xi32, #tpu.memory_space<hbm>>
        %dma_wait3A_153 = tpu.memref_slice %arg3[%add3A_136] : memref<331776xi32, #tpu.memory_space<hbm>> -> memref<128xi32, #tpu.memory_space<hbm>>
        tpu.wait_dma2 semaphore(%run_scoped3A : memref<!tpu.dma_semaphore, #tpu.memory_space<semaphore_mem>>) src(%dma_wait3A_153 : memref<128xi32, #tpu.memory_space<hbm>>) dst(%arg8 : memref<128xi32, #tpu.memory_space<vmem>>)
        tpu.yield
      }) : () -> ()
      %mul3A_137 = arith.constant 128 : i32
      %mul3A_138 = arith.muli %add3A_130, %mul3A_137 : i32
      %add3A_139 = arith.addi %mul3A_6, %mul3A_138 : i32
      "tpu.region"() ({
        %run_scoped3A = tpu.sem_alloc : memref<!tpu.dma_semaphore, #tpu.memory_space<semaphore_mem>>
        %dma_start3A_150 = tpu.memref_slice %arg4[%add3A_139] : memref<331776xi32, #tpu.memory_space<hbm>> -> memref<128xi32, #tpu.memory_space<hbm>>
        %dma_start3A_151 = tpu.memref_slice %arg4[%add3A_139] : memref<331776xi32, #tpu.memory_space<hbm>> -> memref<128xi32, #tpu.memory_space<hbm>>
        tpu.enqueue_dma source(%dma_start3A_151 : memref<128xi32, #tpu.memory_space<hbm>>) target(%arg11 : memref<128xi32, #tpu.memory_space<vmem>>) target_semaphore(%run_scoped3A : memref<!tpu.dma_semaphore, #tpu.memory_space<semaphore_mem>>)
        %dma_wait3A_152 = tpu.memref_slice %arg4[%add3A_139] : memref<331776xi32, #tpu.memory_space<hbm>> -> memref<128xi32, #tpu.memory_space<hbm>>
        %dma_wait3A_153 = tpu.memref_slice %arg4[%add3A_139] : memref<331776xi32, #tpu.memory_space<hbm>> -> memref<128xi32, #tpu.memory_space<hbm>>
        tpu.wait_dma2 semaphore(%run_scoped3A : memref<!tpu.dma_semaphore, #tpu.memory_space<semaphore_mem>>) src(%dma_wait3A_153 : memref<128xi32, #tpu.memory_space<hbm>>) dst(%arg11 : memref<128xi32, #tpu.memory_space<vmem>>)
        tpu.yield
      }) : () -> ()
      %dma_start3A_140 = arith.constant 0 : i32
      %dma_start3A_141 = arith.constant 0 : i32
      %dma_start3A_142 = tpu.memref_slice %arg2[%dma_start3A_140, %dma_start3A_141] : memref<10112x128xf32, #tpu.memory_space<hbm>> -> memref<10112x128xf32, #tpu.memory_space<hbm>>
      tpu.enqueue_indirect_dma source(%dma_start3A_142 : memref<10112x128xf32, #tpu.memory_space<hbm>>) target(%arg14 : memref<128x128xf32, #tpu.memory_space<vmem>>) offsets(%arg8 : memref<128xi32, #tpu.memory_space<vmem>>) semaphore(%arg18 : memref<!tpu.dma_semaphore, #tpu.memory_space<semaphore_mem>>)
      %dma_wait3A_143 = arith.constant 0 : i32
      %dma_wait3A_144 = arith.constant 0 : i32
      %dma_wait3A_145 = tpu.memref_slice %arg2[%dma_wait3A_143, %dma_wait3A_144] : memref<10112x128xf32, #tpu.memory_space<hbm>> -> memref<10112x128xf32, #tpu.memory_space<hbm>>
      tpu.wait_indirect_dma semaphore(%arg17 : memref<!tpu.dma_semaphore, #tpu.memory_space<semaphore_mem>>) src(%dma_wait3A_145 : memref<10112x128xf32, #tpu.memory_space<hbm>>) dst(%arg13 : memref<128x128xf32, #tpu.memory_space<vmem>>)
      %dma_start3A_146 = arith.constant 0 : i32
      %dma_start3A_147 = arith.constant 0 : i32
      %dma_start3A_148 = tpu.memref_slice %arg15[%dma_start3A_146, %dma_start3A_147] : memref<10112x128xf32, #tpu.memory_space<vmem_shared>> -> memref<10112x128xf32, #tpu.memory_space<vmem_shared>>
      tpu.enqueue_indirect_dma source(%arg13 : memref<128x128xf32, #tpu.memory_space<vmem>>) target(%dma_start3A_148 : memref<10112x128xf32, #tpu.memory_space<vmem_shared>>) offsets(%arg10 : memref<128xi32, #tpu.memory_space<vmem>>) semaphore(%arg20 : memref<!tpu.dma_semaphore, #tpu.memory_space<semaphore_mem>>) {add = true}
      %scan3A_149 = arith.constant 0 : i32
      scf.yield %scan3A_149 : i32
    }
    %scan3A_61 = arith.constant 26 : i32
    %dma_wait3A_62 = arith.constant 0 : i32
    %dma_wait3A_63 = arith.constant 0 : i32
    %dma_wait3A_64 = tpu.memref_slice %arg2[%dma_wait3A_62, %dma_wait3A_63] : memref<10112x128xf32, #tpu.memory_space<hbm>> -> memref<10112x128xf32, #tpu.memory_space<hbm>>
    tpu.wait_indirect_dma semaphore(%arg18 : memref<!tpu.dma_semaphore, #tpu.memory_space<semaphore_mem>>) src(%dma_wait3A_64 : memref<10112x128xf32, #tpu.memory_space<hbm>>) dst(%arg14 : memref<128x128xf32, #tpu.memory_space<vmem>>)
    %dma_start3A_65 = arith.constant 0 : i32
    %dma_start3A_66 = arith.constant 0 : i32
    %dma_start3A_67 = tpu.memref_slice %arg15[%dma_start3A_65, %dma_start3A_66] : memref<10112x128xf32, #tpu.memory_space<vmem_shared>> -> memref<10112x128xf32, #tpu.memory_space<vmem_shared>>
    tpu.enqueue_indirect_dma source(%arg14 : memref<128x128xf32, #tpu.memory_space<vmem>>) target(%dma_start3A_67 : memref<10112x128xf32, #tpu.memory_space<vmem_shared>>) offsets(%arg11 : memref<128xi32, #tpu.memory_space<vmem>>) semaphore(%arg21 : memref<!tpu.dma_semaphore, #tpu.memory_space<semaphore_mem>>) {add = true}
    %dma_wait3A_68 = arith.constant 0 : i32
    %dma_wait3A_69 = arith.constant 0 : i32
    %dma_wait3A_70 = tpu.memref_slice %arg15[%dma_wait3A_68, %dma_wait3A_69] : memref<10112x128xf32, #tpu.memory_space<vmem_shared>> -> memref<10112x128xf32, #tpu.memory_space<vmem_shared>>
    tpu.wait_indirect_dma semaphore(%arg19 : memref<!tpu.dma_semaphore, #tpu.memory_space<semaphore_mem>>) src(%arg12 : memref<128x128xf32, #tpu.memory_space<vmem>>) dst(%dma_wait3A_70 : memref<10112x128xf32, #tpu.memory_space<vmem_shared>>)
    %dma_wait3A_71 = arith.constant 0 : i32
    %dma_wait3A_72 = arith.constant 0 : i32
    %dma_wait3A_73 = tpu.memref_slice %arg15[%dma_wait3A_71, %dma_wait3A_72] : memref<10112x128xf32, #tpu.memory_space<vmem_shared>> -> memref<10112x128xf32, #tpu.memory_space<vmem_shared>>
    tpu.wait_indirect_dma semaphore(%arg20 : memref<!tpu.dma_semaphore, #tpu.memory_space<semaphore_mem>>) src(%arg13 : memref<128x128xf32, #tpu.memory_space<vmem>>) dst(%dma_wait3A_73 : memref<10112x128xf32, #tpu.memory_space<vmem_shared>>)
    %dma_wait3A_74 = arith.constant 0 : i32
    %dma_wait3A_75 = arith.constant 0 : i32
    %dma_wait3A_76 = tpu.memref_slice %arg15[%dma_wait3A_74, %dma_wait3A_75] : memref<10112x128xf32, #tpu.memory_space<vmem_shared>> -> memref<10112x128xf32, #tpu.memory_space<vmem_shared>>
    tpu.wait_indirect_dma semaphore(%arg21 : memref<!tpu.dma_semaphore, #tpu.memory_space<semaphore_mem>>) src(%arg14 : memref<128x128xf32, #tpu.memory_space<vmem>>) dst(%dma_wait3A_76 : memref<10112x128xf32, #tpu.memory_space<vmem_shared>>)
    %barrier3A_77 = arith.constant 0 : index
    tpu.barrier barrier_id(%barrier3A_77)
    %mul3A_78 = arith.constant 10112 : i32
    %mul3A_79 = arith.muli %arg0, %mul3A_78 : i32
    %add3A_80 = arith.addi %mul3A_79, %mul3A_2 : i32
    "tpu.region"() ({
      %run_scoped3A = tpu.sem_alloc : memref<!tpu.dma_semaphore, #tpu.memory_space<semaphore_mem>>
      %dma_start3A_81 = arith.constant 0 : i32
      %dma_start3A_82 = tpu.memref_slice %arg5[%add3A_80, %dma_start3A_81] : memref<20224x128xf32, #tpu.memory_space<hbm>> -> memref<632x128xf32, #tpu.memory_space<hbm>>
      %dma_start3A_83 = arith.constant 0 : i32
      %dma_start3A_84 = tpu.memref_slice %arg15[%mul3A_2, %dma_start3A_83] : memref<10112x128xf32, #tpu.memory_space<vmem_shared>> -> memref<632x128xf32, #tpu.memory_space<vmem_shared>>
      tpu.enqueue_dma source(%dma_start3A_84 : memref<632x128xf32, #tpu.memory_space<vmem_shared>>) target(%dma_start3A_82 : memref<632x128xf32, #tpu.memory_space<hbm>>) target_semaphore(%run_scoped3A : memref<!tpu.dma_semaphore, #tpu.memory_space<semaphore_mem>>)
      %dma_wait3A_85 = arith.constant 0 : i32
      %dma_wait3A_86 = tpu.memref_slice %arg5[%add3A_80, %dma_wait3A_85] : memref<20224x128xf32, #tpu.memory_space<hbm>> -> memref<632x128xf32, #tpu.memory_space<hbm>>
      %dma_wait3A_87 = arith.constant 0 : i32
      %dma_wait3A_88 = tpu.memref_slice %arg15[%mul3A_2, %dma_wait3A_87] : memref<10112x128xf32, #tpu.memory_space<vmem_shared>> -> memref<632x128xf32, #tpu.memory_space<vmem_shared>>
      tpu.wait_dma2 semaphore(%run_scoped3A : memref<!tpu.dma_semaphore, #tpu.memory_space<semaphore_mem>>) src(%dma_wait3A_88 : memref<632x128xf32, #tpu.memory_space<vmem_shared>>) dst(%dma_wait3A_86 : memref<632x128xf32, #tpu.memory_space<hbm>>)
      tpu.yield
    }) : () -> ()
    return
  }
}

module attributes {stable_mosaic.version = 14 : i64} {
  func.func @_proj_body(%arg0: i32, %arg1: memref<1264x128xf32, #tpu.memory_space<vmem>>, %arg2: memref<128x128xf32, #tpu.memory_space<vmem>>, %arg3: memref<1x128xf32, #tpu.memory_space<vmem>>, %arg4: memref<1264x128xf32, #tpu.memory_space<vmem>>) attributes {dimension_semantics = [#tpu.dimension_semantics<arbitrary>], iteration_bounds = array<i64: 8>, scalar_prefetch = 0 : i64, scratch_operands = 0 : i64, tpu.core_type = #tpu.core_type<tc>, window_params = [{transform_indices = @transform_0, window_bounds = array<i64: 1264, 128>}, {pipeline_mode = #tpu.pipeline_mode<synchronous>, transform_indices = @transform_1, window_bounds = array<i64: 128, 128>}, {pipeline_mode = #tpu.pipeline_mode<synchronous>, transform_indices = @transform_2, window_bounds = array<i64: 1, 128>}, {transform_indices = @transform_3, window_bounds = array<i64: 1264, 128>}]} {
    %get3A = arith.constant 0 : index
    %get3A_0 = arith.constant 0 : index
    %get3A_1 = vector.load %arg1[%get3A, %get3A_0] : memref<1264x128xf32, #tpu.memory_space<vmem>>, vector<1264x128xf32>
    %get3A_2 = arith.constant 0 : index
    %get3A_3 = arith.constant 0 : index
    %get3A_4 = vector.load %arg2[%get3A_2, %get3A_3] : memref<128x128xf32, #tpu.memory_space<vmem>>, vector<128x128xf32>
    %dot_general3A = arith.constant dense<0.000000e+00> : vector<1264x128xf32>
    %dot_general3A_5 = tpu.matmul %get3A_1, %get3A_4, %dot_general3A {dimension_numbers = #tpu.dot_dimension_numbers<[1], [0], [0], [1], [0, 0, 1, 1], [], []>, precision = #tpu.contract_precision<fp32>, transpose_lhs_hint = false} : vector<1264x128xf32>, vector<128x128xf32>, vector<1264x128xf32> -> vector<1264x128xf32>
    %get3A_6 = arith.constant 0 : index
    %get3A_7 = arith.constant 0 : index
    %get3A_8 = vector.load %arg3[%get3A_6, %get3A_7] : memref<1x128xf32, #tpu.memory_space<vmem>>, vector<1x128xf32>
    %add3A = vector.broadcast %get3A_8 : vector<1x128xf32> to vector<1264x128xf32>
    %add3A_9 = arith.addf %dot_general3A_5, %add3A : vector<1264x128xf32>
    %max3A = arith.constant 0.000000e+00 : f32
    %max3A_10 = vector.broadcast %max3A : f32 to vector<1264x128xf32>
    %max3A_11 = arith.maximumf %add3A_9, %max3A_10 : vector<1264x128xf32>
    %swap3A = arith.constant 0 : index
    %swap3A_12 = arith.constant 0 : index
    %swap3A_13 = vector.load %arg4[%swap3A, %swap3A_12] : memref<1264x128xf32, #tpu.memory_space<vmem>>, vector<1264x128xf32>
    tpu.vector_store %arg4[%swap3A, %swap3A_12], %max3A_11 {strides = array<i32>} : memref<1264x128xf32, #tpu.memory_space<vmem>>, vector<1264x128xf32>,
    return
  }
  func.func @transform_0(%arg0: i32) -> (i32, i32) {
    %c0_i32 = arith.constant 0 : i32
    %c0_i32_0 = arith.constant 0 : i32
    return %arg0, %c0_i32 : i32, i32
  }
  func.func @transform_1(%arg0: i32) -> (i32, i32) {
    %c0_i32 = arith.constant 0 : i32
    %c0_i32_0 = arith.constant 0 : i32
    %c0_i32_1 = arith.constant 0 : i32
    return %c0_i32, %c0_i32_0 : i32, i32
  }
  func.func @transform_2(%arg0: i32) -> (i32, i32) {
    %c0_i32 = arith.constant 0 : i32
    %c0_i32_0 = arith.constant 0 : i32
    %c0_i32_1 = arith.constant 0 : i32
    return %c0_i32, %c0_i32_0 : i32, i32
  }
  func.func @transform_3(%arg0: i32) -> (i32, i32) {
    %c0_i32 = arith.constant 0 : i32
    %c0_i32_0 = arith.constant 0 : i32
    return %arg0, %c0_i32 : i32, i32
  }
}

module attributes {stable_mosaic.version = 14 : i64} {
  func.func @_layer1_body(%arg0: i32, %arg1: memref<1264x128xf32, #tpu.memory_space<vmem>>, %arg2: memref<1264x128xf32, #tpu.memory_space<vmem>>, %arg3: memref<1264x128xf32, #tpu.memory_space<vmem>>, %arg4: memref<1264x128xf32, #tpu.memory_space<vmem>>, %arg5: memref<1264x128xf32, #tpu.memory_space<vmem>>, %arg6: memref<128x128xf32, #tpu.memory_space<vmem>>, %arg7: memref<1x128xf32, #tpu.memory_space<vmem>>, %arg8: memref<1264x128xf32, #tpu.memory_space<vmem>>, %arg9: memref<1264x128xf32, #tpu.memory_space<vmem>>) attributes {dimension_semantics = [#tpu.dimension_semantics<arbitrary>], iteration_bounds = array<i64: 8>, scalar_prefetch = 0 : i64, scratch_operands = 0 : i64, tpu.core_type = #tpu.core_type<tc>, window_params = [{transform_indices = @transform_0, window_bounds = array<i64: 1264, 128>}, {transform_indices = @transform_1, window_bounds = array<i64: 1264, 128>}, {transform_indices = @transform_2, window_bounds = array<i64: 1264, 128>}, {transform_indices = @transform_3, window_bounds = array<i64: 1264, 128>}, {transform_indices = @transform_4, window_bounds = array<i64: 1264, 128>}, {pipeline_mode = #tpu.pipeline_mode<synchronous>, transform_indices = @transform_5, window_bounds = array<i64: 128, 128>}, {pipeline_mode = #tpu.pipeline_mode<synchronous>, transform_indices = @transform_6, window_bounds = array<i64: 1, 128>}, {transform_indices = @transform_7, window_bounds = array<i64: 1264, 128>}, {transform_indices = @transform_8, window_bounds = array<i64: 1264, 128>}]} {
    %get3A = arith.constant 0 : index
    %get3A_0 = arith.constant 0 : index
    %get3A_1 = vector.load %arg3[%get3A, %get3A_0] : memref<1264x128xf32, #tpu.memory_space<vmem>>, vector<1264x128xf32>
    %get3A_2 = arith.constant 0 : index
    %get3A_3 = arith.constant 0 : index
    %get3A_4 = vector.load %arg4[%get3A_2, %get3A_3] : memref<1264x128xf32, #tpu.memory_space<vmem>>, vector<1264x128xf32>
    %add3A = arith.addf %get3A_1, %get3A_4 : vector<1264x128xf32>
    %max3A = arith.constant 1.000000e+00 : f32
    %max3A_5 = vector.broadcast %max3A : f32 to vector<1264x128xf32>
    %max3A_6 = arith.maximumf %add3A, %max3A_5 : vector<1264x128xf32>
    %div3A = arith.constant 1.000000e+00 : f32
    %div3A_7 = vector.broadcast %div3A : f32 to vector<1264x128xf32>
    %div3A_8 = arith.divf %div3A_7, %max3A_6 : vector<1264x128xf32>
    %slice3A = vector.extract_strided_slice %div3A_8 {offsets = [0, 0], sizes = [1264, 1], strides = [1, 1]} : vector<1264x128xf32> to vector<1264x1xf32>
    %broadcast_in_dim3A = vector.shape_cast %slice3A : vector<1264x1xf32> to vector<1264x1xf32>
    %broadcast_in_dim3A_9 = vector.broadcast %broadcast_in_dim3A : vector<1264x1xf32> to vector<1264x128xf32>
    %swap3A = arith.constant 0 : index
    %swap3A_10 = arith.constant 0 : index
    %swap3A_11 = vector.load %arg9[%swap3A, %swap3A_10] : memref<1264x128xf32, #tpu.memory_space<vmem>>, vector<1264x128xf32>
    tpu.vector_store %arg9[%swap3A, %swap3A_10], %broadcast_in_dim3A_9 {strides = array<i32>} : memref<1264x128xf32, #tpu.memory_space<vmem>>, vector<1264x128xf32>,
    %get3A_12 = arith.constant 0 : index
    %get3A_13 = arith.constant 0 : index
    %get3A_14 = vector.load %arg1[%get3A_12, %get3A_13] : memref<1264x128xf32, #tpu.memory_space<vmem>>, vector<1264x128xf32>
    %get3A_15 = arith.constant 0 : index
    %get3A_16 = arith.constant 0 : index
    %get3A_17 = vector.load %arg2[%get3A_15, %get3A_16] : memref<1264x128xf32, #tpu.memory_space<vmem>>, vector<1264x128xf32>
    %add3A_18 = arith.addf %get3A_14, %get3A_17 : vector<1264x128xf32>
    %mul3A = arith.mulf %add3A_18, %broadcast_in_dim3A_9 : vector<1264x128xf32>
    %get3A_19 = arith.constant 0 : index
    %get3A_20 = arith.constant 0 : index
    %get3A_21 = vector.load %arg6[%get3A_19, %get3A_20] : memref<128x128xf32, #tpu.memory_space<vmem>>, vector<128x128xf32>
    %dot_general3A = arith.constant dense<0.000000e+00> : vector<1264x128xf32>
    %dot_general3A_22 = tpu.matmul %mul3A, %get3A_21, %dot_general3A {dimension_numbers = #tpu.dot_dimension_numbers<[1], [0], [0], [1], [0, 0, 1, 1], [], []>, precision = #tpu.contract_precision<fp32>, transpose_lhs_hint = false} : vector<1264x128xf32>, vector<128x128xf32>, vector<1264x128xf32> -> vector<1264x128xf32>
    %get3A_23 = arith.constant 0 : index
    %get3A_24 = arith.constant 0 : index
    %get3A_25 = vector.load %arg7[%get3A_23, %get3A_24] : memref<1x128xf32, #tpu.memory_space<vmem>>, vector<1x128xf32>
    %add3A_26 = vector.broadcast %get3A_25 : vector<1x128xf32> to vector<1264x128xf32>
    %add3A_27 = arith.addf %dot_general3A_22, %add3A_26 : vector<1264x128xf32>
    %max3A_28 = arith.constant 0.000000e+00 : f32
    %max3A_29 = vector.broadcast %max3A_28 : f32 to vector<1264x128xf32>
    %max3A_30 = arith.maximumf %add3A_27, %max3A_29 : vector<1264x128xf32>
    %get3A_31 = arith.constant 0 : index
    %get3A_32 = arith.constant 0 : index
    %get3A_33 = vector.load %arg5[%get3A_31, %get3A_32] : memref<1264x128xf32, #tpu.memory_space<vmem>>, vector<1264x128xf32>
    %add3A_34 = arith.addf %max3A_30, %get3A_33 : vector<1264x128xf32>
    %swap3A_35 = arith.constant 0 : index
    %swap3A_36 = arith.constant 0 : index
    %swap3A_37 = vector.load %arg8[%swap3A_35, %swap3A_36] : memref<1264x128xf32, #tpu.memory_space<vmem>>, vector<1264x128xf32>
    tpu.vector_store %arg8[%swap3A_35, %swap3A_36], %add3A_34 {strides = array<i32>} : memref<1264x128xf32, #tpu.memory_space<vmem>>, vector<1264x128xf32>,
    return
  }
  func.func @transform_0(%arg0: i32) -> (i32, i32) {
    %c0_i32 = arith.constant 0 : i32
    %c0_i32_0 = arith.constant 0 : i32
    return %arg0, %c0_i32 : i32, i32
  }
  func.func @transform_1(%arg0: i32) -> (i32, i32) {
    %add3A = arith.constant 8 : i32
    %add3A_0 = arith.addi %arg0, %add3A : i32
    %c0_i32 = arith.constant 0 : i32
    %c0_i32_1 = arith.constant 0 : i32
    return %add3A_0, %c0_i32 : i32, i32
  }
  func.func @transform_2(%arg0: i32) -> (i32, i32) {
    %c0_i32 = arith.constant 0 : i32
    %c0_i32_0 = arith.constant 0 : i32
    return %arg0, %c0_i32 : i32, i32
  }
  func.func @transform_3(%arg0: i32) -> (i32, i32) {
    %add3A = arith.constant 8 : i32
    %add3A_0 = arith.addi %arg0, %add3A : i32
    %c0_i32 = arith.constant 0 : i32
    %c0_i32_1 = arith.constant 0 : i32
    return %add3A_0, %c0_i32 : i32, i32
  }
  func.func @transform_4(%arg0: i32) -> (i32, i32) {
    %c0_i32 = arith.constant 0 : i32
    %c0_i32_0 = arith.constant 0 : i32
    return %arg0, %c0_i32 : i32, i32
  }
  func.func @transform_5(%arg0: i32) -> (i32, i32) {
    %c0_i32 = arith.constant 0 : i32
    %c0_i32_0 = arith.constant 0 : i32
    %c0_i32_1 = arith.constant 0 : i32
    return %c0_i32, %c0_i32_0 : i32, i32
  }
  func.func @transform_6(%arg0: i32) -> (i32, i32) {
    %c0_i32 = arith.constant 0 : i32
    %c0_i32_0 = arith.constant 0 : i32
    %c0_i32_1 = arith.constant 0 : i32
    return %c0_i32, %c0_i32_0 : i32, i32
  }
  func.func @transform_7(%arg0: i32) -> (i32, i32) {
    %c0_i32 = arith.constant 0 : i32
    %c0_i32_0 = arith.constant 0 : i32
    return %arg0, %c0_i32 : i32, i32
  }
  func.func @transform_8(%arg0: i32) -> (i32, i32) {
    %c0_i32 = arith.constant 0 : i32
    %c0_i32_0 = arith.constant 0 : i32
    return %arg0, %c0_i32 : i32, i32
  }
}

module attributes {stable_mosaic.version = 14 : i64} {
  func.func @_layer_body(%arg0: i32, %arg1: memref<1264x128xf32, #tpu.memory_space<vmem>>, %arg2: memref<1264x128xf32, #tpu.memory_space<vmem>>, %arg3: memref<1264x128xf32, #tpu.memory_space<vmem>>, %arg4: memref<1264x128xf32, #tpu.memory_space<vmem>>, %arg5: memref<128x128xf32, #tpu.memory_space<vmem>>, %arg6: memref<1x128xf32, #tpu.memory_space<vmem>>, %arg7: memref<1264x128xf32, #tpu.memory_space<vmem>>) attributes {dimension_semantics = [#tpu.dimension_semantics<arbitrary>], iteration_bounds = array<i64: 8>, scalar_prefetch = 0 : i64, scratch_operands = 0 : i64, tpu.core_type = #tpu.core_type<tc>, window_params = [{transform_indices = @transform_0, window_bounds = array<i64: 1264, 128>}, {transform_indices = @transform_1, window_bounds = array<i64: 1264, 128>}, {transform_indices = @transform_2, window_bounds = array<i64: 1264, 128>}, {transform_indices = @transform_3, window_bounds = array<i64: 1264, 128>}, {pipeline_mode = #tpu.pipeline_mode<synchronous>, transform_indices = @transform_4, window_bounds = array<i64: 128, 128>}, {pipeline_mode = #tpu.pipeline_mode<synchronous>, transform_indices = @transform_5, window_bounds = array<i64: 1, 128>}, {transform_indices = @transform_6, window_bounds = array<i64: 1264, 128>}]} {
    %get3A = arith.constant 0 : index
    %get3A_0 = arith.constant 0 : index
    %get3A_1 = vector.load %arg1[%get3A, %get3A_0] : memref<1264x128xf32, #tpu.memory_space<vmem>>, vector<1264x128xf32>
    %get3A_2 = arith.constant 0 : index
    %get3A_3 = arith.constant 0 : index
    %get3A_4 = vector.load %arg2[%get3A_2, %get3A_3] : memref<1264x128xf32, #tpu.memory_space<vmem>>, vector<1264x128xf32>
    %add3A = arith.addf %get3A_1, %get3A_4 : vector<1264x128xf32>
    %get3A_5 = arith.constant 0 : index
    %get3A_6 = arith.constant 0 : index
    %get3A_7 = vector.load %arg3[%get3A_5, %get3A_6] : memref<1264x128xf32, #tpu.memory_space<vmem>>, vector<1264x128xf32>
    %mul3A = arith.mulf %add3A, %get3A_7 : vector<1264x128xf32>
    %get3A_8 = arith.constant 0 : index
    %get3A_9 = arith.constant 0 : index
    %get3A_10 = vector.load %arg5[%get3A_8, %get3A_9] : memref<128x128xf32, #tpu.memory_space<vmem>>, vector<128x128xf32>
    %dot_general3A = arith.constant dense<0.000000e+00> : vector<1264x128xf32>
    %dot_general3A_11 = tpu.matmul %mul3A, %get3A_10, %dot_general3A {dimension_numbers = #tpu.dot_dimension_numbers<[1], [0], [0], [1], [0, 0, 1, 1], [], []>, precision = #tpu.contract_precision<fp32>, transpose_lhs_hint = false} : vector<1264x128xf32>, vector<128x128xf32>, vector<1264x128xf32> -> vector<1264x128xf32>
    %get3A_12 = arith.constant 0 : index
    %get3A_13 = arith.constant 0 : index
    %get3A_14 = vector.load %arg6[%get3A_12, %get3A_13] : memref<1x128xf32, #tpu.memory_space<vmem>>, vector<1x128xf32>
    %add3A_15 = vector.broadcast %get3A_14 : vector<1x128xf32> to vector<1264x128xf32>
    %add3A_16 = arith.addf %dot_general3A_11, %add3A_15 : vector<1264x128xf32>
    %max3A = arith.constant 0.000000e+00 : f32
    %max3A_17 = vector.broadcast %max3A : f32 to vector<1264x128xf32>
    %max3A_18 = arith.maximumf %add3A_16, %max3A_17 : vector<1264x128xf32>
    %get3A_19 = arith.constant 0 : index
    %get3A_20 = arith.constant 0 : index
    %get3A_21 = vector.load %arg4[%get3A_19, %get3A_20] : memref<1264x128xf32, #tpu.memory_space<vmem>>, vector<1264x128xf32>
    %add3A_22 = arith.addf %max3A_18, %get3A_21 : vector<1264x128xf32>
    %swap3A = arith.constant 0 : index
    %swap3A_23 = arith.constant 0 : index
    %swap3A_24 = vector.load %arg7[%swap3A, %swap3A_23] : memref<1264x128xf32, #tpu.memory_space<vmem>>, vector<1264x128xf32>
    tpu.vector_store %arg7[%swap3A, %swap3A_23], %add3A_22 {strides = array<i32>} : memref<1264x128xf32, #tpu.memory_space<vmem>>, vector<1264x128xf32>,
    return
  }
  func.func @transform_0(%arg0: i32) -> (i32, i32) {
    %c0_i32 = arith.constant 0 : i32
    %c0_i32_0 = arith.constant 0 : i32
    return %arg0, %c0_i32 : i32, i32
  }
  func.func @transform_1(%arg0: i32) -> (i32, i32) {
    %add3A = arith.constant 8 : i32
    %add3A_0 = arith.addi %arg0, %add3A : i32
    %c0_i32 = arith.constant 0 : i32
    %c0_i32_1 = arith.constant 0 : i32
    return %add3A_0, %c0_i32 : i32, i32
  }
  func.func @transform_2(%arg0: i32) -> (i32, i32) {
    %c0_i32 = arith.constant 0 : i32
    %c0_i32_0 = arith.constant 0 : i32
    return %arg0, %c0_i32 : i32, i32
  }
  func.func @transform_3(%arg0: i32) -> (i32, i32) {
    %c0_i32 = arith.constant 0 : i32
    %c0_i32_0 = arith.constant 0 : i32
    return %arg0, %c0_i32 : i32, i32
  }
  func.func @transform_4(%arg0: i32) -> (i32, i32) {
    %c0_i32 = arith.constant 0 : i32
    %c0_i32_0 = arith.constant 0 : i32
    %c0_i32_1 = arith.constant 0 : i32
    return %c0_i32, %c0_i32_0 : i32, i32
  }
  func.func @transform_5(%arg0: i32) -> (i32, i32) {
    %c0_i32 = arith.constant 0 : i32
    %c0_i32_0 = arith.constant 0 : i32
    %c0_i32_1 = arith.constant 0 : i32
    return %c0_i32, %c0_i32_0 : i32, i32
  }
  func.func @transform_6(%arg0: i32) -> (i32, i32) {
    %c0_i32 = arith.constant 0 : i32
    %c0_i32_0 = arith.constant 0 : i32
    return %arg0, %c0_i32 : i32, i32
  }
}

module attributes {stable_mosaic.version = 14 : i64} {
  func.func @_heads_body(%arg0: memref<512x20x128xf32, #tpu.memory_space<vmem>>, %arg1: memref<4x256x128xf32, #tpu.memory_space<vmem>>, %arg2: memref<4x128xf32, #tpu.memory_space<vmem>>, %arg3: memref<4x128xf32, #tpu.memory_space<vmem>>, %arg4: memref<4x128xf32, #tpu.memory_space<vmem>>, %arg5: memref<128x128xf32, #tpu.memory_space<vmem>>, %arg6: memref<1x128xf32, #tpu.memory_space<vmem>>, %arg7: memref<4x256x128xf32, #tpu.memory_space<vmem>>, %arg8: memref<4x128xf32, #tpu.memory_space<vmem>>, %arg9: memref<4x128x56xf32, #tpu.memory_space<vmem>>, %arg10: memref<4x56xf32, #tpu.memory_space<vmem>>, %arg11: memref<128x128xf32, #tpu.memory_space<vmem>>, %arg12: memref<1x128xf32, #tpu.memory_space<vmem>>, %arg13: memref<128x1xf32, #tpu.memory_space<vmem>>, %arg14: memref<1x1xf32, #tpu.memory_space<vmem>>, %arg15: memref<512x56xf32, #tpu.memory_space<vmem>>, %arg16: memref<512x56xf32, #tpu.memory_space<vmem>>, %arg17: memref<512x56xf32, #tpu.memory_space<vmem>>, %arg18: memref<512x56xf32, #tpu.memory_space<vmem>>, %arg19: memref<512x1xf32, #tpu.memory_space<vmem>>) attributes {dimension_semantics = [], scalar_prefetch = 0 : i64, scratch_operands = 0 : i64, tpu.core_type = #tpu.core_type<tc>} {
    %get3A = arith.constant 0 : index
    %get3A_0 = arith.constant 0 : index
    %get3A_1 = arith.constant 0 : index
    %get3A_2 = vector.load %arg0[%get3A, %get3A_0, %get3A_1] : memref<512x20x128xf32, #tpu.memory_space<vmem>>, vector<512x20x128xf32>
    %get3A_3 = arith.constant 0 : index
    %get3A_4 = arith.constant 0 : index
    %get3A_5 = vector.load %arg2[%get3A_3, %get3A_4] : memref<4x128xf32, #tpu.memory_space<vmem>>, vector<4x128xf32>
    %get3A_6 = arith.constant 0 : index
    %get3A_7 = arith.constant 0 : index
    %get3A_8 = vector.load %arg3[%get3A_6, %get3A_7] : memref<4x128xf32, #tpu.memory_space<vmem>>, vector<4x128xf32>
    %get3A_9 = arith.constant 0 : index
    %get3A_10 = arith.constant 0 : index
    %get3A_11 = vector.load %arg4[%get3A_9, %get3A_10] : memref<4x128xf32, #tpu.memory_space<vmem>>, vector<4x128xf32>
    %get3A_12 = arith.constant 0 : index
    %get3A_13 = arith.constant 0 : index
    %get3A_14 = vector.load %arg8[%get3A_12, %get3A_13] : memref<4x128xf32, #tpu.memory_space<vmem>>, vector<4x128xf32>
    %get3A_15 = arith.constant 0 : index
    %get3A_16 = arith.constant 0 : index
    %get3A_17 = vector.load %arg10[%get3A_15, %get3A_16] : memref<4x56xf32, #tpu.memory_space<vmem>>, vector<4x56xf32>
    %slice3A = vector.extract_strided_slice %get3A_2 {offsets = [0, 0, 0], sizes = [512, 1, 128], strides = [1, 1, 1]} : vector<512x20x128xf32> to vector<512x1x128xf32>
    %squeeze3A = vector.shape_cast %slice3A : vector<512x1x128xf32> to vector<512x128xf32>
    %slice3A_18 = vector.extract_strided_slice %get3A_2 {offsets = [0, 0, 0], sizes = [512, 1, 128], strides = [1, 1, 1]} : vector<512x20x128xf32> to vector<512x1x128xf32>
    %squeeze3A_19 = vector.shape_cast %slice3A_18 : vector<512x1x128xf32> to vector<512x128xf32>
    %slice3A_20 = vector.extract_strided_slice %get3A_2 {offsets = [0, 1, 0], sizes = [512, 1, 128], strides = [1, 1, 1]} : vector<512x20x128xf32> to vector<512x1x128xf32>
    %squeeze3A_21 = vector.shape_cast %slice3A_20 : vector<512x1x128xf32> to vector<512x128xf32>
    %add3A = arith.addf %squeeze3A, %squeeze3A_21 : vector<512x128xf32>
    %max3A = arith.maximumf %squeeze3A_19, %squeeze3A_21 : vector<512x128xf32>
    %slice3A_22 = vector.extract_strided_slice %get3A_2 {offsets = [0, 2, 0], sizes = [512, 1, 128], strides = [1, 1, 1]} : vector<512x20x128xf32> to vector<512x1x128xf32>
    %squeeze3A_23 = vector.shape_cast %slice3A_22 : vector<512x1x128xf32> to vector<512x128xf32>
    %add3A_24 = arith.addf %add3A, %squeeze3A_23 : vector<512x128xf32>
    %max3A_25 = arith.maximumf %max3A, %squeeze3A_23 : vector<512x128xf32>
    %slice3A_26 = vector.extract_strided_slice %get3A_2 {offsets = [0, 3, 0], sizes = [512, 1, 128], strides = [1, 1, 1]} : vector<512x20x128xf32> to vector<512x1x128xf32>
    %squeeze3A_27 = vector.shape_cast %slice3A_26 : vector<512x1x128xf32> to vector<512x128xf32>
    %add3A_28 = arith.addf %add3A_24, %squeeze3A_27 : vector<512x128xf32>
    %max3A_29 = arith.maximumf %max3A_25, %squeeze3A_27 : vector<512x128xf32>
    %slice3A_30 = vector.extract_strided_slice %get3A_2 {offsets = [0, 4, 0], sizes = [512, 1, 128], strides = [1, 1, 1]} : vector<512x20x128xf32> to vector<512x1x128xf32>
    %squeeze3A_31 = vector.shape_cast %slice3A_30 : vector<512x1x128xf32> to vector<512x128xf32>
    %add3A_32 = arith.addf %add3A_28, %squeeze3A_31 : vector<512x128xf32>
    %max3A_33 = arith.maximumf %max3A_29, %squeeze3A_31 : vector<512x128xf32>
    %slice3A_34 = vector.extract_strided_slice %get3A_2 {offsets = [0, 5, 0], sizes = [512, 1, 128], strides = [1, 1, 1]} : vector<512x20x128xf32> to vector<512x1x128xf32>
    %squeeze3A_35 = vector.shape_cast %slice3A_34 : vector<512x1x128xf32> to vector<512x128xf32>
    %add3A_36 = arith.addf %add3A_32, %squeeze3A_35 : vector<512x128xf32>
    %max3A_37 = arith.maximumf %max3A_33, %squeeze3A_35 : vector<512x128xf32>
    %slice3A_38 = vector.extract_strided_slice %get3A_2 {offsets = [0, 6, 0], sizes = [512, 1, 128], strides = [1, 1, 1]} : vector<512x20x128xf32> to vector<512x1x128xf32>
    %squeeze3A_39 = vector.shape_cast %slice3A_38 : vector<512x1x128xf32> to vector<512x128xf32>
    %add3A_40 = arith.addf %add3A_36, %squeeze3A_39 : vector<512x128xf32>
    %max3A_41 = arith.maximumf %max3A_37, %squeeze3A_39 : vector<512x128xf32>
    %slice3A_42 = vector.extract_strided_slice %get3A_2 {offsets = [0, 7, 0], sizes = [512, 1, 128], strides = [1, 1, 1]} : vector<512x20x128xf32> to vector<512x1x128xf32>
    %squeeze3A_43 = vector.shape_cast %slice3A_42 : vector<512x1x128xf32> to vector<512x128xf32>
    %add3A_44 = arith.addf %add3A_40, %squeeze3A_43 : vector<512x128xf32>
    %max3A_45 = arith.maximumf %max3A_41, %squeeze3A_43 : vector<512x128xf32>
    %mul3A = arith.constant 1.250000e-01 : f32
    %mul3A_46 = vector.broadcast %mul3A : f32 to vector<512x128xf32>
    %mul3A_47 = arith.mulf %add3A_44, %mul3A_46 : vector<512x128xf32>
    %get3A_48 = arith.constant 0 : index
    %get3A_49 = arith.constant 0 : index
    %get3A_50 = arith.constant 0 : index
    %get3A_51 = vector.load %arg1[%get3A_48, %get3A_49, %get3A_50] : memref<4x256x128xf32, #tpu.memory_space<vmem>>, vector<1x128x128xf32>
    %get3A_52 = vector.shape_cast %get3A_51 : vector<1x128x128xf32> to vector<128x128xf32>
    %dot_general3A = arith.constant dense<0.000000e+00> : vector<512x128xf32>
    %dot_general3A_53 = tpu.matmul %mul3A_47, %get3A_52, %dot_general3A {dimension_numbers = #tpu.dot_dimension_numbers<[1], [0], [0], [1], [0, 0, 1, 1], [], []>, precision = #tpu.contract_precision<fp32>, transpose_lhs_hint = false} : vector<512x128xf32>, vector<128x128xf32>, vector<512x128xf32> -> vector<512x128xf32>
    %get3A_54 = arith.constant 0 : index
    %get3A_55 = arith.constant 128 : index
    %get3A_56 = arith.constant 0 : index
    %get3A_57 = vector.load %arg1[%get3A_54, %get3A_55, %get3A_56] : memref<4x256x128xf32, #tpu.memory_space<vmem>>, vector<1x128x128xf32>
    %get3A_58 = vector.shape_cast %get3A_57 : vector<1x128x128xf32> to vector<128x128xf32>
    %dot_general3A_59 = arith.constant dense<0.000000e+00> : vector<512x128xf32>
    %dot_general3A_60 = tpu.matmul %max3A_45, %get3A_58, %dot_general3A_59 {dimension_numbers = #tpu.dot_dimension_numbers<[1], [0], [0], [1], [0, 0, 1, 1], [], []>, precision = #tpu.contract_precision<fp32>, transpose_lhs_hint = false} : vector<512x128xf32>, vector<128x128xf32>, vector<512x128xf32> -> vector<512x128xf32>
    %add3A_61 = arith.addf %dot_general3A_53, %dot_general3A_60 : vector<512x128xf32>
    %slice3A_62 = vector.extract_strided_slice %get3A_5 {offsets = [0, 0], sizes = [1, 128], strides = [1, 1]} : vector<4x128xf32> to vector<1x128xf32>
    %add3A_63 = vector.broadcast %slice3A_62 : vector<1x128xf32> to vector<512x128xf32>
    %add3A_64 = arith.addf %add3A_61, %add3A_63 : vector<512x128xf32>
    %reduce_sum3A = arith.constant dense<0.000000e+00> : vector<512xf32>
    %reduce_sum3A_65 = vector.multi_reduction <add>, %add3A_64, %reduce_sum3A [1] : vector<512x128xf32> to vector<512xf32>
    %broadcast_in_dim3A = vector.shape_cast %reduce_sum3A_65 : vector<512xf32> to vector<512x1xf32>
    %div3A = arith.constant 1.280000e+02 : f32
    %div3A_66 = vector.broadcast %div3A : f32 to vector<512x1xf32>
    %div3A_67 = arith.divf %broadcast_in_dim3A, %div3A_66 : vector<512x1xf32>
    %sub3A = vector.broadcast %div3A_67 : vector<512x1xf32> to vector<512x128xf32>
    %sub3A_68 = arith.subf %add3A_64, %sub3A : vector<512x128xf32>
    %integer_pow3A = arith.mulf %sub3A_68, %sub3A_68 : vector<512x128xf32>
    %reduce_sum3A_69 = arith.constant dense<0.000000e+00> : vector<512xf32>
    %reduce_sum3A_70 = vector.multi_reduction <add>, %integer_pow3A, %reduce_sum3A_69 [1] : vector<512x128xf32> to vector<512xf32>
    %broadcast_in_dim3A_71 = vector.shape_cast %reduce_sum3A_70 : vector<512xf32> to vector<512x1xf32>
    %div3A_72 = arith.constant 1.280000e+02 : f32
    %div3A_73 = vector.broadcast %div3A_72 : f32 to vector<512x1xf32>
    %div3A_74 = arith.divf %broadcast_in_dim3A_71, %div3A_73 : vector<512x1xf32>
    %sub3A_75 = vector.broadcast %div3A_67 : vector<512x1xf32> to vector<512x128xf32>
    %sub3A_76 = arith.subf %add3A_64, %sub3A_75 : vector<512x128xf32>
    %add3A_77 = arith.constant 9.99999974E-6 : f32
    %add3A_78 = vector.broadcast %add3A_77 : f32 to vector<512x1xf32>
    %add3A_79 = arith.addf %div3A_74, %add3A_78 : vector<512x1xf32>
    %sqrt3A = math.sqrt %add3A_79 : vector<512x1xf32>
    %div3A_80 = vector.broadcast %sqrt3A : vector<512x1xf32> to vector<512x128xf32>
    %div3A_81 = arith.divf %sub3A_76, %div3A_80 : vector<512x128xf32>
    %slice3A_82 = vector.extract_strided_slice %get3A_8 {offsets = [0, 0], sizes = [1, 128], strides = [1, 1]} : vector<4x128xf32> to vector<1x128xf32>
    %mul3A_83 = vector.broadcast %slice3A_82 : vector<1x128xf32> to vector<512x128xf32>
    %mul3A_84 = arith.mulf %div3A_81, %mul3A_83 : vector<512x128xf32>
    %slice3A_85 = vector.extract_strided_slice %get3A_11 {offsets = [0, 0], sizes = [1, 128], strides = [1, 1]} : vector<4x128xf32> to vector<1x128xf32>
    %add3A_86 = vector.broadcast %slice3A_85 : vector<1x128xf32> to vector<512x128xf32>
    %add3A_87 = arith.addf %mul3A_84, %add3A_86 : vector<512x128xf32>
    %max3A_88 = arith.constant 0.000000e+00 : f32
    %max3A_89 = vector.broadcast %max3A_88 : f32 to vector<512x128xf32>
    %max3A_90 = arith.maximumf %add3A_87, %max3A_89 : vector<512x128xf32>
    %slice3A_91 = vector.extract_strided_slice %get3A_2 {offsets = [0, 4, 0], sizes = [512, 1, 128], strides = [1, 1, 1]} : vector<512x20x128xf32> to vector<512x1x128xf32>
    %squeeze3A_92 = vector.shape_cast %slice3A_91 : vector<512x1x128xf32> to vector<512x128xf32>
    %slice3A_93 = vector.extract_strided_slice %get3A_2 {offsets = [0, 4, 0], sizes = [512, 1, 128], strides = [1, 1, 1]} : vector<512x20x128xf32> to vector<512x1x128xf32>
    %squeeze3A_94 = vector.shape_cast %slice3A_93 : vector<512x1x128xf32> to vector<512x128xf32>
    %slice3A_95 = vector.extract_strided_slice %get3A_2 {offsets = [0, 5, 0], sizes = [512, 1, 128], strides = [1, 1, 1]} : vector<512x20x128xf32> to vector<512x1x128xf32>
    %squeeze3A_96 = vector.shape_cast %slice3A_95 : vector<512x1x128xf32> to vector<512x128xf32>
    %add3A_97 = arith.addf %squeeze3A_92, %squeeze3A_96 : vector<512x128xf32>
    %max3A_98 = arith.maximumf %squeeze3A_94, %squeeze3A_96 : vector<512x128xf32>
    %slice3A_99 = vector.extract_strided_slice %get3A_2 {offsets = [0, 6, 0], sizes = [512, 1, 128], strides = [1, 1, 1]} : vector<512x20x128xf32> to vector<512x1x128xf32>
    %squeeze3A_100 = vector.shape_cast %slice3A_99 : vector<512x1x128xf32> to vector<512x128xf32>
    %add3A_101 = arith.addf %add3A_97, %squeeze3A_100 : vector<512x128xf32>
    %max3A_102 = arith.maximumf %max3A_98, %squeeze3A_100 : vector<512x128xf32>
    %slice3A_103 = vector.extract_strided_slice %get3A_2 {offsets = [0, 7, 0], sizes = [512, 1, 128], strides = [1, 1, 1]} : vector<512x20x128xf32> to vector<512x1x128xf32>
    %squeeze3A_104 = vector.shape_cast %slice3A_103 : vector<512x1x128xf32> to vector<512x128xf32>
    %add3A_105 = arith.addf %add3A_101, %squeeze3A_104 : vector<512x128xf32>
    %max3A_106 = arith.maximumf %max3A_102, %squeeze3A_104 : vector<512x128xf32>
    %slice3A_107 = vector.extract_strided_slice %get3A_2 {offsets = [0, 8, 0], sizes = [512, 1, 128], strides = [1, 1, 1]} : vector<512x20x128xf32> to vector<512x1x128xf32>
    %squeeze3A_108 = vector.shape_cast %slice3A_107 : vector<512x1x128xf32> to vector<512x128xf32>
    %add3A_109 = arith.addf %add3A_105, %squeeze3A_108 : vector<512x128xf32>
    %max3A_110 = arith.maximumf %max3A_106, %squeeze3A_108 : vector<512x128xf32>
    %slice3A_111 = vector.extract_strided_slice %get3A_2 {offsets = [0, 9, 0], sizes = [512, 1, 128], strides = [1, 1, 1]} : vector<512x20x128xf32> to vector<512x1x128xf32>
    %squeeze3A_112 = vector.shape_cast %slice3A_111 : vector<512x1x128xf32> to vector<512x128xf32>
    %add3A_113 = arith.addf %add3A_109, %squeeze3A_112 : vector<512x128xf32>
    %max3A_114 = arith.maximumf %max3A_110, %squeeze3A_112 : vector<512x128xf32>
    %slice3A_115 = vector.extract_strided_slice %get3A_2 {offsets = [0, 10, 0], sizes = [512, 1, 128], strides = [1, 1, 1]} : vector<512x20x128xf32> to vector<512x1x128xf32>
    %squeeze3A_116 = vector.shape_cast %slice3A_115 : vector<512x1x128xf32> to vector<512x128xf32>
    %add3A_117 = arith.addf %add3A_113, %squeeze3A_116 : vector<512x128xf32>
    %max3A_118 = arith.maximumf %max3A_114, %squeeze3A_116 : vector<512x128xf32>
    %slice3A_119 = vector.extract_strided_slice %get3A_2 {offsets = [0, 11, 0], sizes = [512, 1, 128], strides = [1, 1, 1]} : vector<512x20x128xf32> to vector<512x1x128xf32>
    %squeeze3A_120 = vector.shape_cast %slice3A_119 : vector<512x1x128xf32> to vector<512x128xf32>
    %add3A_121 = arith.addf %add3A_117, %squeeze3A_120 : vector<512x128xf32>
    %max3A_122 = arith.maximumf %max3A_118, %squeeze3A_120 : vector<512x128xf32>
    %mul3A_123 = arith.constant 1.250000e-01 : f32
    %mul3A_124 = vector.broadcast %mul3A_123 : f32 to vector<512x128xf32>
    %mul3A_125 = arith.mulf %add3A_121, %mul3A_124 : vector<512x128xf32>
    %get3A_126 = arith.constant 1 : index
    %get3A_127 = arith.constant 0 : index
    %get3A_128 = arith.constant 0 : index
    %get3A_129 = vector.load %arg1[%get3A_126, %get3A_127, %get3A_128] : memref<4x256x128xf32, #tpu.memory_space<vmem>>, vector<1x128x128xf32>
    %get3A_130 = vector.shape_cast %get3A_129 : vector<1x128x128xf32> to vector<128x128xf32>
    %dot_general3A_131 = arith.constant dense<0.000000e+00> : vector<512x128xf32>
    %dot_general3A_132 = tpu.matmul %mul3A_125, %get3A_130, %dot_general3A_131 {dimension_numbers = #tpu.dot_dimension_numbers<[1], [0], [0], [1], [0, 0, 1, 1], [], []>, precision = #tpu.contract_precision<fp32>, transpose_lhs_hint = false} : vector<512x128xf32>, vector<128x128xf32>, vector<512x128xf32> -> vector<512x128xf32>
    %get3A_133 = arith.constant 1 : index
    %get3A_134 = arith.constant 128 : index
    %get3A_135 = arith.constant 0 : index
    %get3A_136 = vector.load %arg1[%get3A_133, %get3A_134, %get3A_135] : memref<4x256x128xf32, #tpu.memory_space<vmem>>, vector<1x128x128xf32>
    %get3A_137 = vector.shape_cast %get3A_136 : vector<1x128x128xf32> to vector<128x128xf32>
    %dot_general3A_138 = arith.constant dense<0.000000e+00> : vector<512x128xf32>
    %dot_general3A_139 = tpu.matmul %max3A_122, %get3A_137, %dot_general3A_138 {dimension_numbers = #tpu.dot_dimension_numbers<[1], [0], [0], [1], [0, 0, 1, 1], [], []>, precision = #tpu.contract_precision<fp32>, transpose_lhs_hint = false} : vector<512x128xf32>, vector<128x128xf32>, vector<512x128xf32> -> vector<512x128xf32>
    %add3A_140 = arith.addf %dot_general3A_132, %dot_general3A_139 : vector<512x128xf32>
    %slice3A_141 = vector.extract_strided_slice %get3A_5 {offsets = [1, 0], sizes = [1, 128], strides = [1, 1]} : vector<4x128xf32> to vector<1x128xf32>
    %add3A_142 = vector.broadcast %slice3A_141 : vector<1x128xf32> to vector<512x128xf32>
    %add3A_143 = arith.addf %add3A_140, %add3A_142 : vector<512x128xf32>
    %reduce_sum3A_144 = arith.constant dense<0.000000e+00> : vector<512xf32>
    %reduce_sum3A_145 = vector.multi_reduction <add>, %add3A_143, %reduce_sum3A_144 [1] : vector<512x128xf32> to vector<512xf32>
    %broadcast_in_dim3A_146 = vector.shape_cast %reduce_sum3A_145 : vector<512xf32> to vector<512x1xf32>
    %div3A_147 = arith.constant 1.280000e+02 : f32
    %div3A_148 = vector.broadcast %div3A_147 : f32 to vector<512x1xf32>
    %div3A_149 = arith.divf %broadcast_in_dim3A_146, %div3A_148 : vector<512x1xf32>
    %sub3A_150 = vector.broadcast %div3A_149 : vector<512x1xf32> to vector<512x128xf32>
    %sub3A_151 = arith.subf %add3A_143, %sub3A_150 : vector<512x128xf32>
    %integer_pow3A_152 = arith.mulf %sub3A_151, %sub3A_151 : vector<512x128xf32>
    %reduce_sum3A_153 = arith.constant dense<0.000000e+00> : vector<512xf32>
    %reduce_sum3A_154 = vector.multi_reduction <add>, %integer_pow3A_152, %reduce_sum3A_153 [1] : vector<512x128xf32> to vector<512xf32>
    %broadcast_in_dim3A_155 = vector.shape_cast %reduce_sum3A_154 : vector<512xf32> to vector<512x1xf32>
    %div3A_156 = arith.constant 1.280000e+02 : f32
    %div3A_157 = vector.broadcast %div3A_156 : f32 to vector<512x1xf32>
    %div3A_158 = arith.divf %broadcast_in_dim3A_155, %div3A_157 : vector<512x1xf32>
    %sub3A_159 = vector.broadcast %div3A_149 : vector<512x1xf32> to vector<512x128xf32>
    %sub3A_160 = arith.subf %add3A_143, %sub3A_159 : vector<512x128xf32>
    %add3A_161 = arith.constant 9.99999974E-6 : f32
    %add3A_162 = vector.broadcast %add3A_161 : f32 to vector<512x1xf32>
    %add3A_163 = arith.addf %div3A_158, %add3A_162 : vector<512x1xf32>
    %sqrt3A_164 = math.sqrt %add3A_163 : vector<512x1xf32>
    %div3A_165 = vector.broadcast %sqrt3A_164 : vector<512x1xf32> to vector<512x128xf32>
    %div3A_166 = arith.divf %sub3A_160, %div3A_165 : vector<512x128xf32>
    %slice3A_167 = vector.extract_strided_slice %get3A_8 {offsets = [1, 0], sizes = [1, 128], strides = [1, 1]} : vector<4x128xf32> to vector<1x128xf32>
    %mul3A_168 = vector.broadcast %slice3A_167 : vector<1x128xf32> to vector<512x128xf32>
    %mul3A_169 = arith.mulf %div3A_166, %mul3A_168 : vector<512x128xf32>
    %slice3A_170 = vector.extract_strided_slice %get3A_11 {offsets = [1, 0], sizes = [1, 128], strides = [1, 1]} : vector<4x128xf32> to vector<1x128xf32>
    %add3A_171 = vector.broadcast %slice3A_170 : vector<1x128xf32> to vector<512x128xf32>
    %add3A_172 = arith.addf %mul3A_169, %add3A_171 : vector<512x128xf32>
    %max3A_173 = arith.constant 0.000000e+00 : f32
    %max3A_174 = vector.broadcast %max3A_173 : f32 to vector<512x128xf32>
    %max3A_175 = arith.maximumf %add3A_172, %max3A_174 : vector<512x128xf32>
    %slice3A_176 = vector.extract_strided_slice %get3A_2 {offsets = [0, 8, 0], sizes = [512, 1, 128], strides = [1, 1, 1]} : vector<512x20x128xf32> to vector<512x1x128xf32>
    %squeeze3A_177 = vector.shape_cast %slice3A_176 : vector<512x1x128xf32> to vector<512x128xf32>
    %slice3A_178 = vector.extract_strided_slice %get3A_2 {offsets = [0, 8, 0], sizes = [512, 1, 128], strides = [1, 1, 1]} : vector<512x20x128xf32> to vector<512x1x128xf32>
    %squeeze3A_179 = vector.shape_cast %slice3A_178 : vector<512x1x128xf32> to vector<512x128xf32>
    %slice3A_180 = vector.extract_strided_slice %get3A_2 {offsets = [0, 9, 0], sizes = [512, 1, 128], strides = [1, 1, 1]} : vector<512x20x128xf32> to vector<512x1x128xf32>
    %squeeze3A_181 = vector.shape_cast %slice3A_180 : vector<512x1x128xf32> to vector<512x128xf32>
    %add3A_182 = arith.addf %squeeze3A_177, %squeeze3A_181 : vector<512x128xf32>
    %max3A_183 = arith.maximumf %squeeze3A_179, %squeeze3A_181 : vector<512x128xf32>
    %slice3A_184 = vector.extract_strided_slice %get3A_2 {offsets = [0, 10, 0], sizes = [512, 1, 128], strides = [1, 1, 1]} : vector<512x20x128xf32> to vector<512x1x128xf32>
    %squeeze3A_185 = vector.shape_cast %slice3A_184 : vector<512x1x128xf32> to vector<512x128xf32>
    %add3A_186 = arith.addf %add3A_182, %squeeze3A_185 : vector<512x128xf32>
    %max3A_187 = arith.maximumf %max3A_183, %squeeze3A_185 : vector<512x128xf32>
    %slice3A_188 = vector.extract_strided_slice %get3A_2 {offsets = [0, 11, 0], sizes = [512, 1, 128], strides = [1, 1, 1]} : vector<512x20x128xf32> to vector<512x1x128xf32>
    %squeeze3A_189 = vector.shape_cast %slice3A_188 : vector<512x1x128xf32> to vector<512x128xf32>
    %add3A_190 = arith.addf %add3A_186, %squeeze3A_189 : vector<512x128xf32>
    %max3A_191 = arith.maximumf %max3A_187, %squeeze3A_189 : vector<512x128xf32>
    %slice3A_192 = vector.extract_strided_slice %get3A_2 {offsets = [0, 12, 0], sizes = [512, 1, 128], strides = [1, 1, 1]} : vector<512x20x128xf32> to vector<512x1x128xf32>
    %squeeze3A_193 = vector.shape_cast %slice3A_192 : vector<512x1x128xf32> to vector<512x128xf32>
    %add3A_194 = arith.addf %add3A_190, %squeeze3A_193 : vector<512x128xf32>
    %max3A_195 = arith.maximumf %max3A_191, %squeeze3A_193 : vector<512x128xf32>
    %slice3A_196 = vector.extract_strided_slice %get3A_2 {offsets = [0, 13, 0], sizes = [512, 1, 128], strides = [1, 1, 1]} : vector<512x20x128xf32> to vector<512x1x128xf32>
    %squeeze3A_197 = vector.shape_cast %slice3A_196 : vector<512x1x128xf32> to vector<512x128xf32>
    %add3A_198 = arith.addf %add3A_194, %squeeze3A_197 : vector<512x128xf32>
    %max3A_199 = arith.maximumf %max3A_195, %squeeze3A_197 : vector<512x128xf32>
    %slice3A_200 = vector.extract_strided_slice %get3A_2 {offsets = [0, 14, 0], sizes = [512, 1, 128], strides = [1, 1, 1]} : vector<512x20x128xf32> to vector<512x1x128xf32>
    %squeeze3A_201 = vector.shape_cast %slice3A_200 : vector<512x1x128xf32> to vector<512x128xf32>
    %add3A_202 = arith.addf %add3A_198, %squeeze3A_201 : vector<512x128xf32>
    %max3A_203 = arith.maximumf %max3A_199, %squeeze3A_201 : vector<512x128xf32>
    %slice3A_204 = vector.extract_strided_slice %get3A_2 {offsets = [0, 15, 0], sizes = [512, 1, 128], strides = [1, 1, 1]} : vector<512x20x128xf32> to vector<512x1x128xf32>
    %squeeze3A_205 = vector.shape_cast %slice3A_204 : vector<512x1x128xf32> to vector<512x128xf32>
    %add3A_206 = arith.addf %add3A_202, %squeeze3A_205 : vector<512x128xf32>
    %max3A_207 = arith.maximumf %max3A_203, %squeeze3A_205 : vector<512x128xf32>
    %mul3A_208 = arith.constant 1.250000e-01 : f32
    %mul3A_209 = vector.broadcast %mul3A_208 : f32 to vector<512x128xf32>
    %mul3A_210 = arith.mulf %add3A_206, %mul3A_209 : vector<512x128xf32>
    %get3A_211 = arith.constant 2 : index
    %get3A_212 = arith.constant 0 : index
    %get3A_213 = arith.constant 0 : index
    %get3A_214 = vector.load %arg1[%get3A_211, %get3A_212, %get3A_213] : memref<4x256x128xf32, #tpu.memory_space<vmem>>, vector<1x128x128xf32>
    %get3A_215 = vector.shape_cast %get3A_214 : vector<1x128x128xf32> to vector<128x128xf32>
    %dot_general3A_216 = arith.constant dense<0.000000e+00> : vector<512x128xf32>
    %dot_general3A_217 = tpu.matmul %mul3A_210, %get3A_215, %dot_general3A_216 {dimension_numbers = #tpu.dot_dimension_numbers<[1], [0], [0], [1], [0, 0, 1, 1], [], []>, precision = #tpu.contract_precision<fp32>, transpose_lhs_hint = false} : vector<512x128xf32>, vector<128x128xf32>, vector<512x128xf32> -> vector<512x128xf32>
    %get3A_218 = arith.constant 2 : index
    %get3A_219 = arith.constant 128 : index
    %get3A_220 = arith.constant 0 : index
    %get3A_221 = vector.load %arg1[%get3A_218, %get3A_219, %get3A_220] : memref<4x256x128xf32, #tpu.memory_space<vmem>>, vector<1x128x128xf32>
    %get3A_222 = vector.shape_cast %get3A_221 : vector<1x128x128xf32> to vector<128x128xf32>
    %dot_general3A_223 = arith.constant dense<0.000000e+00> : vector<512x128xf32>
    %dot_general3A_224 = tpu.matmul %max3A_207, %get3A_222, %dot_general3A_223 {dimension_numbers = #tpu.dot_dimension_numbers<[1], [0], [0], [1], [0, 0, 1, 1], [], []>, precision = #tpu.contract_precision<fp32>, transpose_lhs_hint = false} : vector<512x128xf32>, vector<128x128xf32>, vector<512x128xf32> -> vector<512x128xf32>
    %add3A_225 = arith.addf %dot_general3A_217, %dot_general3A_224 : vector<512x128xf32>
    %slice3A_226 = vector.extract_strided_slice %get3A_5 {offsets = [2, 0], sizes = [1, 128], strides = [1, 1]} : vector<4x128xf32> to vector<1x128xf32>
    %add3A_227 = vector.broadcast %slice3A_226 : vector<1x128xf32> to vector<512x128xf32>
    %add3A_228 = arith.addf %add3A_225, %add3A_227 : vector<512x128xf32>
    %reduce_sum3A_229 = arith.constant dense<0.000000e+00> : vector<512xf32>
    %reduce_sum3A_230 = vector.multi_reduction <add>, %add3A_228, %reduce_sum3A_229 [1] : vector<512x128xf32> to vector<512xf32>
    %broadcast_in_dim3A_231 = vector.shape_cast %reduce_sum3A_230 : vector<512xf32> to vector<512x1xf32>
    %div3A_232 = arith.constant 1.280000e+02 : f32
    %div3A_233 = vector.broadcast %div3A_232 : f32 to vector<512x1xf32>
    %div3A_234 = arith.divf %broadcast_in_dim3A_231, %div3A_233 : vector<512x1xf32>
    %sub3A_235 = vector.broadcast %div3A_234 : vector<512x1xf32> to vector<512x128xf32>
    %sub3A_236 = arith.subf %add3A_228, %sub3A_235 : vector<512x128xf32>
    %integer_pow3A_237 = arith.mulf %sub3A_236, %sub3A_236 : vector<512x128xf32>
    %reduce_sum3A_238 = arith.constant dense<0.000000e+00> : vector<512xf32>
    %reduce_sum3A_239 = vector.multi_reduction <add>, %integer_pow3A_237, %reduce_sum3A_238 [1] : vector<512x128xf32> to vector<512xf32>
    %broadcast_in_dim3A_240 = vector.shape_cast %reduce_sum3A_239 : vector<512xf32> to vector<512x1xf32>
    %div3A_241 = arith.constant 1.280000e+02 : f32
    %div3A_242 = vector.broadcast %div3A_241 : f32 to vector<512x1xf32>
    %div3A_243 = arith.divf %broadcast_in_dim3A_240, %div3A_242 : vector<512x1xf32>
    %sub3A_244 = vector.broadcast %div3A_234 : vector<512x1xf32> to vector<512x128xf32>
    %sub3A_245 = arith.subf %add3A_228, %sub3A_244 : vector<512x128xf32>
    %add3A_246 = arith.constant 9.99999974E-6 : f32
    %add3A_247 = vector.broadcast %add3A_246 : f32 to vector<512x1xf32>
    %add3A_248 = arith.addf %div3A_243, %add3A_247 : vector<512x1xf32>
    %sqrt3A_249 = math.sqrt %add3A_248 : vector<512x1xf32>
    %div3A_250 = vector.broadcast %sqrt3A_249 : vector<512x1xf32> to vector<512x128xf32>
    %div3A_251 = arith.divf %sub3A_245, %div3A_250 : vector<512x128xf32>
    %slice3A_252 = vector.extract_strided_slice %get3A_8 {offsets = [2, 0], sizes = [1, 128], strides = [1, 1]} : vector<4x128xf32> to vector<1x128xf32>
    %mul3A_253 = vector.broadcast %slice3A_252 : vector<1x128xf32> to vector<512x128xf32>
    %mul3A_254 = arith.mulf %div3A_251, %mul3A_253 : vector<512x128xf32>
    %slice3A_255 = vector.extract_strided_slice %get3A_11 {offsets = [2, 0], sizes = [1, 128], strides = [1, 1]} : vector<4x128xf32> to vector<1x128xf32>
    %add3A_256 = vector.broadcast %slice3A_255 : vector<1x128xf32> to vector<512x128xf32>
    %add3A_257 = arith.addf %mul3A_254, %add3A_256 : vector<512x128xf32>
    %max3A_258 = arith.constant 0.000000e+00 : f32
    %max3A_259 = vector.broadcast %max3A_258 : f32 to vector<512x128xf32>
    %max3A_260 = arith.maximumf %add3A_257, %max3A_259 : vector<512x128xf32>
    %slice3A_261 = vector.extract_strided_slice %get3A_2 {offsets = [0, 12, 0], sizes = [512, 1, 128], strides = [1, 1, 1]} : vector<512x20x128xf32> to vector<512x1x128xf32>
    %squeeze3A_262 = vector.shape_cast %slice3A_261 : vector<512x1x128xf32> to vector<512x128xf32>
    %slice3A_263 = vector.extract_strided_slice %get3A_2 {offsets = [0, 12, 0], sizes = [512, 1, 128], strides = [1, 1, 1]} : vector<512x20x128xf32> to vector<512x1x128xf32>
    %squeeze3A_264 = vector.shape_cast %slice3A_263 : vector<512x1x128xf32> to vector<512x128xf32>
    %slice3A_265 = vector.extract_strided_slice %get3A_2 {offsets = [0, 13, 0], sizes = [512, 1, 128], strides = [1, 1, 1]} : vector<512x20x128xf32> to vector<512x1x128xf32>
    %squeeze3A_266 = vector.shape_cast %slice3A_265 : vector<512x1x128xf32> to vector<512x128xf32>
    %add3A_267 = arith.addf %squeeze3A_262, %squeeze3A_266 : vector<512x128xf32>
    %max3A_268 = arith.maximumf %squeeze3A_264, %squeeze3A_266 : vector<512x128xf32>
    %slice3A_269 = vector.extract_strided_slice %get3A_2 {offsets = [0, 14, 0], sizes = [512, 1, 128], strides = [1, 1, 1]} : vector<512x20x128xf32> to vector<512x1x128xf32>
    %squeeze3A_270 = vector.shape_cast %slice3A_269 : vector<512x1x128xf32> to vector<512x128xf32>
    %add3A_271 = arith.addf %add3A_267, %squeeze3A_270 : vector<512x128xf32>
    %max3A_272 = arith.maximumf %max3A_268, %squeeze3A_270 : vector<512x128xf32>
    %slice3A_273 = vector.extract_strided_slice %get3A_2 {offsets = [0, 15, 0], sizes = [512, 1, 128], strides = [1, 1, 1]} : vector<512x20x128xf32> to vector<512x1x128xf32>
    %squeeze3A_274 = vector.shape_cast %slice3A_273 : vector<512x1x128xf32> to vector<512x128xf32>
    %add3A_275 = arith.addf %add3A_271, %squeeze3A_274 : vector<512x128xf32>
    %max3A_276 = arith.maximumf %max3A_272, %squeeze3A_274 : vector<512x128xf32>
    %slice3A_277 = vector.extract_strided_slice %get3A_2 {offsets = [0, 16, 0], sizes = [512, 1, 128], strides = [1, 1, 1]} : vector<512x20x128xf32> to vector<512x1x128xf32>
    %squeeze3A_278 = vector.shape_cast %slice3A_277 : vector<512x1x128xf32> to vector<512x128xf32>
    %add3A_279 = arith.addf %add3A_275, %squeeze3A_278 : vector<512x128xf32>
    %max3A_280 = arith.maximumf %max3A_276, %squeeze3A_278 : vector<512x128xf32>
    %slice3A_281 = vector.extract_strided_slice %get3A_2 {offsets = [0, 17, 0], sizes = [512, 1, 128], strides = [1, 1, 1]} : vector<512x20x128xf32> to vector<512x1x128xf32>
    %squeeze3A_282 = vector.shape_cast %slice3A_281 : vector<512x1x128xf32> to vector<512x128xf32>
    %add3A_283 = arith.addf %add3A_279, %squeeze3A_282 : vector<512x128xf32>
    %max3A_284 = arith.maximumf %max3A_280, %squeeze3A_282 : vector<512x128xf32>
    %slice3A_285 = vector.extract_strided_slice %get3A_2 {offsets = [0, 18, 0], sizes = [512, 1, 128], strides = [1, 1, 1]} : vector<512x20x128xf32> to vector<512x1x128xf32>
    %squeeze3A_286 = vector.shape_cast %slice3A_285 : vector<512x1x128xf32> to vector<512x128xf32>
    %add3A_287 = arith.addf %add3A_283, %squeeze3A_286 : vector<512x128xf32>
    %max3A_288 = arith.maximumf %max3A_284, %squeeze3A_286 : vector<512x128xf32>
    %slice3A_289 = vector.extract_strided_slice %get3A_2 {offsets = [0, 19, 0], sizes = [512, 1, 128], strides = [1, 1, 1]} : vector<512x20x128xf32> to vector<512x1x128xf32>
    %squeeze3A_290 = vector.shape_cast %slice3A_289 : vector<512x1x128xf32> to vector<512x128xf32>
    %add3A_291 = arith.addf %add3A_287, %squeeze3A_290 : vector<512x128xf32>
    %max3A_292 = arith.maximumf %max3A_288, %squeeze3A_290 : vector<512x128xf32>
    %mul3A_293 = arith.constant 1.250000e-01 : f32
    %mul3A_294 = vector.broadcast %mul3A_293 : f32 to vector<512x128xf32>
    %mul3A_295 = arith.mulf %add3A_291, %mul3A_294 : vector<512x128xf32>
    %get3A_296 = arith.constant 3 : index
    %get3A_297 = arith.constant 0 : index
    %get3A_298 = arith.constant 0 : index
    %get3A_299 = vector.load %arg1[%get3A_296, %get3A_297, %get3A_298] : memref<4x256x128xf32, #tpu.memory_space<vmem>>, vector<1x128x128xf32>
    %get3A_300 = vector.shape_cast %get3A_299 : vector<1x128x128xf32> to vector<128x128xf32>
    %dot_general3A_301 = arith.constant dense<0.000000e+00> : vector<512x128xf32>
    %dot_general3A_302 = tpu.matmul %mul3A_295, %get3A_300, %dot_general3A_301 {dimension_numbers = #tpu.dot_dimension_numbers<[1], [0], [0], [1], [0, 0, 1, 1], [], []>, precision = #tpu.contract_precision<fp32>, transpose_lhs_hint = false} : vector<512x128xf32>, vector<128x128xf32>, vector<512x128xf32> -> vector<512x128xf32>
    %get3A_303 = arith.constant 3 : index
    %get3A_304 = arith.constant 128 : index
    %get3A_305 = arith.constant 0 : index
    %get3A_306 = vector.load %arg1[%get3A_303, %get3A_304, %get3A_305] : memref<4x256x128xf32, #tpu.memory_space<vmem>>, vector<1x128x128xf32>
    %get3A_307 = vector.shape_cast %get3A_306 : vector<1x128x128xf32> to vector<128x128xf32>
    %dot_general3A_308 = arith.constant dense<0.000000e+00> : vector<512x128xf32>
    %dot_general3A_309 = tpu.matmul %max3A_292, %get3A_307, %dot_general3A_308 {dimension_numbers = #tpu.dot_dimension_numbers<[1], [0], [0], [1], [0, 0, 1, 1], [], []>, precision = #tpu.contract_precision<fp32>, transpose_lhs_hint = false} : vector<512x128xf32>, vector<128x128xf32>, vector<512x128xf32> -> vector<512x128xf32>
    %add3A_310 = arith.addf %dot_general3A_302, %dot_general3A_309 : vector<512x128xf32>
    %slice3A_311 = vector.extract_strided_slice %get3A_5 {offsets = [3, 0], sizes = [1, 128], strides = [1, 1]} : vector<4x128xf32> to vector<1x128xf32>
    %add3A_312 = vector.broadcast %slice3A_311 : vector<1x128xf32> to vector<512x128xf32>
    %add3A_313 = arith.addf %add3A_310, %add3A_312 : vector<512x128xf32>
    %reduce_sum3A_314 = arith.constant dense<0.000000e+00> : vector<512xf32>
    %reduce_sum3A_315 = vector.multi_reduction <add>, %add3A_313, %reduce_sum3A_314 [1] : vector<512x128xf32> to vector<512xf32>
    %broadcast_in_dim3A_316 = vector.shape_cast %reduce_sum3A_315 : vector<512xf32> to vector<512x1xf32>
    %div3A_317 = arith.constant 1.280000e+02 : f32
    %div3A_318 = vector.broadcast %div3A_317 : f32 to vector<512x1xf32>
    %div3A_319 = arith.divf %broadcast_in_dim3A_316, %div3A_318 : vector<512x1xf32>
    %sub3A_320 = vector.broadcast %div3A_319 : vector<512x1xf32> to vector<512x128xf32>
    %sub3A_321 = arith.subf %add3A_313, %sub3A_320 : vector<512x128xf32>
    %integer_pow3A_322 = arith.mulf %sub3A_321, %sub3A_321 : vector<512x128xf32>
    %reduce_sum3A_323 = arith.constant dense<0.000000e+00> : vector<512xf32>
    %reduce_sum3A_324 = vector.multi_reduction <add>, %integer_pow3A_322, %reduce_sum3A_323 [1] : vector<512x128xf32> to vector<512xf32>
    %broadcast_in_dim3A_325 = vector.shape_cast %reduce_sum3A_324 : vector<512xf32> to vector<512x1xf32>
    %div3A_326 = arith.constant 1.280000e+02 : f32
    %div3A_327 = vector.broadcast %div3A_326 : f32 to vector<512x1xf32>
    %div3A_328 = arith.divf %broadcast_in_dim3A_325, %div3A_327 : vector<512x1xf32>
    %sub3A_329 = vector.broadcast %div3A_319 : vector<512x1xf32> to vector<512x128xf32>
    %sub3A_330 = arith.subf %add3A_313, %sub3A_329 : vector<512x128xf32>
    %add3A_331 = arith.constant 9.99999974E-6 : f32
    %add3A_332 = vector.broadcast %add3A_331 : f32 to vector<512x1xf32>
    %add3A_333 = arith.addf %div3A_328, %add3A_332 : vector<512x1xf32>
    %sqrt3A_334 = math.sqrt %add3A_333 : vector<512x1xf32>
    %div3A_335 = vector.broadcast %sqrt3A_334 : vector<512x1xf32> to vector<512x128xf32>
    %div3A_336 = arith.divf %sub3A_330, %div3A_335 : vector<512x128xf32>
    %slice3A_337 = vector.extract_strided_slice %get3A_8 {offsets = [3, 0], sizes = [1, 128], strides = [1, 1]} : vector<4x128xf32> to vector<1x128xf32>
    %mul3A_338 = vector.broadcast %slice3A_337 : vector<1x128xf32> to vector<512x128xf32>
    %mul3A_339 = arith.mulf %div3A_336, %mul3A_338 : vector<512x128xf32>
    %slice3A_340 = vector.extract_strided_slice %get3A_11 {offsets = [3, 0], sizes = [1, 128], strides = [1, 1]} : vector<4x128xf32> to vector<1x128xf32>
    %add3A_341 = vector.broadcast %slice3A_340 : vector<1x128xf32> to vector<512x128xf32>
    %add3A_342 = arith.addf %mul3A_339, %add3A_341 : vector<512x128xf32>
    %max3A_343 = arith.constant 0.000000e+00 : f32
    %max3A_344 = vector.broadcast %max3A_343 : f32 to vector<512x128xf32>
    %max3A_345 = arith.maximumf %add3A_342, %max3A_344 : vector<512x128xf32>
    %add3A_346 = arith.addf %max3A_90, %max3A_175 : vector<512x128xf32>
    %add3A_347 = arith.addf %add3A_346, %max3A_260 : vector<512x128xf32>
    %add3A_348 = arith.addf %add3A_347, %max3A_345 : vector<512x128xf32>
    %mul3A_349 = arith.constant 2.500000e-01 : f32
    %mul3A_350 = vector.broadcast %mul3A_349 : f32 to vector<512x128xf32>
    %mul3A_351 = arith.mulf %add3A_348, %mul3A_350 : vector<512x128xf32>
    %get3A_352 = arith.constant 0 : index
    %get3A_353 = arith.constant 0 : index
    %get3A_354 = vector.load %arg5[%get3A_352, %get3A_353] : memref<128x128xf32, #tpu.memory_space<vmem>>, vector<128x128xf32>
    %dot_general3A_355 = arith.constant dense<0.000000e+00> : vector<512x128xf32>
    %dot_general3A_356 = tpu.matmul %mul3A_351, %get3A_354, %dot_general3A_355 {dimension_numbers = #tpu.dot_dimension_numbers<[1], [0], [0], [1], [0, 0, 1, 1], [], []>, precision = #tpu.contract_precision<fp32>, transpose_lhs_hint = false} : vector<512x128xf32>, vector<128x128xf32>, vector<512x128xf32> -> vector<512x128xf32>
    %get3A_357 = arith.constant 0 : index
    %get3A_358 = arith.constant 0 : index
    %get3A_359 = vector.load %arg6[%get3A_357, %get3A_358] : memref<1x128xf32, #tpu.memory_space<vmem>>, vector<1x128xf32>
    %add3A_360 = vector.broadcast %get3A_359 : vector<1x128xf32> to vector<512x128xf32>
    %add3A_361 = arith.addf %dot_general3A_356, %add3A_360 : vector<512x128xf32>
    %max3A_362 = arith.constant 0.000000e+00 : f32
    %max3A_363 = vector.broadcast %max3A_362 : f32 to vector<512x128xf32>
    %max3A_364 = arith.maximumf %add3A_361, %max3A_363 : vector<512x128xf32>
    %get3A_365 = arith.constant 0 : index
    %get3A_366 = arith.constant 0 : index
    %get3A_367 = arith.constant 0 : index
    %get3A_368 = vector.load %arg7[%get3A_365, %get3A_366, %get3A_367] : memref<4x256x128xf32, #tpu.memory_space<vmem>>, vector<1x128x128xf32>
    %get3A_369 = vector.shape_cast %get3A_368 : vector<1x128x128xf32> to vector<128x128xf32>
    %dot_general3A_370 = arith.constant dense<0.000000e+00> : vector<512x128xf32>
    %dot_general3A_371 = tpu.matmul %max3A_90, %get3A_369, %dot_general3A_370 {dimension_numbers = #tpu.dot_dimension_numbers<[1], [0], [0], [1], [0, 0, 1, 1], [], []>, precision = #tpu.contract_precision<fp32>, transpose_lhs_hint = false} : vector<512x128xf32>, vector<128x128xf32>, vector<512x128xf32> -> vector<512x128xf32>
    %get3A_372 = arith.constant 0 : index
    %get3A_373 = arith.constant 128 : index
    %get3A_374 = arith.constant 0 : index
    %get3A_375 = vector.load %arg7[%get3A_372, %get3A_373, %get3A_374] : memref<4x256x128xf32, #tpu.memory_space<vmem>>, vector<1x128x128xf32>
    %get3A_376 = vector.shape_cast %get3A_375 : vector<1x128x128xf32> to vector<128x128xf32>
    %dot_general3A_377 = arith.constant dense<0.000000e+00> : vector<512x128xf32>
    %dot_general3A_378 = tpu.matmul %max3A_364, %get3A_376, %dot_general3A_377 {dimension_numbers = #tpu.dot_dimension_numbers<[1], [0], [0], [1], [0, 0, 1, 1], [], []>, precision = #tpu.contract_precision<fp32>, transpose_lhs_hint = false} : vector<512x128xf32>, vector<128x128xf32>, vector<512x128xf32> -> vector<512x128xf32>
    %add3A_379 = arith.addf %dot_general3A_371, %dot_general3A_378 : vector<512x128xf32>
    %slice3A_380 = vector.extract_strided_slice %get3A_14 {offsets = [0, 0], sizes = [1, 128], strides = [1, 1]} : vector<4x128xf32> to vector<1x128xf32>
    %add3A_381 = vector.broadcast %slice3A_380 : vector<1x128xf32> to vector<512x128xf32>
    %add3A_382 = arith.addf %add3A_379, %add3A_381 : vector<512x128xf32>
    %max3A_383 = arith.constant 0.000000e+00 : f32
    %max3A_384 = vector.broadcast %max3A_383 : f32 to vector<512x128xf32>
    %max3A_385 = arith.maximumf %add3A_382, %max3A_384 : vector<512x128xf32>
    %get3A_386 = arith.constant 0 : index
    %get3A_387 = arith.constant 0 : index
    %get3A_388 = arith.constant 0 : index
    %get3A_389 = vector.load %arg9[%get3A_386, %get3A_387, %get3A_388] : memref<4x128x56xf32, #tpu.memory_space<vmem>>, vector<1x128x56xf32>
    %get3A_390 = vector.shape_cast %get3A_389 : vector<1x128x56xf32> to vector<128x56xf32>
    %dot_general3A_391 = arith.constant dense<0.000000e+00> : vector<512x56xf32>
    %dot_general3A_392 = tpu.matmul %max3A_385, %get3A_390, %dot_general3A_391 {dimension_numbers = #tpu.dot_dimension_numbers<[1], [0], [0], [1], [0, 0, 1, 1], [], []>, precision = #tpu.contract_precision<fp32>, transpose_lhs_hint = false} : vector<512x128xf32>, vector<128x56xf32>, vector<512x56xf32> -> vector<512x56xf32>
    %slice3A_393 = vector.extract_strided_slice %get3A_17 {offsets = [0, 0], sizes = [1, 56], strides = [1, 1]} : vector<4x56xf32> to vector<1x56xf32>
    %add3A_394 = vector.broadcast %slice3A_393 : vector<1x56xf32> to vector<512x56xf32>
    %add3A_395 = arith.addf %dot_general3A_392, %add3A_394 : vector<512x56xf32>
    %swap3A = arith.constant 0 : index
    %swap3A_396 = arith.constant 0 : index
    %swap3A_397 = vector.load %arg15[%swap3A, %swap3A_396] : memref<512x56xf32, #tpu.memory_space<vmem>>, vector<512x56xf32>
    tpu.vector_store %arg15[%swap3A, %swap3A_396], %add3A_395 {strides = array<i32>} : memref<512x56xf32, #tpu.memory_space<vmem>>, vector<512x56xf32>,
    %get3A_398 = arith.constant 1 : index
    %get3A_399 = arith.constant 0 : index
    %get3A_400 = arith.constant 0 : index
    %get3A_401 = vector.load %arg7[%get3A_398, %get3A_399, %get3A_400] : memref<4x256x128xf32, #tpu.memory_space<vmem>>, vector<1x128x128xf32>
    %get3A_402 = vector.shape_cast %get3A_401 : vector<1x128x128xf32> to vector<128x128xf32>
    %dot_general3A_403 = arith.constant dense<0.000000e+00> : vector<512x128xf32>
    %dot_general3A_404 = tpu.matmul %max3A_175, %get3A_402, %dot_general3A_403 {dimension_numbers = #tpu.dot_dimension_numbers<[1], [0], [0], [1], [0, 0, 1, 1], [], []>, precision = #tpu.contract_precision<fp32>, transpose_lhs_hint = false} : vector<512x128xf32>, vector<128x128xf32>, vector<512x128xf32> -> vector<512x128xf32>
    %get3A_405 = arith.constant 1 : index
    %get3A_406 = arith.constant 128 : index
    %get3A_407 = arith.constant 0 : index
    %get3A_408 = vector.load %arg7[%get3A_405, %get3A_406, %get3A_407] : memref<4x256x128xf32, #tpu.memory_space<vmem>>, vector<1x128x128xf32>
    %get3A_409 = vector.shape_cast %get3A_408 : vector<1x128x128xf32> to vector<128x128xf32>
    %dot_general3A_410 = arith.constant dense<0.000000e+00> : vector<512x128xf32>
    %dot_general3A_411 = tpu.matmul %max3A_364, %get3A_409, %dot_general3A_410 {dimension_numbers = #tpu.dot_dimension_numbers<[1], [0], [0], [1], [0, 0, 1, 1], [], []>, precision = #tpu.contract_precision<fp32>, transpose_lhs_hint = false} : vector<512x128xf32>, vector<128x128xf32>, vector<512x128xf32> -> vector<512x128xf32>
    %add3A_412 = arith.addf %dot_general3A_404, %dot_general3A_411 : vector<512x128xf32>
    %slice3A_413 = vector.extract_strided_slice %get3A_14 {offsets = [1, 0], sizes = [1, 128], strides = [1, 1]} : vector<4x128xf32> to vector<1x128xf32>
    %add3A_414 = vector.broadcast %slice3A_413 : vector<1x128xf32> to vector<512x128xf32>
    %add3A_415 = arith.addf %add3A_412, %add3A_414 : vector<512x128xf32>
    %max3A_416 = arith.constant 0.000000e+00 : f32
    %max3A_417 = vector.broadcast %max3A_416 : f32 to vector<512x128xf32>
    %max3A_418 = arith.maximumf %add3A_415, %max3A_417 : vector<512x128xf32>
    %get3A_419 = arith.constant 1 : index
    %get3A_420 = arith.constant 0 : index
    %get3A_421 = arith.constant 0 : index
    %get3A_422 = vector.load %arg9[%get3A_419, %get3A_420, %get3A_421] : memref<4x128x56xf32, #tpu.memory_space<vmem>>, vector<1x128x56xf32>
    %get3A_423 = vector.shape_cast %get3A_422 : vector<1x128x56xf32> to vector<128x56xf32>
    %dot_general3A_424 = arith.constant dense<0.000000e+00> : vector<512x56xf32>
    %dot_general3A_425 = tpu.matmul %max3A_418, %get3A_423, %dot_general3A_424 {dimension_numbers = #tpu.dot_dimension_numbers<[1], [0], [0], [1], [0, 0, 1, 1], [], []>, precision = #tpu.contract_precision<fp32>, transpose_lhs_hint = false} : vector<512x128xf32>, vector<128x56xf32>, vector<512x56xf32> -> vector<512x56xf32>
    %slice3A_426 = vector.extract_strided_slice %get3A_17 {offsets = [1, 0], sizes = [1, 56], strides = [1, 1]} : vector<4x56xf32> to vector<1x56xf32>
    %add3A_427 = vector.broadcast %slice3A_426 : vector<1x56xf32> to vector<512x56xf32>
    %add3A_428 = arith.addf %dot_general3A_425, %add3A_427 : vector<512x56xf32>
    %swap3A_429 = arith.constant 0 : index
    %swap3A_430 = arith.constant 0 : index
    %swap3A_431 = vector.load %arg16[%swap3A_429, %swap3A_430] : memref<512x56xf32, #tpu.memory_space<vmem>>, vector<512x56xf32>
    tpu.vector_store %arg16[%swap3A_429, %swap3A_430], %add3A_428 {strides = array<i32>} : memref<512x56xf32, #tpu.memory_space<vmem>>, vector<512x56xf32>,
    %get3A_432 = arith.constant 2 : index
    %get3A_433 = arith.constant 0 : index
    %get3A_434 = arith.constant 0 : index
    %get3A_435 = vector.load %arg7[%get3A_432, %get3A_433, %get3A_434] : memref<4x256x128xf32, #tpu.memory_space<vmem>>, vector<1x128x128xf32>
    %get3A_436 = vector.shape_cast %get3A_435 : vector<1x128x128xf32> to vector<128x128xf32>
    %dot_general3A_437 = arith.constant dense<0.000000e+00> : vector<512x128xf32>
    %dot_general3A_438 = tpu.matmul %max3A_260, %get3A_436, %dot_general3A_437 {dimension_numbers = #tpu.dot_dimension_numbers<[1], [0], [0], [1], [0, 0, 1, 1], [], []>, precision = #tpu.contract_precision<fp32>, transpose_lhs_hint = false} : vector<512x128xf32>, vector<128x128xf32>, vector<512x128xf32> -> vector<512x128xf32>
    %get3A_439 = arith.constant 2 : index
    %get3A_440 = arith.constant 128 : index
    %get3A_441 = arith.constant 0 : index
    %get3A_442 = vector.load %arg7[%get3A_439, %get3A_440, %get3A_441] : memref<4x256x128xf32, #tpu.memory_space<vmem>>, vector<1x128x128xf32>
    %get3A_443 = vector.shape_cast %get3A_442 : vector<1x128x128xf32> to vector<128x128xf32>
    %dot_general3A_444 = arith.constant dense<0.000000e+00> : vector<512x128xf32>
    %dot_general3A_445 = tpu.matmul %max3A_364, %get3A_443, %dot_general3A_444 {dimension_numbers = #tpu.dot_dimension_numbers<[1], [0], [0], [1], [0, 0, 1, 1], [], []>, precision = #tpu.contract_precision<fp32>, transpose_lhs_hint = false} : vector<512x128xf32>, vector<128x128xf32>, vector<512x128xf32> -> vector<512x128xf32>
    %add3A_446 = arith.addf %dot_general3A_438, %dot_general3A_445 : vector<512x128xf32>
    %slice3A_447 = vector.extract_strided_slice %get3A_14 {offsets = [2, 0], sizes = [1, 128], strides = [1, 1]} : vector<4x128xf32> to vector<1x128xf32>
    %add3A_448 = vector.broadcast %slice3A_447 : vector<1x128xf32> to vector<512x128xf32>
    %add3A_449 = arith.addf %add3A_446, %add3A_448 : vector<512x128xf32>
    %max3A_450 = arith.constant 0.000000e+00 : f32
    %max3A_451 = vector.broadcast %max3A_450 : f32 to vector<512x128xf32>
    %max3A_452 = arith.maximumf %add3A_449, %max3A_451 : vector<512x128xf32>
    %get3A_453 = arith.constant 2 : index
    %get3A_454 = arith.constant 0 : index
    %get3A_455 = arith.constant 0 : index
    %get3A_456 = vector.load %arg9[%get3A_453, %get3A_454, %get3A_455] : memref<4x128x56xf32, #tpu.memory_space<vmem>>, vector<1x128x56xf32>
    %get3A_457 = vector.shape_cast %get3A_456 : vector<1x128x56xf32> to vector<128x56xf32>
    %dot_general3A_458 = arith.constant dense<0.000000e+00> : vector<512x56xf32>
    %dot_general3A_459 = tpu.matmul %max3A_452, %get3A_457, %dot_general3A_458 {dimension_numbers = #tpu.dot_dimension_numbers<[1], [0], [0], [1], [0, 0, 1, 1], [], []>, precision = #tpu.contract_precision<fp32>, transpose_lhs_hint = false} : vector<512x128xf32>, vector<128x56xf32>, vector<512x56xf32> -> vector<512x56xf32>
    %slice3A_460 = vector.extract_strided_slice %get3A_17 {offsets = [2, 0], sizes = [1, 56], strides = [1, 1]} : vector<4x56xf32> to vector<1x56xf32>
    %add3A_461 = vector.broadcast %slice3A_460 : vector<1x56xf32> to vector<512x56xf32>
    %add3A_462 = arith.addf %dot_general3A_459, %add3A_461 : vector<512x56xf32>
    %swap3A_463 = arith.constant 0 : index
    %swap3A_464 = arith.constant 0 : index
    %swap3A_465 = vector.load %arg17[%swap3A_463, %swap3A_464] : memref<512x56xf32, #tpu.memory_space<vmem>>, vector<512x56xf32>
    tpu.vector_store %arg17[%swap3A_463, %swap3A_464], %add3A_462 {strides = array<i32>} : memref<512x56xf32, #tpu.memory_space<vmem>>, vector<512x56xf32>,
    %get3A_466 = arith.constant 3 : index
    %get3A_467 = arith.constant 0 : index
    %get3A_468 = arith.constant 0 : index
    %get3A_469 = vector.load %arg7[%get3A_466, %get3A_467, %get3A_468] : memref<4x256x128xf32, #tpu.memory_space<vmem>>, vector<1x128x128xf32>
    %get3A_470 = vector.shape_cast %get3A_469 : vector<1x128x128xf32> to vector<128x128xf32>
    %dot_general3A_471 = arith.constant dense<0.000000e+00> : vector<512x128xf32>
    %dot_general3A_472 = tpu.matmul %max3A_345, %get3A_470, %dot_general3A_471 {dimension_numbers = #tpu.dot_dimension_numbers<[1], [0], [0], [1], [0, 0, 1, 1], [], []>, precision = #tpu.contract_precision<fp32>, transpose_lhs_hint = false} : vector<512x128xf32>, vector<128x128xf32>, vector<512x128xf32> -> vector<512x128xf32>
    %get3A_473 = arith.constant 3 : index
    %get3A_474 = arith.constant 128 : index
    %get3A_475 = arith.constant 0 : index
    %get3A_476 = vector.load %arg7[%get3A_473, %get3A_474, %get3A_475] : memref<4x256x128xf32, #tpu.memory_space<vmem>>, vector<1x128x128xf32>
    %get3A_477 = vector.shape_cast %get3A_476 : vector<1x128x128xf32> to vector<128x128xf32>
    %dot_general3A_478 = arith.constant dense<0.000000e+00> : vector<512x128xf32>
    %dot_general3A_479 = tpu.matmul %max3A_364, %get3A_477, %dot_general3A_478 {dimension_numbers = #tpu.dot_dimension_numbers<[1], [0], [0], [1], [0, 0, 1, 1], [], []>, precision = #tpu.contract_precision<fp32>, transpose_lhs_hint = false} : vector<512x128xf32>, vector<128x128xf32>, vector<512x128xf32> -> vector<512x128xf32>
    %add3A_480 = arith.addf %dot_general3A_472, %dot_general3A_479 : vector<512x128xf32>
    %slice3A_481 = vector.extract_strided_slice %get3A_14 {offsets = [3, 0], sizes = [1, 128], strides = [1, 1]} : vector<4x128xf32> to vector<1x128xf32>
    %add3A_482 = vector.broadcast %slice3A_481 : vector<1x128xf32> to vector<512x128xf32>
    %add3A_483 = arith.addf %add3A_480, %add3A_482 : vector<512x128xf32>
    %max3A_484 = arith.constant 0.000000e+00 : f32
    %max3A_485 = vector.broadcast %max3A_484 : f32 to vector<512x128xf32>
    %max3A_486 = arith.maximumf %add3A_483, %max3A_485 : vector<512x128xf32>
    %get3A_487 = arith.constant 3 : index
    %get3A_488 = arith.constant 0 : index
    %get3A_489 = arith.constant 0 : index
    %get3A_490 = vector.load %arg9[%get3A_487, %get3A_488, %get3A_489] : memref<4x128x56xf32, #tpu.memory_space<vmem>>, vector<1x128x56xf32>
    %get3A_491 = vector.shape_cast %get3A_490 : vector<1x128x56xf32> to vector<128x56xf32>
    %dot_general3A_492 = arith.constant dense<0.000000e+00> : vector<512x56xf32>
    %dot_general3A_493 = tpu.matmul %max3A_486, %get3A_491, %dot_general3A_492 {dimension_numbers = #tpu.dot_dimension_numbers<[1], [0], [0], [1], [0, 0, 1, 1], [], []>, precision = #tpu.contract_precision<fp32>, transpose_lhs_hint = false} : vector<512x128xf32>, vector<128x56xf32>, vector<512x56xf32> -> vector<512x56xf32>
    %slice3A_494 = vector.extract_strided_slice %get3A_17 {offsets = [3, 0], sizes = [1, 56], strides = [1, 1]} : vector<4x56xf32> to vector<1x56xf32>
    %add3A_495 = vector.broadcast %slice3A_494 : vector<1x56xf32> to vector<512x56xf32>
    %add3A_496 = arith.addf %dot_general3A_493, %add3A_495 : vector<512x56xf32>
    %swap3A_497 = arith.constant 0 : index
    %swap3A_498 = arith.constant 0 : index
    %swap3A_499 = vector.load %arg18[%swap3A_497, %swap3A_498] : memref<512x56xf32, #tpu.memory_space<vmem>>, vector<512x56xf32>
    tpu.vector_store %arg18[%swap3A_497, %swap3A_498], %add3A_496 {strides = array<i32>} : memref<512x56xf32, #tpu.memory_space<vmem>>, vector<512x56xf32>,
    %slice3A_500 = vector.extract_strided_slice %get3A_2 {offsets = [0, 0, 0], sizes = [512, 1, 128], strides = [1, 1, 1]} : vector<512x20x128xf32> to vector<512x1x128xf32>
    %squeeze3A_501 = vector.shape_cast %slice3A_500 : vector<512x1x128xf32> to vector<512x128xf32>
    %slice3A_502 = vector.extract_strided_slice %get3A_2 {offsets = [0, 1, 0], sizes = [512, 1, 128], strides = [1, 1, 1]} : vector<512x20x128xf32> to vector<512x1x128xf32>
    %squeeze3A_503 = vector.shape_cast %slice3A_502 : vector<512x1x128xf32> to vector<512x128xf32>
    %add3A_504 = arith.addf %squeeze3A_501, %squeeze3A_503 : vector<512x128xf32>
    %slice3A_505 = vector.extract_strided_slice %get3A_2 {offsets = [0, 2, 0], sizes = [512, 1, 128], strides = [1, 1, 1]} : vector<512x20x128xf32> to vector<512x1x128xf32>
    %squeeze3A_506 = vector.shape_cast %slice3A_505 : vector<512x1x128xf32> to vector<512x128xf32>
    %add3A_507 = arith.addf %add3A_504, %squeeze3A_506 : vector<512x128xf32>
    %slice3A_508 = vector.extract_strided_slice %get3A_2 {offsets = [0, 3, 0], sizes = [512, 1, 128], strides = [1, 1, 1]} : vector<512x20x128xf32> to vector<512x1x128xf32>
    %squeeze3A_509 = vector.shape_cast %slice3A_508 : vector<512x1x128xf32> to vector<512x128xf32>
    %add3A_510 = arith.addf %add3A_507, %squeeze3A_509 : vector<512x128xf32>
    %slice3A_511 = vector.extract_strided_slice %get3A_2 {offsets = [0, 4, 0], sizes = [512, 1, 128], strides = [1, 1, 1]} : vector<512x20x128xf32> to vector<512x1x128xf32>
    %squeeze3A_512 = vector.shape_cast %slice3A_511 : vector<512x1x128xf32> to vector<512x128xf32>
    %add3A_513 = arith.addf %add3A_510, %squeeze3A_512 : vector<512x128xf32>
    %slice3A_514 = vector.extract_strided_slice %get3A_2 {offsets = [0, 5, 0], sizes = [512, 1, 128], strides = [1, 1, 1]} : vector<512x20x128xf32> to vector<512x1x128xf32>
    %squeeze3A_515 = vector.shape_cast %slice3A_514 : vector<512x1x128xf32> to vector<512x128xf32>
    %add3A_516 = arith.addf %add3A_513, %squeeze3A_515 : vector<512x128xf32>
    %slice3A_517 = vector.extract_strided_slice %get3A_2 {offsets = [0, 6, 0], sizes = [512, 1, 128], strides = [1, 1, 1]} : vector<512x20x128xf32> to vector<512x1x128xf32>
    %squeeze3A_518 = vector.shape_cast %slice3A_517 : vector<512x1x128xf32> to vector<512x128xf32>
    %add3A_519 = arith.addf %add3A_516, %squeeze3A_518 : vector<512x128xf32>
    %slice3A_520 = vector.extract_strided_slice %get3A_2 {offsets = [0, 7, 0], sizes = [512, 1, 128], strides = [1, 1, 1]} : vector<512x20x128xf32> to vector<512x1x128xf32>
    %squeeze3A_521 = vector.shape_cast %slice3A_520 : vector<512x1x128xf32> to vector<512x128xf32>
    %add3A_522 = arith.addf %add3A_519, %squeeze3A_521 : vector<512x128xf32>
    %slice3A_523 = vector.extract_strided_slice %get3A_2 {offsets = [0, 8, 0], sizes = [512, 1, 128], strides = [1, 1, 1]} : vector<512x20x128xf32> to vector<512x1x128xf32>
    %squeeze3A_524 = vector.shape_cast %slice3A_523 : vector<512x1x128xf32> to vector<512x128xf32>
    %add3A_525 = arith.addf %add3A_522, %squeeze3A_524 : vector<512x128xf32>
    %slice3A_526 = vector.extract_strided_slice %get3A_2 {offsets = [0, 9, 0], sizes = [512, 1, 128], strides = [1, 1, 1]} : vector<512x20x128xf32> to vector<512x1x128xf32>
    %squeeze3A_527 = vector.shape_cast %slice3A_526 : vector<512x1x128xf32> to vector<512x128xf32>
    %add3A_528 = arith.addf %add3A_525, %squeeze3A_527 : vector<512x128xf32>
    %slice3A_529 = vector.extract_strided_slice %get3A_2 {offsets = [0, 10, 0], sizes = [512, 1, 128], strides = [1, 1, 1]} : vector<512x20x128xf32> to vector<512x1x128xf32>
    %squeeze3A_530 = vector.shape_cast %slice3A_529 : vector<512x1x128xf32> to vector<512x128xf32>
    %add3A_531 = arith.addf %add3A_528, %squeeze3A_530 : vector<512x128xf32>
    %slice3A_532 = vector.extract_strided_slice %get3A_2 {offsets = [0, 11, 0], sizes = [512, 1, 128], strides = [1, 1, 1]} : vector<512x20x128xf32> to vector<512x1x128xf32>
    %squeeze3A_533 = vector.shape_cast %slice3A_532 : vector<512x1x128xf32> to vector<512x128xf32>
    %add3A_534 = arith.addf %add3A_531, %squeeze3A_533 : vector<512x128xf32>
    %slice3A_535 = vector.extract_strided_slice %get3A_2 {offsets = [0, 12, 0], sizes = [512, 1, 128], strides = [1, 1, 1]} : vector<512x20x128xf32> to vector<512x1x128xf32>
    %squeeze3A_536 = vector.shape_cast %slice3A_535 : vector<512x1x128xf32> to vector<512x128xf32>
    %add3A_537 = arith.addf %add3A_534, %squeeze3A_536 : vector<512x128xf32>
    %slice3A_538 = vector.extract_strided_slice %get3A_2 {offsets = [0, 13, 0], sizes = [512, 1, 128], strides = [1, 1, 1]} : vector<512x20x128xf32> to vector<512x1x128xf32>
    %squeeze3A_539 = vector.shape_cast %slice3A_538 : vector<512x1x128xf32> to vector<512x128xf32>
    %add3A_540 = arith.addf %add3A_537, %squeeze3A_539 : vector<512x128xf32>
    %slice3A_541 = vector.extract_strided_slice %get3A_2 {offsets = [0, 14, 0], sizes = [512, 1, 128], strides = [1, 1, 1]} : vector<512x20x128xf32> to vector<512x1x128xf32>
    %squeeze3A_542 = vector.shape_cast %slice3A_541 : vector<512x1x128xf32> to vector<512x128xf32>
    %add3A_543 = arith.addf %add3A_540, %squeeze3A_542 : vector<512x128xf32>
    %slice3A_544 = vector.extract_strided_slice %get3A_2 {offsets = [0, 15, 0], sizes = [512, 1, 128], strides = [1, 1, 1]} : vector<512x20x128xf32> to vector<512x1x128xf32>
    %squeeze3A_545 = vector.shape_cast %slice3A_544 : vector<512x1x128xf32> to vector<512x128xf32>
    %add3A_546 = arith.addf %add3A_543, %squeeze3A_545 : vector<512x128xf32>
    %slice3A_547 = vector.extract_strided_slice %get3A_2 {offsets = [0, 16, 0], sizes = [512, 1, 128], strides = [1, 1, 1]} : vector<512x20x128xf32> to vector<512x1x128xf32>
    %squeeze3A_548 = vector.shape_cast %slice3A_547 : vector<512x1x128xf32> to vector<512x128xf32>
    %add3A_549 = arith.addf %add3A_546, %squeeze3A_548 : vector<512x128xf32>
    %slice3A_550 = vector.extract_strided_slice %get3A_2 {offsets = [0, 17, 0], sizes = [512, 1, 128], strides = [1, 1, 1]} : vector<512x20x128xf32> to vector<512x1x128xf32>
    %squeeze3A_551 = vector.shape_cast %slice3A_550 : vector<512x1x128xf32> to vector<512x128xf32>
    %add3A_552 = arith.addf %add3A_549, %squeeze3A_551 : vector<512x128xf32>
    %slice3A_553 = vector.extract_strided_slice %get3A_2 {offsets = [0, 18, 0], sizes = [512, 1, 128], strides = [1, 1, 1]} : vector<512x20x128xf32> to vector<512x1x128xf32>
    %squeeze3A_554 = vector.shape_cast %slice3A_553 : vector<512x1x128xf32> to vector<512x128xf32>
    %add3A_555 = arith.addf %add3A_552, %squeeze3A_554 : vector<512x128xf32>
    %slice3A_556 = vector.extract_strided_slice %get3A_2 {offsets = [0, 19, 0], sizes = [512, 1, 128], strides = [1, 1, 1]} : vector<512x20x128xf32> to vector<512x1x128xf32>
    %squeeze3A_557 = vector.shape_cast %slice3A_556 : vector<512x1x128xf32> to vector<512x128xf32>
    %add3A_558 = arith.addf %add3A_555, %squeeze3A_557 : vector<512x128xf32>
    %mul3A_559 = arith.constant 5.000000e-02 : f32
    %mul3A_560 = vector.broadcast %mul3A_559 : f32 to vector<512x128xf32>
    %mul3A_561 = arith.mulf %add3A_558, %mul3A_560 : vector<512x128xf32>
    %get3A_562 = arith.constant 0 : index
    %get3A_563 = arith.constant 0 : index
    %get3A_564 = vector.load %arg11[%get3A_562, %get3A_563] : memref<128x128xf32, #tpu.memory_space<vmem>>, vector<128x128xf32>
    %dot_general3A_565 = arith.constant dense<0.000000e+00> : vector<512x128xf32>
    %dot_general3A_566 = tpu.matmul %mul3A_561, %get3A_564, %dot_general3A_565 {dimension_numbers = #tpu.dot_dimension_numbers<[1], [0], [0], [1], [0, 0, 1, 1], [], []>, precision = #tpu.contract_precision<fp32>, transpose_lhs_hint = false} : vector<512x128xf32>, vector<128x128xf32>, vector<512x128xf32> -> vector<512x128xf32>
    %get3A_567 = arith.constant 0 : index
    %get3A_568 = arith.constant 0 : index
    %get3A_569 = vector.load %arg12[%get3A_567, %get3A_568] : memref<1x128xf32, #tpu.memory_space<vmem>>, vector<1x128xf32>
    %add3A_570 = vector.broadcast %get3A_569 : vector<1x128xf32> to vector<512x128xf32>
    %add3A_571 = arith.addf %dot_general3A_566, %add3A_570 : vector<512x128xf32>
    %max3A_572 = arith.constant 0.000000e+00 : f32
    %max3A_573 = vector.broadcast %max3A_572 : f32 to vector<512x128xf32>
    %max3A_574 = arith.maximumf %add3A_571, %max3A_573 : vector<512x128xf32>
    %get3A_575 = arith.constant 0 : index
    %get3A_576 = arith.constant 0 : index
    %get3A_577 = vector.load %arg13[%get3A_575, %get3A_576] : memref<128x1xf32, #tpu.memory_space<vmem>>, vector<128x1xf32>
    %dot_general3A_578 = arith.constant dense<0.000000e+00> : vector<512x1xf32>
    %dot_general3A_579 = tpu.matmul %max3A_574, %get3A_577, %dot_general3A_578 {dimension_numbers = #tpu.dot_dimension_numbers<[1], [0], [0], [1], [0, 0, 1, 1], [], []>, precision = #tpu.contract_precision<fp32>, transpose_lhs_hint = false} : vector<512x128xf32>, vector<128x1xf32>, vector<512x1xf32> -> vector<512x1xf32>
    %get3A_580 = arith.constant 0 : index
    %get3A_581 = arith.constant 0 : index
    %get3A_582 = vector.load %arg14[%get3A_580, %get3A_581] : memref<1x1xf32, #tpu.memory_space<vmem>>, vector<1x1xf32>
    %add3A_583 = vector.broadcast %get3A_582 : vector<1x1xf32> to vector<512x1xf32>
    %add3A_584 = arith.addf %dot_general3A_579, %add3A_583 : vector<512x1xf32>
    %tanh3A = math.tanh %add3A_584 : vector<512x1xf32>
    %swap3A_585 = arith.constant 0 : index
    %swap3A_586 = arith.constant 0 : index
    %swap3A_587 = vector.load %arg19[%swap3A_585, %swap3A_586] : memref<512x1xf32, #tpu.memory_space<vmem>>, vector<512x1xf32>
    tpu.vector_store %arg19[%swap3A_585, %swap3A_586], %tanh3A {strides = array<i32>} : memref<512x1xf32, #tpu.memory_space<vmem>>, vector<512x1xf32>,
    return
  }
}

</mosaic_0001>

<sc_bundles>
// kernel: kernel.13.cloned.1.call-start
scs
__scs_entry_jumppad:
0x0: {  	(pc) =	sbr.rel $0x88, $3  }
0x1: {  	(tag) =	ssettag $0x0;
	lr =	simm.s32 $0x1  }
0x2: {  	[smem:$0x3F8D] =	sst lr;
	_ =	strace $0xD0000000  }
0x3: {  	_ = 	snop  }
0x4: {  	_ = 	snop  }
0x5: {  	_ = 	snop  }
0x6: {  	_ = 	snop  }
0x7: {  	_ = 	snop  }
__scs_overlays_trampoline_lowered:
0x8: {  	[smem:$0x3F9C] =	sst s0  }
0x9: {  	[smem:$0x3F9D] =	sst s1  }
0xa: {  	[smem:$0x3F9E] =	sst s2  }
0xb: {  	[smem:$0x3F9F] =	sst s3  }
0xc: {  	[smem:$0x3FA0] =	sst s4  }
0xd: {  	[smem:$0x3FA1] =	sst s5  }
0xe: {  	[smem:$0x3FA2] =	sst s6  }
0xf: {  	[smem:$0x3FA3] =	sst s7  }
0x10: {  	[smem:$0x3FA4] =	sst s8  }
0x11: {  	[smem:$0x3FA5] =	sst s9;
	s0 =	simm.s32 @!p0 $0x0  }
0x12: {  	s1 =	sld [smem:$0x3F8B];
	s0 =	simm.s32 @p0 $0x1  }
0x13: {  	[smem:$0x3FA6] =	sst s0;
	s0 =	simm.s32 @!p1 $0x0  }
0x14: {  	s2 =	sld [smem:$0x3F8A];
	s0 =	simm.s32 @p1 $0x1  }
0x15: {  	[smem:$0x3FA7] =	sst s0;
	s0 =	simm.s32 @!p2 $0x0  }
0x16: {  	s3 =	sld [smem:$0x3FDB];
	s0 =	simm.s32 @p2 $0x1  }
0x17: {  	s4 =	simm.s32 $0x1BF5;
	[smem:$0x3FA9] =	sst s0  }
0x18: {  	s0 =	sld [smem:$0x3F8C];
	_ =	swait.ge [sflag:s4], $0x0  }
0x19: {  	s7 =	sld [smem:$0x3F8D]  }
0x1a: {  	s8 =	sadd.s32 $0xFFFFE003, lr  }
0x1b: {  	s9 =	sadd.s32 $0xFFFFFEF7, lr;
	s5 =	simm.s32 $0xFFFFFFFF;
	p2 =	slt.u32 s8, $0xFFFFF086  }
0x1c: {  	p1 =	slt.u32 s9, $0xF7A;
	s5 =	simm.s32 @!p2 $0x0  }
0x1d: {  	s5 =	simm.s32 @p1 $0x1;
	p0 =	seq.s32 s7, s2  }
0x1e: {  	s7 =	smul.u32 @!p0 $0xF7A, s2;
	p2 =	seq.s32 @!p0 s5, $0x0  }
0x1f: {  	s9 =	smul.u32 $0xF7A, s1;
	s8 =	simm.s32 @!p0 $0x1BF5;
	p2 =	por !p2, p0  }
0x20: {  	[sflag:s8] =	ssyncset.s32 @!p0 $0xFFFFF086;
	s6 =	sadd.s32 @!p0 s3, s7;
	s7 =	simm.s32 @!p0 $0x108  }
0x21: {  	s3 =	sadd.s32 s3, s9;
	s6 =	sadd.s32 @!p0 $0x88, s6;
	s7 =	simm.s32 @p2 $0x1082  }
0x22: {  	[simem:s7], [sflag:s8] =	dma.local @!p0 [hbm:s6], $0xF7A  }
0x23: {  	s9 =	sor.u32 $0xD0000000, s2;
	s6 =	simm.s32 $0x108;
	_ =	swait.ge @!p0 [sflag:s8], $0x0  }
0x24: {  	s3 =	sadd.s32 $0x88, s3;
	s6 =	simm.s32 @!p1 $0x1082;
	[sflag:s4] =	ssyncset.s32 $0xFFFFF086  }
0x25: {  	[simem:s6], [sflag:s4] =	dma.local [hbm:s3], $0xF7A  }
0x26: {  	[smem:$0x3F8D] =	sst s1;
	(tag) =	ssettag s2;
	_ =	strace s9  }
0x27: {  	s1 =	sld [smem:$0x3F9D]  }
0x28: {  	s2 =	sld [smem:$0x3F9E]  }
0x29: {  	s4 =	sld [smem:$0x3FA0]  }
0x2a: {  	p0 =	seq.s32 s5, $0x0;
	s5 =	sld [smem:$0x3FA1]  }
0x2b: {  	s6 =	sld [smem:$0x3FA2]  }
0x2c: {  	s7 =	sld [smem:$0x3FA3]  }
0x2d: {  	s3 =	simm.s32 $0x108;
	s8 =	sld [smem:$0x3FA4]  }
0x2e: {  	s3 =	simm.s32 @!p0 $0x1082;
	s9 =	sld [smem:$0x3FA5]  }
0x2f: {  	lr =	sadd.s32 s0, s3;
	s0 =	sld [smem:$0x3F9C]  }
0x30: {  	s3 =	sld [smem:$0x3F9F]  }
0x31: {  	[smem:$0x3FA8] =	sst s10  }
0x32: {  	s10 =	sld [smem:$0x3FA6];
	_ =	sdelay $0x3  }
0x33: {  	p0 =	seq.s32 s10, $0x1;
	s10 =	sld [smem:$0x3FA8];
	_ =	sdelay $0x3  }
0x34: {  	[smem:$0x3FA8] =	sst s10  }
0x35: {  	s10 =	sld [smem:$0x3FA7];
	_ =	sdelay $0x3  }
0x36: {  	p1 =	seq.s32 s10, $0x1;
	s10 =	sld [smem:$0x3FA8];
	_ =	sdelay $0x3  }
0x37: {  	[smem:$0x3FA8] =	sst s10  }
0x38: {  	s10 =	sld [smem:$0x3FA9]  }
0x39: {  	_ = 	snop;
	(pc) =	sbr.ind lr, $3  }
0x3a: {  	_ = 	snop  }
0x3b: {  	_ = 	snop  }
0x3c: {  	p2 =	seq.s32 s10, $0x1;
	s10 =	sld [smem:$0x3FA8]  }
0x3d: {  	_ =	shalt  }
0x3e: {  	_ =	shalt  }
0x3f: {  	_ =	shalt  }
0x40: {  	_ =	shalt  }
0x41: {  	_ =	shalt  }
0x42: {  	_ =	shalt  }
0x43: {  	_ =	shalt  }
0x44: {  	_ =	shalt  }
0x45: {  	_ =	shalt  }
0x46: {  	_ =	shalt  }
0x47: {  	_ =	shalt  }
0x48: {  	_ =	shalt  }
0x49: {  	_ =	shalt  }
0x4a: {  	_ =	shalt  }
0x4b: {  	_ =	shalt  }
0x4c: {  	_ =	shalt  }
0x4d: {  	_ =	shalt  }
0x4e: {  	_ =	shalt  }
0x4f: {  	_ =	shalt  }
0x50: {  	_ =	shalt  }
0x51: {  	_ =	shalt  }
0x52: {  	_ =	shalt  }
0x53: {  	_ =	shalt  }
0x54: {  	_ =	shalt  }
0x55: {  	_ =	shalt  }
0x56: {  	_ =	shalt  }
0x57: {  	_ =	shalt  }
0x58: {  	_ =	shalt  }
0x59: {  	_ =	shalt  }
0x5a: {  	_ =	shalt  }
0x5b: {  	_ =	shalt  }
0x5c: {  	_ =	shalt  }
0x5d: {  	_ =	shalt  }
0x5e: {  	_ =	shalt  }
0x5f: {  	_ =	shalt  }
0x60: {  	_ =	shalt  }
0x61: {  	_ =	shalt  }
0x62: {  	_ =	shalt  }
0x63: {  	_ =	shalt  }
0x64: {  	_ =	shalt  }
0x65: {  	_ =	shalt  }
0x66: {  	_ =	shalt  }
0x67: {  	_ =	shalt  }
0x68: {  	_ =	shalt  }
0x69: {  	_ =	shalt  }
0x6a: {  	_ =	shalt  }
0x6b: {  	_ =	shalt  }
0x6c: {  	_ =	shalt  }
0x6d: {  	_ =	shalt  }
0x6e: {  	_ =	shalt  }
0x6f: {  	_ =	shalt  }
0x70: {  	_ =	shalt  }
0x71: {  	_ =	shalt  }
0x72: {  	_ =	shalt  }
0x73: {  	_ =	shalt  }
0x74: {  	_ =	shalt  }
0x75: {  	_ =	shalt  }
0x76: {  	_ =	shalt  }
0x77: {  	_ =	shalt  }
0x78: {  	_ =	shalt  }
0x79: {  	_ =	shalt  }
0x7a: {  	_ =	shalt  }
0x7b: {  	_ =	shalt  }
0x7c: {  	_ =	shalt  }
0x7d: {  	_ =	shalt  }
0x7e: {  	_ =	shalt  }
0x7f: {  	_ =	shalt  }
0x80: {  	_ =	shalt  }
0x81: {  	_ =	shalt  }
0x82: {  	_ =	shalt  }
0x83: {  	_ =	shalt  }
0x84: {  	_ =	shalt  }
0x85: {  	_ =	shalt  }
0x86: {  	_ =	shalt  }
0x87: {  	_ =	shalt  }
.Lfunc_end0:
.L_simem_size_0:
called_computation_lowered:
.L_overlay_start_0:
0x88: {  	s2 =	sld [smem:$0x3FD9]  }
0x89: {  	s3 =	sld [smem:$0x3FFE];
	_ =	sdelay $0x1  }
0x8a: {  	s1 =	srdreg.scid  }
0x8b: {  	s0 =	sand.u32 $0x1, s1  }
0x8c: {  	s17 =	sshll.u32 s0, $0xA;
	s2 =	sadd.s32 s3, s2  }
0x8d: {  	s2 =	sadd.s32 s2, s17  }
0x8e: {  	[smem:$0x3FB4] =	sst s2  }
0x8f: {  	_ = 	snop  }
0x90: {  	(tm) =	ssettm $0x1  }
0x91: {  	s18 =	sld [smem:$0x3FFB];
	_ =	sdelay $0x3  }
0x92: {  	_ =	strace s18  }
0x93: {  	s2 =	sld [smem:$0x3FFC];
	_ =	sdelay $0x3  }
0x94: {  	_ =	strace s2  }
0x95: {  	s2 =	sld [smem:$0x3FFD];
	_ =	sdelay $0x3  }
0x96: {  	_ =	strace s2  }
0x97: {  	_ =	strace $0x8FFFFFFF  }
0x98: {  	s19 =	sld [smem:$0x3FDB];
	_ =	sdelay $0x1  }
0x99: {  	s20 =	simm.s32 $_scs_section_size  }
0x9a: {  	s4 =	simm.s32 $_size__tile_overlayer_lowered;
	s5 =	simm.s32 $_tile_overlayer_lowered  }
0x9b: {  	s6 =	simm.s32 $0x1BFF;
	s21 =	sshll.u32 s5, $0x1;
	s3 =	sadd.s32 s20, s19  }
0x9c: {  	s22 =	simm.s32 $0x0;
	s4 =	sshll.u32 s4, $0x1;
	s5 =	sadd.s32 s21, s3  }
0x9d: {  	[timem:s22], [sflag:s6] =	dma.local [hbm:s5], s4  }
0x9e: {  	_ =	swait.ge [sflag:s6], s4  }
0x9f: {  	s4 =	ssub.s32 $0x0, s4;
	[sflag:s6] =	ssyncset.done $0x0  }
0xa0: {  	[sflag:s6] =	ssyncadd.s32 s4;
	_ =	sdelay $0x1  }
0xa1: {  	s23 =	simm.s32 $0x1B8B  }
0xa2: {  	_ =	swait.ge [sflag:s23], $0x1  }
0xa3: {  	[sflag:s23] =	ssyncset.done $0x0  }
0xa4: {  	[sflag:s23] =	ssyncadd.s32 $0xFFFFFFFF  }
0xa5: {  	s4 =	sld [smem:$0x0]  }
0xa6: {  	s5 =	sand.u32 $0xFFFFFFFE, s1  }
0xa7: {  	p0 =	sne.s32 s1, s5  }
0xa8: {  	s5 =	sshll.u32 @p0 s5, $0xE  }
0xa9: {  	s5 =	sadd.s32 @p0 $0x11B8D, s5;
	s6 =	sshll.u32 @p0 s4, $0x11  }
0xaa: {  	s5 =	sor.u32 @p0 s6, s5  }
0xab: {  	[sflag:s5] =	ssyncadd.remote.s32 @p0 $0x1;
	_ =	sdelay $0x1  }
0xac: {  	s5 =	simm.s32 @p0 $0x1B8D  }
0xad: {  	_ =	swait.eq @p0 [sflag:s5], $0x1  }
0xae: {  	[sflag:s5] =	ssyncadd.s32 @p0 $0xFFFFFFFF  }
0xaf: {  	s6 =	sshll.u32 @!p0 s1, $0xE  }
0xb0: {  	s6 =	sor.u32 @!p0 $0x4000, s6;
	s5 =	simm.s32 @!p0 $0x1B8D  }
0xb1: {  	s4 =	sshll.u32 @!p0 s4, $0x11;
	s6 =	sadd.s32 @!p0 $0x11B8D, s6;
	_ =	swait.eq @!p0 [sflag:s5], $0x1  }
0xb2: {  	s4 =	sor.u32 @!p0 s4, s6;
	[sflag:s5] =	ssyncadd.s32 @!p0 $0xFFFFFFFF  }
0xb3: {  	s25 =	simm.s32 $0x1B8E;
	s24 =	sld [smem:$0x3FFE];
	[sflag:s4] =	ssyncadd.remote.s32 @!p0 $0x1  }
0xb4: {  	s26 =	simm.s32 $execute0_lowered;
	[smem:$0x3FD2] =	sst s25  }
0xb5: {  	s5 =	sshll.u32 s26, $0x1;
	_ =	strace $0x80000049;
	[dreg:$0x1] =	wrdreg $0xFFFFFFFF  }
0xb6: {  	s28 =	simm.s32 $_size_execute0_lowered;
	s3 =	sadd.s32 s3, s5;
	[dreg:$0x0] =	wrdreg $0x0  }
0xb7: {  	s5 =	sshll.u32 s28, $0x1;
	[dreg:$0x2] =	wrdreg s3  }
0xb8: {  	[dreg:$0x3] =	wrdreg s5  }
0xb9: {  	[dreg:$0x4] =	wrdreg $0xC0  }
0xba: {  	_ =	task [dreg:s22], $0x5FFFF  }
0xbb: {  	[dreg:$0x1] =	wrdreg $0xFFFFFFFF  }
0xbc: {  	[dreg:$0x0] =	wrdreg $0x60  }
0xbd: {  	[dreg:$0x2] =	wrdreg s24  }
0xbe: {  	[dreg:$0x3] =	wrdreg $0x41000  }
0xbf: {  	[dreg:$0x4] =	wrdreg $0x9  }
0xc0: {  	_ =	task.clear_ibuf [dreg:s22], $0x5FFFF;
	_ =	strace $0x90000049  }
0xc1: {  	s29 =	simm.s32 $0x9;
	_ =	strace $0x8000004B  }
0xc2: {  	_ =	swait.ge [sflag:s29], $0x1  }
0xc3: {  	[sflag:s29] =	ssyncadd.s32 $0xFFFFFFFF  }
0xc4: {  	_ =	strace $0x9000004B  }
0xc5: {  	_ =	sfence  }
0xc6: {  	s30 =	sld [smem:$0x0];
	_ =	sdelay $0x2  }
0xc7: {  	s31 =	sshll.u32 s1, $0xD;
	s1 =	sshrl.u32 s1, $0x2  }
0xc8: {  	s4 =	sand.u32 $0x4000, s31;
	s1 =	sadd.s32 s1, s30  }
0xc9: {  	s0 =	sor.u32 s4, s0;
	s1 =	sshll.u32 s1, $0x11  }
0xca: {  	s0 =	sor.u32 s1, s0  }
0xcb: {  	s0 =	sadd.s32 $0x8F2B, s0  }
0xcc: {  	[sflag:s0] =	ssyncadd.remote.s32 $0x1  }
0xcd: {  	_ =	sfence.sel $0xFFFF  }
0xce: {  	[dreg:$0x0] =	wrdreg $0xFFFFFFFF;
	(pc) =	sbr.abs _section_cstart, $3  }
0xcf: {  	[dreg:$0x1] =	wrdreg $0xFFFFFFFF  }
0xd0: {  	_ =	task.clear_ibuf [dreg:s22], $0x2FFFF;
	_ =	strace $0x9FFFFFFF  }
0xd1: {  	(tm) =	ssettm $0x7FFFFFFF  }
tec
execute0_lowered:
.L_overlay_start_1:
0x0: {  	(tag) =	ssettag $0x1  }
0x1: {  	s5 =	rddreg [dreg:$0x0]  }
0x2: {  	s2 =	rddreg [dreg:$0x1]  }
0x3: {  	s0 =	rddreg [dreg:$0x2]  }
0x4: {  	s4 =	srdreg.scid;
	s1 =	stileid.u32  }
0x5: {  	s3 =	simm.s32 $0x0;
	s16 =	simm.s32 $0x3;
	s17 =	simm.s32 $0x80  }
0x6: {  	s18 =	simm.s32 $0x1;
	s19 =	simm.s32 $0x2;
	s24 =	smul.u32 $0x2780, s1  }
0x7: {  	s20 =	simm.s32 $0x0;
	s6 =	sand.u32 $0x1, s4;
	s9 =	smul.u32 $0x4F000, s1  }
0x8: {  	[smem:$0x7FF] =	sst s3;
	s4 =	sadd.s32 $0x5600, s5;
	s29 =	smul.u32 $0x2880, s1  }
0x9: {  	s7 =	smul.u32 $0x27800, s6;
	_ =	strace $0x8000004A;
	s8 =	ssub.s32 $0x2, s6  }
0xa: {  	s26 =	sshll.u32 s6, $0x4;
	s10 =	smul.u32 $0x28800, s6;
	s25 =	sshrl.u32 s8, $0x1  }
0xb: {  	s9 =	sshrl.u32 s9, $0x2;
	s28 =	sor.u32 s1, s26;
	s7 =	sadd.s32 s24, s7  }
0xc: {  	s12 =	ssub.s32 s8, s25;
	s13 =	smul.u32 $0x2880, s28;
	s14 =	sadd.s32 s29, s10  }
0xd: {  	s11 =	sadd.s32 s7, s5;
	s5 =	sadd.s32 s9, s2;
	s31 =	sadd.s32 $0x80, s14  }
0xe: {  	s12 =	smax.u32 s12, $0x1;
	s6 =	sadd.s32 $0x4000, s5;
	s7 =	sadd.s32 $0x8000, s5  }
0xf: {  	s8 =	sadd.s32 $0xC000, s5;
	s9 =	sadd.s32 $0x10000, s5;
	s30 =	sshrl.u32 s13, $0x3  }
0x10: {  	s11 =	sadd.s32 $0x90200, s11;
	s15 =	sshrl.u32 s31, $0x3;
	s13 =	sadd.s32 $0x100, s14  }
0x11: {  	v0 =	vimm.f32 $0.0e+00;
	v1 =	vimm.f32 $1.000000000e+00;
	s10 =	sadd.s32 s4, s30;
	s14 =	sadd.s32 s15, s4;
	s15 =	simm.s32 $0x100  }
.LBB2_1:
0x12: {  	s21 =	simm.s32 $0x0;
	s22 =	simm.s32 $0x200  }
.LBB2_2:
0x13: {  	p0 =	sne.s32 s22, $0xFE00;
	[tilespmem:s21+$0x170] =	vst v0  }
0x14: {  	[tilespmem:s21+$0x100] =	vst v0  }
0x15: {  	[tilespmem:s21+$0x110] =	vst v0  }
.Ltmp0:
0x16: {  	[tilespmem:s21+$0x120] =	vst v0;
	(pc) =	sbr.rel @p0 .LBB2_2-.Ltmp0, $4  }
0x17: {  	[tilespmem:s21+$0x130] =	vst v0  }
0x18: {  	[tilespmem:s21+$0x140] =	vst v0  }
0x19: {  	[tilespmem:s21+$0x150] =	vst v0  }
0x1a: {  	[tilespmem:s21+$0x160] =	vst v0;
	s21 =	sshra.s32 s22, $0x2;
	s22 =	sadd.s32 $0x200, s22  }
0x1b: {  	[tilespmem:s21+$0x170] =	vst v0  }
0x1c: {  	[tilespmem:s21+$0x100] =	vst v0  }
0x1d: {  	[tilespmem:s21+$0x110] =	vst v0  }
0x1e: {  	[tilespmem:s21+$0x120] =	vst v0  }
0x1f: {  	[tilespmem:s21+$0x130] =	vst v0  }
0x20: {  	[tilespmem:s21+$0x140] =	vst v0  }
0x21: {  	[tilespmem:s21+$0x150] =	vst v0  }
0x22: {  	[tilespmem:s21+$0x160] =	vst v0  }
0x23: {  	[spmem:s5] =	stream.linear.scatter [tilespmem:s15], [sflag:$0x3], $0x4000, $0x38;
	[tilespmem:$0x17D00] =	vst v63  }
0x24: {  	_ =	swait.ge [sflag:s16], $0x4000  }
0x25: {  	[sflag:s16] =	ssyncset.done $0x0  }
0x26: {  	[sflag:s16] =	ssyncadd.s32 $0xFFFFC000  }
0x27: {  	[spmem:s6] =	stream.linear.scatter [tilespmem:s15], [sflag:$0x3], $0x4000, $0x38;
	[tilespmem:$0x17D00] =	vst v63  }
0x28: {  	_ =	swait.ge [sflag:s16], $0x4000  }
0x29: {  	[sflag:s16] =	ssyncset.done $0x0  }
0x2a: {  	[sflag:s16] =	ssyncadd.s32 $0xFFFFC000  }
0x2b: {  	[spmem:s7] =	stream.linear.scatter [tilespmem:s15], [sflag:$0x3], $0x4000, $0x38;
	[tilespmem:$0x17D00] =	vst v63  }
0x2c: {  	_ =	swait.ge [sflag:s16], $0x4000  }
0x2d: {  	[sflag:s16] =	ssyncset.done $0x0  }
0x2e: {  	[sflag:s16] =	ssyncadd.s32 $0xFFFFC000  }
0x2f: {  	[spmem:s8] =	stream.linear.scatter [tilespmem:s15], [sflag:$0x3], $0x4000, $0x38;
	[tilespmem:$0x17D00] =	vst v63  }
0x30: {  	_ =	swait.ge [sflag:s16], $0x4000  }
0x31: {  	[sflag:s16] =	ssyncset.done $0x0  }
0x32: {  	[sflag:s16] =	ssyncadd.s32 $0xFFFFC000  }
0x33: {  	[spmem:s9] =	stream.linear.scatter [tilespmem:s15], [sflag:$0x3], $0x3C00, $0x38;
	[tilespmem:$0x17D00] =	vst v63  }
0x34: {  	_ =	swait.ge [sflag:s16], $0x3C00  }
0x35: {  	[sflag:s16] =	ssyncset.done $0x0  }
0x36: {  	s21 =	simm.s32 $0x0;
	s22 =	simm.s32 $0x200;
	[sflag:s16] =	ssyncadd.s32 $0xFFFFC400  }
.LBB2_4:
0x37: {  	p0 =	sne.s32 s22, $0xFE00;
	[tilespmem:s21+$0x170] =	vst v1  }
0x38: {  	[tilespmem:s21+$0x100] =	vst v1  }
0x39: {  	[tilespmem:s21+$0x110] =	vst v1  }
.Ltmp1:
0x3a: {  	[tilespmem:s21+$0x120] =	vst v1;
	(pc) =	sbr.rel @p0 .LBB2_4-.Ltmp1, $4  }
0x3b: {  	[tilespmem:s21+$0x130] =	vst v1  }
0x3c: {  	[tilespmem:s21+$0x140] =	vst v1  }
0x3d: {  	[tilespmem:s21+$0x150] =	vst v1  }
0x3e: {  	[tilespmem:s21+$0x160] =	vst v1;
	s21 =	sshra.s32 s22, $0x2;
	s22 =	sadd.s32 $0x200, s22  }
0x3f: {  	[tilespmem:s21+$0x170] =	vst v1  }
0x40: {  	[tilespmem:s21+$0x100] =	vst v1  }
0x41: {  	[tilespmem:s21+$0x110] =	vst v1  }
0x42: {  	[tilespmem:s21+$0x120] =	vst v1  }
0x43: {  	[tilespmem:s21+$0x130] =	vst v1  }
0x44: {  	[tilespmem:s21+$0x140] =	vst v1  }
0x45: {  	[tilespmem:s21+$0x150] =	vst v1  }
0x46: {  	[tilespmem:s21+$0x160] =	vst v1  }
0x47: {  	s29 =	simm.s32 $0x0;
	[bflag:$0x0] =	sbarrier.arrive $0xFFFF  }
0x48: {  	[tilespmem:s29], [sflag:$0x3] =	stream.linear.gather [hbm4b:s10+s29], $0x80, $0x38;
	[tilespmem:$0x17D00] =	vst v63  }
0x49: {  	_ =	swait.ge [sflag:s16], $0x80  }
0x4a: {  	[sflag:s16] =	ssyncset.done $0x0  }
0x4b: {  	[sflag:s16] =	ssyncadd.s32 $0xFFFFFF80  }
0x4c: {  	[spmem:s2] =	stream.indirect.scatter.add.f32 [tilespmem:s15], [sflag:$0x1], $0x80, s29, s17, $0xb8;
	[tilespmem:$0x17D00] =	vst v63  }
0x4d: {  	s30 =	sadd.s32 $0x0, s14  }
0x4e: {  	[tilespmem:s17], [sflag:$0x3] =	stream.linear.gather [hbm4b:s30+s3], $0x80, $0x38;
	[tilespmem:$0x17D00] =	vst v63  }
0x4f: {  	_ =	swait.ge [sflag:s16], $0x80  }
0x50: {  	[sflag:s16] =	ssyncset.done $0x0  }
0x51: {  	[sflag:s16] =	ssyncadd.s32 $0xFFFFFF80  }
0x52: {  	[spmem:s2] =	stream.indirect.scatter.add.f32 [tilespmem:s15], [sflag:$0x2], $0x80, s17, s17, $0xb8;
	[tilespmem:$0x17D00] =	vst v63  }
0x53: {  	_ =	swait.ge [sflag:s18], $0x4000  }
0x54: {  	s31 =	sshrl.u32 s13, $0x3;
	[sflag:s18] =	ssyncset.done $0x0  }
0x55: {  	s21 =	sadd.s32 s4, s31;
	[sflag:s18] =	ssyncadd.s32 $0xFFFFC000  }
0x56: {  	[tilespmem:s3], [sflag:$0x3] =	stream.linear.gather [hbm4b:s21+s3], $0x80, $0x38;
	[tilespmem:$0x17D00] =	vst v63  }
0x57: {  	_ =	swait.ge [sflag:s16], $0x80  }
0x58: {  	[sflag:s16] =	ssyncset.done $0x0  }
0x59: {  	[sflag:s16] =	ssyncadd.s32 $0xFFFFFF80  }
0x5a: {  	[spmem:s2] =	stream.indirect.scatter.add.f32 [tilespmem:s15], [sflag:$0x1], $0x80, s3, s17, $0xb8;
	[tilespmem:$0x17D00] =	vst v63  }
0x5b: {  	s22 =	simm.s32 $0x20;
	_ =	swait.ge [sflag:s19], $0x4000  }
0x5c: {  	s23 =	simm.s32 $0x40;
	s21 =	sadd.s32 $0x100, s13;
	[sflag:s19] =	ssyncset.done $0x0  }
.LBB2_6:
0x5d: {  	s24 =	sadd.s32 s22, s14  }
0x5e: {  	[sflag:s19] =	ssyncadd.s32 $0xFFFFC000;
	s22 =	smov.u32 s23;
	s25 =	sadd.s32 $0x20, s23  }
0x5f: {  	[tilespmem:s17], [sflag:$0x3] =	stream.linear.gather [hbm4b:s24+s3], $0x80, $0x38;
	[tilespmem:$0x17D00] =	vst v63  }
0x60: {  	p0 =	sne.s32 s23, $0x4E0;
	_ =	swait.ge [sflag:s16], $0x80  }
0x61: {  	[sflag:s16] =	ssyncset.done $0x0  }
0x62: {  	[sflag:s16] =	ssyncadd.s32 $0xFFFFFF80  }
0x63: {  	[spmem:s2] =	stream.indirect.scatter.add.f32 [tilespmem:s15], [sflag:$0x2], $0x80, s17, s17, $0xb8;
	[tilespmem:$0x17D00] =	vst v63  }
0x64: {  	_ =	swait.ge [sflag:s18], $0x4000  }
0x65: {  	s23 =	sshrl.u32 s21, $0x3;
	[sflag:s18] =	ssyncset.done $0x0  }
0x66: {  	s23 =	sadd.s32 s4, s23;
	[sflag:s18] =	ssyncadd.s32 $0xFFFFC000  }
0x67: {  	[tilespmem:s3], [sflag:$0x3] =	stream.linear.gather [hbm4b:s23+s3], $0x80, $0x38;
	[tilespmem:$0x17D00] =	vst v63  }
0x68: {  	_ =	swait.ge [sflag:s16], $0x80  }
.Ltmp2:
0x69: {  	[sflag:s16] =	ssyncset.done $0x0;
	(pc) =	sbr.rel @p0 .LBB2_6-.Ltmp2, $4  }
0x6a: {  	[sflag:s16] =	ssyncadd.s32 $0xFFFFFF80  }
0x6b: {  	[spmem:s2] =	stream.indirect.scatter.add.f32 [tilespmem:s15], [sflag:$0x1], $0x80, s3, s17, $0xb8;
	[tilespmem:$0x17D00] =	vst v63  }
0x6c: {  	_ =	swait.ge [sflag:s19], $0x4000  }
0x6d: {  	s21 =	sadd.s32 $0x100, s21;
	s23 =	smov.u32 s25;
	[sflag:s19] =	ssyncset.done $0x0  }
0x6e: {  	s22 =	sadd.s32 s22, s14;
	[sflag:s19] =	ssyncadd.s32 $0xFFFFC000  }
0x6f: {  	[tilespmem:s17], [sflag:$0x3] =	stream.linear.gather [hbm4b:s22+s3], $0x80, $0x38;
	[tilespmem:$0x17D00] =	vst v63  }
0x70: {  	_ =	swait.ge [sflag:s16], $0x80  }
0x71: {  	[sflag:s16] =	ssyncset.done $0x0  }
0x72: {  	[sflag:s16] =	ssyncadd.s32 $0xFFFFFF80  }
0x73: {  	[spmem:s2] =	stream.indirect.scatter.add.f32 [tilespmem:s15], [sflag:$0x2], $0x80, s17, s17, $0xb8;
	[tilespmem:$0x17D00] =	vst v63  }
0x74: {  	_ =	swait.ge [sflag:s18], $0x4000  }
0x75: {  	s21 =	sshrl.u32 s21, $0x3;
	[sflag:s18] =	ssyncset.done $0x0  }
0x76: {  	s21 =	sadd.s32 s4, s21;
	[sflag:s18] =	ssyncadd.s32 $0xFFFFC000  }
0x77: {  	[tilespmem:s3], [sflag:$0x3] =	stream.linear.gather [hbm4b:s21+s3], $0x80, $0x38;
	[tilespmem:$0x17D00] =	vst v63  }
0x78: {  	_ =	swait.ge [sflag:s16], $0x80  }
0x79: {  	[sflag:s16] =	ssyncset.done $0x0  }
0x7a: {  	[sflag:s16] =	ssyncadd.s32 $0xFFFFFF80  }
0x7b: {  	[spmem:s2] =	stream.indirect.scatter.add.f32 [tilespmem:s15], [sflag:$0x1], $0x80, s3, s17, $0xb8;
	[tilespmem:$0x17D00] =	vst v63  }
0x7c: {  	_ =	swait.ge [sflag:s19], $0x4000  }
0x7d: {  	[sflag:s19] =	ssyncset.done $0x0  }
0x7e: {  	[sflag:s19] =	ssyncadd.s32 $0xFFFFC000  }
0x7f: {  	_ =	swait.ge [sflag:s18], $0x4000  }
0x80: {  	s30 =	sshll.u32 s1, $0x6;
	s20 =	sadd.s32 $0x1, s20;
	[sflag:s18] =	ssyncset.done $0x0  }
0x81: {  	s31 =	sshrl.u32 s5, $0x3;
	p0 =	sne.s32 s20, s12;
	[sflag:s18] =	ssyncadd.s32 $0xFFFFC000  }
.Ltmp3:
0x82: {  	s21 =	sor.u32 $0x1C03, s30;
	[bflag:$0x0] =	sbarrier.arrive $0xFFFF;
	(pc) =	sbr.rel @p0 .LBB2_1-.Ltmp3, $4  }
0x83: {  	[hbm:s11], [sflag:s21] =	dma.local [spmem:s31], $0x2780  }
0x84: {  	_ =	swait.ge [sflag:s16], $0x2780  }
0x85: {  	[sflag:s16] =	ssyncset.done $0x0  }
0x86: {  	[sflag:s16] =	ssyncadd.s32 $0xFFFFD880  }
0x87: {  	_ =	sfence.sel $0x180000  }
0x88: {  	[bflag:$0x0] =	sbarrier.arrive $0xFFFF  }
0x89: {  	p0 =	sne.s32 s1, $0x0;
	_ =	strace $0x9000004A  }
0x8a: {  	s0 =	sadd.s32 @!p0 $0x100000, s0;
	[bflag:$0x2] =	sbarrier.arrive $0xFFFF  }
0x8b: {  	[sflag:s0] =	ssyncadd.tile.s32 @!p0 $0x1;
	_ =	shalt  }
.Lfunc_end2:
_tile_overlayer_lowered:
.L_overlay_start_2:
0x8c: {  	(tag) =	ssettag $0x2  }
0x8d: {  	s0 =	rddreg [dreg:$0x0];
	s2 =	stileid.u32  }
0x8e: {  	s1 =	rddreg [dreg:$0x1];
	p0 =	sne.s32 s2, $0x0  }
0x8f: {  	s3 =	rddreg [dreg:$0x2];
	[bflag:$0x3] =	sbarrier.arrive $0xFFFF;
	s2 =	simm.s32 @!p0 $0x1C03  }
0x90: {  	[timem:s3], [sflag:s2] =	dma.local @!p0 [hbm:s0], s1  }
0x91: {  	s0 =	simm.s32 @!p0 $0x3  }
0x92: {  	_ =	swait.ge @!p0 [sflag:s0], s1  }
0x93: {  	s1 =	ssub.s32 @!p0 $0x0, s1;
	[sflag:s0] =	ssyncset.done @!p0 $0x0  }
0x94: {  	[sflag:s0] =	ssyncadd.s32 @!p0 s1  }
0x95: {  	[bflag:$0x3] =	sbarrier.arrive $0xFFFF  }
0x96: {  	_ =	shalt  }

// kernel: kernel.16.cloned.1.call-start
scs
__scs_entry_jumppad:
0x0: {  	(pc) =	sbr.rel $0x88, $3  }
0x1: {  	(tag) =	ssettag $0x0;
	lr =	simm.s32 $0x1  }
0x2: {  	[smem:$0x3F8D] =	sst lr;
	_ =	strace $0xD0000000  }
0x3: {  	_ = 	snop  }
0x4: {  	_ = 	snop  }
0x5: {  	_ = 	snop  }
0x6: {  	_ = 	snop  }
0x7: {  	_ = 	snop  }
__scs_overlays_trampoline_lowered:
0x8: {  	[smem:$0x3F9C] =	sst s0  }
0x9: {  	[smem:$0x3F9D] =	sst s1  }
0xa: {  	[smem:$0x3F9E] =	sst s2  }
0xb: {  	[smem:$0x3F9F] =	sst s3  }
0xc: {  	[smem:$0x3FA0] =	sst s4  }
0xd: {  	[smem:$0x3FA1] =	sst s5  }
0xe: {  	[smem:$0x3FA2] =	sst s6  }
0xf: {  	[smem:$0x3FA3] =	sst s7  }
0x10: {  	[smem:$0x3FA4] =	sst s8  }
0x11: {  	[smem:$0x3FA5] =	sst s9;
	s0 =	simm.s32 @!p0 $0x0  }
0x12: {  	s1 =	sld [smem:$0x3F8B];
	s0 =	simm.s32 @p0 $0x1  }
0x13: {  	[smem:$0x3FA6] =	sst s0;
	s0 =	simm.s32 @!p1 $0x0  }
0x14: {  	s2 =	sld [smem:$0x3F8A];
	s0 =	simm.s32 @p1 $0x1  }
0x15: {  	[smem:$0x3FA7] =	sst s0;
	s0 =	simm.s32 @!p2 $0x0  }
0x16: {  	s3 =	sld [smem:$0x3FDB];
	s0 =	simm.s32 @p2 $0x1  }
0x17: {  	s4 =	simm.s32 $0x1BF5;
	[smem:$0x3FA9] =	sst s0  }
0x18: {  	s0 =	sld [smem:$0x3F8C];
	_ =	swait.ge [sflag:s4], $0x0  }
0x19: {  	s7 =	sld [smem:$0x3F8D]  }
0x1a: {  	s8 =	sadd.s32 $0xFFFFE003, lr  }
0x1b: {  	s9 =	sadd.s32 $0xFFFFFEF7, lr;
	s5 =	simm.s32 $0xFFFFFFFF;
	p2 =	slt.u32 s8, $0xFFFFF086  }
0x1c: {  	p1 =	slt.u32 s9, $0xF7A;
	s5 =	simm.s32 @!p2 $0x0  }
0x1d: {  	s5 =	simm.s32 @p1 $0x1;
	p0 =	seq.s32 s7, s2  }
0x1e: {  	s7 =	smul.u32 @!p0 $0xF7A, s2;
	p2 =	seq.s32 @!p0 s5, $0x0  }
0x1f: {  	s9 =	smul.u32 $0xF7A, s1;
	s8 =	simm.s32 @!p0 $0x1BF5;
	p2 =	por !p2, p0  }
0x20: {  	[sflag:s8] =	ssyncset.s32 @!p0 $0xFFFFF086;
	s6 =	sadd.s32 @!p0 s3, s7;
	s7 =	simm.s32 @!p0 $0x108  }
0x21: {  	s3 =	sadd.s32 s3, s9;
	s6 =	sadd.s32 @!p0 $0x88, s6;
	s7 =	simm.s32 @p2 $0x1082  }
0x22: {  	[simem:s7], [sflag:s8] =	dma.local @!p0 [hbm:s6], $0xF7A  }
0x23: {  	s9 =	sor.u32 $0xD0000000, s2;
	s6 =	simm.s32 $0x108;
	_ =	swait.ge @!p0 [sflag:s8], $0x0  }
0x24: {  	s3 =	sadd.s32 $0x88, s3;
	s6 =	simm.s32 @!p1 $0x1082;
	[sflag:s4] =	ssyncset.s32 $0xFFFFF086  }
0x25: {  	[simem:s6], [sflag:s4] =	dma.local [hbm:s3], $0xF7A  }
0x26: {  	[smem:$0x3F8D] =	sst s1;
	(tag) =	ssettag s2;
	_ =	strace s9  }
0x27: {  	s1 =	sld [smem:$0x3F9D]  }
0x28: {  	s2 =	sld [smem:$0x3F9E]  }
0x29: {  	s4 =	sld [smem:$0x3FA0]  }
0x2a: {  	p0 =	seq.s32 s5, $0x0;
	s5 =	sld [smem:$0x3FA1]  }
0x2b: {  	s6 =	sld [smem:$0x3FA2]  }
0x2c: {  	s7 =	sld [smem:$0x3FA3]  }
0x2d: {  	s3 =	simm.s32 $0x108;
	s8 =	sld [smem:$0x3FA4]  }
0x2e: {  	s3 =	simm.s32 @!p0 $0x1082;
	s9 =	sld [smem:$0x3FA5]  }
0x2f: {  	lr =	sadd.s32 s0, s3;
	s0 =	sld [smem:$0x3F9C]  }
0x30: {  	s3 =	sld [smem:$0x3F9F]  }
0x31: {  	[smem:$0x3FA8] =	sst s10  }
0x32: {  	s10 =	sld [smem:$0x3FA6];
	_ =	sdelay $0x3  }
0x33: {  	p0 =	seq.s32 s10, $0x1;
	s10 =	sld [smem:$0x3FA8];
	_ =	sdelay $0x3  }
0x34: {  	[smem:$0x3FA8] =	sst s10  }
0x35: {  	s10 =	sld [smem:$0x3FA7];
	_ =	sdelay $0x3  }
0x36: {  	p1 =	seq.s32 s10, $0x1;
	s10 =	sld [smem:$0x3FA8];
	_ =	sdelay $0x3  }
0x37: {  	[smem:$0x3FA8] =	sst s10  }
0x38: {  	s10 =	sld [smem:$0x3FA9]  }
0x39: {  	_ = 	snop;
	(pc) =	sbr.ind lr, $3  }
0x3a: {  	_ = 	snop  }
0x3b: {  	_ = 	snop  }
0x3c: {  	p2 =	seq.s32 s10, $0x1;
	s10 =	sld [smem:$0x3FA8]  }
0x3d: {  	_ =	shalt  }
0x3e: {  	_ =	shalt  }
0x3f: {  	_ =	shalt  }
0x40: {  	_ =	shalt  }
0x41: {  	_ =	shalt  }
0x42: {  	_ =	shalt  }
0x43: {  	_ =	shalt  }
0x44: {  	_ =	shalt  }
0x45: {  	_ =	shalt  }
0x46: {  	_ =	shalt  }
0x47: {  	_ =	shalt  }
0x48: {  	_ =	shalt  }
0x49: {  	_ =	shalt  }
0x4a: {  	_ =	shalt  }
0x4b: {  	_ =	shalt  }
0x4c: {  	_ =	shalt  }
0x4d: {  	_ =	shalt  }
0x4e: {  	_ =	shalt  }
0x4f: {  	_ =	shalt  }
0x50: {  	_ =	shalt  }
0x51: {  	_ =	shalt  }
0x52: {  	_ =	shalt  }
0x53: {  	_ =	shalt  }
0x54: {  	_ =	shalt  }
0x55: {  	_ =	shalt  }
0x56: {  	_ =	shalt  }
0x57: {  	_ =	shalt  }
0x58: {  	_ =	shalt  }
0x59: {  	_ =	shalt  }
0x5a: {  	_ =	shalt  }
0x5b: {  	_ =	shalt  }
0x5c: {  	_ =	shalt  }
0x5d: {  	_ =	shalt  }
0x5e: {  	_ =	shalt  }
0x5f: {  	_ =	shalt  }
0x60: {  	_ =	shalt  }
0x61: {  	_ =	shalt  }
0x62: {  	_ =	shalt  }
0x63: {  	_ =	shalt  }
0x64: {  	_ =	shalt  }
0x65: {  	_ =	shalt  }
0x66: {  	_ =	shalt  }
0x67: {  	_ =	shalt  }
0x68: {  	_ =	shalt  }
0x69: {  	_ =	shalt  }
0x6a: {  	_ =	shalt  }
0x6b: {  	_ =	shalt  }
0x6c: {  	_ =	shalt  }
0x6d: {  	_ =	shalt  }
0x6e: {  	_ =	shalt  }
0x6f: {  	_ =	shalt  }
0x70: {  	_ =	shalt  }
0x71: {  	_ =	shalt  }
0x72: {  	_ =	shalt  }
0x73: {  	_ =	shalt  }
0x74: {  	_ =	shalt  }
0x75: {  	_ =	shalt  }
0x76: {  	_ =	shalt  }
0x77: {  	_ =	shalt  }
0x78: {  	_ =	shalt  }
0x79: {  	_ =	shalt  }
0x7a: {  	_ =	shalt  }
0x7b: {  	_ =	shalt  }
0x7c: {  	_ =	shalt  }
0x7d: {  	_ =	shalt  }
0x7e: {  	_ =	shalt  }
0x7f: {  	_ =	shalt  }
0x80: {  	_ =	shalt  }
0x81: {  	_ =	shalt  }
0x82: {  	_ =	shalt  }
0x83: {  	_ =	shalt  }
0x84: {  	_ =	shalt  }
0x85: {  	_ =	shalt  }
0x86: {  	_ =	shalt  }
0x87: {  	_ =	shalt  }
.Lfunc_end0:
.L_simem_size_0:
called_computation.1_lowered:
.L_overlay_start_0:
0x88: {  	s2 =	sld [smem:$0x3FD9]  }
0x89: {  	s3 =	sld [smem:$0x3FFE];
	_ =	sdelay $0x1  }
0x8a: {  	s1 =	srdreg.scid  }
0x8b: {  	s0 =	sand.u32 $0x1, s1  }
0x8c: {  	s16 =	sshll.u32 s0, $0xA;
	s2 =	sadd.s32 s3, s2  }
0x8d: {  	s2 =	sadd.s32 s2, s16  }
0x8e: {  	[smem:$0x3FB4] =	sst s2  }
0x8f: {  	_ = 	snop  }
0x90: {  	(tm) =	ssettm $0x1  }
0x91: {  	s17 =	sld [smem:$0x3FFB];
	_ =	sdelay $0x3  }
0x92: {  	_ =	strace s17  }
0x93: {  	s2 =	sld [smem:$0x3FFC];
	_ =	sdelay $0x3  }
0x94: {  	_ =	strace s2  }
0x95: {  	s2 =	sld [smem:$0x3FFD];
	_ =	sdelay $0x3  }
0x96: {  	_ =	strace s2  }
0x97: {  	_ =	strace $0x8FFFFFFF  }
0x98: {  	s18 =	sld [smem:$0x3FDB];
	_ =	sdelay $0x1  }
0x99: {  	s19 =	simm.s32 $_scs_section_size  }
0x9a: {  	s4 =	simm.s32 $_size__tile_overlayer_lowered;
	s5 =	simm.s32 $_tile_overlayer_lowered  }
0x9b: {  	s22 =	simm.s32 $0x1BFF;
	s21 =	sshll.u32 s5, $0x1;
	s2 =	sadd.s32 s19, s18  }
0x9c: {  	s6 =	simm.s32 $0x0;
	s20 =	sshll.u32 s4, $0x1;
	s4 =	sadd.s32 s21, s2  }
0x9d: {  	[timem:s6], [sflag:s22] =	dma.local [hbm:s4], s20  }
0x9e: {  	_ =	swait.ge [sflag:s22], s20  }
0x9f: {  	s3 =	ssub.s32 $0x0, s20;
	[sflag:s22] =	ssyncset.done $0x0  }
0xa0: {  	[sflag:s22] =	ssyncadd.s32 s3;
	_ =	sdelay $0x1  }
0xa1: {  	s23 =	simm.s32 $0x1B8B  }
0xa2: {  	_ =	swait.ge [sflag:s23], $0x1  }
0xa3: {  	[sflag:s23] =	ssyncset.done $0x0  }
0xa4: {  	s25 =	simm.s32 $0x1B8E;
	s24 =	sld [smem:$0x3FFE];
	[sflag:s23] =	ssyncadd.s32 $0xFFFFFFFF  }
0xa5: {  	s26 =	simm.s32 $execute0_lowered;
	[smem:$0x3FD2] =	sst s25  }
0xa6: {  	s4 =	sshll.u32 s26, $0x1;
	_ =	strace $0x80000046;
	[dreg:$0x1] =	wrdreg $0xFFFFFFFF  }
0xa7: {  	s28 =	simm.s32 $_size_execute0_lowered;
	s2 =	sadd.s32 s2, s4;
	[dreg:$0x0] =	wrdreg $0x0  }
0xa8: {  	s4 =	sshll.u32 s28, $0x1;
	[dreg:$0x2] =	wrdreg s2  }
0xa9: {  	[dreg:$0x3] =	wrdreg s4  }
0xaa: {  	[dreg:$0x4] =	wrdreg $0xC0  }
0xab: {  	_ =	task [dreg:s6], $0x5FFFF  }
0xac: {  	[dreg:$0x1] =	wrdreg $0xFFFFFFFF  }
0xad: {  	[dreg:$0x0] =	wrdreg $0x60  }
0xae: {  	[dreg:$0x2] =	wrdreg s24  }
0xaf: {  	[dreg:$0x3] =	wrdreg $0xC3000  }
0xb0: {  	[dreg:$0x4] =	wrdreg $0xA  }
0xb1: {  	_ =	task.clear_ibuf [dreg:s6], $0x5FFFF;
	_ =	strace $0x90000046  }
0xb2: {  	s29 =	simm.s32 $0xA;
	_ =	strace $0x80000048  }
0xb3: {  	_ =	swait.ge [sflag:s29], $0x1  }
0xb4: {  	[sflag:s29] =	ssyncadd.s32 $0xFFFFFFFF  }
0xb5: {  	_ =	strace $0x90000048  }
0xb6: {  	_ =	sfence  }
0xb7: {  	s30 =	sld [smem:$0x0];
	_ =	sdelay $0x2  }
0xb8: {  	s31 =	sshll.u32 s1, $0xD;
	s1 =	sshrl.u32 s1, $0x2  }
0xb9: {  	s3 =	sand.u32 $0x4000, s31;
	s1 =	sadd.s32 s1, s30  }
0xba: {  	s0 =	sor.u32 s3, s0;
	s1 =	sshll.u32 s1, $0x11  }
0xbb: {  	s0 =	sor.u32 s1, s0  }
0xbc: {  	s0 =	sadd.s32 $0x8F2B, s0  }
0xbd: {  	[sflag:s0] =	ssyncadd.remote.s32 $0x1  }
0xbe: {  	_ =	sfence.sel $0xFFFF  }
0xbf: {  	[dreg:$0x0] =	wrdreg $0xFFFFFFFF;
	(pc) =	sbr.abs _section_cstart, $3  }
0xc0: {  	[dreg:$0x1] =	wrdreg $0xFFFFFFFF  }
0xc1: {  	_ =	task.clear_ibuf [dreg:s6], $0x2FFFF;
	_ =	strace $0x9FFFFFFF  }
0xc2: {  	(tm) =	ssettm $0x7FFFFFFF  }
0xc3: {  	_ =	shalt  }
tec
execute0_lowered:
.L_overlay_start_1:
0x0: {  	(tag) =	ssettag $0x1  }
0x1: {  	s0 =	rddreg [dreg:$0x0]  }
0x2: {  	s2 =	rddreg [dreg:$0x1]  }
0x3: {  	s3 =	simm.s32 $0x0;
	s1 =	srdreg.scid;
	s11 =	stileid.u32  }
0x4: {  	s28 =	simm.s32 $0x4300;
	s29 =	simm.s32 $0x1;
	s30 =	simm.s32 $0x100  }
0x5: {  	s31 =	simm.s32 $0x280;
	[smem:$0x7FF] =	sst s3;
	s7 =	smul.u32 $0x2780, s11  }
0x6: {  	s1 =	sand.u32 $0x1, s1;
	s4 =	sadd.s32 $0x19A00, s0;
	s9 =	smul.u32 $0x4F000, s11  }
0x7: {  	s5 =	sadd.s32 $0xF800, s0;
	s6 =	sadd.s32 $0x5600, s0;
	s15 =	smul.u32 $0x2880, s11  }
0x8: {  	_ =	strace $0x80000047;
	s8 =	smul.u32 $0x27800, s1;
	s13 =	ssub.s32 $0x2, s1  }
0x9: {  	s12 =	sshll.u32 s1, $0x4;
	s1 =	smul.u32 $0x28800, s1;
	s10 =	sshrl.u32 s13, $0x1  }
0xa: {  	s9 =	sshrl.u32 s9, $0x2;
	s7 =	sadd.s32 s7, s8;
	s8 =	sor.u32 s11, s12  }
0xb: {  	s10 =	ssub.s32 s13, s10;
	s0 =	sadd.s32 s7, s0;
	s7 =	sadd.s32 s9, s2  }
0xc: {  	s1 =	sadd.s32 s15, s1;
	s8 =	smul.u32 $0x2880, s8;
	s9 =	sadd.s32 $0x4000, s7  }
0xd: {  	s22 =	sadd.s32 $0x280, s1;
	s14 =	sadd.s32 $0x8000, s7;
	[dreg:$0x6] =	wrdreg s9  }
0xe: {  	s12 =	sadd.s32 $0x200, s1;
	s16 =	sadd.s32 $0xC000, s7;
	[dreg:$0x7] =	wrdreg s14  }
0xf: {  	s17 =	sadd.s32 $0x10000, s7;
	s25 =	sshrl.u32 s12, $0x3;
	[dreg:$0x8] =	wrdreg s16  }
0x10: {  	s12 =	simm.s32 $0x0;
	[dreg:$0x9] =	wrdreg s17;
	s8 =	sshrl.u32 s8, $0x3  }
0x11: {  	s9 =	sshrl.u32 s22, $0x3;
	s26 =	sadd.s32 s25, s6;
	s22 =	simm.s32 $0x300  }
0x12: {  	s18 =	sadd.s32 s5, s8;
	s19 =	sadd.s32 $0x10, s8;
	s20 =	sadd.s32 s6, s8  }
0x13: {  	s8 =	sadd.s32 $0x20, s8;
	s24 =	sadd.s32 s9, s6;
	[dreg:$0x5] =	wrdreg s26  }
0x14: {  	s9 =	sadd.s32 s9, s5;
	s26 =	simm.s32 $0x200;
	[dreg:$0xa] =	wrdreg s18  }
0x15: {  	[dreg:$0xb] =	wrdreg s20;
	s21 =	sadd.s32 s5, s19;
	s11 =	sadd.s32 s6, s19  }
0x16: {  	s23 =	sadd.s32 s5, s8;
	[dreg:$0x3] =	wrdreg s24;
	s8 =	sadd.s32 s6, s8  }
0x17: {  	[dreg:$0x4] =	wrdreg s9;
	s18 =	sadd.s32 $0x41200, s0;
	s19 =	smax.u32 s10, $0x1  }
0x18: {  	s20 =	sadd.s32 s25, s5;
	s24 =	simm.s32 $0x180;
	[dreg:$0xc] =	wrdreg s21  }
0x19: {  	s25 =	simm.s32 $0x80;
	s0 =	simm.s32 $0x8300;
	[dreg:$0xd] =	wrdreg s11  }
0x1a: {  	s9 =	simm.s32 $0x3;
	s10 =	simm.s32 $0x5;
	[dreg:$0xe] =	wrdreg s23  }
0x1b: {  	[dreg:$0xf] =	wrdreg s8;
	s21 =	sadd.s32 $0x180, s1;
	s23 =	simm.s32 $0x7  }
0x1c: {  	v0 =	vimm.f32 $0.0e+00;
	s1 =	simm.s32 $0x2;
	s8 =	simm.s32 $0x4;
	s11 =	simm.s32 $0x6  }
.LBB2_1:
0x1d: {  	s13 =	simm.s32 $0x0;
	s14 =	simm.s32 $0x200  }
.LBB2_2:
0x1e: {  	p0 =	sne.s32 s14, $0xFE00;
	[tilespmem:s13+$0x370] =	vst v0  }
0x1f: {  	[tilespmem:s13+$0x300] =	vst v0  }
0x20: {  	[tilespmem:s13+$0x310] =	vst v0  }
.Ltmp0:
0x21: {  	[tilespmem:s13+$0x320] =	vst v0;
	(pc) =	sbr.rel @p0 .LBB2_2-.Ltmp0, $4  }
0x22: {  	[tilespmem:s13+$0x330] =	vst v0  }
0x23: {  	[tilespmem:s13+$0x340] =	vst v0  }
0x24: {  	[tilespmem:s13+$0x350] =	vst v0  }
0x25: {  	[tilespmem:s13+$0x360] =	vst v0;
	s13 =	sshra.s32 s14, $0x2;
	s14 =	sadd.s32 $0x200, s14  }
0x26: {  	[tilespmem:s13+$0x370] =	vst v0  }
0x27: {  	[tilespmem:s13+$0x300] =	vst v0  }
0x28: {  	[tilespmem:s13+$0x310] =	vst v0  }
0x29: {  	[tilespmem:s13+$0x320] =	vst v0  }
0x2a: {  	[tilespmem:s13+$0x330] =	vst v0  }
0x2b: {  	[tilespmem:s13+$0x340] =	vst v0  }
0x2c: {  	[tilespmem:s13+$0x350] =	vst v0  }
0x2d: {  	[tilespmem:s13+$0x360] =	vst v0  }
0x2e: {  	[spmem:s7] =	stream.linear.scatter [tilespmem:s22], [sflag:$0x7], $0x4000, $0x38;
	[tilespmem:$0x1FF00] =	vst v63  }
0x2f: {  	_ =	swait.ge [sflag:s23], $0x4000  }
0x30: {  	[sflag:s23] =	ssyncset.done $0x0  }
0x31: {  	s17 =	rddreg [dreg:$0x6];
	[sflag:s23] =	ssyncadd.s32 $0xFFFFC000  }
0x32: {  	[spmem:s17] =	stream.linear.scatter [tilespmem:s22], [sflag:$0x7], $0x4000, $0x38;
	[tilespmem:$0x1FF00] =	vst v63  }
0x33: {  	_ =	swait.ge [sflag:s23], $0x4000  }
0x34: {  	[sflag:s23] =	ssyncset.done $0x0  }
0x35: {  	s14 =	rddreg [dreg:$0x7];
	[sflag:s23] =	ssyncadd.s32 $0xFFFFC000  }
0x36: {  	[spmem:s14] =	stream.linear.scatter [tilespmem:s22], [sflag:$0x7], $0x4000, $0x38;
	[tilespmem:$0x1FF00] =	vst v63  }
0x37: {  	_ =	swait.ge [sflag:s23], $0x4000  }
0x38: {  	[sflag:s23] =	ssyncset.done $0x0  }
0x39: {  	s15 =	rddreg [dreg:$0x8];
	[sflag:s23] =	ssyncadd.s32 $0xFFFFC000  }
0x3a: {  	[spmem:s15] =	stream.linear.scatter [tilespmem:s22], [sflag:$0x7], $0x4000, $0x38;
	[tilespmem:$0x1FF00] =	vst v63  }
0x3b: {  	_ =	swait.ge [sflag:s23], $0x4000  }
0x3c: {  	[sflag:s23] =	ssyncset.done $0x0  }
0x3d: {  	s16 =	rddreg [dreg:$0x9];
	[sflag:s23] =	ssyncadd.s32 $0xFFFFC000  }
0x3e: {  	[spmem:s16] =	stream.linear.scatter [tilespmem:s22], [sflag:$0x7], $0x3C00, $0x38;
	[tilespmem:$0x1FF00] =	vst v63  }
0x3f: {  	_ =	swait.ge [sflag:s23], $0x3C00  }
0x40: {  	[sflag:s23] =	ssyncset.done $0x0  }
0x41: {  	[sflag:s23] =	ssyncadd.s32 $0xFFFFC400  }
0x42: {  	[bflag:$0x0] =	sbarrier.arrive $0xFFFF  }
0x43: {  	s13 =	simm.s32 $0x0;
	s14 =	rddreg [dreg:$0xa]  }
0x44: {  	[tilespmem:s13], [sflag:$0x7] =	stream.linear.gather [hbm4b:s14+s13], $0x80, $0x38;
	[tilespmem:$0x1FF00] =	vst v63  }
0x45: {  	_ =	swait.ge [sflag:s23], $0x80  }
0x46: {  	[sflag:s23] =	ssyncset.done $0x0  }
0x47: {  	s17 =	rddreg [dreg:$0xb];
	[sflag:s23] =	ssyncadd.s32 $0xFFFFFF80  }
0x48: {  	[tilespmem:s24], [sflag:$0x7] =	stream.linear.gather [hbm4b:s17+s13], $0x80, $0x38;
	[tilespmem:$0x1FF00] =	vst v63  }
0x49: {  	_ =	swait.ge [sflag:s23], $0x80  }
0x4a: {  	[sflag:s23] =	ssyncset.done $0x0  }
0x4b: {  	[sflag:s23] =	ssyncadd.s32 $0xFFFFFF80  }
0x4c: {  	[tilespmem:s22], [sflag:$0x1] =	stream.indirect.gather [hbm4b:s4+s25], $0x80, s13, s25, $0xb8;
	[tilespmem:$0x1FF00] =	vst v63  }
0x4d: {  	s15 =	rddreg [dreg:$0xc]  }
0x4e: {  	[tilespmem:s25], [sflag:$0x7] =	stream.linear.gather [hbm4b:s15+s13], $0x80, $0x38;
	[tilespmem:$0x1FF00] =	vst v63  }
0x4f: {  	_ =	swait.ge [sflag:s23], $0x80  }
0x50: {  	[sflag:s23] =	ssyncset.done $0x0  }
0x51: {  	s16 =	rddreg [dreg:$0xd];
	[sflag:s23] =	ssyncadd.s32 $0xFFFFFF80  }
0x52: {  	[tilespmem:s26], [sflag:$0x7] =	stream.linear.gather [hbm4b:s16+s13], $0x80, $0x38;
	[tilespmem:$0x1FF00] =	vst v63  }
0x53: {  	_ =	swait.ge [sflag:s23], $0x80  }
0x54: {  	[sflag:s23] =	ssyncset.done $0x0  }
0x55: {  	[sflag:s23] =	ssyncadd.s32 $0xFFFFFF80  }
0x56: {  	[tilespmem:s28], [sflag:$0x2] =	stream.indirect.gather [hbm4b:s4+s25], $0x80, s25, s25, $0xb8;
	[tilespmem:$0x1FF00] =	vst v63  }
0x57: {  	_ =	swait.ge [sflag:s29], $0x4000  }
0x58: {  	[sflag:s29] =	ssyncset.done $0x0  }
0x59: {  	[sflag:s29] =	ssyncadd.s32 $0xFFFFC000  }
0x5a: {  	[spmem:s2] =	stream.indirect.scatter.add.f32 [tilespmem:s22], [sflag:$0x4], $0x80, s24, s25, $0xb8;
	[tilespmem:$0x1FF00] =	vst v63  }
0x5b: {  	s17 =	rddreg [dreg:$0xe]  }
0x5c: {  	[tilespmem:s30], [sflag:$0x7] =	stream.linear.gather [hbm4b:s17+s13], $0x80, $0x38;
	[tilespmem:$0x1FF00] =	vst v63  }
0x5d: {  	_ =	swait.ge [sflag:s23], $0x80  }
0x5e: {  	[sflag:s23] =	ssyncset.done $0x0  }
0x5f: {  	s15 =	rddreg [dreg:$0xf];
	[sflag:s23] =	ssyncadd.s32 $0xFFFFFF80  }
0x60: {  	[tilespmem:s31], [sflag:$0x7] =	stream.linear.gather [hbm4b:s15+s13], $0x80, $0x38;
	[tilespmem:$0x1FF00] =	vst v63  }
0x61: {  	_ =	swait.ge [sflag:s23], $0x80  }
0x62: {  	[sflag:s23] =	ssyncset.done $0x0  }
0x63: {  	[sflag:s23] =	ssyncadd.s32 $0xFFFFFF80  }
0x64: {  	[tilespmem:s0], [sflag:$0x3] =	stream.indirect.gather [hbm4b:s4+s25], $0x80, s30, s25, $0xb8;
	[tilespmem:$0x1FF00] =	vst v63  }
0x65: {  	_ =	swait.ge [sflag:s1], $0x4000  }
0x66: {  	[sflag:s1] =	ssyncset.done $0x0  }
0x67: {  	[sflag:s1] =	ssyncadd.s32 $0xFFFFC000  }
0x68: {  	[spmem:s2] =	stream.indirect.scatter.add.f32 [tilespmem:s28], [sflag:$0x5], $0x80, s26, s25, $0xb8;
	[tilespmem:$0x1FF00] =	vst v63  }
0x69: {  	_ =	swait.ge [sflag:s8], $0x4000  }
0x6a: {  	s16 =	sshrl.u32 s21, $0x3;
	[sflag:s8] =	ssyncset.done $0x0  }
0x6b: {  	s17 =	sadd.s32 s5, s16;
	[sflag:s8] =	ssyncadd.s32 $0xFFFFC000  }
0x6c: {  	[tilespmem:s3], [sflag:$0x7] =	stream.linear.gather [hbm4b:s17+s3], $0x80, $0x38;
	[tilespmem:$0x1FF00] =	vst v63  }
0x6d: {  	_ =	swait.ge [sflag:s23], $0x80  }
0x6e: {  	[sflag:s23] =	ssyncset.done $0x0  }
0x6f: {  	s13 =	sadd.s32 s6, s16;
	[sflag:s23] =	ssyncadd.s32 $0xFFFFFF80  }
0x70: {  	[tilespmem:s24], [sflag:$0x7] =	stream.linear.gather [hbm4b:s13+s3], $0x80, $0x38;
	[tilespmem:$0x1FF00] =	vst v63  }
0x71: {  	_ =	swait.ge [sflag:s23], $0x80  }
0x72: {  	[sflag:s23] =	ssyncset.done $0x0  }
0x73: {  	[sflag:s23] =	ssyncadd.s32 $0xFFFFFF80  }
0x74: {  	[tilespmem:s22], [sflag:$0x1] =	stream.indirect.gather [hbm4b:s4+s25], $0x80, s3, s25, $0xb8;
	[tilespmem:$0x1FF00] =	vst v63  }
0x75: {  	_ =	swait.ge [sflag:s9], $0x4000  }
0x76: {  	[sflag:s9] =	ssyncset.done $0x0  }
0x77: {  	[sflag:s9] =	ssyncadd.s32 $0xFFFFC000  }
0x78: {  	[spmem:s2] =	stream.indirect.scatter.add.f32 [tilespmem:s0], [sflag:$0x6], $0x80, s31, s25, $0xb8;
	[tilespmem:$0x1FF00] =	vst v63  }
0x79: {  	_ =	swait.ge [sflag:s10], $0x4000  }
0x7a: {  	[sflag:s10] =	ssyncset.done $0x0  }
0x7b: {  	s14 =	sadd.s32 $0x0, s20;
	[sflag:s10] =	ssyncadd.s32 $0xFFFFC000  }
0x7c: {  	[tilespmem:s25], [sflag:$0x7] =	stream.linear.gather [hbm4b:s14+s3], $0x80, $0x38;
	[tilespmem:$0x1FF00] =	vst v63  }
0x7d: {  	_ =	swait.ge [sflag:s23], $0x80  }
0x7e: {  	s15 =	rddreg [dreg:$0x5];
	[sflag:s23] =	ssyncset.done $0x0  }
0x7f: {  	[sflag:s23] =	ssyncadd.s32 $0xFFFFFF80;
	s13 =	sadd.s32 $0x0, s15  }
0x80: {  	[tilespmem:s26], [sflag:$0x7] =	stream.linear.gather [hbm4b:s13+s3], $0x80, $0x38;
	[tilespmem:$0x1FF00] =	vst v63  }
0x81: {  	_ =	swait.ge [sflag:s23], $0x80  }
0x82: {  	[sflag:s23] =	ssyncset.done $0x0  }
0x83: {  	[sflag:s23] =	ssyncadd.s32 $0xFFFFFF80  }
0x84: {  	[tilespmem:s28], [sflag:$0x2] =	stream.indirect.gather [hbm4b:s4+s25], $0x80, s25, s25, $0xb8;
	[tilespmem:$0x1FF00] =	vst v63  }
0x85: {  	_ =	swait.ge [sflag:s29], $0x4000  }
0x86: {  	[sflag:s29] =	ssyncset.done $0x0  }
0x87: {  	[sflag:s29] =	ssyncadd.s32 $0xFFFFC000  }
0x88: {  	[spmem:s2] =	stream.indirect.scatter.add.f32 [tilespmem:s22], [sflag:$0x4], $0x80, s24, s25, $0xb8;
	[tilespmem:$0x1FF00] =	vst v63  }
0x89: {  	_ =	swait.ge [sflag:s11], $0x4000  }
0x8a: {  	s16 =	rddreg [dreg:$0x4];
	[sflag:s11] =	ssyncset.done $0x0  }
0x8b: {  	[sflag:s11] =	ssyncadd.s32 $0xFFFFC000;
	s13 =	sadd.s32 $0x0, s16  }
0x8c: {  	[tilespmem:s30], [sflag:$0x7] =	stream.linear.gather [hbm4b:s13+s3], $0x80, $0x38;
	[tilespmem:$0x1FF00] =	vst v63  }
0x8d: {  	_ =	swait.ge [sflag:s23], $0x80  }
0x8e: {  	s17 =	rddreg [dreg:$0x3];
	[sflag:s23] =	ssyncset.done $0x0  }
0x8f: {  	[sflag:s23] =	ssyncadd.s32 $0xFFFFFF80;
	s13 =	sadd.s32 $0x0, s17  }
0x90: {  	[tilespmem:s31], [sflag:$0x7] =	stream.linear.gather [hbm4b:s13+s3], $0x80, $0x38;
	[tilespmem:$0x1FF00] =	vst v63  }
0x91: {  	_ =	swait.ge [sflag:s23], $0x80  }
0x92: {  	[sflag:s23] =	ssyncset.done $0x0  }
0x93: {  	[sflag:s23] =	ssyncadd.s32 $0xFFFFFF80  }
0x94: {  	[tilespmem:s0], [sflag:$0x3] =	stream.indirect.gather [hbm4b:s4+s25], $0x80, s30, s25, $0xb8;
	[tilespmem:$0x1FF00] =	vst v63  }
0x95: {  	_ =	swait.ge [sflag:s1], $0x4000  }
0x96: {  	[sflag:s1] =	ssyncset.done $0x0  }
0x97: {  	s14 =	sadd.s32 $0x180, s21;
	s13 =	simm.s32 $0x30;
	[sflag:s1] =	ssyncadd.s32 $0xFFFFC000  }
.LBB2_4:
0x98: {  	[spmem:s2] =	stream.indirect.scatter.add.f32 [tilespmem:s28], [sflag:$0x5], $0x80, s26, s25, $0xb8;
	[tilespmem:$0x1FF00] =	vst v63  }
0x99: {  	_ =	swait.ge [sflag:s8], $0x4000  }
0x9a: {  	s16 =	sshrl.u32 s14, $0x3;
	[sflag:s8] =	ssyncset.done $0x0  }
0x9b: {  	s17 =	sadd.s32 s5, s16;
	[sflag:s8] =	ssyncadd.s32 $0xFFFFC000  }
0x9c: {  	[tilespmem:s3], [sflag:$0x7] =	stream.linear.gather [hbm4b:s17+s3], $0x80, $0x38;
	[tilespmem:$0x1FF00] =	vst v63  }
0x9d: {  	_ =	swait.ge [sflag:s23], $0x80  }
0x9e: {  	[sflag:s23] =	ssyncset.done $0x0  }
0x9f: {  	s16 =	sadd.s32 s6, s16;
	[sflag:s23] =	ssyncadd.s32 $0xFFFFFF80  }
0xa0: {  	[tilespmem:s24], [sflag:$0x7] =	stream.linear.gather [hbm4b:s16+s3], $0x80, $0x38;
	[tilespmem:$0x1FF00] =	vst v63  }
0xa1: {  	_ =	swait.ge [sflag:s23], $0x80  }
0xa2: {  	[sflag:s23] =	ssyncset.done $0x0  }
0xa3: {  	[sflag:s23] =	ssyncadd.s32 $0xFFFFFF80  }
0xa4: {  	[tilespmem:s22], [sflag:$0x1] =	stream.indirect.gather [hbm4b:s4+s25], $0x80, s3, s25, $0xb8;
	[tilespmem:$0x1FF00] =	vst v63  }
0xa5: {  	_ =	swait.ge [sflag:s9], $0x4000  }
0xa6: {  	[sflag:s9] =	ssyncset.done $0x0  }
0xa7: {  	[sflag:s9] =	ssyncadd.s32 $0xFFFFC000  }
0xa8: {  	[spmem:s2] =	stream.indirect.scatter.add.f32 [tilespmem:s0], [sflag:$0x6], $0x80, s31, s25, $0xb8;
	[tilespmem:$0x1FF00] =	vst v63  }
0xa9: {  	_ =	swait.ge [sflag:s10], $0x4000  }
0xaa: {  	s15 =	smov.u32 s13;
	[sflag:s10] =	ssyncset.done $0x0  }
0xab: {  	s17 =	sadd.s32 s15, s20;
	[sflag:s10] =	ssyncadd.s32 $0xFFFFC000  }
0xac: {  	[tilespmem:s25], [sflag:$0x7] =	stream.linear.gather [hbm4b:s17+s3], $0x80, $0x38;
	[tilespmem:$0x1FF00] =	vst v63  }
0xad: {  	_ =	swait.ge [sflag:s23], $0x80  }
0xae: {  	s17 =	rddreg [dreg:$0x5];
	[sflag:s23] =	ssyncset.done $0x0  }
0xaf: {  	[sflag:s23] =	ssyncadd.s32 $0xFFFFFF80;
	s16 =	sadd.s32 s15, s17  }
0xb0: {  	[tilespmem:s26], [sflag:$0x7] =	stream.linear.gather [hbm4b:s16+s3], $0x80, $0x38;
	[tilespmem:$0x1FF00] =	vst v63  }
0xb1: {  	_ =	swait.ge [sflag:s23], $0x80  }
0xb2: {  	[sflag:s23] =	ssyncset.done $0x0  }
0xb3: {  	[sflag:s23] =	ssyncadd.s32 $0xFFFFFF80  }
0xb4: {  	[tilespmem:s28], [sflag:$0x2] =	stream.indirect.gather [hbm4b:s4+s25], $0x80, s25, s25, $0xb8;
	[tilespmem:$0x1FF00] =	vst v63  }
0xb5: {  	_ =	swait.ge [sflag:s29], $0x4000  }
0xb6: {  	[sflag:s29] =	ssyncset.done $0x0  }
0xb7: {  	[sflag:s29] =	ssyncadd.s32 $0xFFFFC000  }
0xb8: {  	[spmem:s2] =	stream.indirect.scatter.add.f32 [tilespmem:s22], [sflag:$0x4], $0x80, s24, s25, $0xb8;
	[tilespmem:$0x1FF00] =	vst v63  }
0xb9: {  	_ =	swait.ge [sflag:s11], $0x4000  }
0xba: {  	s17 =	rddreg [dreg:$0x4];
	[sflag:s11] =	ssyncset.done $0x0  }
0xbb: {  	[sflag:s11] =	ssyncadd.s32 $0xFFFFC000;
	s16 =	sadd.s32 s15, s17  }
0xbc: {  	[tilespmem:s30], [sflag:$0x7] =	stream.linear.gather [hbm4b:s16+s3], $0x80, $0x38;
	[tilespmem:$0x1FF00] =	vst v63  }
0xbd: {  	_ =	swait.ge [sflag:s23], $0x80  }
0xbe: {  	s17 =	rddreg [dreg:$0x3];
	[sflag:s23] =	ssyncset.done $0x0  }
0xbf: {  	[sflag:s23] =	ssyncadd.s32 $0xFFFFFF80;
	s15 =	sadd.s32 s15, s17  }
0xc0: {  	[tilespmem:s31], [sflag:$0x7] =	stream.linear.gather [hbm4b:s15+s3], $0x80, $0x38;
	[tilespmem:$0x1FF00] =	vst v63  }
0xc1: {  	_ =	swait.ge [sflag:s23], $0x80  }
0xc2: {  	p0 =	sne.s32 s13, $0x4B0;
	[sflag:s23] =	ssyncset.done $0x0  }
.Ltmp1:
0xc3: {  	[sflag:s23] =	ssyncadd.s32 $0xFFFFFF80;
	(pc) =	sbr.rel @p0 .LBB2_4-.Ltmp1, $4  }
0xc4: {  	[tilespmem:s0], [sflag:$0x3] =	stream.indirect.gather [hbm4b:s4+s25], $0x80, s30, s25, $0xb8;
	[tilespmem:$0x1FF00] =	vst v63  }
0xc5: {  	_ =	swait.ge [sflag:s1], $0x4000  }
0xc6: {  	[sflag:s1] =	ssyncset.done $0x0  }
0xc7: {  	s13 =	sadd.s32 $0x30, s13;
	s14 =	sadd.s32 $0x180, s14;
	[sflag:s1] =	ssyncadd.s32 $0xFFFFC000  }
0xc8: {  	[spmem:s2] =	stream.indirect.scatter.add.f32 [tilespmem:s28], [sflag:$0x5], $0x80, s26, s25, $0xb8;
	[tilespmem:$0x1FF00] =	vst v63  }
0xc9: {  	_ =	swait.ge [sflag:s9], $0x4000  }
0xca: {  	[sflag:s9] =	ssyncset.done $0x0  }
0xcb: {  	[sflag:s9] =	ssyncadd.s32 $0xFFFFC000  }
0xcc: {  	[spmem:s2] =	stream.indirect.scatter.add.f32 [tilespmem:s0], [sflag:$0x6], $0x80, s31, s25, $0xb8;
	[tilespmem:$0x1FF00] =	vst v63  }
0xcd: {  	_ =	swait.ge [sflag:s8], $0x4000  }
0xce: {  	[sflag:s8] =	ssyncset.done $0x0  }
0xcf: {  	[sflag:s8] =	ssyncadd.s32 $0xFFFFC000  }
0xd0: {  	_ =	swait.ge [sflag:s10], $0x4000  }
0xd1: {  	[sflag:s10] =	ssyncset.done $0x0  }
0xd2: {  	[sflag:s10] =	ssyncadd.s32 $0xFFFFC000  }
0xd3: {  	s13 =	stileid.u32;
	_ =	swait.ge [sflag:s11], $0x4000  }
0xd4: {  	s14 =	sshrl.u32 s7, $0x3;
	s12 =	sadd.s32 $0x1, s12;
	[sflag:s11] =	ssyncset.done $0x0  }
0xd5: {  	s13 =	sshll.u32 s13, $0x6;
	p0 =	sne.s32 s12, s19;
	[sflag:s11] =	ssyncadd.s32 $0xFFFFC000  }
.Ltmp2:
0xd6: {  	s13 =	sor.u32 $0x1C07, s13;
	[bflag:$0x0] =	sbarrier.arrive $0xFFFF;
	(pc) =	sbr.rel @p0 .LBB2_1-.Ltmp2, $4  }
0xd7: {  	[hbm:s18], [sflag:s13] =	dma.local [spmem:s14], $0x2780  }
0xd8: {  	_ =	swait.ge [sflag:s23], $0x2780  }
0xd9: {  	[sflag:s23] =	ssyncset.done $0x0  }
0xda: {  	[sflag:s23] =	ssyncadd.s32 $0xFFFFD880  }
0xdb: {  	_ =	sfence.sel $0x180000  }
0xdc: {  	[bflag:$0x0] =	sbarrier.arrive $0xFFFF  }
0xdd: {  	_ =	strace $0x90000047  }
0xde: {  	s0 =	stileid.u32;
	[bflag:$0x2] =	sbarrier.arrive $0xFFFF  }
0xdf: {  	p0 =	sne.s32 s0, $0x0;
	s0 =	rddreg [dreg:$0x2]  }
0xe0: {  	s0 =	sadd.s32 @!p0 $0x100000, s0  }
0xe1: {  	[sflag:s0] =	ssyncadd.tile.s32 @!p0 $0x1;
	_ =	shalt  }
.Lfunc_end2:
_tile_overlayer_lowered:
.L_overlay_start_2:
0xe2: {  	(tag) =	ssettag $0x2  }
0xe3: {  	s0 =	rddreg [dreg:$0x0];
	s2 =	stileid.u32  }
0xe4: {  	s1 =	rddreg [dreg:$0x1];
	p0 =	sne.s32 s2, $0x0  }
0xe5: {  	s3 =	rddreg [dreg:$0x2];
	[bflag:$0x3] =	sbarrier.arrive $0xFFFF;
	s2 =	simm.s32 @!p0 $0x1C07  }
0xe6: {  	[timem:s3], [sflag:s2] =	dma.local @!p0 [hbm:s0], s1  }
0xe7: {  	s0 =	simm.s32 @!p0 $0x7  }
0xe8: {  	_ =	swait.ge @!p0 [sflag:s0], s1  }
0xe9: {  	s1 =	ssub.s32 @!p0 $0x0, s1;
	[sflag:s0] =	ssyncset.done @!p0 $0x0  }
0xea: {  	[sflag:s0] =	ssyncadd.s32 @!p0 s1  }
0xeb: {  	[bflag:$0x3] =	sbarrier.arrive $0xFFFF  }
0xec: {  	_ =	shalt  }

// kernel: kernel.19.cloned.1.call-start
scs
__scs_entry_jumppad:
0x0: {  	(pc) =	sbr.rel $0x88, $3  }
0x1: {  	(tag) =	ssettag $0x0;
	lr =	simm.s32 $0x1  }
0x2: {  	[smem:$0x3F8D] =	sst lr;
	_ =	strace $0xD0000000  }
0x3: {  	_ = 	snop  }
0x4: {  	_ = 	snop  }
0x5: {  	_ = 	snop  }
0x6: {  	_ = 	snop  }
0x7: {  	_ = 	snop  }
__scs_overlays_trampoline_lowered:
0x8: {  	[smem:$0x3F9C] =	sst s0  }
0x9: {  	[smem:$0x3F9D] =	sst s1  }
0xa: {  	[smem:$0x3F9E] =	sst s2  }
0xb: {  	[smem:$0x3F9F] =	sst s3  }
0xc: {  	[smem:$0x3FA0] =	sst s4  }
0xd: {  	[smem:$0x3FA1] =	sst s5  }
0xe: {  	[smem:$0x3FA2] =	sst s6  }
0xf: {  	[smem:$0x3FA3] =	sst s7  }
0x10: {  	[smem:$0x3FA4] =	sst s8  }
0x11: {  	[smem:$0x3FA5] =	sst s9;
	s0 =	simm.s32 @!p0 $0x0  }
0x12: {  	s1 =	sld [smem:$0x3F8B];
	s0 =	simm.s32 @p0 $0x1  }
0x13: {  	[smem:$0x3FA6] =	sst s0;
	s0 =	simm.s32 @!p1 $0x0  }
0x14: {  	s2 =	sld [smem:$0x3F8A];
	s0 =	simm.s32 @p1 $0x1  }
0x15: {  	[smem:$0x3FA7] =	sst s0;
	s0 =	simm.s32 @!p2 $0x0  }
0x16: {  	s3 =	sld [smem:$0x3FDB];
	s0 =	simm.s32 @p2 $0x1  }
0x17: {  	s4 =	simm.s32 $0x1BF5;
	[smem:$0x3FA9] =	sst s0  }
0x18: {  	s0 =	sld [smem:$0x3F8C];
	_ =	swait.ge [sflag:s4], $0x0  }
0x19: {  	s7 =	sld [smem:$0x3F8D]  }
0x1a: {  	s8 =	sadd.s32 $0xFFFFE003, lr  }
0x1b: {  	s9 =	sadd.s32 $0xFFFFFEF7, lr;
	s5 =	simm.s32 $0xFFFFFFFF;
	p2 =	slt.u32 s8, $0xFFFFF086  }
0x1c: {  	p1 =	slt.u32 s9, $0xF7A;
	s5 =	simm.s32 @!p2 $0x0  }
0x1d: {  	s5 =	simm.s32 @p1 $0x1;
	p0 =	seq.s32 s7, s2  }
0x1e: {  	s7 =	smul.u32 @!p0 $0xF7A, s2;
	p2 =	seq.s32 @!p0 s5, $0x0  }
0x1f: {  	s9 =	smul.u32 $0xF7A, s1;
	s8 =	simm.s32 @!p0 $0x1BF5;
	p2 =	por !p2, p0  }
0x20: {  	[sflag:s8] =	ssyncset.s32 @!p0 $0xFFFFF086;
	s6 =	sadd.s32 @!p0 s3, s7;
	s7 =	simm.s32 @!p0 $0x108  }
0x21: {  	s3 =	sadd.s32 s3, s9;
	s6 =	sadd.s32 @!p0 $0x88, s6;
	s7 =	simm.s32 @p2 $0x1082  }
0x22: {  	[simem:s7], [sflag:s8] =	dma.local @!p0 [hbm:s6], $0xF7A  }
0x23: {  	s9 =	sor.u32 $0xD0000000, s2;
	s6 =	simm.s32 $0x108;
	_ =	swait.ge @!p0 [sflag:s8], $0x0  }
0x24: {  	s3 =	sadd.s32 $0x88, s3;
	s6 =	simm.s32 @!p1 $0x1082;
	[sflag:s4] =	ssyncset.s32 $0xFFFFF086  }
0x25: {  	[simem:s6], [sflag:s4] =	dma.local [hbm:s3], $0xF7A  }
0x26: {  	[smem:$0x3F8D] =	sst s1;
	(tag) =	ssettag s2;
	_ =	strace s9  }
0x27: {  	s1 =	sld [smem:$0x3F9D]  }
0x28: {  	s2 =	sld [smem:$0x3F9E]  }
0x29: {  	s4 =	sld [smem:$0x3FA0]  }
0x2a: {  	p0 =	seq.s32 s5, $0x0;
	s5 =	sld [smem:$0x3FA1]  }
0x2b: {  	s6 =	sld [smem:$0x3FA2]  }
0x2c: {  	s7 =	sld [smem:$0x3FA3]  }
0x2d: {  	s3 =	simm.s32 $0x108;
	s8 =	sld [smem:$0x3FA4]  }
0x2e: {  	s3 =	simm.s32 @!p0 $0x1082;
	s9 =	sld [smem:$0x3FA5]  }
0x2f: {  	lr =	sadd.s32 s0, s3;
	s0 =	sld [smem:$0x3F9C]  }
0x30: {  	s3 =	sld [smem:$0x3F9F]  }
0x31: {  	[smem:$0x3FA8] =	sst s10  }
0x32: {  	s10 =	sld [smem:$0x3FA6];
	_ =	sdelay $0x3  }
0x33: {  	p0 =	seq.s32 s10, $0x1;
	s10 =	sld [smem:$0x3FA8];
	_ =	sdelay $0x3  }
0x34: {  	[smem:$0x3FA8] =	sst s10  }
0x35: {  	s10 =	sld [smem:$0x3FA7];
	_ =	sdelay $0x3  }
0x36: {  	p1 =	seq.s32 s10, $0x1;
	s10 =	sld [smem:$0x3FA8];
	_ =	sdelay $0x3  }
0x37: {  	[smem:$0x3FA8] =	sst s10  }
0x38: {  	s10 =	sld [smem:$0x3FA9]  }
0x39: {  	_ = 	snop;
	(pc) =	sbr.ind lr, $3  }
0x3a: {  	_ = 	snop  }
0x3b: {  	_ = 	snop  }
0x3c: {  	p2 =	seq.s32 s10, $0x1;
	s10 =	sld [smem:$0x3FA8]  }
0x3d: {  	_ =	shalt  }
0x3e: {  	_ =	shalt  }
0x3f: {  	_ =	shalt  }
0x40: {  	_ =	shalt  }
0x41: {  	_ =	shalt  }
0x42: {  	_ =	shalt  }
0x43: {  	_ =	shalt  }
0x44: {  	_ =	shalt  }
0x45: {  	_ =	shalt  }
0x46: {  	_ =	shalt  }
0x47: {  	_ =	shalt  }
0x48: {  	_ =	shalt  }
0x49: {  	_ =	shalt  }
0x4a: {  	_ =	shalt  }
0x4b: {  	_ =	shalt  }
0x4c: {  	_ =	shalt  }
0x4d: {  	_ =	shalt  }
0x4e: {  	_ =	shalt  }
0x4f: {  	_ =	shalt  }
0x50: {  	_ =	shalt  }
0x51: {  	_ =	shalt  }
0x52: {  	_ =	shalt  }
0x53: {  	_ =	shalt  }
0x54: {  	_ =	shalt  }
0x55: {  	_ =	shalt  }
0x56: {  	_ =	shalt  }
0x57: {  	_ =	shalt  }
0x58: {  	_ =	shalt  }
0x59: {  	_ =	shalt  }
0x5a: {  	_ =	shalt  }
0x5b: {  	_ =	shalt  }
0x5c: {  	_ =	shalt  }
0x5d: {  	_ =	shalt  }
0x5e: {  	_ =	shalt  }
0x5f: {  	_ =	shalt  }
0x60: {  	_ =	shalt  }
0x61: {  	_ =	shalt  }
0x62: {  	_ =	shalt  }
0x63: {  	_ =	shalt  }
0x64: {  	_ =	shalt  }
0x65: {  	_ =	shalt  }
0x66: {  	_ =	shalt  }
0x67: {  	_ =	shalt  }
0x68: {  	_ =	shalt  }
0x69: {  	_ =	shalt  }
0x6a: {  	_ =	shalt  }
0x6b: {  	_ =	shalt  }
0x6c: {  	_ =	shalt  }
0x6d: {  	_ =	shalt  }
0x6e: {  	_ =	shalt  }
0x6f: {  	_ =	shalt  }
0x70: {  	_ =	shalt  }
0x71: {  	_ =	shalt  }
0x72: {  	_ =	shalt  }
0x73: {  	_ =	shalt  }
0x74: {  	_ =	shalt  }
0x75: {  	_ =	shalt  }
0x76: {  	_ =	shalt  }
0x77: {  	_ =	shalt  }
0x78: {  	_ =	shalt  }
0x79: {  	_ =	shalt  }
0x7a: {  	_ =	shalt  }
0x7b: {  	_ =	shalt  }
0x7c: {  	_ =	shalt  }
0x7d: {  	_ =	shalt  }
0x7e: {  	_ =	shalt  }
0x7f: {  	_ =	shalt  }
0x80: {  	_ =	shalt  }
0x81: {  	_ =	shalt  }
0x82: {  	_ =	shalt  }
0x83: {  	_ =	shalt  }
0x84: {  	_ =	shalt  }
0x85: {  	_ =	shalt  }
0x86: {  	_ =	shalt  }
0x87: {  	_ =	shalt  }
.Lfunc_end0:
.L_simem_size_0:
called_computation.2_lowered:
.L_overlay_start_0:
0x88: {  	s2 =	sld [smem:$0x3FD9]  }
0x89: {  	s3 =	sld [smem:$0x3FFE];
	_ =	sdelay $0x1  }
0x8a: {  	s1 =	srdreg.scid  }
0x8b: {  	s0 =	sand.u32 $0x1, s1  }
0x8c: {  	s16 =	sshll.u32 s0, $0xA;
	s2 =	sadd.s32 s3, s2  }
0x8d: {  	s2 =	sadd.s32 s2, s16  }
0x8e: {  	[smem:$0x3FB4] =	sst s2  }
0x8f: {  	_ = 	snop  }
0x90: {  	(tm) =	ssettm $0x1  }
0x91: {  	s17 =	sld [smem:$0x3FFB];
	_ =	sdelay $0x3  }
0x92: {  	_ =	strace s17  }
0x93: {  	s2 =	sld [smem:$0x3FFC];
	_ =	sdelay $0x3  }
0x94: {  	_ =	strace s2  }
0x95: {  	s2 =	sld [smem:$0x3FFD];
	_ =	sdelay $0x3  }
0x96: {  	_ =	strace s2  }
0x97: {  	_ =	strace $0x8FFFFFFF  }
0x98: {  	s18 =	sld [smem:$0x3FDB];
	_ =	sdelay $0x1  }
0x99: {  	s19 =	simm.s32 $_scs_section_size  }
0x9a: {  	s4 =	simm.s32 $_size__tile_overlayer_lowered;
	s5 =	simm.s32 $_tile_overlayer_lowered  }
0x9b: {  	s22 =	simm.s32 $0x1BFF;
	s21 =	sshll.u32 s5, $0x1;
	s2 =	sadd.s32 s19, s18  }
0x9c: {  	s6 =	simm.s32 $0x0;
	s20 =	sshll.u32 s4, $0x1;
	s4 =	sadd.s32 s21, s2  }
0x9d: {  	[timem:s6], [sflag:s22] =	dma.local [hbm:s4], s20  }
0x9e: {  	_ =	swait.ge [sflag:s22], s20  }
0x9f: {  	s3 =	ssub.s32 $0x0, s20;
	[sflag:s22] =	ssyncset.done $0x0  }
0xa0: {  	[sflag:s22] =	ssyncadd.s32 s3;
	_ =	sdelay $0x1  }
0xa1: {  	s23 =	simm.s32 $0x1B8B  }
0xa2: {  	_ =	swait.ge [sflag:s23], $0x1  }
0xa3: {  	[sflag:s23] =	ssyncset.done $0x0  }
0xa4: {  	s25 =	simm.s32 $0x1B8E;
	s24 =	sld [smem:$0x3FFE];
	[sflag:s23] =	ssyncadd.s32 $0xFFFFFFFF  }
0xa5: {  	s26 =	simm.s32 $execute0_lowered;
	[smem:$0x3FD2] =	sst s25  }
0xa6: {  	s4 =	sshll.u32 s26, $0x1;
	_ =	strace $0x8000004C;
	[dreg:$0x1] =	wrdreg $0xFFFFFFFF  }
0xa7: {  	s28 =	simm.s32 $_size_execute0_lowered;
	s2 =	sadd.s32 s2, s4;
	[dreg:$0x0] =	wrdreg $0x0  }
0xa8: {  	s4 =	sshll.u32 s28, $0x1;
	[dreg:$0x2] =	wrdreg s2  }
0xa9: {  	[dreg:$0x3] =	wrdreg s4  }
0xaa: {  	[dreg:$0x4] =	wrdreg $0xC0  }
0xab: {  	_ =	task [dreg:s6], $0x5FFFF  }
0xac: {  	[dreg:$0x1] =	wrdreg $0xFFFFFFFF  }
0xad: {  	[dreg:$0x0] =	wrdreg $0x60  }
0xae: {  	[dreg:$0x2] =	wrdreg s24  }
0xaf: {  	[dreg:$0x3] =	wrdreg $0xC3000  }
0xb0: {  	[dreg:$0x4] =	wrdreg $0x9  }
0xb1: {  	_ =	task.clear_ibuf [dreg:s6], $0x5FFFF;
	_ =	strace $0x9000004C  }
0xb2: {  	s29 =	simm.s32 $0x9;
	_ =	strace $0x8000004E  }
0xb3: {  	_ =	swait.ge [sflag:s29], $0x1  }
0xb4: {  	[sflag:s29] =	ssyncadd.s32 $0xFFFFFFFF  }
0xb5: {  	_ =	strace $0x9000004E  }
0xb6: {  	_ =	sfence  }
0xb7: {  	s30 =	sld [smem:$0x0];
	_ =	sdelay $0x2  }
0xb8: {  	s31 =	sshll.u32 s1, $0xD;
	s1 =	sshrl.u32 s1, $0x2  }
0xb9: {  	s3 =	sand.u32 $0x4000, s31;
	s1 =	sadd.s32 s1, s30  }
0xba: {  	s0 =	sor.u32 s3, s0;
	s1 =	sshll.u32 s1, $0x11  }
0xbb: {  	s0 =	sor.u32 s1, s0  }
0xbc: {  	s0 =	sadd.s32 $0x8F2B, s0  }
0xbd: {  	[sflag:s0] =	ssyncadd.remote.s32 $0x1  }
0xbe: {  	_ =	sfence.sel $0xFFFF  }
0xbf: {  	[dreg:$0x0] =	wrdreg $0xFFFFFFFF;
	(pc) =	sbr.abs _section_cstart, $3  }
0xc0: {  	[dreg:$0x1] =	wrdreg $0xFFFFFFFF  }
0xc1: {  	_ =	task.clear_ibuf [dreg:s6], $0x2FFFF;
	_ =	strace $0x9FFFFFFF  }
0xc2: {  	(tm) =	ssettm $0x7FFFFFFF  }
0xc3: {  	_ =	shalt  }
tec
execute0_lowered:
.L_overlay_start_1:
0x0: {  	(tag) =	ssettag $0x1  }
0x1: {  	s0 =	rddreg [dreg:$0x0]  }
0x2: {  	s2 =	rddreg [dreg:$0x1]  }
0x3: {  	s3 =	simm.s32 $0x0;
	s1 =	srdreg.scid;
	s11 =	stileid.u32  }
0x4: {  	s28 =	simm.s32 $0x4300;
	s29 =	simm.s32 $0x1;
	s30 =	simm.s32 $0x100  }
0x5: {  	s31 =	simm.s32 $0x280;
	[smem:$0x7FF] =	sst s3;
	s7 =	smul.u32 $0x2780, s11  }
0x6: {  	s1 =	sand.u32 $0x1, s1;
	s4 =	sadd.s32 $0x19A00, s0;
	s9 =	smul.u32 $0x4F000, s11  }
0x7: {  	s5 =	sadd.s32 $0xF800, s0;
	s6 =	sadd.s32 $0x5600, s0;
	s15 =	smul.u32 $0x2880, s11  }
0x8: {  	_ =	strace $0x8000004D;
	s8 =	smul.u32 $0x27800, s1;
	s13 =	ssub.s32 $0x2, s1  }
0x9: {  	s12 =	sshll.u32 s1, $0x4;
	s1 =	smul.u32 $0x28800, s1;
	s10 =	sshrl.u32 s13, $0x1  }
0xa: {  	s9 =	sshrl.u32 s9, $0x2;
	s7 =	sadd.s32 s7, s8;
	s8 =	sor.u32 s11, s12  }
0xb: {  	s10 =	ssub.s32 s13, s10;
	s0 =	sadd.s32 s7, s0;
	s7 =	sadd.s32 s9, s2  }
0xc: {  	s1 =	sadd.s32 s15, s1;
	s8 =	smul.u32 $0x2880, s8;
	s9 =	sadd.s32 $0x4000, s7  }
0xd: {  	s22 =	sadd.s32 $0x280, s1;
	s14 =	sadd.s32 $0x8000, s7;
	[dreg:$0x6] =	wrdreg s9  }
0xe: {  	s12 =	sadd.s32 $0x200, s1;
	s16 =	sadd.s32 $0xC000, s7;
	[dreg:$0x7] =	wrdreg s14  }
0xf: {  	s17 =	sadd.s32 $0x10000, s7;
	s25 =	sshrl.u32 s12, $0x3;
	[dreg:$0x8] =	wrdreg s16  }
0x10: {  	s12 =	simm.s32 $0x0;
	[dreg:$0x9] =	wrdreg s17;
	s8 =	sshrl.u32 s8, $0x3  }
0x11: {  	s9 =	sshrl.u32 s22, $0x3;
	s26 =	sadd.s32 s25, s6;
	s22 =	simm.s32 $0x300  }
0x12: {  	s18 =	sadd.s32 s5, s8;
	s19 =	sadd.s32 $0x10, s8;
	s20 =	sadd.s32 s6, s8  }
0x13: {  	s8 =	sadd.s32 $0x20, s8;
	s24 =	sadd.s32 s9, s6;
	[dreg:$0x5] =	wrdreg s26  }
0x14: {  	s9 =	sadd.s32 s9, s5;
	s26 =	simm.s32 $0x200;
	[dreg:$0xa] =	wrdreg s18  }
0x15: {  	[dreg:$0xb] =	wrdreg s20;
	s21 =	sadd.s32 s5, s19;
	s11 =	sadd.s32 s6, s19  }
0x16: {  	s23 =	sadd.s32 s5, s8;
	[dreg:$0x3] =	wrdreg s24;
	s8 =	sadd.s32 s6, s8  }
0x17: {  	[dreg:$0x4] =	wrdreg s9;
	s18 =	sadd.s32 $0x41200, s0;
	s19 =	smax.u32 s10, $0x1  }
0x18: {  	s20 =	sadd.s32 s25, s5;
	s24 =	simm.s32 $0x180;
	[dreg:$0xc] =	wrdreg s21  }
0x19: {  	s25 =	simm.s32 $0x80;
	s0 =	simm.s32 $0x8300;
	[dreg:$0xd] =	wrdreg s11  }
0x1a: {  	s9 =	simm.s32 $0x3;
	s10 =	simm.s32 $0x5;
	[dreg:$0xe] =	wrdreg s23  }
0x1b: {  	[dreg:$0xf] =	wrdreg s8;
	s21 =	sadd.s32 $0x180, s1;
	s23 =	simm.s32 $0x7  }
0x1c: {  	v0 =	vimm.f32 $0.0e+00;
	s1 =	simm.s32 $0x2;
	s8 =	simm.s32 $0x4;
	s11 =	simm.s32 $0x6  }
.LBB2_1:
0x1d: {  	s13 =	simm.s32 $0x0;
	s14 =	simm.s32 $0x200  }
.LBB2_2:
0x1e: {  	p0 =	sne.s32 s14, $0xFE00;
	[tilespmem:s13+$0x370] =	vst v0  }
0x1f: {  	[tilespmem:s13+$0x300] =	vst v0  }
0x20: {  	[tilespmem:s13+$0x310] =	vst v0  }
.Ltmp0:
0x21: {  	[tilespmem:s13+$0x320] =	vst v0;
	(pc) =	sbr.rel @p0 .LBB2_2-.Ltmp0, $4  }
0x22: {  	[tilespmem:s13+$0x330] =	vst v0  }
0x23: {  	[tilespmem:s13+$0x340] =	vst v0  }
0x24: {  	[tilespmem:s13+$0x350] =	vst v0  }
0x25: {  	[tilespmem:s13+$0x360] =	vst v0;
	s13 =	sshra.s32 s14, $0x2;
	s14 =	sadd.s32 $0x200, s14  }
0x26: {  	[tilespmem:s13+$0x370] =	vst v0  }
0x27: {  	[tilespmem:s13+$0x300] =	vst v0  }
0x28: {  	[tilespmem:s13+$0x310] =	vst v0  }
0x29: {  	[tilespmem:s13+$0x320] =	vst v0  }
0x2a: {  	[tilespmem:s13+$0x330] =	vst v0  }
0x2b: {  	[tilespmem:s13+$0x340] =	vst v0  }
0x2c: {  	[tilespmem:s13+$0x350] =	vst v0  }
0x2d: {  	[tilespmem:s13+$0x360] =	vst v0  }
0x2e: {  	[spmem:s7] =	stream.linear.scatter [tilespmem:s22], [sflag:$0x7], $0x4000, $0x38;
	[tilespmem:$0x1FF00] =	vst v63  }
0x2f: {  	_ =	swait.ge [sflag:s23], $0x4000  }
0x30: {  	[sflag:s23] =	ssyncset.done $0x0  }
0x31: {  	s17 =	rddreg [dreg:$0x6];
	[sflag:s23] =	ssyncadd.s32 $0xFFFFC000  }
0x32: {  	[spmem:s17] =	stream.linear.scatter [tilespmem:s22], [sflag:$0x7], $0x4000, $0x38;
	[tilespmem:$0x1FF00] =	vst v63  }
0x33: {  	_ =	swait.ge [sflag:s23], $0x4000  }
0x34: {  	[sflag:s23] =	ssyncset.done $0x0  }
0x35: {  	s14 =	rddreg [dreg:$0x7];
	[sflag:s23] =	ssyncadd.s32 $0xFFFFC000  }
0x36: {  	[spmem:s14] =	stream.linear.scatter [tilespmem:s22], [sflag:$0x7], $0x4000, $0x38;
	[tilespmem:$0x1FF00] =	vst v63  }
0x37: {  	_ =	swait.ge [sflag:s23], $0x4000  }
0x38: {  	[sflag:s23] =	ssyncset.done $0x0  }
0x39: {  	s15 =	rddreg [dreg:$0x8];
	[sflag:s23] =	ssyncadd.s32 $0xFFFFC000  }
0x3a: {  	[spmem:s15] =	stream.linear.scatter [tilespmem:s22], [sflag:$0x7], $0x4000, $0x38;
	[tilespmem:$0x1FF00] =	vst v63  }
0x3b: {  	_ =	swait.ge [sflag:s23], $0x4000  }
0x3c: {  	[sflag:s23] =	ssyncset.done $0x0  }
0x3d: {  	s16 =	rddreg [dreg:$0x9];
	[sflag:s23] =	ssyncadd.s32 $0xFFFFC000  }
0x3e: {  	[spmem:s16] =	stream.linear.scatter [tilespmem:s22], [sflag:$0x7], $0x3C00, $0x38;
	[tilespmem:$0x1FF00] =	vst v63  }
0x3f: {  	_ =	swait.ge [sflag:s23], $0x3C00  }
0x40: {  	[sflag:s23] =	ssyncset.done $0x0  }
0x41: {  	[sflag:s23] =	ssyncadd.s32 $0xFFFFC400  }
0x42: {  	[bflag:$0x0] =	sbarrier.arrive $0xFFFF  }
0x43: {  	s13 =	simm.s32 $0x0;
	s14 =	rddreg [dreg:$0xa]  }
0x44: {  	[tilespmem:s13], [sflag:$0x7] =	stream.linear.gather [hbm4b:s14+s13], $0x80, $0x38;
	[tilespmem:$0x1FF00] =	vst v63  }
0x45: {  	_ =	swait.ge [sflag:s23], $0x80  }
0x46: {  	[sflag:s23] =	ssyncset.done $0x0  }
0x47: {  	s17 =	rddreg [dreg:$0xb];
	[sflag:s23] =	ssyncadd.s32 $0xFFFFFF80  }
0x48: {  	[tilespmem:s24], [sflag:$0x7] =	stream.linear.gather [hbm4b:s17+s13], $0x80, $0x38;
	[tilespmem:$0x1FF00] =	vst v63  }
0x49: {  	_ =	swait.ge [sflag:s23], $0x80  }
0x4a: {  	[sflag:s23] =	ssyncset.done $0x0  }
0x4b: {  	[sflag:s23] =	ssyncadd.s32 $0xFFFFFF80  }
0x4c: {  	[tilespmem:s22], [sflag:$0x1] =	stream.indirect.gather [hbm4b:s4+s25], $0x80, s13, s25, $0xb8;
	[tilespmem:$0x1FF00] =	vst v63  }
0x4d: {  	s15 =	rddreg [dreg:$0xc]  }
0x4e: {  	[tilespmem:s25], [sflag:$0x7] =	stream.linear.gather [hbm4b:s15+s13], $0x80, $0x38;
	[tilespmem:$0x1FF00] =	vst v63  }
0x4f: {  	_ =	swait.ge [sflag:s23], $0x80  }
0x50: {  	[sflag:s23] =	ssyncset.done $0x0  }
0x51: {  	s16 =	rddreg [dreg:$0xd];
	[sflag:s23] =	ssyncadd.s32 $0xFFFFFF80  }
0x52: {  	[tilespmem:s26], [sflag:$0x7] =	stream.linear.gather [hbm4b:s16+s13], $0x80, $0x38;
	[tilespmem:$0x1FF00] =	vst v63  }
0x53: {  	_ =	swait.ge [sflag:s23], $0x80  }
0x54: {  	[sflag:s23] =	ssyncset.done $0x0  }
0x55: {  	[sflag:s23] =	ssyncadd.s32 $0xFFFFFF80  }
0x56: {  	[tilespmem:s28], [sflag:$0x2] =	stream.indirect.gather [hbm4b:s4+s25], $0x80, s25, s25, $0xb8;
	[tilespmem:$0x1FF00] =	vst v63  }
0x57: {  	_ =	swait.ge [sflag:s29], $0x4000  }
0x58: {  	[sflag:s29] =	ssyncset.done $0x0  }
0x59: {  	[sflag:s29] =	ssyncadd.s32 $0xFFFFC000  }
0x5a: {  	[spmem:s2] =	stream.indirect.scatter.add.f32 [tilespmem:s22], [sflag:$0x4], $0x80, s24, s25, $0xb8;
	[tilespmem:$0x1FF00] =	vst v63  }
0x5b: {  	s17 =	rddreg [dreg:$0xe]  }
0x5c: {  	[tilespmem:s30], [sflag:$0x7] =	stream.linear.gather [hbm4b:s17+s13], $0x80, $0x38;
	[tilespmem:$0x1FF00] =	vst v63  }
0x5d: {  	_ =	swait.ge [sflag:s23], $0x80  }
0x5e: {  	[sflag:s23] =	ssyncset.done $0x0  }
0x5f: {  	s15 =	rddreg [dreg:$0xf];
	[sflag:s23] =	ssyncadd.s32 $0xFFFFFF80  }
0x60: {  	[tilespmem:s31], [sflag:$0x7] =	stream.linear.gather [hbm4b:s15+s13], $0x80, $0x38;
	[tilespmem:$0x1FF00] =	vst v63  }
0x61: {  	_ =	swait.ge [sflag:s23], $0x80  }
0x62: {  	[sflag:s23] =	ssyncset.done $0x0  }
0x63: {  	[sflag:s23] =	ssyncadd.s32 $0xFFFFFF80  }
0x64: {  	[tilespmem:s0], [sflag:$0x3] =	stream.indirect.gather [hbm4b:s4+s25], $0x80, s30, s25, $0xb8;
	[tilespmem:$0x1FF00] =	vst v63  }
0x65: {  	_ =	swait.ge [sflag:s1], $0x4000  }
0x66: {  	[sflag:s1] =	ssyncset.done $0x0  }
0x67: {  	[sflag:s1] =	ssyncadd.s32 $0xFFFFC000  }
0x68: {  	[spmem:s2] =	stream.indirect.scatter.add.f32 [tilespmem:s28], [sflag:$0x5], $0x80, s26, s25, $0xb8;
	[tilespmem:$0x1FF00] =	vst v63  }
0x69: {  	_ =	swait.ge [sflag:s8], $0x4000  }
0x6a: {  	s16 =	sshrl.u32 s21, $0x3;
	[sflag:s8] =	ssyncset.done $0x0  }
0x6b: {  	s17 =	sadd.s32 s5, s16;
	[sflag:s8] =	ssyncadd.s32 $0xFFFFC000  }
0x6c: {  	[tilespmem:s3], [sflag:$0x7] =	stream.linear.gather [hbm4b:s17+s3], $0x80, $0x38;
	[tilespmem:$0x1FF00] =	vst v63  }
0x6d: {  	_ =	swait.ge [sflag:s23], $0x80  }
0x6e: {  	[sflag:s23] =	ssyncset.done $0x0  }
0x6f: {  	s13 =	sadd.s32 s6, s16;
	[sflag:s23] =	ssyncadd.s32 $0xFFFFFF80  }
0x70: {  	[tilespmem:s24], [sflag:$0x7] =	stream.linear.gather [hbm4b:s13+s3], $0x80, $0x38;
	[tilespmem:$0x1FF00] =	vst v63  }
0x71: {  	_ =	swait.ge [sflag:s23], $0x80  }
0x72: {  	[sflag:s23] =	ssyncset.done $0x0  }
0x73: {  	[sflag:s23] =	ssyncadd.s32 $0xFFFFFF80  }
0x74: {  	[tilespmem:s22], [sflag:$0x1] =	stream.indirect.gather [hbm4b:s4+s25], $0x80, s3, s25, $0xb8;
	[tilespmem:$0x1FF00] =	vst v63  }
0x75: {  	_ =	swait.ge [sflag:s9], $0x4000  }
0x76: {  	[sflag:s9] =	ssyncset.done $0x0  }
0x77: {  	[sflag:s9] =	ssyncadd.s32 $0xFFFFC000  }
0x78: {  	[spmem:s2] =	stream.indirect.scatter.add.f32 [tilespmem:s0], [sflag:$0x6], $0x80, s31, s25, $0xb8;
	[tilespmem:$0x1FF00] =	vst v63  }
0x79: {  	_ =	swait.ge [sflag:s10], $0x4000  }
0x7a: {  	[sflag:s10] =	ssyncset.done $0x0  }
0x7b: {  	s14 =	sadd.s32 $0x0, s20;
	[sflag:s10] =	ssyncadd.s32 $0xFFFFC000  }
0x7c: {  	[tilespmem:s25], [sflag:$0x7] =	stream.linear.gather [hbm4b:s14+s3], $0x80, $0x38;
	[tilespmem:$0x1FF00] =	vst v63  }
0x7d: {  	_ =	swait.ge [sflag:s23], $0x80  }
0x7e: {  	s15 =	rddreg [dreg:$0x5];
	[sflag:s23] =	ssyncset.done $0x0  }
0x7f: {  	[sflag:s23] =	ssyncadd.s32 $0xFFFFFF80;
	s13 =	sadd.s32 $0x0, s15  }
0x80: {  	[tilespmem:s26], [sflag:$0x7] =	stream.linear.gather [hbm4b:s13+s3], $0x80, $0x38;
	[tilespmem:$0x1FF00] =	vst v63  }
0x81: {  	_ =	swait.ge [sflag:s23], $0x80  }
0x82: {  	[sflag:s23] =	ssyncset.done $0x0  }
0x83: {  	[sflag:s23] =	ssyncadd.s32 $0xFFFFFF80  }
0x84: {  	[tilespmem:s28], [sflag:$0x2] =	stream.indirect.gather [hbm4b:s4+s25], $0x80, s25, s25, $0xb8;
	[tilespmem:$0x1FF00] =	vst v63  }
0x85: {  	_ =	swait.ge [sflag:s29], $0x4000  }
0x86: {  	[sflag:s29] =	ssyncset.done $0x0  }
0x87: {  	[sflag:s29] =	ssyncadd.s32 $0xFFFFC000  }
0x88: {  	[spmem:s2] =	stream.indirect.scatter.add.f32 [tilespmem:s22], [sflag:$0x4], $0x80, s24, s25, $0xb8;
	[tilespmem:$0x1FF00] =	vst v63  }
0x89: {  	_ =	swait.ge [sflag:s11], $0x4000  }
0x8a: {  	s16 =	rddreg [dreg:$0x4];
	[sflag:s11] =	ssyncset.done $0x0  }
0x8b: {  	[sflag:s11] =	ssyncadd.s32 $0xFFFFC000;
	s13 =	sadd.s32 $0x0, s16  }
0x8c: {  	[tilespmem:s30], [sflag:$0x7] =	stream.linear.gather [hbm4b:s13+s3], $0x80, $0x38;
	[tilespmem:$0x1FF00] =	vst v63  }
0x8d: {  	_ =	swait.ge [sflag:s23], $0x80  }
0x8e: {  	s17 =	rddreg [dreg:$0x3];
	[sflag:s23] =	ssyncset.done $0x0  }
0x8f: {  	[sflag:s23] =	ssyncadd.s32 $0xFFFFFF80;
	s13 =	sadd.s32 $0x0, s17  }
0x90: {  	[tilespmem:s31], [sflag:$0x7] =	stream.linear.gather [hbm4b:s13+s3], $0x80, $0x38;
	[tilespmem:$0x1FF00] =	vst v63  }
0x91: {  	_ =	swait.ge [sflag:s23], $0x80  }
0x92: {  	[sflag:s23] =	ssyncset.done $0x0  }
0x93: {  	[sflag:s23] =	ssyncadd.s32 $0xFFFFFF80  }
0x94: {  	[tilespmem:s0], [sflag:$0x3] =	stream.indirect.gather [hbm4b:s4+s25], $0x80, s30, s25, $0xb8;
	[tilespmem:$0x1FF00] =	vst v63  }
0x95: {  	_ =	swait.ge [sflag:s1], $0x4000  }
0x96: {  	[sflag:s1] =	ssyncset.done $0x0  }
0x97: {  	s14 =	sadd.s32 $0x180, s21;
	s13 =	simm.s32 $0x30;
	[sflag:s1] =	ssyncadd.s32 $0xFFFFC000  }
.LBB2_4:
0x98: {  	[spmem:s2] =	stream.indirect.scatter.add.f32 [tilespmem:s28], [sflag:$0x5], $0x80, s26, s25, $0xb8;
	[tilespmem:$0x1FF00] =	vst v63  }
0x99: {  	_ =	swait.ge [sflag:s8], $0x4000  }
0x9a: {  	s16 =	sshrl.u32 s14, $0x3;
	[sflag:s8] =	ssyncset.done $0x0  }
0x9b: {  	s17 =	sadd.s32 s5, s16;
	[sflag:s8] =	ssyncadd.s32 $0xFFFFC000  }
0x9c: {  	[tilespmem:s3], [sflag:$0x7] =	stream.linear.gather [hbm4b:s17+s3], $0x80, $0x38;
	[tilespmem:$0x1FF00] =	vst v63  }
0x9d: {  	_ =	swait.ge [sflag:s23], $0x80  }
0x9e: {  	[sflag:s23] =	ssyncset.done $0x0  }
0x9f: {  	s16 =	sadd.s32 s6, s16;
	[sflag:s23] =	ssyncadd.s32 $0xFFFFFF80  }
0xa0: {  	[tilespmem:s24], [sflag:$0x7] =	stream.linear.gather [hbm4b:s16+s3], $0x80, $0x38;
	[tilespmem:$0x1FF00] =	vst v63  }
0xa1: {  	_ =	swait.ge [sflag:s23], $0x80  }
0xa2: {  	[sflag:s23] =	ssyncset.done $0x0  }
0xa3: {  	[sflag:s23] =	ssyncadd.s32 $0xFFFFFF80  }
0xa4: {  	[tilespmem:s22], [sflag:$0x1] =	stream.indirect.gather [hbm4b:s4+s25], $0x80, s3, s25, $0xb8;
	[tilespmem:$0x1FF00] =	vst v63  }
0xa5: {  	_ =	swait.ge [sflag:s9], $0x4000  }
0xa6: {  	[sflag:s9] =	ssyncset.done $0x0  }
0xa7: {  	[sflag:s9] =	ssyncadd.s32 $0xFFFFC000  }
0xa8: {  	[spmem:s2] =	stream.indirect.scatter.add.f32 [tilespmem:s0], [sflag:$0x6], $0x80, s31, s25, $0xb8;
	[tilespmem:$0x1FF00] =	vst v63  }
0xa9: {  	_ =	swait.ge [sflag:s10], $0x4000  }
0xaa: {  	s15 =	smov.u32 s13;
	[sflag:s10] =	ssyncset.done $0x0  }
0xab: {  	s17 =	sadd.s32 s15, s20;
	[sflag:s10] =	ssyncadd.s32 $0xFFFFC000  }
0xac: {  	[tilespmem:s25], [sflag:$0x7] =	stream.linear.gather [hbm4b:s17+s3], $0x80, $0x38;
	[tilespmem:$0x1FF00] =	vst v63  }
0xad: {  	_ =	swait.ge [sflag:s23], $0x80  }
0xae: {  	s17 =	rddreg [dreg:$0x5];
	[sflag:s23] =	ssyncset.done $0x0  }
0xaf: {  	[sflag:s23] =	ssyncadd.s32 $0xFFFFFF80;
	s16 =	sadd.s32 s15, s17  }
0xb0: {  	[tilespmem:s26], [sflag:$0x7] =	stream.linear.gather [hbm4b:s16+s3], $0x80, $0x38;
	[tilespmem:$0x1FF00] =	vst v63  }
0xb1: {  	_ =	swait.ge [sflag:s23], $0x80  }
0xb2: {  	[sflag:s23] =	ssyncset.done $0x0  }
0xb3: {  	[sflag:s23] =	ssyncadd.s32 $0xFFFFFF80  }
0xb4: {  	[tilespmem:s28], [sflag:$0x2] =	stream.indirect.gather [hbm4b:s4+s25], $0x80, s25, s25, $0xb8;
	[tilespmem:$0x1FF00] =	vst v63  }
0xb5: {  	_ =	swait.ge [sflag:s29], $0x4000  }
0xb6: {  	[sflag:s29] =	ssyncset.done $0x0  }
0xb7: {  	[sflag:s29] =	ssyncadd.s32 $0xFFFFC000  }
0xb8: {  	[spmem:s2] =	stream.indirect.scatter.add.f32 [tilespmem:s22], [sflag:$0x4], $0x80, s24, s25, $0xb8;
	[tilespmem:$0x1FF00] =	vst v63  }
0xb9: {  	_ =	swait.ge [sflag:s11], $0x4000  }
0xba: {  	s17 =	rddreg [dreg:$0x4];
	[sflag:s11] =	ssyncset.done $0x0  }
0xbb: {  	[sflag:s11] =	ssyncadd.s32 $0xFFFFC000;
	s16 =	sadd.s32 s15, s17  }
0xbc: {  	[tilespmem:s30], [sflag:$0x7] =	stream.linear.gather [hbm4b:s16+s3], $0x80, $0x38;
	[tilespmem:$0x1FF00] =	vst v63  }
0xbd: {  	_ =	swait.ge [sflag:s23], $0x80  }
0xbe: {  	s17 =	rddreg [dreg:$0x3];
	[sflag:s23] =	ssyncset.done $0x0  }
0xbf: {  	[sflag:s23] =	ssyncadd.s32 $0xFFFFFF80;
	s15 =	sadd.s32 s15, s17  }
0xc0: {  	[tilespmem:s31], [sflag:$0x7] =	stream.linear.gather [hbm4b:s15+s3], $0x80, $0x38;
	[tilespmem:$0x1FF00] =	vst v63  }
0xc1: {  	_ =	swait.ge [sflag:s23], $0x80  }
0xc2: {  	p0 =	sne.s32 s13, $0x4B0;
	[sflag:s23] =	ssyncset.done $0x0  }
.Ltmp1:
0xc3: {  	[sflag:s23] =	ssyncadd.s32 $0xFFFFFF80;
	(pc) =	sbr.rel @p0 .LBB2_4-.Ltmp1, $4  }
0xc4: {  	[tilespmem:s0], [sflag:$0x3] =	stream.indirect.gather [hbm4b:s4+s25], $0x80, s30, s25, $0xb8;
	[tilespmem:$0x1FF00] =	vst v63  }
0xc5: {  	_ =	swait.ge [sflag:s1], $0x4000  }
0xc6: {  	[sflag:s1] =	ssyncset.done $0x0  }
0xc7: {  	s13 =	sadd.s32 $0x30, s13;
	s14 =	sadd.s32 $0x180, s14;
	[sflag:s1] =	ssyncadd.s32 $0xFFFFC000  }
0xc8: {  	[spmem:s2] =	stream.indirect.scatter.add.f32 [tilespmem:s28], [sflag:$0x5], $0x80, s26, s25, $0xb8;
	[tilespmem:$0x1FF00] =	vst v63  }
0xc9: {  	_ =	swait.ge [sflag:s9], $0x4000  }
0xca: {  	[sflag:s9] =	ssyncset.done $0x0  }
0xcb: {  	[sflag:s9] =	ssyncadd.s32 $0xFFFFC000  }
0xcc: {  	[spmem:s2] =	stream.indirect.scatter.add.f32 [tilespmem:s0], [sflag:$0x6], $0x80, s31, s25, $0xb8;
	[tilespmem:$0x1FF00] =	vst v63  }
0xcd: {  	_ =	swait.ge [sflag:s8], $0x4000  }
0xce: {  	[sflag:s8] =	ssyncset.done $0x0  }
0xcf: {  	[sflag:s8] =	ssyncadd.s32 $0xFFFFC000  }
0xd0: {  	_ =	swait.ge [sflag:s10], $0x4000  }
0xd1: {  	[sflag:s10] =	ssyncset.done $0x0  }
0xd2: {  	[sflag:s10] =	ssyncadd.s32 $0xFFFFC000  }
0xd3: {  	s13 =	stileid.u32;
	_ =	swait.ge [sflag:s11], $0x4000  }
0xd4: {  	s14 =	sshrl.u32 s7, $0x3;
	s12 =	sadd.s32 $0x1, s12;
	[sflag:s11] =	ssyncset.done $0x0  }
0xd5: {  	s13 =	sshll.u32 s13, $0x6;
	p0 =	sne.s32 s12, s19;
	[sflag:s11] =	ssyncadd.s32 $0xFFFFC000  }
.Ltmp2:
0xd6: {  	s13 =	sor.u32 $0x1C07, s13;
	[bflag:$0x0] =	sbarrier.arrive $0xFFFF;
	(pc) =	sbr.rel @p0 .LBB2_1-.Ltmp2, $4  }
0xd7: {  	[hbm:s18], [sflag:s13] =	dma.local [spmem:s14], $0x2780  }
0xd8: {  	_ =	swait.ge [sflag:s23], $0x2780  }
0xd9: {  	[sflag:s23] =	ssyncset.done $0x0  }
0xda: {  	[sflag:s23] =	ssyncadd.s32 $0xFFFFD880  }
0xdb: {  	_ =	sfence.sel $0x180000  }
0xdc: {  	[bflag:$0x0] =	sbarrier.arrive $0xFFFF  }
0xdd: {  	_ =	strace $0x9000004D  }
0xde: {  	s0 =	stileid.u32;
	[bflag:$0x2] =	sbarrier.arrive $0xFFFF  }
0xdf: {  	p0 =	sne.s32 s0, $0x0;
	s0 =	rddreg [dreg:$0x2]  }
0xe0: {  	s0 =	sadd.s32 @!p0 $0x100000, s0  }
0xe1: {  	[sflag:s0] =	ssyncadd.tile.s32 @!p0 $0x1;
	_ =	shalt  }
.Lfunc_end2:
_tile_overlayer_lowered:
.L_overlay_start_2:
0xe2: {  	(tag) =	ssettag $0x2  }
0xe3: {  	s0 =	rddreg [dreg:$0x0];
	s2 =	stileid.u32  }
0xe4: {  	s1 =	rddreg [dreg:$0x1];
	p0 =	sne.s32 s2, $0x0  }
0xe5: {  	s3 =	rddreg [dreg:$0x2];
	[bflag:$0x3] =	sbarrier.arrive $0xFFFF;
	s2 =	simm.s32 @!p0 $0x1C07  }
0xe6: {  	[timem:s3], [sflag:s2] =	dma.local @!p0 [hbm:s0], s1  }
0xe7: {  	s0 =	simm.s32 @!p0 $0x7  }
0xe8: {  	_ =	swait.ge @!p0 [sflag:s0], s1  }
0xe9: {  	s1 =	ssub.s32 @!p0 $0x0, s1;
	[sflag:s0] =	ssyncset.done @!p0 $0x0  }
0xea: {  	[sflag:s0] =	ssyncadd.s32 @!p0 s1  }
0xeb: {  	[bflag:$0x3] =	sbarrier.arrive $0xFFFF  }
0xec: {  	_ =	shalt  }

// kernel: kernel.22.cloned.1.call-start
scs
__scs_entry_jumppad:
0x0: {  	(pc) =	sbr.rel $0x88, $3  }
0x1: {  	(tag) =	ssettag $0x0;
	lr =	simm.s32 $0x1  }
0x2: {  	[smem:$0x3F8D] =	sst lr;
	_ =	strace $0xD0000000  }
0x3: {  	_ = 	snop  }
0x4: {  	_ = 	snop  }
0x5: {  	_ = 	snop  }
0x6: {  	_ = 	snop  }
0x7: {  	_ = 	snop  }
__scs_overlays_trampoline_lowered:
0x8: {  	[smem:$0x3F9C] =	sst s0  }
0x9: {  	[smem:$0x3F9D] =	sst s1  }
0xa: {  	[smem:$0x3F9E] =	sst s2  }
0xb: {  	[smem:$0x3F9F] =	sst s3  }
0xc: {  	[smem:$0x3FA0] =	sst s4  }
0xd: {  	[smem:$0x3FA1] =	sst s5  }
0xe: {  	[smem:$0x3FA2] =	sst s6  }
0xf: {  	[smem:$0x3FA3] =	sst s7  }
0x10: {  	[smem:$0x3FA4] =	sst s8  }
0x11: {  	[smem:$0x3FA5] =	sst s9;
	s0 =	simm.s32 @!p0 $0x0  }
0x12: {  	s1 =	sld [smem:$0x3F8B];
	s0 =	simm.s32 @p0 $0x1  }
0x13: {  	[smem:$0x3FA6] =	sst s0;
	s0 =	simm.s32 @!p1 $0x0  }
0x14: {  	s2 =	sld [smem:$0x3F8A];
	s0 =	simm.s32 @p1 $0x1  }
0x15: {  	[smem:$0x3FA7] =	sst s0;
	s0 =	simm.s32 @!p2 $0x0  }
0x16: {  	s3 =	sld [smem:$0x3FDB];
	s0 =	simm.s32 @p2 $0x1  }
0x17: {  	s4 =	simm.s32 $0x1BF5;
	[smem:$0x3FA9] =	sst s0  }
0x18: {  	s0 =	sld [smem:$0x3F8C];
	_ =	swait.ge [sflag:s4], $0x0  }
0x19: {  	s7 =	sld [smem:$0x3F8D]  }
0x1a: {  	s8 =	sadd.s32 $0xFFFFE003, lr  }
0x1b: {  	s9 =	sadd.s32 $0xFFFFFEF7, lr;
	s5 =	simm.s32 $0xFFFFFFFF;
	p2 =	slt.u32 s8, $0xFFFFF086  }
0x1c: {  	p1 =	slt.u32 s9, $0xF7A;
	s5 =	simm.s32 @!p2 $0x0  }
0x1d: {  	s5 =	simm.s32 @p1 $0x1;
	p0 =	seq.s32 s7, s2  }
0x1e: {  	s7 =	smul.u32 @!p0 $0xF7A, s2;
	p2 =	seq.s32 @!p0 s5, $0x0  }
0x1f: {  	s9 =	smul.u32 $0xF7A, s1;
	s8 =	simm.s32 @!p0 $0x1BF5;
	p2 =	por !p2, p0  }
0x20: {  	[sflag:s8] =	ssyncset.s32 @!p0 $0xFFFFF086;
	s6 =	sadd.s32 @!p0 s3, s7;
	s7 =	simm.s32 @!p0 $0x108  }
0x21: {  	s3 =	sadd.s32 s3, s9;
	s6 =	sadd.s32 @!p0 $0x88, s6;
	s7 =	simm.s32 @p2 $0x1082  }
0x22: {  	[simem:s7], [sflag:s8] =	dma.local @!p0 [hbm:s6], $0xF7A  }
0x23: {  	s9 =	sor.u32 $0xD0000000, s2;
	s6 =	simm.s32 $0x108;
	_ =	swait.ge @!p0 [sflag:s8], $0x0  }
0x24: {  	s3 =	sadd.s32 $0x88, s3;
	s6 =	simm.s32 @!p1 $0x1082;
	[sflag:s4] =	ssyncset.s32 $0xFFFFF086  }
0x25: {  	[simem:s6], [sflag:s4] =	dma.local [hbm:s3], $0xF7A  }
0x26: {  	[smem:$0x3F8D] =	sst s1;
	(tag) =	ssettag s2;
	_ =	strace s9  }
0x27: {  	s1 =	sld [smem:$0x3F9D]  }
0x28: {  	s2 =	sld [smem:$0x3F9E]  }
0x29: {  	s4 =	sld [smem:$0x3FA0]  }
0x2a: {  	p0 =	seq.s32 s5, $0x0;
	s5 =	sld [smem:$0x3FA1]  }
0x2b: {  	s6 =	sld [smem:$0x3FA2]  }
0x2c: {  	s7 =	sld [smem:$0x3FA3]  }
0x2d: {  	s3 =	simm.s32 $0x108;
	s8 =	sld [smem:$0x3FA4]  }
0x2e: {  	s3 =	simm.s32 @!p0 $0x1082;
	s9 =	sld [smem:$0x3FA5]  }
0x2f: {  	lr =	sadd.s32 s0, s3;
	s0 =	sld [smem:$0x3F9C]  }
0x30: {  	s3 =	sld [smem:$0x3F9F]  }
0x31: {  	[smem:$0x3FA8] =	sst s10  }
0x32: {  	s10 =	sld [smem:$0x3FA6];
	_ =	sdelay $0x3  }
0x33: {  	p0 =	seq.s32 s10, $0x1;
	s10 =	sld [smem:$0x3FA8];
	_ =	sdelay $0x3  }
0x34: {  	[smem:$0x3FA8] =	sst s10  }
0x35: {  	s10 =	sld [smem:$0x3FA7];
	_ =	sdelay $0x3  }
0x36: {  	p1 =	seq.s32 s10, $0x1;
	s10 =	sld [smem:$0x3FA8];
	_ =	sdelay $0x3  }
0x37: {  	[smem:$0x3FA8] =	sst s10  }
0x38: {  	s10 =	sld [smem:$0x3FA9]  }
0x39: {  	_ = 	snop;
	(pc) =	sbr.ind lr, $3  }
0x3a: {  	_ = 	snop  }
0x3b: {  	_ = 	snop  }
0x3c: {  	p2 =	seq.s32 s10, $0x1;
	s10 =	sld [smem:$0x3FA8]  }
0x3d: {  	_ =	shalt  }
0x3e: {  	_ =	shalt  }
0x3f: {  	_ =	shalt  }
0x40: {  	_ =	shalt  }
0x41: {  	_ =	shalt  }
0x42: {  	_ =	shalt  }
0x43: {  	_ =	shalt  }
0x44: {  	_ =	shalt  }
0x45: {  	_ =	shalt  }
0x46: {  	_ =	shalt  }
0x47: {  	_ =	shalt  }
0x48: {  	_ =	shalt  }
0x49: {  	_ =	shalt  }
0x4a: {  	_ =	shalt  }
0x4b: {  	_ =	shalt  }
0x4c: {  	_ =	shalt  }
0x4d: {  	_ =	shalt  }
0x4e: {  	_ =	shalt  }
0x4f: {  	_ =	shalt  }
0x50: {  	_ =	shalt  }
0x51: {  	_ =	shalt  }
0x52: {  	_ =	shalt  }
0x53: {  	_ =	shalt  }
0x54: {  	_ =	shalt  }
0x55: {  	_ =	shalt  }
0x56: {  	_ =	shalt  }
0x57: {  	_ =	shalt  }
0x58: {  	_ =	shalt  }
0x59: {  	_ =	shalt  }
0x5a: {  	_ =	shalt  }
0x5b: {  	_ =	shalt  }
0x5c: {  	_ =	shalt  }
0x5d: {  	_ =	shalt  }
0x5e: {  	_ =	shalt  }
0x5f: {  	_ =	shalt  }
0x60: {  	_ =	shalt  }
0x61: {  	_ =	shalt  }
0x62: {  	_ =	shalt  }
0x63: {  	_ =	shalt  }
0x64: {  	_ =	shalt  }
0x65: {  	_ =	shalt  }
0x66: {  	_ =	shalt  }
0x67: {  	_ =	shalt  }
0x68: {  	_ =	shalt  }
0x69: {  	_ =	shalt  }
0x6a: {  	_ =	shalt  }
0x6b: {  	_ =	shalt  }
0x6c: {  	_ =	shalt  }
0x6d: {  	_ =	shalt  }
0x6e: {  	_ =	shalt  }
0x6f: {  	_ =	shalt  }
0x70: {  	_ =	shalt  }
0x71: {  	_ =	shalt  }
0x72: {  	_ =	shalt  }
0x73: {  	_ =	shalt  }
0x74: {  	_ =	shalt  }
0x75: {  	_ =	shalt  }
0x76: {  	_ =	shalt  }
0x77: {  	_ =	shalt  }
0x78: {  	_ =	shalt  }
0x79: {  	_ =	shalt  }
0x7a: {  	_ =	shalt  }
0x7b: {  	_ =	shalt  }
0x7c: {  	_ =	shalt  }
0x7d: {  	_ =	shalt  }
0x7e: {  	_ =	shalt  }
0x7f: {  	_ =	shalt  }
0x80: {  	_ =	shalt  }
0x81: {  	_ =	shalt  }
0x82: {  	_ =	shalt  }
0x83: {  	_ =	shalt  }
0x84: {  	_ =	shalt  }
0x85: {  	_ =	shalt  }
0x86: {  	_ =	shalt  }
0x87: {  	_ =	shalt  }
.Lfunc_end0:
.L_simem_size_0:
called_computation.3_lowered:
.L_overlay_start_0:
0x88: {  	s2 =	sld [smem:$0x3FD9]  }
0x89: {  	s3 =	sld [smem:$0x3FFE];
	_ =	sdelay $0x1  }
0x8a: {  	s1 =	srdreg.scid  }
0x8b: {  	s0 =	sand.u32 $0x1, s1  }
0x8c: {  	s16 =	sshll.u32 s0, $0xA;
	s2 =	sadd.s32 s3, s2  }
0x8d: {  	s2 =	sadd.s32 s2, s16  }
0x8e: {  	[smem:$0x3FB4] =	sst s2  }
0x8f: {  	_ = 	snop  }
0x90: {  	(tm) =	ssettm $0x1  }
0x91: {  	s17 =	sld [smem:$0x3FFB];
	_ =	sdelay $0x3  }
0x92: {  	_ =	strace s17  }
0x93: {  	s2 =	sld [smem:$0x3FFC];
	_ =	sdelay $0x3  }
0x94: {  	_ =	strace s2  }
0x95: {  	s2 =	sld [smem:$0x3FFD];
	_ =	sdelay $0x3  }
0x96: {  	_ =	strace s2  }
0x97: {  	_ =	strace $0x8FFFFFFF  }
0x98: {  	s18 =	sld [smem:$0x3FDB];
	_ =	sdelay $0x1  }
0x99: {  	s19 =	simm.s32 $_scs_section_size  }
0x9a: {  	s4 =	simm.s32 $_size__tile_overlayer_lowered;
	s5 =	simm.s32 $_tile_overlayer_lowered  }
0x9b: {  	s22 =	simm.s32 $0x1BFF;
	s21 =	sshll.u32 s5, $0x1;
	s2 =	sadd.s32 s19, s18  }
0x9c: {  	s6 =	simm.s32 $0x0;
	s20 =	sshll.u32 s4, $0x1;
	s4 =	sadd.s32 s21, s2  }
0x9d: {  	[timem:s6], [sflag:s22] =	dma.local [hbm:s4], s20  }
0x9e: {  	_ =	swait.ge [sflag:s22], s20  }
0x9f: {  	s3 =	ssub.s32 $0x0, s20;
	[sflag:s22] =	ssyncset.done $0x0  }
0xa0: {  	[sflag:s22] =	ssyncadd.s32 s3;
	_ =	sdelay $0x1  }
0xa1: {  	s23 =	simm.s32 $0x1B8B  }
0xa2: {  	_ =	swait.ge [sflag:s23], $0x1  }
0xa3: {  	[sflag:s23] =	ssyncset.done $0x0  }
0xa4: {  	s25 =	simm.s32 $0x1B8E;
	s24 =	sld [smem:$0x3FFE];
	[sflag:s23] =	ssyncadd.s32 $0xFFFFFFFF  }
0xa5: {  	s26 =	simm.s32 $execute0_lowered;
	[smem:$0x3FD2] =	sst s25  }
0xa6: {  	s4 =	sshll.u32 s26, $0x1;
	_ =	strace $0x8000004F;
	[dreg:$0x1] =	wrdreg $0xFFFFFFFF  }
0xa7: {  	s28 =	simm.s32 $_size_execute0_lowered;
	s2 =	sadd.s32 s2, s4;
	[dreg:$0x0] =	wrdreg $0x0  }
0xa8: {  	s4 =	sshll.u32 s28, $0x1;
	[dreg:$0x2] =	wrdreg s2  }
0xa9: {  	[dreg:$0x3] =	wrdreg s4  }
0xaa: {  	[dreg:$0x4] =	wrdreg $0xC0  }
0xab: {  	_ =	task [dreg:s6], $0x5FFFF  }
0xac: {  	[dreg:$0x1] =	wrdreg $0xFFFFFFFF  }
0xad: {  	[dreg:$0x0] =	wrdreg $0x60  }
0xae: {  	[dreg:$0x2] =	wrdreg s24  }
0xaf: {  	[dreg:$0x3] =	wrdreg $0xC3000  }
0xb0: {  	[dreg:$0x4] =	wrdreg $0x9  }
0xb1: {  	_ =	task.clear_ibuf [dreg:s6], $0x5FFFF;
	_ =	strace $0x9000004F  }
0xb2: {  	s29 =	simm.s32 $0x9;
	_ =	strace $0x80000051  }
0xb3: {  	_ =	swait.ge [sflag:s29], $0x1  }
0xb4: {  	[sflag:s29] =	ssyncadd.s32 $0xFFFFFFFF  }
0xb5: {  	_ =	strace $0x90000051  }
0xb6: {  	_ =	sfence  }
0xb7: {  	s30 =	sld [smem:$0x0];
	_ =	sdelay $0x2  }
0xb8: {  	s31 =	sshll.u32 s1, $0xD;
	s1 =	sshrl.u32 s1, $0x2  }
0xb9: {  	s3 =	sand.u32 $0x4000, s31;
	s1 =	sadd.s32 s1, s30  }
0xba: {  	s0 =	sor.u32 s3, s0;
	s1 =	sshll.u32 s1, $0x11  }
0xbb: {  	s0 =	sor.u32 s1, s0  }
0xbc: {  	s0 =	sadd.s32 $0x8F2B, s0  }
0xbd: {  	[sflag:s0] =	ssyncadd.remote.s32 $0x1  }
0xbe: {  	_ =	sfence.sel $0xFFFF  }
0xbf: {  	[dreg:$0x0] =	wrdreg $0xFFFFFFFF;
	(pc) =	sbr.abs _section_cstart, $3  }
0xc0: {  	[dreg:$0x1] =	wrdreg $0xFFFFFFFF  }
0xc1: {  	_ =	task.clear_ibuf [dreg:s6], $0x2FFFF;
	_ =	strace $0x9FFFFFFF  }
0xc2: {  	(tm) =	ssettm $0x7FFFFFFF  }
0xc3: {  	_ =	shalt  }
tec
execute0_lowered:
.L_overlay_start_1:
0x0: {  	(tag) =	ssettag $0x1  }
0x1: {  	s0 =	rddreg [dreg:$0x0]  }
0x2: {  	s2 =	rddreg [dreg:$0x1]  }
0x3: {  	s3 =	simm.s32 $0x0;
	s1 =	srdreg.scid;
	s11 =	stileid.u32  }
0x4: {  	s28 =	simm.s32 $0x4300;
	s29 =	simm.s32 $0x1;
	s30 =	simm.s32 $0x100  }
0x5: {  	s31 =	simm.s32 $0x280;
	[smem:$0x7FF] =	sst s3;
	s7 =	smul.u32 $0x2780, s11  }
0x6: {  	s1 =	sand.u32 $0x1, s1;
	s4 =	sadd.s32 $0x19A00, s0;
	s9 =	smul.u32 $0x4F000, s11  }
0x7: {  	s5 =	sadd.s32 $0xF800, s0;
	s6 =	sadd.s32 $0x5600, s0;
	s15 =	smul.u32 $0x2880, s11  }
0x8: {  	_ =	strace $0x80000050;
	s8 =	smul.u32 $0x27800, s1;
	s13 =	ssub.s32 $0x2, s1  }
0x9: {  	s12 =	sshll.u32 s1, $0x4;
	s1 =	smul.u32 $0x28800, s1;
	s10 =	sshrl.u32 s13, $0x1  }
0xa: {  	s9 =	sshrl.u32 s9, $0x2;
	s7 =	sadd.s32 s7, s8;
	s8 =	sor.u32 s11, s12  }
0xb: {  	s10 =	ssub.s32 s13, s10;
	s0 =	sadd.s32 s7, s0;
	s7 =	sadd.s32 s9, s2  }
0xc: {  	s1 =	sadd.s32 s15, s1;
	s8 =	smul.u32 $0x2880, s8;
	s9 =	sadd.s32 $0x4000, s7  }
0xd: {  	s22 =	sadd.s32 $0x280, s1;
	s14 =	sadd.s32 $0x8000, s7;
	[dreg:$0x6] =	wrdreg s9  }
0xe: {  	s12 =	sadd.s32 $0x200, s1;
	s16 =	sadd.s32 $0xC000, s7;
	[dreg:$0x7] =	wrdreg s14  }
0xf: {  	s17 =	sadd.s32 $0x10000, s7;
	s25 =	sshrl.u32 s12, $0x3;
	[dreg:$0x8] =	wrdreg s16  }
0x10: {  	s12 =	simm.s32 $0x0;
	[dreg:$0x9] =	wrdreg s17;
	s8 =	sshrl.u32 s8, $0x3  }
0x11: {  	s9 =	sshrl.u32 s22, $0x3;
	s26 =	sadd.s32 s25, s6;
	s22 =	simm.s32 $0x300  }
0x12: {  	s18 =	sadd.s32 s5, s8;
	s19 =	sadd.s32 $0x10, s8;
	s20 =	sadd.s32 s6, s8  }
0x13: {  	s8 =	sadd.s32 $0x20, s8;
	s24 =	sadd.s32 s9, s6;
	[dreg:$0x5] =	wrdreg s26  }
0x14: {  	s9 =	sadd.s32 s9, s5;
	s26 =	simm.s32 $0x200;
	[dreg:$0xa] =	wrdreg s18  }
0x15: {  	[dreg:$0xb] =	wrdreg s20;
	s21 =	sadd.s32 s5, s19;
	s11 =	sadd.s32 s6, s19  }
0x16: {  	s23 =	sadd.s32 s5, s8;
	[dreg:$0x3] =	wrdreg s24;
	s8 =	sadd.s32 s6, s8  }
0x17: {  	[dreg:$0x4] =	wrdreg s9;
	s18 =	sadd.s32 $0x41200, s0;
	s19 =	smax.u32 s10, $0x1  }
0x18: {  	s20 =	sadd.s32 s25, s5;
	s24 =	simm.s32 $0x180;
	[dreg:$0xc] =	wrdreg s21  }
0x19: {  	s25 =	simm.s32 $0x80;
	s0 =	simm.s32 $0x8300;
	[dreg:$0xd] =	wrdreg s11  }
0x1a: {  	s9 =	simm.s32 $0x3;
	s10 =	simm.s32 $0x5;
	[dreg:$0xe] =	wrdreg s23  }
0x1b: {  	[dreg:$0xf] =	wrdreg s8;
	s21 =	sadd.s32 $0x180, s1;
	s23 =	simm.s32 $0x7  }
0x1c: {  	v0 =	vimm.f32 $0.0e+00;
	s1 =	simm.s32 $0x2;
	s8 =	simm.s32 $0x4;
	s11 =	simm.s32 $0x6  }
.LBB2_1:
0x1d: {  	s13 =	simm.s32 $0x0;
	s14 =	simm.s32 $0x200  }
.LBB2_2:
0x1e: {  	p0 =	sne.s32 s14, $0xFE00;
	[tilespmem:s13+$0x370] =	vst v0  }
0x1f: {  	[tilespmem:s13+$0x300] =	vst v0  }
0x20: {  	[tilespmem:s13+$0x310] =	vst v0  }
.Ltmp0:
0x21: {  	[tilespmem:s13+$0x320] =	vst v0;
	(pc) =	sbr.rel @p0 .LBB2_2-.Ltmp0, $4  }
0x22: {  	[tilespmem:s13+$0x330] =	vst v0  }
0x23: {  	[tilespmem:s13+$0x340] =	vst v0  }
0x24: {  	[tilespmem:s13+$0x350] =	vst v0  }
0x25: {  	[tilespmem:s13+$0x360] =	vst v0;
	s13 =	sshra.s32 s14, $0x2;
	s14 =	sadd.s32 $0x200, s14  }
0x26: {  	[tilespmem:s13+$0x370] =	vst v0  }
0x27: {  	[tilespmem:s13+$0x300] =	vst v0  }
0x28: {  	[tilespmem:s13+$0x310] =	vst v0  }
0x29: {  	[tilespmem:s13+$0x320] =	vst v0  }
0x2a: {  	[tilespmem:s13+$0x330] =	vst v0  }
0x2b: {  	[tilespmem:s13+$0x340] =	vst v0  }
0x2c: {  	[tilespmem:s13+$0x350] =	vst v0  }
0x2d: {  	[tilespmem:s13+$0x360] =	vst v0  }
0x2e: {  	[spmem:s7] =	stream.linear.scatter [tilespmem:s22], [sflag:$0x7], $0x4000, $0x38;
	[tilespmem:$0x1FF00] =	vst v63  }
0x2f: {  	_ =	swait.ge [sflag:s23], $0x4000  }
0x30: {  	[sflag:s23] =	ssyncset.done $0x0  }
0x31: {  	s17 =	rddreg [dreg:$0x6];
	[sflag:s23] =	ssyncadd.s32 $0xFFFFC000  }
0x32: {  	[spmem:s17] =	stream.linear.scatter [tilespmem:s22], [sflag:$0x7], $0x4000, $0x38;
	[tilespmem:$0x1FF00] =	vst v63  }
0x33: {  	_ =	swait.ge [sflag:s23], $0x4000  }
0x34: {  	[sflag:s23] =	ssyncset.done $0x0  }
0x35: {  	s14 =	rddreg [dreg:$0x7];
	[sflag:s23] =	ssyncadd.s32 $0xFFFFC000  }
0x36: {  	[spmem:s14] =	stream.linear.scatter [tilespmem:s22], [sflag:$0x7], $0x4000, $0x38;
	[tilespmem:$0x1FF00] =	vst v63  }
0x37: {  	_ =	swait.ge [sflag:s23], $0x4000  }
0x38: {  	[sflag:s23] =	ssyncset.done $0x0  }
0x39: {  	s15 =	rddreg [dreg:$0x8];
	[sflag:s23] =	ssyncadd.s32 $0xFFFFC000  }
0x3a: {  	[spmem:s15] =	stream.linear.scatter [tilespmem:s22], [sflag:$0x7], $0x4000, $0x38;
	[tilespmem:$0x1FF00] =	vst v63  }
0x3b: {  	_ =	swait.ge [sflag:s23], $0x4000  }
0x3c: {  	[sflag:s23] =	ssyncset.done $0x0  }
0x3d: {  	s16 =	rddreg [dreg:$0x9];
	[sflag:s23] =	ssyncadd.s32 $0xFFFFC000  }
0x3e: {  	[spmem:s16] =	stream.linear.scatter [tilespmem:s22], [sflag:$0x7], $0x3C00, $0x38;
	[tilespmem:$0x1FF00] =	vst v63  }
0x3f: {  	_ =	swait.ge [sflag:s23], $0x3C00  }
0x40: {  	[sflag:s23] =	ssyncset.done $0x0  }
0x41: {  	[sflag:s23] =	ssyncadd.s32 $0xFFFFC400  }
0x42: {  	[bflag:$0x0] =	sbarrier.arrive $0xFFFF  }
0x43: {  	s13 =	simm.s32 $0x0;
	s14 =	rddreg [dreg:$0xa]  }
0x44: {  	[tilespmem:s13], [sflag:$0x7] =	stream.linear.gather [hbm4b:s14+s13], $0x80, $0x38;
	[tilespmem:$0x1FF00] =	vst v63  }
0x45: {  	_ =	swait.ge [sflag:s23], $0x80  }
0x46: {  	[sflag:s23] =	ssyncset.done $0x0  }
0x47: {  	s17 =	rddreg [dreg:$0xb];
	[sflag:s23] =	ssyncadd.s32 $0xFFFFFF80  }
0x48: {  	[tilespmem:s24], [sflag:$0x7] =	stream.linear.gather [hbm4b:s17+s13], $0x80, $0x38;
	[tilespmem:$0x1FF00] =	vst v63  }
0x49: {  	_ =	swait.ge [sflag:s23], $0x80  }
0x4a: {  	[sflag:s23] =	ssyncset.done $0x0  }
0x4b: {  	[sflag:s23] =	ssyncadd.s32 $0xFFFFFF80  }
0x4c: {  	[tilespmem:s22], [sflag:$0x1] =	stream.indirect.gather [hbm4b:s4+s25], $0x80, s13, s25, $0xb8;
	[tilespmem:$0x1FF00] =	vst v63  }
0x4d: {  	s15 =	rddreg [dreg:$0xc]  }
0x4e: {  	[tilespmem:s25], [sflag:$0x7] =	stream.linear.gather [hbm4b:s15+s13], $0x80, $0x38;
	[tilespmem:$0x1FF00] =	vst v63  }
0x4f: {  	_ =	swait.ge [sflag:s23], $0x80  }
0x50: {  	[sflag:s23] =	ssyncset.done $0x0  }
0x51: {  	s16 =	rddreg [dreg:$0xd];
	[sflag:s23] =	ssyncadd.s32 $0xFFFFFF80  }
0x52: {  	[tilespmem:s26], [sflag:$0x7] =	stream.linear.gather [hbm4b:s16+s13], $0x80, $0x38;
	[tilespmem:$0x1FF00] =	vst v63  }
0x53: {  	_ =	swait.ge [sflag:s23], $0x80  }
0x54: {  	[sflag:s23] =	ssyncset.done $0x0  }
0x55: {  	[sflag:s23] =	ssyncadd.s32 $0xFFFFFF80  }
0x56: {  	[tilespmem:s28], [sflag:$0x2] =	stream.indirect.gather [hbm4b:s4+s25], $0x80, s25, s25, $0xb8;
	[tilespmem:$0x1FF00] =	vst v63  }
0x57: {  	_ =	swait.ge [sflag:s29], $0x4000  }
0x58: {  	[sflag:s29] =	ssyncset.done $0x0  }
0x59: {  	[sflag:s29] =	ssyncadd.s32 $0xFFFFC000  }
0x5a: {  	[spmem:s2] =	stream.indirect.scatter.add.f32 [tilespmem:s22], [sflag:$0x4], $0x80, s24, s25, $0xb8;
	[tilespmem:$0x1FF00] =	vst v63  }
0x5b: {  	s17 =	rddreg [dreg:$0xe]  }
0x5c: {  	[tilespmem:s30], [sflag:$0x7] =	stream.linear.gather [hbm4b:s17+s13], $0x80, $0x38;
	[tilespmem:$0x1FF00] =	vst v63  }
0x5d: {  	_ =	swait.ge [sflag:s23], $0x80  }
0x5e: {  	[sflag:s23] =	ssyncset.done $0x0  }
0x5f: {  	s15 =	rddreg [dreg:$0xf];
	[sflag:s23] =	ssyncadd.s32 $0xFFFFFF80  }
0x60: {  	[tilespmem:s31], [sflag:$0x7] =	stream.linear.gather [hbm4b:s15+s13], $0x80, $0x38;
	[tilespmem:$0x1FF00] =	vst v63  }
0x61: {  	_ =	swait.ge [sflag:s23], $0x80  }
0x62: {  	[sflag:s23] =	ssyncset.done $0x0  }
0x63: {  	[sflag:s23] =	ssyncadd.s32 $0xFFFFFF80  }
0x64: {  	[tilespmem:s0], [sflag:$0x3] =	stream.indirect.gather [hbm4b:s4+s25], $0x80, s30, s25, $0xb8;
	[tilespmem:$0x1FF00] =	vst v63  }
0x65: {  	_ =	swait.ge [sflag:s1], $0x4000  }
0x66: {  	[sflag:s1] =	ssyncset.done $0x0  }
0x67: {  	[sflag:s1] =	ssyncadd.s32 $0xFFFFC000  }
0x68: {  	[spmem:s2] =	stream.indirect.scatter.add.f32 [tilespmem:s28], [sflag:$0x5], $0x80, s26, s25, $0xb8;
	[tilespmem:$0x1FF00] =	vst v63  }
0x69: {  	_ =	swait.ge [sflag:s8], $0x4000  }
0x6a: {  	s16 =	sshrl.u32 s21, $0x3;
	[sflag:s8] =	ssyncset.done $0x0  }
0x6b: {  	s17 =	sadd.s32 s5, s16;
	[sflag:s8] =	ssyncadd.s32 $0xFFFFC000  }
0x6c: {  	[tilespmem:s3], [sflag:$0x7] =	stream.linear.gather [hbm4b:s17+s3], $0x80, $0x38;
	[tilespmem:$0x1FF00] =	vst v63  }
0x6d: {  	_ =	swait.ge [sflag:s23], $0x80  }
0x6e: {  	[sflag:s23] =	ssyncset.done $0x0  }
0x6f: {  	s13 =	sadd.s32 s6, s16;
	[sflag:s23] =	ssyncadd.s32 $0xFFFFFF80  }
0x70: {  	[tilespmem:s24], [sflag:$0x7] =	stream.linear.gather [hbm4b:s13+s3], $0x80, $0x38;
	[tilespmem:$0x1FF00] =	vst v63  }
0x71: {  	_ =	swait.ge [sflag:s23], $0x80  }
0x72: {  	[sflag:s23] =	ssyncset.done $0x0  }
0x73: {  	[sflag:s23] =	ssyncadd.s32 $0xFFFFFF80  }
0x74: {  	[tilespmem:s22], [sflag:$0x1] =	stream.indirect.gather [hbm4b:s4+s25], $0x80, s3, s25, $0xb8;
	[tilespmem:$0x1FF00] =	vst v63  }
0x75: {  	_ =	swait.ge [sflag:s9], $0x4000  }
0x76: {  	[sflag:s9] =	ssyncset.done $0x0  }
0x77: {  	[sflag:s9] =	ssyncadd.s32 $0xFFFFC000  }
0x78: {  	[spmem:s2] =	stream.indirect.scatter.add.f32 [tilespmem:s0], [sflag:$0x6], $0x80, s31, s25, $0xb8;
	[tilespmem:$0x1FF00] =	vst v63  }
0x79: {  	_ =	swait.ge [sflag:s10], $0x4000  }
0x7a: {  	[sflag:s10] =	ssyncset.done $0x0  }
0x7b: {  	s14 =	sadd.s32 $0x0, s20;
	[sflag:s10] =	ssyncadd.s32 $0xFFFFC000  }
0x7c: {  	[tilespmem:s25], [sflag:$0x7] =	stream.linear.gather [hbm4b:s14+s3], $0x80, $0x38;
	[tilespmem:$0x1FF00] =	vst v63  }
0x7d: {  	_ =	swait.ge [sflag:s23], $0x80  }
0x7e: {  	s15 =	rddreg [dreg:$0x5];
	[sflag:s23] =	ssyncset.done $0x0  }
0x7f: {  	[sflag:s23] =	ssyncadd.s32 $0xFFFFFF80;
	s13 =	sadd.s32 $0x0, s15  }
0x80: {  	[tilespmem:s26], [sflag:$0x7] =	stream.linear.gather [hbm4b:s13+s3], $0x80, $0x38;
	[tilespmem:$0x1FF00] =	vst v63  }
0x81: {  	_ =	swait.ge [sflag:s23], $0x80  }
0x82: {  	[sflag:s23] =	ssyncset.done $0x0  }
0x83: {  	[sflag:s23] =	ssyncadd.s32 $0xFFFFFF80  }
0x84: {  	[tilespmem:s28], [sflag:$0x2] =	stream.indirect.gather [hbm4b:s4+s25], $0x80, s25, s25, $0xb8;
	[tilespmem:$0x1FF00] =	vst v63  }
0x85: {  	_ =	swait.ge [sflag:s29], $0x4000  }
0x86: {  	[sflag:s29] =	ssyncset.done $0x0  }
0x87: {  	[sflag:s29] =	ssyncadd.s32 $0xFFFFC000  }
0x88: {  	[spmem:s2] =	stream.indirect.scatter.add.f32 [tilespmem:s22], [sflag:$0x4], $0x80, s24, s25, $0xb8;
	[tilespmem:$0x1FF00] =	vst v63  }
0x89: {  	_ =	swait.ge [sflag:s11], $0x4000  }
0x8a: {  	s16 =	rddreg [dreg:$0x4];
	[sflag:s11] =	ssyncset.done $0x0  }
0x8b: {  	[sflag:s11] =	ssyncadd.s32 $0xFFFFC000;
	s13 =	sadd.s32 $0x0, s16  }
0x8c: {  	[tilespmem:s30], [sflag:$0x7] =	stream.linear.gather [hbm4b:s13+s3], $0x80, $0x38;
	[tilespmem:$0x1FF00] =	vst v63  }
0x8d: {  	_ =	swait.ge [sflag:s23], $0x80  }
0x8e: {  	s17 =	rddreg [dreg:$0x3];
	[sflag:s23] =	ssyncset.done $0x0  }
0x8f: {  	[sflag:s23] =	ssyncadd.s32 $0xFFFFFF80;
	s13 =	sadd.s32 $0x0, s17  }
0x90: {  	[tilespmem:s31], [sflag:$0x7] =	stream.linear.gather [hbm4b:s13+s3], $0x80, $0x38;
	[tilespmem:$0x1FF00] =	vst v63  }
0x91: {  	_ =	swait.ge [sflag:s23], $0x80  }
0x92: {  	[sflag:s23] =	ssyncset.done $0x0  }
0x93: {  	[sflag:s23] =	ssyncadd.s32 $0xFFFFFF80  }
0x94: {  	[tilespmem:s0], [sflag:$0x3] =	stream.indirect.gather [hbm4b:s4+s25], $0x80, s30, s25, $0xb8;
	[tilespmem:$0x1FF00] =	vst v63  }
0x95: {  	_ =	swait.ge [sflag:s1], $0x4000  }
0x96: {  	[sflag:s1] =	ssyncset.done $0x0  }
0x97: {  	s14 =	sadd.s32 $0x180, s21;
	s13 =	simm.s32 $0x30;
	[sflag:s1] =	ssyncadd.s32 $0xFFFFC000  }
.LBB2_4:
0x98: {  	[spmem:s2] =	stream.indirect.scatter.add.f32 [tilespmem:s28], [sflag:$0x5], $0x80, s26, s25, $0xb8;
	[tilespmem:$0x1FF00] =	vst v63  }
0x99: {  	_ =	swait.ge [sflag:s8], $0x4000  }
0x9a: {  	s16 =	sshrl.u32 s14, $0x3;
	[sflag:s8] =	ssyncset.done $0x0  }
0x9b: {  	s17 =	sadd.s32 s5, s16;
	[sflag:s8] =	ssyncadd.s32 $0xFFFFC000  }
0x9c: {  	[tilespmem:s3], [sflag:$0x7] =	stream.linear.gather [hbm4b:s17+s3], $0x80, $0x38;
	[tilespmem:$0x1FF00] =	vst v63  }
0x9d: {  	_ =	swait.ge [sflag:s23], $0x80  }
0x9e: {  	[sflag:s23] =	ssyncset.done $0x0  }
0x9f: {  	s16 =	sadd.s32 s6, s16;
	[sflag:s23] =	ssyncadd.s32 $0xFFFFFF80  }
0xa0: {  	[tilespmem:s24], [sflag:$0x7] =	stream.linear.gather [hbm4b:s16+s3], $0x80, $0x38;
	[tilespmem:$0x1FF00] =	vst v63  }
0xa1: {  	_ =	swait.ge [sflag:s23], $0x80  }
0xa2: {  	[sflag:s23] =	ssyncset.done $0x0  }
0xa3: {  	[sflag:s23] =	ssyncadd.s32 $0xFFFFFF80  }
0xa4: {  	[tilespmem:s22], [sflag:$0x1] =	stream.indirect.gather [hbm4b:s4+s25], $0x80, s3, s25, $0xb8;
	[tilespmem:$0x1FF00] =	vst v63  }
0xa5: {  	_ =	swait.ge [sflag:s9], $0x4000  }
0xa6: {  	[sflag:s9] =	ssyncset.done $0x0  }
0xa7: {  	[sflag:s9] =	ssyncadd.s32 $0xFFFFC000  }
0xa8: {  	[spmem:s2] =	stream.indirect.scatter.add.f32 [tilespmem:s0], [sflag:$0x6], $0x80, s31, s25, $0xb8;
	[tilespmem:$0x1FF00] =	vst v63  }
0xa9: {  	_ =	swait.ge [sflag:s10], $0x4000  }
0xaa: {  	s15 =	smov.u32 s13;
	[sflag:s10] =	ssyncset.done $0x0  }
0xab: {  	s17 =	sadd.s32 s15, s20;
	[sflag:s10] =	ssyncadd.s32 $0xFFFFC000  }
0xac: {  	[tilespmem:s25], [sflag:$0x7] =	stream.linear.gather [hbm4b:s17+s3], $0x80, $0x38;
	[tilespmem:$0x1FF00] =	vst v63  }
0xad: {  	_ =	swait.ge [sflag:s23], $0x80  }
0xae: {  	s17 =	rddreg [dreg:$0x5];
	[sflag:s23] =	ssyncset.done $0x0  }
0xaf: {  	[sflag:s23] =	ssyncadd.s32 $0xFFFFFF80;
	s16 =	sadd.s32 s15, s17  }
0xb0: {  	[tilespmem:s26], [sflag:$0x7] =	stream.linear.gather [hbm4b:s16+s3], $0x80, $0x38;
	[tilespmem:$0x1FF00] =	vst v63  }
0xb1: {  	_ =	swait.ge [sflag:s23], $0x80  }
0xb2: {  	[sflag:s23] =	ssyncset.done $0x0  }
0xb3: {  	[sflag:s23] =	ssyncadd.s32 $0xFFFFFF80  }
0xb4: {  	[tilespmem:s28], [sflag:$0x2] =	stream.indirect.gather [hbm4b:s4+s25], $0x80, s25, s25, $0xb8;
	[tilespmem:$0x1FF00] =	vst v63  }
0xb5: {  	_ =	swait.ge [sflag:s29], $0x4000  }
0xb6: {  	[sflag:s29] =	ssyncset.done $0x0  }
0xb7: {  	[sflag:s29] =	ssyncadd.s32 $0xFFFFC000  }
0xb8: {  	[spmem:s2] =	stream.indirect.scatter.add.f32 [tilespmem:s22], [sflag:$0x4], $0x80, s24, s25, $0xb8;
	[tilespmem:$0x1FF00] =	vst v63  }
0xb9: {  	_ =	swait.ge [sflag:s11], $0x4000  }
0xba: {  	s17 =	rddreg [dreg:$0x4];
	[sflag:s11] =	ssyncset.done $0x0  }
0xbb: {  	[sflag:s11] =	ssyncadd.s32 $0xFFFFC000;
	s16 =	sadd.s32 s15, s17  }
0xbc: {  	[tilespmem:s30], [sflag:$0x7] =	stream.linear.gather [hbm4b:s16+s3], $0x80, $0x38;
	[tilespmem:$0x1FF00] =	vst v63  }
0xbd: {  	_ =	swait.ge [sflag:s23], $0x80  }
0xbe: {  	s17 =	rddreg [dreg:$0x3];
	[sflag:s23] =	ssyncset.done $0x0  }
0xbf: {  	[sflag:s23] =	ssyncadd.s32 $0xFFFFFF80;
	s15 =	sadd.s32 s15, s17  }
0xc0: {  	[tilespmem:s31], [sflag:$0x7] =	stream.linear.gather [hbm4b:s15+s3], $0x80, $0x38;
	[tilespmem:$0x1FF00] =	vst v63  }
0xc1: {  	_ =	swait.ge [sflag:s23], $0x80  }
0xc2: {  	p0 =	sne.s32 s13, $0x4B0;
	[sflag:s23] =	ssyncset.done $0x0  }
.Ltmp1:
0xc3: {  	[sflag:s23] =	ssyncadd.s32 $0xFFFFFF80;
	(pc) =	sbr.rel @p0 .LBB2_4-.Ltmp1, $4  }
0xc4: {  	[tilespmem:s0], [sflag:$0x3] =	stream.indirect.gather [hbm4b:s4+s25], $0x80, s30, s25, $0xb8;
	[tilespmem:$0x1FF00] =	vst v63  }
0xc5: {  	_ =	swait.ge [sflag:s1], $0x4000  }
0xc6: {  	[sflag:s1] =	ssyncset.done $0x0  }
0xc7: {  	s13 =	sadd.s32 $0x30, s13;
	s14 =	sadd.s32 $0x180, s14;
	[sflag:s1] =	ssyncadd.s32 $0xFFFFC000  }
0xc8: {  	[spmem:s2] =	stream.indirect.scatter.add.f32 [tilespmem:s28], [sflag:$0x5], $0x80, s26, s25, $0xb8;
	[tilespmem:$0x1FF00] =	vst v63  }
0xc9: {  	_ =	swait.ge [sflag:s9], $0x4000  }
0xca: {  	[sflag:s9] =	ssyncset.done $0x0  }
0xcb: {  	[sflag:s9] =	ssyncadd.s32 $0xFFFFC000  }
0xcc: {  	[spmem:s2] =	stream.indirect.scatter.add.f32 [tilespmem:s0], [sflag:$0x6], $0x80, s31, s25, $0xb8;
	[tilespmem:$0x1FF00] =	vst v63  }
0xcd: {  	_ =	swait.ge [sflag:s8], $0x4000  }
0xce: {  	[sflag:s8] =	ssyncset.done $0x0  }
0xcf: {  	[sflag:s8] =	ssyncadd.s32 $0xFFFFC000  }
0xd0: {  	_ =	swait.ge [sflag:s10], $0x4000  }
0xd1: {  	[sflag:s10] =	ssyncset.done $0x0  }
0xd2: {  	[sflag:s10] =	ssyncadd.s32 $0xFFFFC000  }
0xd3: {  	s13 =	stileid.u32;
	_ =	swait.ge [sflag:s11], $0x4000  }
0xd4: {  	s14 =	sshrl.u32 s7, $0x3;
	s12 =	sadd.s32 $0x1, s12;
	[sflag:s11] =	ssyncset.done $0x0  }
0xd5: {  	s13 =	sshll.u32 s13, $0x6;
	p0 =	sne.s32 s12, s19;
	[sflag:s11] =	ssyncadd.s32 $0xFFFFC000  }
.Ltmp2:
0xd6: {  	s13 =	sor.u32 $0x1C07, s13;
	[bflag:$0x0] =	sbarrier.arrive $0xFFFF;
	(pc) =	sbr.rel @p0 .LBB2_1-.Ltmp2, $4  }
0xd7: {  	[hbm:s18], [sflag:s13] =	dma.local [spmem:s14], $0x2780  }
0xd8: {  	_ =	swait.ge [sflag:s23], $0x2780  }
0xd9: {  	[sflag:s23] =	ssyncset.done $0x0  }
0xda: {  	[sflag:s23] =	ssyncadd.s32 $0xFFFFD880  }
0xdb: {  	_ =	sfence.sel $0x180000  }
0xdc: {  	[bflag:$0x0] =	sbarrier.arrive $0xFFFF  }
0xdd: {  	_ =	strace $0x90000050  }
0xde: {  	s0 =	stileid.u32;
	[bflag:$0x2] =	sbarrier.arrive $0xFFFF  }
0xdf: {  	p0 =	sne.s32 s0, $0x0;
	s0 =	rddreg [dreg:$0x2]  }
0xe0: {  	s0 =	sadd.s32 @!p0 $0x100000, s0  }
0xe1: {  	[sflag:s0] =	ssyncadd.tile.s32 @!p0 $0x1;
	_ =	shalt  }
.Lfunc_end2:
_tile_overlayer_lowered:
.L_overlay_start_2:
0xe2: {  	(tag) =	ssettag $0x2  }
0xe3: {  	s0 =	rddreg [dreg:$0x0];
	s2 =	stileid.u32  }
0xe4: {  	s1 =	rddreg [dreg:$0x1];
	p0 =	sne.s32 s2, $0x0  }
0xe5: {  	s3 =	rddreg [dreg:$0x2];
	[bflag:$0x3] =	sbarrier.arrive $0xFFFF;
	s2 =	simm.s32 @!p0 $0x1C07  }
0xe6: {  	[timem:s3], [sflag:s2] =	dma.local @!p0 [hbm:s0], s1  }
0xe7: {  	s0 =	simm.s32 @!p0 $0x7  }
0xe8: {  	_ =	swait.ge @!p0 [sflag:s0], s1  }
0xe9: {  	s1 =	ssub.s32 @!p0 $0x0, s1;
	[sflag:s0] =	ssyncset.done @!p0 $0x0  }
0xea: {  	[sflag:s0] =	ssyncadd.s32 @!p0 s1  }
0xeb: {  	[bflag:$0x3] =	sbarrier.arrive $0xFFFF  }
0xec: {  	_ =	shalt  }

// kernel: kernel.25.cloned.1.call-start
scs
__scs_entry_jumppad:
0x0: {  	(pc) =	sbr.rel $0x88, $3  }
0x1: {  	(tag) =	ssettag $0x0;
	lr =	simm.s32 $0x1  }
0x2: {  	[smem:$0x3F8D] =	sst lr;
	_ =	strace $0xD0000000  }
0x3: {  	_ = 	snop  }
0x4: {  	_ = 	snop  }
0x5: {  	_ = 	snop  }
0x6: {  	_ = 	snop  }
0x7: {  	_ = 	snop  }
__scs_overlays_trampoline_lowered:
0x8: {  	[smem:$0x3F9C] =	sst s0  }
0x9: {  	[smem:$0x3F9D] =	sst s1  }
0xa: {  	[smem:$0x3F9E] =	sst s2  }
0xb: {  	[smem:$0x3F9F] =	sst s3  }
0xc: {  	[smem:$0x3FA0] =	sst s4  }
0xd: {  	[smem:$0x3FA1] =	sst s5  }
0xe: {  	[smem:$0x3FA2] =	sst s6  }
0xf: {  	[smem:$0x3FA3] =	sst s7  }
0x10: {  	[smem:$0x3FA4] =	sst s8  }
0x11: {  	[smem:$0x3FA5] =	sst s9;
	s0 =	simm.s32 @!p0 $0x0  }
0x12: {  	s1 =	sld [smem:$0x3F8B];
	s0 =	simm.s32 @p0 $0x1  }
0x13: {  	[smem:$0x3FA6] =	sst s0;
	s0 =	simm.s32 @!p1 $0x0  }
0x14: {  	s2 =	sld [smem:$0x3F8A];
	s0 =	simm.s32 @p1 $0x1  }
0x15: {  	[smem:$0x3FA7] =	sst s0;
	s0 =	simm.s32 @!p2 $0x0  }
0x16: {  	s3 =	sld [smem:$0x3FDB];
	s0 =	simm.s32 @p2 $0x1  }
0x17: {  	s4 =	simm.s32 $0x1BF5;
	[smem:$0x3FA9] =	sst s0  }
0x18: {  	s0 =	sld [smem:$0x3F8C];
	_ =	swait.ge [sflag:s4], $0x0  }
0x19: {  	s7 =	sld [smem:$0x3F8D]  }
0x1a: {  	s8 =	sadd.s32 $0xFFFFE003, lr  }
0x1b: {  	s9 =	sadd.s32 $0xFFFFFEF7, lr;
	s5 =	simm.s32 $0xFFFFFFFF;
	p2 =	slt.u32 s8, $0xFFFFF086  }
0x1c: {  	p1 =	slt.u32 s9, $0xF7A;
	s5 =	simm.s32 @!p2 $0x0  }
0x1d: {  	s5 =	simm.s32 @p1 $0x1;
	p0 =	seq.s32 s7, s2  }
0x1e: {  	s7 =	smul.u32 @!p0 $0xF7A, s2;
	p2 =	seq.s32 @!p0 s5, $0x0  }
0x1f: {  	s9 =	smul.u32 $0xF7A, s1;
	s8 =	simm.s32 @!p0 $0x1BF5;
	p2 =	por !p2, p0  }
0x20: {  	[sflag:s8] =	ssyncset.s32 @!p0 $0xFFFFF086;
	s6 =	sadd.s32 @!p0 s3, s7;
	s7 =	simm.s32 @!p0 $0x108  }
0x21: {  	s3 =	sadd.s32 s3, s9;
	s6 =	sadd.s32 @!p0 $0x88, s6;
	s7 =	simm.s32 @p2 $0x1082  }
0x22: {  	[simem:s7], [sflag:s8] =	dma.local @!p0 [hbm:s6], $0xF7A  }
0x23: {  	s9 =	sor.u32 $0xD0000000, s2;
	s6 =	simm.s32 $0x108;
	_ =	swait.ge @!p0 [sflag:s8], $0x0  }
0x24: {  	s3 =	sadd.s32 $0x88, s3;
	s6 =	simm.s32 @!p1 $0x1082;
	[sflag:s4] =	ssyncset.s32 $0xFFFFF086  }
0x25: {  	[simem:s6], [sflag:s4] =	dma.local [hbm:s3], $0xF7A  }
0x26: {  	[smem:$0x3F8D] =	sst s1;
	(tag) =	ssettag s2;
	_ =	strace s9  }
0x27: {  	s1 =	sld [smem:$0x3F9D]  }
0x28: {  	s2 =	sld [smem:$0x3F9E]  }
0x29: {  	s4 =	sld [smem:$0x3FA0]  }
0x2a: {  	p0 =	seq.s32 s5, $0x0;
	s5 =	sld [smem:$0x3FA1]  }
0x2b: {  	s6 =	sld [smem:$0x3FA2]  }
0x2c: {  	s7 =	sld [smem:$0x3FA3]  }
0x2d: {  	s3 =	simm.s32 $0x108;
	s8 =	sld [smem:$0x3FA4]  }
0x2e: {  	s3 =	simm.s32 @!p0 $0x1082;
	s9 =	sld [smem:$0x3FA5]  }
0x2f: {  	lr =	sadd.s32 s0, s3;
	s0 =	sld [smem:$0x3F9C]  }
0x30: {  	s3 =	sld [smem:$0x3F9F]  }
0x31: {  	[smem:$0x3FA8] =	sst s10  }
0x32: {  	s10 =	sld [smem:$0x3FA6];
	_ =	sdelay $0x3  }
0x33: {  	p0 =	seq.s32 s10, $0x1;
	s10 =	sld [smem:$0x3FA8];
	_ =	sdelay $0x3  }
0x34: {  	[smem:$0x3FA8] =	sst s10  }
0x35: {  	s10 =	sld [smem:$0x3FA7];
	_ =	sdelay $0x3  }
0x36: {  	p1 =	seq.s32 s10, $0x1;
	s10 =	sld [smem:$0x3FA8];
	_ =	sdelay $0x3  }
0x37: {  	[smem:$0x3FA8] =	sst s10  }
0x38: {  	s10 =	sld [smem:$0x3FA9]  }
0x39: {  	_ = 	snop;
	(pc) =	sbr.ind lr, $3  }
0x3a: {  	_ = 	snop  }
0x3b: {  	_ = 	snop  }
0x3c: {  	p2 =	seq.s32 s10, $0x1;
	s10 =	sld [smem:$0x3FA8]  }
0x3d: {  	_ =	shalt  }
0x3e: {  	_ =	shalt  }
0x3f: {  	_ =	shalt  }
0x40: {  	_ =	shalt  }
0x41: {  	_ =	shalt  }
0x42: {  	_ =	shalt  }
0x43: {  	_ =	shalt  }
0x44: {  	_ =	shalt  }
0x45: {  	_ =	shalt  }
0x46: {  	_ =	shalt  }
0x47: {  	_ =	shalt  }
0x48: {  	_ =	shalt  }
0x49: {  	_ =	shalt  }
0x4a: {  	_ =	shalt  }
0x4b: {  	_ =	shalt  }
0x4c: {  	_ =	shalt  }
0x4d: {  	_ =	shalt  }
0x4e: {  	_ =	shalt  }
0x4f: {  	_ =	shalt  }
0x50: {  	_ =	shalt  }
0x51: {  	_ =	shalt  }
0x52: {  	_ =	shalt  }
0x53: {  	_ =	shalt  }
0x54: {  	_ =	shalt  }
0x55: {  	_ =	shalt  }
0x56: {  	_ =	shalt  }
0x57: {  	_ =	shalt  }
0x58: {  	_ =	shalt  }
0x59: {  	_ =	shalt  }
0x5a: {  	_ =	shalt  }
0x5b: {  	_ =	shalt  }
0x5c: {  	_ =	shalt  }
0x5d: {  	_ =	shalt  }
0x5e: {  	_ =	shalt  }
0x5f: {  	_ =	shalt  }
0x60: {  	_ =	shalt  }
0x61: {  	_ =	shalt  }
0x62: {  	_ =	shalt  }
0x63: {  	_ =	shalt  }
0x64: {  	_ =	shalt  }
0x65: {  	_ =	shalt  }
0x66: {  	_ =	shalt  }
0x67: {  	_ =	shalt  }
0x68: {  	_ =	shalt  }
0x69: {  	_ =	shalt  }
0x6a: {  	_ =	shalt  }
0x6b: {  	_ =	shalt  }
0x6c: {  	_ =	shalt  }
0x6d: {  	_ =	shalt  }
0x6e: {  	_ =	shalt  }
0x6f: {  	_ =	shalt  }
0x70: {  	_ =	shalt  }
0x71: {  	_ =	shalt  }
0x72: {  	_ =	shalt  }
0x73: {  	_ =	shalt  }
0x74: {  	_ =	shalt  }
0x75: {  	_ =	shalt  }
0x76: {  	_ =	shalt  }
0x77: {  	_ =	shalt  }
0x78: {  	_ =	shalt  }
0x79: {  	_ =	shalt  }
0x7a: {  	_ =	shalt  }
0x7b: {  	_ =	shalt  }
0x7c: {  	_ =	shalt  }
0x7d: {  	_ =	shalt  }
0x7e: {  	_ =	shalt  }
0x7f: {  	_ =	shalt  }
0x80: {  	_ =	shalt  }
0x81: {  	_ =	shalt  }
0x82: {  	_ =	shalt  }
0x83: {  	_ =	shalt  }
0x84: {  	_ =	shalt  }
0x85: {  	_ =	shalt  }
0x86: {  	_ =	shalt  }
0x87: {  	_ =	shalt  }
.Lfunc_end0:
.L_simem_size_0:
called_computation.4_lowered:
.L_overlay_start_0:
0x88: {  	s2 =	sld [smem:$0x3FD9]  }
0x89: {  	s3 =	sld [smem:$0x3FFE];
	_ =	sdelay $0x1  }
0x8a: {  	s1 =	srdreg.scid  }
0x8b: {  	s0 =	sand.u32 $0x1, s1  }
0x8c: {  	s16 =	sshll.u32 s0, $0xA;
	s2 =	sadd.s32 s3, s2  }
0x8d: {  	s2 =	sadd.s32 s2, s16  }
0x8e: {  	[smem:$0x3FB4] =	sst s2  }
0x8f: {  	_ = 	snop  }
0x90: {  	(tm) =	ssettm $0x1  }
0x91: {  	s17 =	sld [smem:$0x3FFB];
	_ =	sdelay $0x3  }
0x92: {  	_ =	strace s17  }
0x93: {  	s2 =	sld [smem:$0x3FFC];
	_ =	sdelay $0x3  }
0x94: {  	_ =	strace s2  }
0x95: {  	s2 =	sld [smem:$0x3FFD];
	_ =	sdelay $0x3  }
0x96: {  	_ =	strace s2  }
0x97: {  	_ =	strace $0x8FFFFFFF  }
0x98: {  	s18 =	sld [smem:$0x3FDB];
	_ =	sdelay $0x1  }
0x99: {  	s19 =	simm.s32 $_scs_section_size  }
0x9a: {  	s4 =	simm.s32 $_size__tile_overlayer_lowered;
	s5 =	simm.s32 $_tile_overlayer_lowered  }
0x9b: {  	s22 =	simm.s32 $0x1BFF;
	s21 =	sshll.u32 s5, $0x1;
	s2 =	sadd.s32 s19, s18  }
0x9c: {  	s6 =	simm.s32 $0x0;
	s20 =	sshll.u32 s4, $0x1;
	s4 =	sadd.s32 s21, s2  }
0x9d: {  	[timem:s6], [sflag:s22] =	dma.local [hbm:s4], s20  }
0x9e: {  	_ =	swait.ge [sflag:s22], s20  }
0x9f: {  	s3 =	ssub.s32 $0x0, s20;
	[sflag:s22] =	ssyncset.done $0x0  }
0xa0: {  	[sflag:s22] =	ssyncadd.s32 s3;
	_ =	sdelay $0x1  }
0xa1: {  	s23 =	simm.s32 $0x1B8B  }
0xa2: {  	_ =	swait.ge [sflag:s23], $0x1  }
0xa3: {  	[sflag:s23] =	ssyncset.done $0x0  }
0xa4: {  	s25 =	simm.s32 $0x1B8E;
	s24 =	sld [smem:$0x3FFE];
	[sflag:s23] =	ssyncadd.s32 $0xFFFFFFFF  }
0xa5: {  	s26 =	simm.s32 $execute0_lowered;
	[smem:$0x3FD2] =	sst s25  }
0xa6: {  	s4 =	sshll.u32 s26, $0x1;
	_ =	strace $0x80000052;
	[dreg:$0x1] =	wrdreg $0xFFFFFFFF  }
0xa7: {  	s28 =	simm.s32 $_size_execute0_lowered;
	s2 =	sadd.s32 s2, s4;
	[dreg:$0x0] =	wrdreg $0x0  }
0xa8: {  	s4 =	sshll.u32 s28, $0x1;
	[dreg:$0x2] =	wrdreg s2  }
0xa9: {  	[dreg:$0x3] =	wrdreg s4  }
0xaa: {  	[dreg:$0x4] =	wrdreg $0xC0  }
0xab: {  	_ =	task [dreg:s6], $0x5FFFF  }
0xac: {  	[dreg:$0x1] =	wrdreg $0xFFFFFFFF  }
0xad: {  	[dreg:$0x0] =	wrdreg $0x60  }
0xae: {  	[dreg:$0x2] =	wrdreg s24  }
0xaf: {  	[dreg:$0x3] =	wrdreg $0xC3000  }
0xb0: {  	[dreg:$0x4] =	wrdreg $0x9  }
0xb1: {  	_ =	task.clear_ibuf [dreg:s6], $0x5FFFF;
	_ =	strace $0x90000052  }
0xb2: {  	s29 =	simm.s32 $0x9;
	_ =	strace $0x80000054  }
0xb3: {  	_ =	swait.ge [sflag:s29], $0x1  }
0xb4: {  	[sflag:s29] =	ssyncadd.s32 $0xFFFFFFFF  }
0xb5: {  	_ =	strace $0x90000054  }
0xb6: {  	_ =	sfence  }
0xb7: {  	s30 =	sld [smem:$0x0];
	_ =	sdelay $0x2  }
0xb8: {  	s31 =	sshll.u32 s1, $0xD;
	s1 =	sshrl.u32 s1, $0x2  }
0xb9: {  	s3 =	sand.u32 $0x4000, s31;
	s1 =	sadd.s32 s1, s30  }
0xba: {  	s0 =	sor.u32 s3, s0;
	s1 =	sshll.u32 s1, $0x11  }
0xbb: {  	s0 =	sor.u32 s1, s0  }
0xbc: {  	s0 =	sadd.s32 $0x8F2B, s0  }
0xbd: {  	[sflag:s0] =	ssyncadd.remote.s32 $0x1  }
0xbe: {  	_ =	sfence.sel $0xFFFF  }
0xbf: {  	[dreg:$0x0] =	wrdreg $0xFFFFFFFF;
	(pc) =	sbr.abs _section_cstart, $3  }
0xc0: {  	[dreg:$0x1] =	wrdreg $0xFFFFFFFF  }
0xc1: {  	_ =	task.clear_ibuf [dreg:s6], $0x2FFFF;
	_ =	strace $0x9FFFFFFF  }
0xc2: {  	(tm) =	ssettm $0x7FFFFFFF  }
0xc3: {  	_ =	shalt  }
tec
execute0_lowered:
.L_overlay_start_1:
0x0: {  	(tag) =	ssettag $0x1  }
0x1: {  	s0 =	rddreg [dreg:$0x0]  }
0x2: {  	s2 =	rddreg [dreg:$0x1]  }
0x3: {  	s3 =	simm.s32 $0x0;
	s1 =	srdreg.scid;
	s11 =	stileid.u32  }
0x4: {  	s28 =	simm.s32 $0x4300;
	s29 =	simm.s32 $0x1;
	s30 =	simm.s32 $0x100  }
0x5: {  	s31 =	simm.s32 $0x280;
	[smem:$0x7FF] =	sst s3;
	s7 =	smul.u32 $0x2780, s11  }
0x6: {  	s1 =	sand.u32 $0x1, s1;
	s4 =	sadd.s32 $0x19A00, s0;
	s9 =	smul.u32 $0x4F000, s11  }
0x7: {  	s5 =	sadd.s32 $0xF800, s0;
	s6 =	sadd.s32 $0x5600, s0;
	s15 =	smul.u32 $0x2880, s11  }
0x8: {  	_ =	strace $0x80000053;
	s8 =	smul.u32 $0x27800, s1;
	s13 =	ssub.s32 $0x2, s1  }
0x9: {  	s12 =	sshll.u32 s1, $0x4;
	s1 =	smul.u32 $0x28800, s1;
	s10 =	sshrl.u32 s13, $0x1  }
0xa: {  	s9 =	sshrl.u32 s9, $0x2;
	s7 =	sadd.s32 s7, s8;
	s8 =	sor.u32 s11, s12  }
0xb: {  	s10 =	ssub.s32 s13, s10;
	s0 =	sadd.s32 s7, s0;
	s7 =	sadd.s32 s9, s2  }
0xc: {  	s1 =	sadd.s32 s15, s1;
	s8 =	smul.u32 $0x2880, s8;
	s9 =	sadd.s32 $0x4000, s7  }
0xd: {  	s22 =	sadd.s32 $0x280, s1;
	s14 =	sadd.s32 $0x8000, s7;
	[dreg:$0x6] =	wrdreg s9  }
0xe: {  	s12 =	sadd.s32 $0x200, s1;
	s16 =	sadd.s32 $0xC000, s7;
	[dreg:$0x7] =	wrdreg s14  }
0xf: {  	s17 =	sadd.s32 $0x10000, s7;
	s25 =	sshrl.u32 s12, $0x3;
	[dreg:$0x8] =	wrdreg s16  }
0x10: {  	s12 =	simm.s32 $0x0;
	[dreg:$0x9] =	wrdreg s17;
	s8 =	sshrl.u32 s8, $0x3  }
0x11: {  	s9 =	sshrl.u32 s22, $0x3;
	s26 =	sadd.s32 s25, s6;
	s22 =	simm.s32 $0x300  }
0x12: {  	s18 =	sadd.s32 s5, s8;
	s19 =	sadd.s32 $0x10, s8;
	s20 =	sadd.s32 s6, s8  }
0x13: {  	s8 =	sadd.s32 $0x20, s8;
	s24 =	sadd.s32 s9, s6;
	[dreg:$0x5] =	wrdreg s26  }
0x14: {  	s9 =	sadd.s32 s9, s5;
	s26 =	simm.s32 $0x200;
	[dreg:$0xa] =	wrdreg s18  }
0x15: {  	[dreg:$0xb] =	wrdreg s20;
	s21 =	sadd.s32 s5, s19;
	s11 =	sadd.s32 s6, s19  }
0x16: {  	s23 =	sadd.s32 s5, s8;
	[dreg:$0x3] =	wrdreg s24;
	s8 =	sadd.s32 s6, s8  }
0x17: {  	[dreg:$0x4] =	wrdreg s9;
	s18 =	sadd.s32 $0x41200, s0;
	s19 =	smax.u32 s10, $0x1  }
0x18: {  	s20 =	sadd.s32 s25, s5;
	s24 =	simm.s32 $0x180;
	[dreg:$0xc] =	wrdreg s21  }
0x19: {  	s25 =	simm.s32 $0x80;
	s0 =	simm.s32 $0x8300;
	[dreg:$0xd] =	wrdreg s11  }
0x1a: {  	s9 =	simm.s32 $0x3;
	s10 =	simm.s32 $0x5;
	[dreg:$0xe] =	wrdreg s23  }
0x1b: {  	[dreg:$0xf] =	wrdreg s8;
	s21 =	sadd.s32 $0x180, s1;
	s23 =	simm.s32 $0x7  }
0x1c: {  	v0 =	vimm.f32 $0.0e+00;
	s1 =	simm.s32 $0x2;
	s8 =	simm.s32 $0x4;
	s11 =	simm.s32 $0x6  }
.LBB2_1:
0x1d: {  	s13 =	simm.s32 $0x0;
	s14 =	simm.s32 $0x200  }
.LBB2_2:
0x1e: {  	p0 =	sne.s32 s14, $0xFE00;
	[tilespmem:s13+$0x370] =	vst v0  }
0x1f: {  	[tilespmem:s13+$0x300] =	vst v0  }
0x20: {  	[tilespmem:s13+$0x310] =	vst v0  }
.Ltmp0:
0x21: {  	[tilespmem:s13+$0x320] =	vst v0;
	(pc) =	sbr.rel @p0 .LBB2_2-.Ltmp0, $4  }
0x22: {  	[tilespmem:s13+$0x330] =	vst v0  }
0x23: {  	[tilespmem:s13+$0x340] =	vst v0  }
0x24: {  	[tilespmem:s13+$0x350] =	vst v0  }
0x25: {  	[tilespmem:s13+$0x360] =	vst v0;
	s13 =	sshra.s32 s14, $0x2;
	s14 =	sadd.s32 $0x200, s14  }
0x26: {  	[tilespmem:s13+$0x370] =	vst v0  }
0x27: {  	[tilespmem:s13+$0x300] =	vst v0  }
0x28: {  	[tilespmem:s13+$0x310] =	vst v0  }
0x29: {  	[tilespmem:s13+$0x320] =	vst v0  }
0x2a: {  	[tilespmem:s13+$0x330] =	vst v0  }
0x2b: {  	[tilespmem:s13+$0x340] =	vst v0  }
0x2c: {  	[tilespmem:s13+$0x350] =	vst v0  }
0x2d: {  	[tilespmem:s13+$0x360] =	vst v0  }
0x2e: {  	[spmem:s7] =	stream.linear.scatter [tilespmem:s22], [sflag:$0x7], $0x4000, $0x38;
	[tilespmem:$0x1FF00] =	vst v63  }
0x2f: {  	_ =	swait.ge [sflag:s23], $0x4000  }
0x30: {  	[sflag:s23] =	ssyncset.done $0x0  }
0x31: {  	s17 =	rddreg [dreg:$0x6];
	[sflag:s23] =	ssyncadd.s32 $0xFFFFC000  }
0x32: {  	[spmem:s17] =	stream.linear.scatter [tilespmem:s22], [sflag:$0x7], $0x4000, $0x38;
	[tilespmem:$0x1FF00] =	vst v63  }
0x33: {  	_ =	swait.ge [sflag:s23], $0x4000  }
0x34: {  	[sflag:s23] =	ssyncset.done $0x0  }
0x35: {  	s14 =	rddreg [dreg:$0x7];
	[sflag:s23] =	ssyncadd.s32 $0xFFFFC000  }
0x36: {  	[spmem:s14] =	stream.linear.scatter [tilespmem:s22], [sflag:$0x7], $0x4000, $0x38;
	[tilespmem:$0x1FF00] =	vst v63  }
0x37: {  	_ =	swait.ge [sflag:s23], $0x4000  }
0x38: {  	[sflag:s23] =	ssyncset.done $0x0  }
0x39: {  	s15 =	rddreg [dreg:$0x8];
	[sflag:s23] =	ssyncadd.s32 $0xFFFFC000  }
0x3a: {  	[spmem:s15] =	stream.linear.scatter [tilespmem:s22], [sflag:$0x7], $0x4000, $0x38;
	[tilespmem:$0x1FF00] =	vst v63  }
0x3b: {  	_ =	swait.ge [sflag:s23], $0x4000  }
0x3c: {  	[sflag:s23] =	ssyncset.done $0x0  }
0x3d: {  	s16 =	rddreg [dreg:$0x9];
	[sflag:s23] =	ssyncadd.s32 $0xFFFFC000  }
0x3e: {  	[spmem:s16] =	stream.linear.scatter [tilespmem:s22], [sflag:$0x7], $0x3C00, $0x38;
	[tilespmem:$0x1FF00] =	vst v63  }
0x3f: {  	_ =	swait.ge [sflag:s23], $0x3C00  }
0x40: {  	[sflag:s23] =	ssyncset.done $0x0  }
0x41: {  	[sflag:s23] =	ssyncadd.s32 $0xFFFFC400  }
0x42: {  	[bflag:$0x0] =	sbarrier.arrive $0xFFFF  }
0x43: {  	s13 =	simm.s32 $0x0;
	s14 =	rddreg [dreg:$0xa]  }
0x44: {  	[tilespmem:s13], [sflag:$0x7] =	stream.linear.gather [hbm4b:s14+s13], $0x80, $0x38;
	[tilespmem:$0x1FF00] =	vst v63  }
0x45: {  	_ =	swait.ge [sflag:s23], $0x80  }
0x46: {  	[sflag:s23] =	ssyncset.done $0x0  }
0x47: {  	s17 =	rddreg [dreg:$0xb];
	[sflag:s23] =	ssyncadd.s32 $0xFFFFFF80  }
0x48: {  	[tilespmem:s24], [sflag:$0x7] =	stream.linear.gather [hbm4b:s17+s13], $0x80, $0x38;
	[tilespmem:$0x1FF00] =	vst v63  }
0x49: {  	_ =	swait.ge [sflag:s23], $0x80  }
0x4a: {  	[sflag:s23] =	ssyncset.done $0x0  }
0x4b: {  	[sflag:s23] =	ssyncadd.s32 $0xFFFFFF80  }
0x4c: {  	[tilespmem:s22], [sflag:$0x1] =	stream.indirect.gather [hbm4b:s4+s25], $0x80, s13, s25, $0xb8;
	[tilespmem:$0x1FF00] =	vst v63  }
0x4d: {  	s15 =	rddreg [dreg:$0xc]  }
0x4e: {  	[tilespmem:s25], [sflag:$0x7] =	stream.linear.gather [hbm4b:s15+s13], $0x80, $0x38;
	[tilespmem:$0x1FF00] =	vst v63  }
0x4f: {  	_ =	swait.ge [sflag:s23], $0x80  }
0x50: {  	[sflag:s23] =	ssyncset.done $0x0  }
0x51: {  	s16 =	rddreg [dreg:$0xd];
	[sflag:s23] =	ssyncadd.s32 $0xFFFFFF80  }
0x52: {  	[tilespmem:s26], [sflag:$0x7] =	stream.linear.gather [hbm4b:s16+s13], $0x80, $0x38;
	[tilespmem:$0x1FF00] =	vst v63  }
0x53: {  	_ =	swait.ge [sflag:s23], $0x80  }
0x54: {  	[sflag:s23] =	ssyncset.done $0x0  }
0x55: {  	[sflag:s23] =	ssyncadd.s32 $0xFFFFFF80  }
0x56: {  	[tilespmem:s28], [sflag:$0x2] =	stream.indirect.gather [hbm4b:s4+s25], $0x80, s25, s25, $0xb8;
	[tilespmem:$0x1FF00] =	vst v63  }
0x57: {  	_ =	swait.ge [sflag:s29], $0x4000  }
0x58: {  	[sflag:s29] =	ssyncset.done $0x0  }
0x59: {  	[sflag:s29] =	ssyncadd.s32 $0xFFFFC000  }
0x5a: {  	[spmem:s2] =	stream.indirect.scatter.add.f32 [tilespmem:s22], [sflag:$0x4], $0x80, s24, s25, $0xb8;
	[tilespmem:$0x1FF00] =	vst v63  }
0x5b: {  	s17 =	rddreg [dreg:$0xe]  }
0x5c: {  	[tilespmem:s30], [sflag:$0x7] =	stream.linear.gather [hbm4b:s17+s13], $0x80, $0x38;
	[tilespmem:$0x1FF00] =	vst v63  }
0x5d: {  	_ =	swait.ge [sflag:s23], $0x80  }
0x5e: {  	[sflag:s23] =	ssyncset.done $0x0  }
0x5f: {  	s15 =	rddreg [dreg:$0xf];
	[sflag:s23] =	ssyncadd.s32 $0xFFFFFF80  }
0x60: {  	[tilespmem:s31], [sflag:$0x7] =	stream.linear.gather [hbm4b:s15+s13], $0x80, $0x38;
	[tilespmem:$0x1FF00] =	vst v63  }
0x61: {  	_ =	swait.ge [sflag:s23], $0x80  }
0x62: {  	[sflag:s23] =	ssyncset.done $0x0  }
0x63: {  	[sflag:s23] =	ssyncadd.s32 $0xFFFFFF80  }
0x64: {  	[tilespmem:s0], [sflag:$0x3] =	stream.indirect.gather [hbm4b:s4+s25], $0x80, s30, s25, $0xb8;
	[tilespmem:$0x1FF00] =	vst v63  }
0x65: {  	_ =	swait.ge [sflag:s1], $0x4000  }
0x66: {  	[sflag:s1] =	ssyncset.done $0x0  }
0x67: {  	[sflag:s1] =	ssyncadd.s32 $0xFFFFC000  }
0x68: {  	[spmem:s2] =	stream.indirect.scatter.add.f32 [tilespmem:s28], [sflag:$0x5], $0x80, s26, s25, $0xb8;
	[tilespmem:$0x1FF00] =	vst v63  }
0x69: {  	_ =	swait.ge [sflag:s8], $0x4000  }
0x6a: {  	s16 =	sshrl.u32 s21, $0x3;
	[sflag:s8] =	ssyncset.done $0x0  }
0x6b: {  	s17 =	sadd.s32 s5, s16;
	[sflag:s8] =	ssyncadd.s32 $0xFFFFC000  }
0x6c: {  	[tilespmem:s3], [sflag:$0x7] =	stream.linear.gather [hbm4b:s17+s3], $0x80, $0x38;
	[tilespmem:$0x1FF00] =	vst v63  }
0x6d: {  	_ =	swait.ge [sflag:s23], $0x80  }
0x6e: {  	[sflag:s23] =	ssyncset.done $0x0  }
0x6f: {  	s13 =	sadd.s32 s6, s16;
	[sflag:s23] =	ssyncadd.s32 $0xFFFFFF80  }
0x70: {  	[tilespmem:s24], [sflag:$0x7] =	stream.linear.gather [hbm4b:s13+s3], $0x80, $0x38;
	[tilespmem:$0x1FF00] =	vst v63  }
0x71: {  	_ =	swait.ge [sflag:s23], $0x80  }
0x72: {  	[sflag:s23] =	ssyncset.done $0x0  }
0x73: {  	[sflag:s23] =	ssyncadd.s32 $0xFFFFFF80  }
0x74: {  	[tilespmem:s22], [sflag:$0x1] =	stream.indirect.gather [hbm4b:s4+s25], $0x80, s3, s25, $0xb8;
	[tilespmem:$0x1FF00] =	vst v63  }
0x75: {  	_ =	swait.ge [sflag:s9], $0x4000  }
0x76: {  	[sflag:s9] =	ssyncset.done $0x0  }
0x77: {  	[sflag:s9] =	ssyncadd.s32 $0xFFFFC000  }
0x78: {  	[spmem:s2] =	stream.indirect.scatter.add.f32 [tilespmem:s0], [sflag:$0x6], $0x80, s31, s25, $0xb8;
	[tilespmem:$0x1FF00] =	vst v63  }
0x79: {  	_ =	swait.ge [sflag:s10], $0x4000  }
0x7a: {  	[sflag:s10] =	ssyncset.done $0x0  }
0x7b: {  	s14 =	sadd.s32 $0x0, s20;
	[sflag:s10] =	ssyncadd.s32 $0xFFFFC000  }
0x7c: {  	[tilespmem:s25], [sflag:$0x7] =	stream.linear.gather [hbm4b:s14+s3], $0x80, $0x38;
	[tilespmem:$0x1FF00] =	vst v63  }
0x7d: {  	_ =	swait.ge [sflag:s23], $0x80  }
0x7e: {  	s15 =	rddreg [dreg:$0x5];
	[sflag:s23] =	ssyncset.done $0x0  }
0x7f: {  	[sflag:s23] =	ssyncadd.s32 $0xFFFFFF80;
	s13 =	sadd.s32 $0x0, s15  }
0x80: {  	[tilespmem:s26], [sflag:$0x7] =	stream.linear.gather [hbm4b:s13+s3], $0x80, $0x38;
	[tilespmem:$0x1FF00] =	vst v63  }
0x81: {  	_ =	swait.ge [sflag:s23], $0x80  }
0x82: {  	[sflag:s23] =	ssyncset.done $0x0  }
0x83: {  	[sflag:s23] =	ssyncadd.s32 $0xFFFFFF80  }
0x84: {  	[tilespmem:s28], [sflag:$0x2] =	stream.indirect.gather [hbm4b:s4+s25], $0x80, s25, s25, $0xb8;
	[tilespmem:$0x1FF00] =	vst v63  }
0x85: {  	_ =	swait.ge [sflag:s29], $0x4000  }
0x86: {  	[sflag:s29] =	ssyncset.done $0x0  }
0x87: {  	[sflag:s29] =	ssyncadd.s32 $0xFFFFC000  }
0x88: {  	[spmem:s2] =	stream.indirect.scatter.add.f32 [tilespmem:s22], [sflag:$0x4], $0x80, s24, s25, $0xb8;
	[tilespmem:$0x1FF00] =	vst v63  }
0x89: {  	_ =	swait.ge [sflag:s11], $0x4000  }
0x8a: {  	s16 =	rddreg [dreg:$0x4];
	[sflag:s11] =	ssyncset.done $0x0  }
0x8b: {  	[sflag:s11] =	ssyncadd.s32 $0xFFFFC000;
	s13 =	sadd.s32 $0x0, s16  }
0x8c: {  	[tilespmem:s30], [sflag:$0x7] =	stream.linear.gather [hbm4b:s13+s3], $0x80, $0x38;
	[tilespmem:$0x1FF00] =	vst v63  }
0x8d: {  	_ =	swait.ge [sflag:s23], $0x80  }
0x8e: {  	s17 =	rddreg [dreg:$0x3];
	[sflag:s23] =	ssyncset.done $0x0  }
0x8f: {  	[sflag:s23] =	ssyncadd.s32 $0xFFFFFF80;
	s13 =	sadd.s32 $0x0, s17  }
0x90: {  	[tilespmem:s31], [sflag:$0x7] =	stream.linear.gather [hbm4b:s13+s3], $0x80, $0x38;
	[tilespmem:$0x1FF00] =	vst v63  }
0x91: {  	_ =	swait.ge [sflag:s23], $0x80  }
0x92: {  	[sflag:s23] =	ssyncset.done $0x0  }
0x93: {  	[sflag:s23] =	ssyncadd.s32 $0xFFFFFF80  }
0x94: {  	[tilespmem:s0], [sflag:$0x3] =	stream.indirect.gather [hbm4b:s4+s25], $0x80, s30, s25, $0xb8;
	[tilespmem:$0x1FF00] =	vst v63  }
0x95: {  	_ =	swait.ge [sflag:s1], $0x4000  }
0x96: {  	[sflag:s1] =	ssyncset.done $0x0  }
0x97: {  	s14 =	sadd.s32 $0x180, s21;
	s13 =	simm.s32 $0x30;
	[sflag:s1] =	ssyncadd.s32 $0xFFFFC000  }
.LBB2_4:
0x98: {  	[spmem:s2] =	stream.indirect.scatter.add.f32 [tilespmem:s28], [sflag:$0x5], $0x80, s26, s25, $0xb8;
	[tilespmem:$0x1FF00] =	vst v63  }
0x99: {  	_ =	swait.ge [sflag:s8], $0x4000  }
0x9a: {  	s16 =	sshrl.u32 s14, $0x3;
	[sflag:s8] =	ssyncset.done $0x0  }
0x9b: {  	s17 =	sadd.s32 s5, s16;
	[sflag:s8] =	ssyncadd.s32 $0xFFFFC000  }
0x9c: {  	[tilespmem:s3], [sflag:$0x7] =	stream.linear.gather [hbm4b:s17+s3], $0x80, $0x38;
	[tilespmem:$0x1FF00] =	vst v63  }
0x9d: {  	_ =	swait.ge [sflag:s23], $0x80  }
0x9e: {  	[sflag:s23] =	ssyncset.done $0x0  }
0x9f: {  	s16 =	sadd.s32 s6, s16;
	[sflag:s23] =	ssyncadd.s32 $0xFFFFFF80  }
0xa0: {  	[tilespmem:s24], [sflag:$0x7] =	stream.linear.gather [hbm4b:s16+s3], $0x80, $0x38;
	[tilespmem:$0x1FF00] =	vst v63  }
0xa1: {  	_ =	swait.ge [sflag:s23], $0x80  }
0xa2: {  	[sflag:s23] =	ssyncset.done $0x0  }
0xa3: {  	[sflag:s23] =	ssyncadd.s32 $0xFFFFFF80  }
0xa4: {  	[tilespmem:s22], [sflag:$0x1] =	stream.indirect.gather [hbm4b:s4+s25], $0x80, s3, s25, $0xb8;
	[tilespmem:$0x1FF00] =	vst v63  }
0xa5: {  	_ =	swait.ge [sflag:s9], $0x4000  }
0xa6: {  	[sflag:s9] =	ssyncset.done $0x0  }
0xa7: {  	[sflag:s9] =	ssyncadd.s32 $0xFFFFC000  }
0xa8: {  	[spmem:s2] =	stream.indirect.scatter.add.f32 [tilespmem:s0], [sflag:$0x6], $0x80, s31, s25, $0xb8;
	[tilespmem:$0x1FF00] =	vst v63  }
0xa9: {  	_ =	swait.ge [sflag:s10], $0x4000  }
0xaa: {  	s15 =	smov.u32 s13;
	[sflag:s10] =	ssyncset.done $0x0  }
0xab: {  	s17 =	sadd.s32 s15, s20;
	[sflag:s10] =	ssyncadd.s32 $0xFFFFC000  }
0xac: {  	[tilespmem:s25], [sflag:$0x7] =	stream.linear.gather [hbm4b:s17+s3], $0x80, $0x38;
	[tilespmem:$0x1FF00] =	vst v63  }
0xad: {  	_ =	swait.ge [sflag:s23], $0x80  }
0xae: {  	s17 =	rddreg [dreg:$0x5];
	[sflag:s23] =	ssyncset.done $0x0  }
0xaf: {  	[sflag:s23] =	ssyncadd.s32 $0xFFFFFF80;
	s16 =	sadd.s32 s15, s17  }
0xb0: {  	[tilespmem:s26], [sflag:$0x7] =	stream.linear.gather [hbm4b:s16+s3], $0x80, $0x38;
	[tilespmem:$0x1FF00] =	vst v63  }
0xb1: {  	_ =	swait.ge [sflag:s23], $0x80  }
0xb2: {  	[sflag:s23] =	ssyncset.done $0x0  }
0xb3: {  	[sflag:s23] =	ssyncadd.s32 $0xFFFFFF80  }
0xb4: {  	[tilespmem:s28], [sflag:$0x2] =	stream.indirect.gather [hbm4b:s4+s25], $0x80, s25, s25, $0xb8;
	[tilespmem:$0x1FF00] =	vst v63  }
0xb5: {  	_ =	swait.ge [sflag:s29], $0x4000  }
0xb6: {  	[sflag:s29] =	ssyncset.done $0x0  }
0xb7: {  	[sflag:s29] =	ssyncadd.s32 $0xFFFFC000  }
0xb8: {  	[spmem:s2] =	stream.indirect.scatter.add.f32 [tilespmem:s22], [sflag:$0x4], $0x80, s24, s25, $0xb8;
	[tilespmem:$0x1FF00] =	vst v63  }
0xb9: {  	_ =	swait.ge [sflag:s11], $0x4000  }
0xba: {  	s17 =	rddreg [dreg:$0x4];
	[sflag:s11] =	ssyncset.done $0x0  }
0xbb: {  	[sflag:s11] =	ssyncadd.s32 $0xFFFFC000;
	s16 =	sadd.s32 s15, s17  }
0xbc: {  	[tilespmem:s30], [sflag:$0x7] =	stream.linear.gather [hbm4b:s16+s3], $0x80, $0x38;
	[tilespmem:$0x1FF00] =	vst v63  }
0xbd: {  	_ =	swait.ge [sflag:s23], $0x80  }
0xbe: {  	s17 =	rddreg [dreg:$0x3];
	[sflag:s23] =	ssyncset.done $0x0  }
0xbf: {  	[sflag:s23] =	ssyncadd.s32 $0xFFFFFF80;
	s15 =	sadd.s32 s15, s17  }
0xc0: {  	[tilespmem:s31], [sflag:$0x7] =	stream.linear.gather [hbm4b:s15+s3], $0x80, $0x38;
	[tilespmem:$0x1FF00] =	vst v63  }
0xc1: {  	_ =	swait.ge [sflag:s23], $0x80  }
0xc2: {  	p0 =	sne.s32 s13, $0x4B0;
	[sflag:s23] =	ssyncset.done $0x0  }
.Ltmp1:
0xc3: {  	[sflag:s23] =	ssyncadd.s32 $0xFFFFFF80;
	(pc) =	sbr.rel @p0 .LBB2_4-.Ltmp1, $4  }
0xc4: {  	[tilespmem:s0], [sflag:$0x3] =	stream.indirect.gather [hbm4b:s4+s25], $0x80, s30, s25, $0xb8;
	[tilespmem:$0x1FF00] =	vst v63  }
0xc5: {  	_ =	swait.ge [sflag:s1], $0x4000  }
0xc6: {  	[sflag:s1] =	ssyncset.done $0x0  }
0xc7: {  	s13 =	sadd.s32 $0x30, s13;
	s14 =	sadd.s32 $0x180, s14;
	[sflag:s1] =	ssyncadd.s32 $0xFFFFC000  }
0xc8: {  	[spmem:s2] =	stream.indirect.scatter.add.f32 [tilespmem:s28], [sflag:$0x5], $0x80, s26, s25, $0xb8;
	[tilespmem:$0x1FF00] =	vst v63  }
0xc9: {  	_ =	swait.ge [sflag:s9], $0x4000  }
0xca: {  	[sflag:s9] =	ssyncset.done $0x0  }
0xcb: {  	[sflag:s9] =	ssyncadd.s32 $0xFFFFC000  }
0xcc: {  	[spmem:s2] =	stream.indirect.scatter.add.f32 [tilespmem:s0], [sflag:$0x6], $0x80, s31, s25, $0xb8;
	[tilespmem:$0x1FF00] =	vst v63  }
0xcd: {  	_ =	swait.ge [sflag:s8], $0x4000  }
0xce: {  	[sflag:s8] =	ssyncset.done $0x0  }
0xcf: {  	[sflag:s8] =	ssyncadd.s32 $0xFFFFC000  }
0xd0: {  	_ =	swait.ge [sflag:s10], $0x4000  }
0xd1: {  	[sflag:s10] =	ssyncset.done $0x0  }
0xd2: {  	[sflag:s10] =	ssyncadd.s32 $0xFFFFC000  }
0xd3: {  	s13 =	stileid.u32;
	_ =	swait.ge [sflag:s11], $0x4000  }
0xd4: {  	s14 =	sshrl.u32 s7, $0x3;
	s12 =	sadd.s32 $0x1, s12;
	[sflag:s11] =	ssyncset.done $0x0  }
0xd5: {  	s13 =	sshll.u32 s13, $0x6;
	p0 =	sne.s32 s12, s19;
	[sflag:s11] =	ssyncadd.s32 $0xFFFFC000  }
.Ltmp2:
0xd6: {  	s13 =	sor.u32 $0x1C07, s13;
	[bflag:$0x0] =	sbarrier.arrive $0xFFFF;
	(pc) =	sbr.rel @p0 .LBB2_1-.Ltmp2, $4  }
0xd7: {  	[hbm:s18], [sflag:s13] =	dma.local [spmem:s14], $0x2780  }
0xd8: {  	_ =	swait.ge [sflag:s23], $0x2780  }
0xd9: {  	[sflag:s23] =	ssyncset.done $0x0  }
0xda: {  	[sflag:s23] =	ssyncadd.s32 $0xFFFFD880  }
0xdb: {  	_ =	sfence.sel $0x180000  }
0xdc: {  	[bflag:$0x0] =	sbarrier.arrive $0xFFFF  }
0xdd: {  	_ =	strace $0x90000053  }
0xde: {  	s0 =	stileid.u32;
	[bflag:$0x2] =	sbarrier.arrive $0xFFFF  }
0xdf: {  	p0 =	sne.s32 s0, $0x0;
	s0 =	rddreg [dreg:$0x2]  }
0xe0: {  	s0 =	sadd.s32 @!p0 $0x100000, s0  }
0xe1: {  	[sflag:s0] =	ssyncadd.tile.s32 @!p0 $0x1;
	_ =	shalt  }
.Lfunc_end2:
_tile_overlayer_lowered:
.L_overlay_start_2:
0xe2: {  	(tag) =	ssettag $0x2  }
0xe3: {  	s0 =	rddreg [dreg:$0x0];
	s2 =	stileid.u32  }
0xe4: {  	s1 =	rddreg [dreg:$0x1];
	p0 =	sne.s32 s2, $0x0  }
0xe5: {  	s3 =	rddreg [dreg:$0x2];
	[bflag:$0x3] =	sbarrier.arrive $0xFFFF;
	s2 =	simm.s32 @!p0 $0x1C07  }
0xe6: {  	[timem:s3], [sflag:s2] =	dma.local @!p0 [hbm:s0], s1  }
0xe7: {  	s0 =	simm.s32 @!p0 $0x7  }
0xe8: {  	_ =	swait.ge @!p0 [sflag:s0], s1  }
0xe9: {  	s1 =	ssub.s32 @!p0 $0x0, s1;
	[sflag:s0] =	ssyncset.done @!p0 $0x0  }
0xea: {  	[sflag:s0] =	ssyncadd.s32 @!p0 s1  }
0xeb: {  	[bflag:$0x3] =	sbarrier.arrive $0xFFFF  }
0xec: {  	_ =	shalt  }

</sc_bundles>
